<compile_context>
chip_gen: v7x
topology: tpu7x:2x2x1
jax: 0.10.2.dev20260603
libtpu: 0.0.44.dev20260713+nightly
codegen_flags: <defaults>
</compile_context>

<pallas_src>
import functools

import jax
import jax.numpy as jnp
from jax import lax
from jax.experimental import pallas as pl
from jax.experimental.pallas import tpu as pltpu
from jax.experimental.pallas import tpu_sc as plsc

N = 10000
E = 320000
NC = 2
NS = 16
NW = NC * NS
CHUNK = 128
EPW = 10240
NCH = EPW // CHUNK
NPAD = 10240
ROWS_PER_TILE = NPAD // NS
WB = ROWS_PER_TILE // CHUNK
DEGW = 16


NCH2 = NCH // 2


def _make_sc_agg(width):
    mesh = plsc.VectorSubcoreMesh(core_axis_name="c", subcore_axis_name="s")
    scratch = [
        pltpu.VMEM((NCH2, CHUNK), jnp.int32),
        pltpu.VMEM((NCH2, CHUNK), jnp.int32),
        pltpu.VMEM((CHUNK, width), jnp.float32),
        pltpu.VMEM((CHUNK, width), jnp.float32),
        pltpu.VMEM_SHARED((NPAD, width), jnp.float32),
        pltpu.SemaphoreType.DMA,
        pltpu.SemaphoreType.DMA,
    ]
    PAIRS = NCH2 // 2

    @functools.partial(
        pl.kernel, mesh=mesh,
        out_type=jax.ShapeDtypeStruct((NC, NPAD, width), jnp.float32),
        scratch_types=scratch)
    def k(table, srcb, dstb, zrow, out, src_v, dst_v, bufa, bufb, acc,
          sema, semb):
        c = lax.axis_index("c")
        s = lax.axis_index("s")
        wid = s * NC + c
        r0 = s * ROWS_PER_TILE

        pltpu.sync_copy(zrow, bufa)
        for i in range(WB):
            pltpu.sync_copy(bufa, acc.at[pl.ds(r0 + i * CHUNK, CHUNK)])
        plsc.subcore_barrier()

        def body(g, carry):
            pltpu.make_async_copy(table.at[src_v.at[0]], bufa, sema).wait()
            pltpu.sync_copy(bufa, acc.at[dst_v.at[2 * g]], add=True)

            @pl.when(g < PAIRS - 1)
            def _():
                pltpu.async_copy(table.at[src_v.at[2 * g + 2]], bufa, sema)

            pltpu.make_async_copy(table.at[src_v.at[0]], bufb, semb).wait()
            pltpu.sync_copy(bufb, acc.at[dst_v.at[2 * g + 1]], add=True)

            @pl.when(g < PAIRS - 1)
            def _():
                pltpu.async_copy(table.at[src_v.at[2 * g + 3]], bufb, semb)

            return carry

        for ph in range(2):
            pltpu.sync_copy(srcb.at[wid, pl.ds(ph * NCH2, NCH2)], src_v)
            pltpu.sync_copy(dstb.at[wid, pl.ds(ph * NCH2, NCH2)], dst_v)
            pltpu.async_copy(table.at[src_v.at[0]], bufa, sema)
            pltpu.async_copy(table.at[src_v.at[1]], bufb, semb)
            lax.fori_loop(0, PAIRS, body, 0)
        plsc.subcore_barrier()

        for i in range(WB):
            pltpu.sync_copy(acc.at[pl.ds(r0 + i * CHUNK, CHUNK)], bufa)
            pltpu.sync_copy(bufa, out.at[c, pl.ds(r0 + i * CHUNK, CHUNK)])

    return k


def _make_sc_deg():
    mesh = plsc.VectorSubcoreMesh(core_axis_name="c", subcore_axis_name="s")
    scratch = [
        pltpu.VMEM((NCH, CHUNK), jnp.int32),
        pltpu.VMEM((CHUNK, DEGW), jnp.float32),
        pltpu.VMEM_SHARED((NPAD, DEGW), jnp.float32),
    ]

    @functools.partial(
        pl.kernel, mesh=mesh,
        out_type=jax.ShapeDtypeStruct((NC, NPAD, DEGW), jnp.float32),
        scratch_types=scratch)
    def k(dstb, orow, dout, dst_v, ones_v, dacc):
        c = lax.axis_index("c")
        s = lax.axis_index("s")
        wid = s * NC + c
        r0 = s * ROWS_PER_TILE

        pltpu.sync_copy(orow.at[1], ones_v)
        for i in range(WB):
            pltpu.sync_copy(ones_v, dacc.at[pl.ds(r0 + i * CHUNK, CHUNK)])
        pltpu.sync_copy(orow.at[0], ones_v)
        pltpu.sync_copy(dstb.at[wid], dst_v)
        plsc.subcore_barrier()

        def body(i, carry):
            pltpu.sync_copy(ones_v, dacc.at[dst_v.at[i]], add=True)
            return carry

        lax.fori_loop(0, NCH, body, 0)
        plsc.subcore_barrier()

        for i in range(WB):
            pltpu.sync_copy(dacc.at[pl.ds(r0 + i * CHUNK, CHUNK)], ones_v)
            pltpu.sync_copy(ones_v, dout.at[c, pl.ds(r0 + i * CHUNK, CHUNK)])

    return k


def _proj2(x, wl, wr):
    def body(x_ref, wl_ref, wr_ref, p_ref, r_ref):
        xv = x_ref[...]
        p_ref[...] = jnp.dot(xv, wl_ref[...], preferred_element_type=jnp.float32)
        r_ref[...] = jnp.dot(xv, wr_ref[...], preferred_element_type=jnp.float32)

    return pl.pallas_call(
        body,
        out_shape=(
            jax.ShapeDtypeStruct((N, wl.shape[1]), jnp.float32),
            jax.ShapeDtypeStruct((N, wr.shape[1]), jnp.float32),
        ),
    )(x, wl, wr)


def _combine_bn_proj(sp, degp, r, bl, g, be, wln, wrn):
    def body(s_ref, d_ref, r_ref, bl_ref, g_ref, be_ref, wl_ref, wr_ref,
             p_ref, rn_ref):
        sv = s_ref[0, :N, :] + s_ref[1, :N, :]
        deg = d_ref[0, :N, :1] + d_ref[1, :N, :1]
        inv = 1.0 / jnp.maximum(deg, 1.0)
        t = sv * inv + bl_ref[...] + r_ref[...]
        m = jnp.mean(t, axis=0, keepdims=True)
        v = jnp.mean((t - m) * (t - m), axis=0, keepdims=True)
        h = (t - m) * lax.rsqrt(v + 1e-5) * g_ref[...] + be_ref[...]
        h = jnp.maximum(h, 0.0)
        p_ref[...] = jnp.dot(h, wl_ref[...], preferred_element_type=jnp.float32)
        rn_ref[...] = jnp.dot(h, wr_ref[...], preferred_element_type=jnp.float32)

    return pl.pallas_call(
        body,
        out_shape=(
            jax.ShapeDtypeStruct((N, wln.shape[1]), jnp.float32),
            jax.ShapeDtypeStruct((N, wrn.shape[1]), jnp.float32),
        ),
    )(sp, degp, r, bl.reshape(1, -1), g.reshape(1, -1), be.reshape(1, -1),
      wln, wrn)


def _combine_bn_keep(sp, degp, r, bl, g, be, wrn):
    def body(s_ref, d_ref, r_ref, bl_ref, g_ref, be_ref, wr_ref,
             h_ref, rn_ref):
        sv = s_ref[0, :N, :] + s_ref[1, :N, :]
        deg = d_ref[0, :N, :1] + d_ref[1, :N, :1]
        inv = 1.0 / jnp.maximum(deg, 1.0)
        t = sv * inv + bl_ref[...] + r_ref[...]
        m = jnp.mean(t, axis=0, keepdims=True)
        v = jnp.mean((t - m) * (t - m), axis=0, keepdims=True)
        h = (t - m) * lax.rsqrt(v + 1e-5) * g_ref[...] + be_ref[...]
        h = jnp.maximum(h, 0.0)
        h_ref[...] = h
        rn_ref[...] = jnp.dot(h, wr_ref[...], preferred_element_type=jnp.float32)

    return pl.pallas_call(
        body,
        out_shape=(
            jax.ShapeDtypeStruct((N, sp.shape[2]), jnp.float32),
            jax.ShapeDtypeStruct((N, wrn.shape[1]), jnp.float32),
        ),
    )(sp, degp, r, bl.reshape(1, -1), g.reshape(1, -1), be.reshape(1, -1),
      wrn)


def _head(sp, degp, r, wl3, bl3, wf1, bf1, wf2, bf2):
    def body(s_ref, d_ref, r_ref, wl_ref, bl_ref, w1_ref, b1_ref, w2_ref,
             b2_ref, o_ref):
        sv = s_ref[0, :N, :] + s_ref[1, :N, :]
        deg = d_ref[0, :N, :1] + d_ref[1, :N, :1]
        inv = 1.0 / jnp.maximum(deg, 1.0)
        agg = jnp.dot(sv * inv, wl_ref[...], preferred_element_type=jnp.float32)
        h = jnp.maximum(agg + bl_ref[...] + r_ref[...], 0.0)
        z = jnp.dot(h, w1_ref[...], preferred_element_type=jnp.float32)
        z = jnp.maximum(z + b1_ref[...], 0.0)
        z = jnp.dot(z, w2_ref[...], preferred_element_type=jnp.float32)
        z = z + b2_ref[...]
        zm = z - jnp.max(z, axis=1, keepdims=True)
        lse = jnp.log(jnp.sum(jnp.exp(zm), axis=1, keepdims=True))
        o_ref[...] = zm - lse

    return pl.pallas_call(
        body,
        out_shape=jax.ShapeDtypeStruct((N, wf2.shape[1]), jnp.float32),
    )(sp, degp, r, wl3, bl3.reshape(1, -1), wf1, bf1.reshape(1, -1), wf2,
      bf2.reshape(1, -1))


def kernel(x, edge_index, Wl1, bl1, Wr1, g1, be1, Wl2, bl2, Wr2, g2, be2,
           Wl3, bl3, Wr3, Wf1, bf1, Wf2, bf2):
    pad = NW * EPW - E
    src = jnp.concatenate(
        [edge_index[0], jnp.zeros((pad,), jnp.int32)]).reshape(NW, NCH, CHUNK)
    dst = jnp.concatenate(
        [edge_index[1], jnp.full((pad,), N, jnp.int32)]).reshape(NW, NCH, CHUNK)
    z128 = jnp.zeros((CHUNK, 128), jnp.float32)
    oz = jnp.stack([jnp.ones((CHUNK, DEGW), jnp.float32),
                    jnp.zeros((CHUNK, DEGW), jnp.float32)])

    agg128 = _make_sc_agg(128)
    degk = _make_sc_deg()

    degp = degk(dst, oz)
    p1, r1 = _proj2(x, Wl1, Wr1)
    s1p = agg128(p1, src, dst, z128)
    p2, r2 = _combine_bn_proj(s1p, degp, r1, bl1, g1, be1, Wl2, Wr2)
    s2p = agg128(p2, src, dst, z128)
    h2, r3 = _combine_bn_keep(s2p, degp, r2, bl2, g2, be2, Wr3)
    s3p = agg128(h2, src, dst, z128)
    return _head(s3p, degp, r3, Wl3, bl3, Wf1, bf1, Wf2, bf2)

# --- scband reference (transcript-rebuilt; emitter-appended) ---
"""Pipeline reference for scband-efficient-gnnclassifier-57071525429489 (READ-ONLY COPY).

The authoritative reference and input builder live on the scoring server;
editing this copy changes nothing except your own understanding.
"""

import jax, jax.numpy as jnp
import numpy as np

N = 10000
E = 320000
D_IN = 128
H = 128
OUT = 16


def setup_inputs(seed: int = 0):
    key = jax.random.key(seed)
    ks = jax.random.split(key, 12)
    def w(k, shape, scale=0.05):
        return jax.random.normal(k, shape, dtype=jnp.float32) * scale
    p = {}
    p["x"] = jax.random.normal(ks[0], (N, D_IN), dtype=jnp.float32)
    p["edge_index"] = jax.random.randint(ks[1], (2, E), 0, N, dtype=jnp.int32)
    # SAGEConv 1: in=128 -> out=128 (lin_l on aggregated neighbors w/ bias, lin_r on root, no bias)
    p["Wl1"] = w(ks[2], (D_IN, H)); p["bl1"] = jnp.zeros((H,), jnp.float32); p["Wr1"] = w(ks[3], (D_IN, H))
    p["g1"] = jnp.ones((H,), jnp.float32); p["be1"] = jnp.zeros((H,), jnp.float32)
    # SAGEConv 2: 128 -> 128
    p["Wl2"] = w(ks[4], (H, H)); p["bl2"] = jnp.zeros((H,), jnp.float32); p["Wr2"] = w(ks[5], (H, H))
    p["g2"] = jnp.ones((H,), jnp.float32); p["be2"] = jnp.zeros((H,), jnp.float32)
    # SAGEConv 3: 128 -> 64
    p["Wl3"] = w(ks[6], (H, H // 2)); p["bl3"] = jnp.zeros((H // 2,), jnp.float32); p["Wr3"] = w(ks[7], (H, H // 2))
    # fc1: 64 -> 32, fc2: 32 -> 16
    p["Wf1"] = w(ks[8], (H // 2, H // 4)); p["bf1"] = jnp.zeros((H // 4,), jnp.float32)
    p["Wf2"] = w(ks[9], (H // 4, OUT)); p["bf2"] = jnp.zeros((OUT,), jnp.float32)
    return p


def _sage(x, src, dst, Wl, bl, Wr):
    n = x.shape[0]
    msg = jnp.take(x, src, axis=0)
    s = jax.ops.segment_sum(msg, dst, num_segments=n)
    deg = jax.ops.segment_sum(jnp.ones((src.shape[0],), x.dtype), dst, num_segments=n)
    agg = s / jnp.clip(deg, 1.0)[:, None]
    return agg @ Wl + bl + x @ Wr


def _bn(x, g, b):
    m = jnp.mean(x, axis=0)
    v = jnp.var(x, axis=0)
    return (x - m) / jnp.sqrt(v + 1e-5) * g + b


def reference(x, edge_index, Wl1, bl1, Wr1, g1, be1, Wl2, bl2, Wr2, g2, be2, Wl3, bl3, Wr3, Wf1, bf1, Wf2, bf2):
    src, dst = edge_index[0], edge_index[1]
    h = _sage(x, src, dst, Wl1, bl1, Wr1)
    h = jax.nn.relu(_bn(h, g1, be1))
    h = _sage(h, src, dst, Wl2, bl2, Wr2)
    h = jax.nn.relu(_bn(h, g2, be2))
    h = jax.nn.relu(_sage(h, src, dst, Wl3, bl3, Wr3))
    h = jax.nn.relu(h @ Wf1 + bf1)
    h = h @ Wf2 + bf2
    return jax.nn.log_softmax(h, axis=1)

if __name__ == "__main__":
    import jax
    _d = setup_inputs()
    print(jax.jit(kernel)(*tuple(_d.values())))

</pallas_src>

<mosaic_0001>
#map = affine_map<(d0, d1) -> (0, 0)>
#map1 = affine_map<(d0, d1) -> (0, 0, 0)>
module attributes {stable_mosaic.version = 14 : i64} {
  func.func @k(%arg0: i32, %arg1: i32, %arg2: memref<10000x128xf32, #tpu.memory_space<hbm>>, %arg3: memref<32x80x128xi32, #tpu.memory_space<hbm>>, %arg4: memref<32x80x128xi32, #tpu.memory_space<hbm>>, %arg5: memref<128x128xf32, #tpu.memory_space<hbm>>, %arg6: memref<2x10240x128xf32, #tpu.memory_space<hbm>>, %arg7: memref<40x128xi32, #tpu.memory_space<vmem>>, %arg8: memref<40x128xi32, #tpu.memory_space<vmem>>, %arg9: memref<128x128xf32, #tpu.memory_space<vmem>>, %arg10: memref<128x128xf32, #tpu.memory_space<vmem>>, %arg11: memref<10240x128xf32, #tpu.memory_space<vmem_shared>>, %arg12: memref<!tpu.dma_semaphore, #tpu.memory_space<semaphore_mem>>, %arg13: memref<!tpu.dma_semaphore, #tpu.memory_space<semaphore_mem>>) attributes {dimension_semantics = [#tpu.dimension_semantics<core_parallel>, #tpu.dimension_semantics<subcore_parallel>], iteration_bounds = array<i64: 2, 16>, scalar_prefetch = 0 : i64, scratch_operands = 7 : i64, tpu.core_type = #tpu.core_type<sc_vector_subcore>, window_params = [{transform_indices = #map}, {transform_indices = #map1}, {transform_indices = #map1}, {transform_indices = #map}, {transform_indices = #map1}]} {
    %mul3A = arith.constant 2 : i32
    %mul3A_0 = arith.muli %arg1, %mul3A : i32
    %add3A = arith.addi %mul3A_0, %arg0 : i32
    %mul3A_1 = arith.constant 640 : i32
    %mul3A_2 = arith.muli %arg1, %mul3A_1 : i32
    "tpu.region"() ({
      %run_scoped3A = tpu.sem_alloc : memref<!tpu.dma_semaphore, #tpu.memory_space<semaphore_mem>>
      tpu.enqueue_dma source(%arg5 : memref<128x128xf32, #tpu.memory_space<hbm>>) target(%arg9 : memref<128x128xf32, #tpu.memory_space<vmem>>) target_semaphore(%run_scoped3A : memref<!tpu.dma_semaphore, #tpu.memory_space<semaphore_mem>>)
      tpu.wait_dma2 semaphore(%run_scoped3A : memref<!tpu.dma_semaphore, #tpu.memory_space<semaphore_mem>>) src(%arg5 : memref<128x128xf32, #tpu.memory_space<hbm>>) dst(%arg9 : memref<128x128xf32, #tpu.memory_space<vmem>>)
      tpu.yield
    }) : () -> ()
    %add3A_3 = arith.constant 0 : i32
    %add3A_4 = arith.addi %mul3A_2, %add3A_3 : i32
    "tpu.region"() ({
      %run_scoped3A = tpu.sem_alloc : memref<!tpu.dma_semaphore, #tpu.memory_space<semaphore_mem>>
      %dma_start3A_72 = arith.constant 0 : i32
      %dma_start3A_73 = tpu.memref_slice %arg11[%add3A_4, %dma_start3A_72] : memref<10240x128xf32, #tpu.memory_space<vmem_shared>> -> memref<128x128xf32, #tpu.memory_space<vmem_shared>>
      %dma_start3A_74 = arith.constant 0 : i32
      %dma_start3A_75 = tpu.memref_slice %arg11[%add3A_4, %dma_start3A_74] : memref<10240x128xf32, #tpu.memory_space<vmem_shared>> -> memref<128x128xf32, #tpu.memory_space<vmem_shared>>
      tpu.enqueue_dma source(%arg9 : memref<128x128xf32, #tpu.memory_space<vmem>>) target(%dma_start3A_75 : memref<128x128xf32, #tpu.memory_space<vmem_shared>>) target_semaphore(%run_scoped3A : memref<!tpu.dma_semaphore, #tpu.memory_space<semaphore_mem>>)
      %dma_wait3A = arith.constant 0 : i32
      %dma_wait3A_76 = tpu.memref_slice %arg11[%add3A_4, %dma_wait3A] : memref<10240x128xf32, #tpu.memory_space<vmem_shared>> -> memref<128x128xf32, #tpu.memory_space<vmem_shared>>
      %dma_wait3A_77 = arith.constant 0 : i32
      %dma_wait3A_78 = tpu.memref_slice %arg11[%add3A_4, %dma_wait3A_77] : memref<10240x128xf32, #tpu.memory_space<vmem_shared>> -> memref<128x128xf32, #tpu.memory_space<vmem_shared>>
      tpu.wait_dma2 semaphore(%run_scoped3A : memref<!tpu.dma_semaphore, #tpu.memory_space<semaphore_mem>>) src(%arg9 : memref<128x128xf32, #tpu.memory_space<vmem>>) dst(%dma_wait3A_78 : memref<128x128xf32, #tpu.memory_space<vmem_shared>>)
      tpu.yield
    }) : () -> ()
    %add3A_5 = arith.constant 128 : i32
    %add3A_6 = arith.addi %mul3A_2, %add3A_5 : i32
    "tpu.region"() ({
      %run_scoped3A = tpu.sem_alloc : memref<!tpu.dma_semaphore, #tpu.memory_space<semaphore_mem>>
      %dma_start3A_72 = arith.constant 0 : i32
      %dma_start3A_73 = tpu.memref_slice %arg11[%add3A_6, %dma_start3A_72] : memref<10240x128xf32, #tpu.memory_space<vmem_shared>> -> memref<128x128xf32, #tpu.memory_space<vmem_shared>>
      %dma_start3A_74 = arith.constant 0 : i32
      %dma_start3A_75 = tpu.memref_slice %arg11[%add3A_6, %dma_start3A_74] : memref<10240x128xf32, #tpu.memory_space<vmem_shared>> -> memref<128x128xf32, #tpu.memory_space<vmem_shared>>
      tpu.enqueue_dma source(%arg9 : memref<128x128xf32, #tpu.memory_space<vmem>>) target(%dma_start3A_75 : memref<128x128xf32, #tpu.memory_space<vmem_shared>>) target_semaphore(%run_scoped3A : memref<!tpu.dma_semaphore, #tpu.memory_space<semaphore_mem>>)
      %dma_wait3A = arith.constant 0 : i32
      %dma_wait3A_76 = tpu.memref_slice %arg11[%add3A_6, %dma_wait3A] : memref<10240x128xf32, #tpu.memory_space<vmem_shared>> -> memref<128x128xf32, #tpu.memory_space<vmem_shared>>
      %dma_wait3A_77 = arith.constant 0 : i32
      %dma_wait3A_78 = tpu.memref_slice %arg11[%add3A_6, %dma_wait3A_77] : memref<10240x128xf32, #tpu.memory_space<vmem_shared>> -> memref<128x128xf32, #tpu.memory_space<vmem_shared>>
      tpu.wait_dma2 semaphore(%run_scoped3A : memref<!tpu.dma_semaphore, #tpu.memory_space<semaphore_mem>>) src(%arg9 : memref<128x128xf32, #tpu.memory_space<vmem>>) dst(%dma_wait3A_78 : memref<128x128xf32, #tpu.memory_space<vmem_shared>>)
      tpu.yield
    }) : () -> ()
    %add3A_7 = arith.constant 256 : i32
    %add3A_8 = arith.addi %mul3A_2, %add3A_7 : i32
    "tpu.region"() ({
      %run_scoped3A = tpu.sem_alloc : memref<!tpu.dma_semaphore, #tpu.memory_space<semaphore_mem>>
      %dma_start3A_72 = arith.constant 0 : i32
      %dma_start3A_73 = tpu.memref_slice %arg11[%add3A_8, %dma_start3A_72] : memref<10240x128xf32, #tpu.memory_space<vmem_shared>> -> memref<128x128xf32, #tpu.memory_space<vmem_shared>>
      %dma_start3A_74 = arith.constant 0 : i32
      %dma_start3A_75 = tpu.memref_slice %arg11[%add3A_8, %dma_start3A_74] : memref<10240x128xf32, #tpu.memory_space<vmem_shared>> -> memref<128x128xf32, #tpu.memory_space<vmem_shared>>
      tpu.enqueue_dma source(%arg9 : memref<128x128xf32, #tpu.memory_space<vmem>>) target(%dma_start3A_75 : memref<128x128xf32, #tpu.memory_space<vmem_shared>>) target_semaphore(%run_scoped3A : memref<!tpu.dma_semaphore, #tpu.memory_space<semaphore_mem>>)
      %dma_wait3A = arith.constant 0 : i32
      %dma_wait3A_76 = tpu.memref_slice %arg11[%add3A_8, %dma_wait3A] : memref<10240x128xf32, #tpu.memory_space<vmem_shared>> -> memref<128x128xf32, #tpu.memory_space<vmem_shared>>
      %dma_wait3A_77 = arith.constant 0 : i32
      %dma_wait3A_78 = tpu.memref_slice %arg11[%add3A_8, %dma_wait3A_77] : memref<10240x128xf32, #tpu.memory_space<vmem_shared>> -> memref<128x128xf32, #tpu.memory_space<vmem_shared>>
      tpu.wait_dma2 semaphore(%run_scoped3A : memref<!tpu.dma_semaphore, #tpu.memory_space<semaphore_mem>>) src(%arg9 : memref<128x128xf32, #tpu.memory_space<vmem>>) dst(%dma_wait3A_78 : memref<128x128xf32, #tpu.memory_space<vmem_shared>>)
      tpu.yield
    }) : () -> ()
    %add3A_9 = arith.constant 384 : i32
    %add3A_10 = arith.addi %mul3A_2, %add3A_9 : i32
    "tpu.region"() ({
      %run_scoped3A = tpu.sem_alloc : memref<!tpu.dma_semaphore, #tpu.memory_space<semaphore_mem>>
      %dma_start3A_72 = arith.constant 0 : i32
      %dma_start3A_73 = tpu.memref_slice %arg11[%add3A_10, %dma_start3A_72] : memref<10240x128xf32, #tpu.memory_space<vmem_shared>> -> memref<128x128xf32, #tpu.memory_space<vmem_shared>>
      %dma_start3A_74 = arith.constant 0 : i32
      %dma_start3A_75 = tpu.memref_slice %arg11[%add3A_10, %dma_start3A_74] : memref<10240x128xf32, #tpu.memory_space<vmem_shared>> -> memref<128x128xf32, #tpu.memory_space<vmem_shared>>
      tpu.enqueue_dma source(%arg9 : memref<128x128xf32, #tpu.memory_space<vmem>>) target(%dma_start3A_75 : memref<128x128xf32, #tpu.memory_space<vmem_shared>>) target_semaphore(%run_scoped3A : memref<!tpu.dma_semaphore, #tpu.memory_space<semaphore_mem>>)
      %dma_wait3A = arith.constant 0 : i32
      %dma_wait3A_76 = tpu.memref_slice %arg11[%add3A_10, %dma_wait3A] : memref<10240x128xf32, #tpu.memory_space<vmem_shared>> -> memref<128x128xf32, #tpu.memory_space<vmem_shared>>
      %dma_wait3A_77 = arith.constant 0 : i32
      %dma_wait3A_78 = tpu.memref_slice %arg11[%add3A_10, %dma_wait3A_77] : memref<10240x128xf32, #tpu.memory_space<vmem_shared>> -> memref<128x128xf32, #tpu.memory_space<vmem_shared>>
      tpu.wait_dma2 semaphore(%run_scoped3A : memref<!tpu.dma_semaphore, #tpu.memory_space<semaphore_mem>>) src(%arg9 : memref<128x128xf32, #tpu.memory_space<vmem>>) dst(%dma_wait3A_78 : memref<128x128xf32, #tpu.memory_space<vmem_shared>>)
      tpu.yield
    }) : () -> ()
    %add3A_11 = arith.constant 512 : i32
    %add3A_12 = arith.addi %mul3A_2, %add3A_11 : i32
    "tpu.region"() ({
      %run_scoped3A = tpu.sem_alloc : memref<!tpu.dma_semaphore, #tpu.memory_space<semaphore_mem>>
      %dma_start3A_72 = arith.constant 0 : i32
      %dma_start3A_73 = tpu.memref_slice %arg11[%add3A_12, %dma_start3A_72] : memref<10240x128xf32, #tpu.memory_space<vmem_shared>> -> memref<128x128xf32, #tpu.memory_space<vmem_shared>>
      %dma_start3A_74 = arith.constant 0 : i32
      %dma_start3A_75 = tpu.memref_slice %arg11[%add3A_12, %dma_start3A_74] : memref<10240x128xf32, #tpu.memory_space<vmem_shared>> -> memref<128x128xf32, #tpu.memory_space<vmem_shared>>
      tpu.enqueue_dma source(%arg9 : memref<128x128xf32, #tpu.memory_space<vmem>>) target(%dma_start3A_75 : memref<128x128xf32, #tpu.memory_space<vmem_shared>>) target_semaphore(%run_scoped3A : memref<!tpu.dma_semaphore, #tpu.memory_space<semaphore_mem>>)
      %dma_wait3A = arith.constant 0 : i32
      %dma_wait3A_76 = tpu.memref_slice %arg11[%add3A_12, %dma_wait3A] : memref<10240x128xf32, #tpu.memory_space<vmem_shared>> -> memref<128x128xf32, #tpu.memory_space<vmem_shared>>
      %dma_wait3A_77 = arith.constant 0 : i32
      %dma_wait3A_78 = tpu.memref_slice %arg11[%add3A_12, %dma_wait3A_77] : memref<10240x128xf32, #tpu.memory_space<vmem_shared>> -> memref<128x128xf32, #tpu.memory_space<vmem_shared>>
      tpu.wait_dma2 semaphore(%run_scoped3A : memref<!tpu.dma_semaphore, #tpu.memory_space<semaphore_mem>>) src(%arg9 : memref<128x128xf32, #tpu.memory_space<vmem>>) dst(%dma_wait3A_78 : memref<128x128xf32, #tpu.memory_space<vmem_shared>>)
      tpu.yield
    }) : () -> ()
    %barrier3A = arith.constant 0 : index
    tpu.barrier barrier_id(%barrier3A)
    "tpu.region"() ({
      %run_scoped3A = tpu.sem_alloc : memref<!tpu.dma_semaphore, #tpu.memory_space<semaphore_mem>>
      %dma_start3A_72 = arith.constant 0 : i32
      %dma_start3A_73 = arith.constant 0 : i32
      %dma_start3A_74 = tpu.memref_slice %arg3[%add3A, %dma_start3A_72, %dma_start3A_73] : memref<32x80x128xi32, #tpu.memory_space<hbm>> -> memref<1x40x128xi32, #tpu.memory_space<hbm>>
      %dma_start3A_75 = tpu.memref_squeeze %dma_start3A_74 : memref<1x40x128xi32, #tpu.memory_space<hbm>> -> memref<40x128xi32, #tpu.memory_space<hbm>>
      %dma_start3A_76 = arith.constant 0 : i32
      %dma_start3A_77 = arith.constant 0 : i32
      %dma_start3A_78 = tpu.memref_slice %arg3[%add3A, %dma_start3A_76, %dma_start3A_77] : memref<32x80x128xi32, #tpu.memory_space<hbm>> -> memref<1x40x128xi32, #tpu.memory_space<hbm>>
      %dma_start3A_79 = tpu.memref_squeeze %dma_start3A_78 : memref<1x40x128xi32, #tpu.memory_space<hbm>> -> memref<40x128xi32, #tpu.memory_space<hbm>>
      tpu.enqueue_dma source(%dma_start3A_79 : memref<40x128xi32, #tpu.memory_space<hbm>>) target(%arg7 : memref<40x128xi32, #tpu.memory_space<vmem>>) target_semaphore(%run_scoped3A : memref<!tpu.dma_semaphore, #tpu.memory_space<semaphore_mem>>)
      %dma_wait3A = arith.constant 0 : i32
      %dma_wait3A_80 = arith.constant 0 : i32
      %dma_wait3A_81 = tpu.memref_slice %arg3[%add3A, %dma_wait3A, %dma_wait3A_80] : memref<32x80x128xi32, #tpu.memory_space<hbm>> -> memref<1x40x128xi32, #tpu.memory_space<hbm>>
      %dma_wait3A_82 = tpu.memref_squeeze %dma_wait3A_81 : memref<1x40x128xi32, #tpu.memory_space<hbm>> -> memref<40x128xi32, #tpu.memory_space<hbm>>
      %dma_wait3A_83 = arith.constant 0 : i32
      %dma_wait3A_84 = arith.constant 0 : i32
      %dma_wait3A_85 = tpu.memref_slice %arg3[%add3A, %dma_wait3A_83, %dma_wait3A_84] : memref<32x80x128xi32, #tpu.memory_space<hbm>> -> memref<1x40x128xi32, #tpu.memory_space<hbm>>
      %dma_wait3A_86 = tpu.memref_squeeze %dma_wait3A_85 : memref<1x40x128xi32, #tpu.memory_space<hbm>> -> memref<40x128xi32, #tpu.memory_space<hbm>>
      tpu.wait_dma2 semaphore(%run_scoped3A : memref<!tpu.dma_semaphore, #tpu.memory_space<semaphore_mem>>) src(%dma_wait3A_86 : memref<40x128xi32, #tpu.memory_space<hbm>>) dst(%arg7 : memref<40x128xi32, #tpu.memory_space<vmem>>)
      tpu.yield
    }) : () -> ()
    "tpu.region"() ({
      %run_scoped3A = tpu.sem_alloc : memref<!tpu.dma_semaphore, #tpu.memory_space<semaphore_mem>>
      %dma_start3A_72 = arith.constant 0 : i32
      %dma_start3A_73 = arith.constant 0 : i32
      %dma_start3A_74 = tpu.memref_slice %arg4[%add3A, %dma_start3A_72, %dma_start3A_73] : memref<32x80x128xi32, #tpu.memory_space<hbm>> -> memref<1x40x128xi32, #tpu.memory_space<hbm>>
      %dma_start3A_75 = tpu.memref_squeeze %dma_start3A_74 : memref<1x40x128xi32, #tpu.memory_space<hbm>> -> memref<40x128xi32, #tpu.memory_space<hbm>>
      %dma_start3A_76 = arith.constant 0 : i32
      %dma_start3A_77 = arith.constant 0 : i32
      %dma_start3A_78 = tpu.memref_slice %arg4[%add3A, %dma_start3A_76, %dma_start3A_77] : memref<32x80x128xi32, #tpu.memory_space<hbm>> -> memref<1x40x128xi32, #tpu.memory_space<hbm>>
      %dma_start3A_79 = tpu.memref_squeeze %dma_start3A_78 : memref<1x40x128xi32, #tpu.memory_space<hbm>> -> memref<40x128xi32, #tpu.memory_space<hbm>>
      tpu.enqueue_dma source(%dma_start3A_79 : memref<40x128xi32, #tpu.memory_space<hbm>>) target(%arg8 : memref<40x128xi32, #tpu.memory_space<vmem>>) target_semaphore(%run_scoped3A : memref<!tpu.dma_semaphore, #tpu.memory_space<semaphore_mem>>)
      %dma_wait3A = arith.constant 0 : i32
      %dma_wait3A_80 = arith.constant 0 : i32
      %dma_wait3A_81 = tpu.memref_slice %arg4[%add3A, %dma_wait3A, %dma_wait3A_80] : memref<32x80x128xi32, #tpu.memory_space<hbm>> -> memref<1x40x128xi32, #tpu.memory_space<hbm>>
      %dma_wait3A_82 = tpu.memref_squeeze %dma_wait3A_81 : memref<1x40x128xi32, #tpu.memory_space<hbm>> -> memref<40x128xi32, #tpu.memory_space<hbm>>
      %dma_wait3A_83 = arith.constant 0 : i32
      %dma_wait3A_84 = arith.constant 0 : i32
      %dma_wait3A_85 = tpu.memref_slice %arg4[%add3A, %dma_wait3A_83, %dma_wait3A_84] : memref<32x80x128xi32, #tpu.memory_space<hbm>> -> memref<1x40x128xi32, #tpu.memory_space<hbm>>
      %dma_wait3A_86 = tpu.memref_squeeze %dma_wait3A_85 : memref<1x40x128xi32, #tpu.memory_space<hbm>> -> memref<40x128xi32, #tpu.memory_space<hbm>>
      tpu.wait_dma2 semaphore(%run_scoped3A : memref<!tpu.dma_semaphore, #tpu.memory_space<semaphore_mem>>) src(%dma_wait3A_86 : memref<40x128xi32, #tpu.memory_space<hbm>>) dst(%arg8 : memref<40x128xi32, #tpu.memory_space<vmem>>)
      tpu.yield
    }) : () -> ()
    %dma_start3A = arith.constant 0 : i32
    %dma_start3A_13 = arith.constant 0 : i32
    %dma_start3A_14 = tpu.memref_slice %arg7[%dma_start3A, %dma_start3A_13] : memref<40x128xi32, #tpu.memory_space<vmem>> -> memref<1x128xi32, #tpu.memory_space<vmem>>
    %dma_start3A_15 = tpu.memref_squeeze %dma_start3A_14 : memref<1x128xi32, #tpu.memory_space<vmem>> -> memref<128xi32, #tpu.memory_space<vmem>>
    %dma_start3A_16 = arith.constant 0 : i32
    %dma_start3A_17 = arith.constant 0 : i32
    %dma_start3A_18 = tpu.memref_slice %arg2[%dma_start3A_16, %dma_start3A_17] : memref<10000x128xf32, #tpu.memory_space<hbm>> -> memref<10000x128xf32, #tpu.memory_space<hbm>>
    tpu.enqueue_indirect_dma source(%dma_start3A_18 : memref<10000x128xf32, #tpu.memory_space<hbm>>) target(%arg9 : memref<128x128xf32, #tpu.memory_space<vmem>>) offsets(%dma_start3A_15 : memref<128xi32, #tpu.memory_space<vmem>>) semaphore(%arg12 : memref<!tpu.dma_semaphore, #tpu.memory_space<semaphore_mem>>)
    %dma_start3A_19 = arith.constant 1 : i32
    %dma_start3A_20 = arith.constant 0 : i32
    %dma_start3A_21 = tpu.memref_slice %arg7[%dma_start3A_19, %dma_start3A_20] : memref<40x128xi32, #tpu.memory_space<vmem>> -> memref<1x128xi32, #tpu.memory_space<vmem>>
    %dma_start3A_22 = tpu.memref_squeeze %dma_start3A_21 : memref<1x128xi32, #tpu.memory_space<vmem>> -> memref<128xi32, #tpu.memory_space<vmem>>
    %dma_start3A_23 = arith.constant 0 : i32
    %dma_start3A_24 = arith.constant 0 : i32
    %dma_start3A_25 = tpu.memref_slice %arg2[%dma_start3A_23, %dma_start3A_24] : memref<10000x128xf32, #tpu.memory_space<hbm>> -> memref<10000x128xf32, #tpu.memory_space<hbm>>
    tpu.enqueue_indirect_dma source(%dma_start3A_25 : memref<10000x128xf32, #tpu.memory_space<hbm>>) target(%arg10 : memref<128x128xf32, #tpu.memory_space<vmem>>) offsets(%dma_start3A_22 : memref<128xi32, #tpu.memory_space<vmem>>) semaphore(%arg13 : memref<!tpu.dma_semaphore, #tpu.memory_space<semaphore_mem>>)
    %scan3A = arith.constant 0 : i32
    %scan3A_26 = arith.constant 0 : i32
    %scan3A_27 = arith.constant 20 : i32
    %scan3A_28 = arith.addi %scan3A_26, %scan3A_27 : i32
    %scan3A_29 = arith.constant 1 : i32
    scf.for %scan3A_72 = %scan3A_26 to %scan3A_28 step %scan3A_29  : i32 {
      %dma_wait3A = arith.constant 0 : i32
      %dma_wait3A_73 = arith.constant 0 : i32
      %dma_wait3A_74 = tpu.memref_slice %arg7[%dma_wait3A, %dma_wait3A_73] : memref<40x128xi32, #tpu.memory_space<vmem>> -> memref<1x128xi32, #tpu.memory_space<vmem>>
      %dma_wait3A_75 = tpu.memref_squeeze %dma_wait3A_74 : memref<1x128xi32, #tpu.memory_space<vmem>> -> memref<128xi32, #tpu.memory_space<vmem>>
      %dma_wait3A_76 = arith.constant 0 : i32
      %dma_wait3A_77 = arith.constant 0 : i32
      %dma_wait3A_78 = tpu.memref_slice %arg2[%dma_wait3A_76, %dma_wait3A_77] : memref<10000x128xf32, #tpu.memory_space<hbm>> -> memref<10000x128xf32, #tpu.memory_space<hbm>>
      tpu.wait_indirect_dma semaphore(%arg12 : memref<!tpu.dma_semaphore, #tpu.memory_space<semaphore_mem>>) src(%dma_wait3A_78 : memref<10000x128xf32, #tpu.memory_space<hbm>>) dst(%arg9 : memref<128x128xf32, #tpu.memory_space<vmem>>)
      %mul3A_79 = arith.constant 2 : i32
      %mul3A_80 = arith.muli %mul3A_79, %scan3A_72 : i32
      "tpu.region"() ({
        %run_scoped3A = tpu.sem_alloc : memref<!tpu.dma_semaphore, #tpu.memory_space<semaphore_mem>>
        %dma_start3A_99 = arith.constant 0 : i32
        %dma_start3A_100 = tpu.memref_slice %arg8[%mul3A_80, %dma_start3A_99] : memref<40x128xi32, #tpu.memory_space<vmem>> -> memref<1x128xi32, #tpu.memory_space<vmem>>
        %dma_start3A_101 = tpu.memref_squeeze %dma_start3A_100 : memref<1x128xi32, #tpu.memory_space<vmem>> -> memref<128xi32, #tpu.memory_space<vmem>>
        %dma_start3A_102 = arith.constant 0 : i32
        %dma_start3A_103 = arith.constant 0 : i32
        %dma_start3A_104 = tpu.memref_slice %arg11[%dma_start3A_102, %dma_start3A_103] : memref<10240x128xf32, #tpu.memory_space<vmem_shared>> -> memref<10240x128xf32, #tpu.memory_space<vmem_shared>>
        tpu.enqueue_indirect_dma source(%arg9 : memref<128x128xf32, #tpu.memory_space<vmem>>) target(%dma_start3A_104 : memref<10240x128xf32, #tpu.memory_space<vmem_shared>>) offsets(%dma_start3A_101 : memref<128xi32, #tpu.memory_space<vmem>>) semaphore(%run_scoped3A : memref<!tpu.dma_semaphore, #tpu.memory_space<semaphore_mem>>) {add = true}
        %dma_wait3A_105 = arith.constant 0 : i32
        %dma_wait3A_106 = tpu.memref_slice %arg8[%mul3A_80, %dma_wait3A_105] : memref<40x128xi32, #tpu.memory_space<vmem>> -> memref<1x128xi32, #tpu.memory_space<vmem>>
        %dma_wait3A_107 = tpu.memref_squeeze %dma_wait3A_106 : memref<1x128xi32, #tpu.memory_space<vmem>> -> memref<128xi32, #tpu.memory_space<vmem>>
        %dma_wait3A_108 = arith.constant 0 : i32
        %dma_wait3A_109 = arith.constant 0 : i32
        %dma_wait3A_110 = tpu.memref_slice %arg11[%dma_wait3A_108, %dma_wait3A_109] : memref<10240x128xf32, #tpu.memory_space<vmem_shared>> -> memref<10240x128xf32, #tpu.memory_space<vmem_shared>>
        tpu.wait_indirect_dma semaphore(%run_scoped3A : memref<!tpu.dma_semaphore, #tpu.memory_space<semaphore_mem>>) src(%arg9 : memref<128x128xf32, #tpu.memory_space<vmem>>) dst(%dma_wait3A_110 : memref<10240x128xf32, #tpu.memory_space<vmem_shared>>)
        tpu.yield
      }) : () -> ()
      %lt3A = arith.constant 19 : i32
      %lt3A_81 = arith.cmpi slt, %scan3A_72, %lt3A : i32
      %convert_element_type3A = arith.extui %lt3A_81 : i1 to i32
      %cond3A = arith.constant 0 : i32
      %cond3A_82 = arith.cmpi ne, %convert_element_type3A, %cond3A : i32
      scf.if %cond3A_82 {
        %mul3A_99 = arith.constant 2 : i32
        %mul3A_100 = arith.muli %mul3A_99, %scan3A_72 : i32
        %add3A_101 = arith.constant 2 : i32
        %add3A_102 = arith.addi %mul3A_100, %add3A_101 : i32
        %dma_start3A_103 = arith.constant 0 : i32
        %dma_start3A_104 = tpu.memref_slice %arg7[%add3A_102, %dma_start3A_103] : memref<40x128xi32, #tpu.memory_space<vmem>> -> memref<1x128xi32, #tpu.memory_space<vmem>>
        %dma_start3A_105 = tpu.memref_squeeze %dma_start3A_104 : memref<1x128xi32, #tpu.memory_space<vmem>> -> memref<128xi32, #tpu.memory_space<vmem>>
        %dma_start3A_106 = arith.constant 0 : i32
        %dma_start3A_107 = arith.constant 0 : i32
        %dma_start3A_108 = tpu.memref_slice %arg2[%dma_start3A_106, %dma_start3A_107] : memref<10000x128xf32, #tpu.memory_space<hbm>> -> memref<10000x128xf32, #tpu.memory_space<hbm>>
        tpu.enqueue_indirect_dma source(%dma_start3A_108 : memref<10000x128xf32, #tpu.memory_space<hbm>>) target(%arg9 : memref<128x128xf32, #tpu.memory_space<vmem>>) offsets(%dma_start3A_105 : memref<128xi32, #tpu.memory_space<vmem>>) semaphore(%arg12 : memref<!tpu.dma_semaphore, #tpu.memory_space<semaphore_mem>>)
      } else {
      }
      %dma_wait3A_83 = arith.constant 0 : i32
      %dma_wait3A_84 = arith.constant 0 : i32
      %dma_wait3A_85 = tpu.memref_slice %arg7[%dma_wait3A_83, %dma_wait3A_84] : memref<40x128xi32, #tpu.memory_space<vmem>> -> memref<1x128xi32, #tpu.memory_space<vmem>>
      %dma_wait3A_86 = tpu.memref_squeeze %dma_wait3A_85 : memref<1x128xi32, #tpu.memory_space<vmem>> -> memref<128xi32, #tpu.memory_space<vmem>>
      %dma_wait3A_87 = arith.constant 0 : i32
      %dma_wait3A_88 = arith.constant 0 : i32
      %dma_wait3A_89 = tpu.memref_slice %arg2[%dma_wait3A_87, %dma_wait3A_88] : memref<10000x128xf32, #tpu.memory_space<hbm>> -> memref<10000x128xf32, #tpu.memory_space<hbm>>
      tpu.wait_indirect_dma semaphore(%arg13 : memref<!tpu.dma_semaphore, #tpu.memory_space<semaphore_mem>>) src(%dma_wait3A_89 : memref<10000x128xf32, #tpu.memory_space<hbm>>) dst(%arg10 : memref<128x128xf32, #tpu.memory_space<vmem>>)
      %mul3A_90 = arith.constant 2 : i32
      %mul3A_91 = arith.muli %mul3A_90, %scan3A_72 : i32
      %add3A_92 = arith.constant 1 : i32
      %add3A_93 = arith.addi %mul3A_91, %add3A_92 : i32
      "tpu.region"() ({
        %run_scoped3A = tpu.sem_alloc : memref<!tpu.dma_semaphore, #tpu.memory_space<semaphore_mem>>
        %dma_start3A_99 = arith.constant 0 : i32
        %dma_start3A_100 = tpu.memref_slice %arg8[%add3A_93, %dma_start3A_99] : memref<40x128xi32, #tpu.memory_space<vmem>> -> memref<1x128xi32, #tpu.memory_space<vmem>>
        %dma_start3A_101 = tpu.memref_squeeze %dma_start3A_100 : memref<1x128xi32, #tpu.memory_space<vmem>> -> memref<128xi32, #tpu.memory_space<vmem>>
        %dma_start3A_102 = arith.constant 0 : i32
        %dma_start3A_103 = arith.constant 0 : i32
        %dma_start3A_104 = tpu.memref_slice %arg11[%dma_start3A_102, %dma_start3A_103] : memref<10240x128xf32, #tpu.memory_space<vmem_shared>> -> memref<10240x128xf32, #tpu.memory_space<vmem_shared>>
        tpu.enqueue_indirect_dma source(%arg10 : memref<128x128xf32, #tpu.memory_space<vmem>>) target(%dma_start3A_104 : memref<10240x128xf32, #tpu.memory_space<vmem_shared>>) offsets(%dma_start3A_101 : memref<128xi32, #tpu.memory_space<vmem>>) semaphore(%run_scoped3A : memref<!tpu.dma_semaphore, #tpu.memory_space<semaphore_mem>>) {add = true}
        %dma_wait3A_105 = arith.constant 0 : i32
        %dma_wait3A_106 = tpu.memref_slice %arg8[%add3A_93, %dma_wait3A_105] : memref<40x128xi32, #tpu.memory_space<vmem>> -> memref<1x128xi32, #tpu.memory_space<vmem>>
        %dma_wait3A_107 = tpu.memref_squeeze %dma_wait3A_106 : memref<1x128xi32, #tpu.memory_space<vmem>> -> memref<128xi32, #tpu.memory_space<vmem>>
        %dma_wait3A_108 = arith.constant 0 : i32
        %dma_wait3A_109 = arith.constant 0 : i32
        %dma_wait3A_110 = tpu.memref_slice %arg11[%dma_wait3A_108, %dma_wait3A_109] : memref<10240x128xf32, #tpu.memory_space<vmem_shared>> -> memref<10240x128xf32, #tpu.memory_space<vmem_shared>>
        tpu.wait_indirect_dma semaphore(%run_scoped3A : memref<!tpu.dma_semaphore, #tpu.memory_space<semaphore_mem>>) src(%arg10 : memref<128x128xf32, #tpu.memory_space<vmem>>) dst(%dma_wait3A_110 : memref<10240x128xf32, #tpu.memory_space<vmem_shared>>)
        tpu.yield
      }) : () -> ()
      %lt3A_94 = arith.constant 19 : i32
      %lt3A_95 = arith.cmpi slt, %scan3A_72, %lt3A_94 : i32
      %convert_element_type3A_96 = arith.extui %lt3A_95 : i1 to i32
      %cond3A_97 = arith.constant 0 : i32
      %cond3A_98 = arith.cmpi ne, %convert_element_type3A_96, %cond3A_97 : i32
      scf.if %cond3A_98 {
        %mul3A_99 = arith.constant 2 : i32
        %mul3A_100 = arith.muli %mul3A_99, %scan3A_72 : i32
        %add3A_101 = arith.constant 3 : i32
        %add3A_102 = arith.addi %mul3A_100, %add3A_101 : i32
        %dma_start3A_103 = arith.constant 0 : i32
        %dma_start3A_104 = tpu.memref_slice %arg7[%add3A_102, %dma_start3A_103] : memref<40x128xi32, #tpu.memory_space<vmem>> -> memref<1x128xi32, #tpu.memory_space<vmem>>
        %dma_start3A_105 = tpu.memref_squeeze %dma_start3A_104 : memref<1x128xi32, #tpu.memory_space<vmem>> -> memref<128xi32, #tpu.memory_space<vmem>>
        %dma_start3A_106 = arith.constant 0 : i32
        %dma_start3A_107 = arith.constant 0 : i32
        %dma_start3A_108 = tpu.memref_slice %arg2[%dma_start3A_106, %dma_start3A_107] : memref<10000x128xf32, #tpu.memory_space<hbm>> -> memref<10000x128xf32, #tpu.memory_space<hbm>>
        tpu.enqueue_indirect_dma source(%dma_start3A_108 : memref<10000x128xf32, #tpu.memory_space<hbm>>) target(%arg10 : memref<128x128xf32, #tpu.memory_space<vmem>>) offsets(%dma_start3A_105 : memref<128xi32, #tpu.memory_space<vmem>>) semaphore(%arg13 : memref<!tpu.dma_semaphore, #tpu.memory_space<semaphore_mem>>)
      } else {
      }
    }
    %scan3A_30 = arith.constant 20 : i32
    "tpu.region"() ({
      %run_scoped3A = tpu.sem_alloc : memref<!tpu.dma_semaphore, #tpu.memory_space<semaphore_mem>>
      %dma_start3A_72 = arith.constant 40 : i32
      %dma_start3A_73 = arith.constant 0 : i32
      %dma_start3A_74 = tpu.memref_slice %arg3[%add3A, %dma_start3A_72, %dma_start3A_73] : memref<32x80x128xi32, #tpu.memory_space<hbm>> -> memref<1x40x128xi32, #tpu.memory_space<hbm>>
      %dma_start3A_75 = tpu.memref_squeeze %dma_start3A_74 : memref<1x40x128xi32, #tpu.memory_space<hbm>> -> memref<40x128xi32, #tpu.memory_space<hbm>>
      %dma_start3A_76 = arith.constant 40 : i32
      %dma_start3A_77 = arith.constant 0 : i32
      %dma_start3A_78 = tpu.memref_slice %arg3[%add3A, %dma_start3A_76, %dma_start3A_77] : memref<32x80x128xi32, #tpu.memory_space<hbm>> -> memref<1x40x128xi32, #tpu.memory_space<hbm>>
      %dma_start3A_79 = tpu.memref_squeeze %dma_start3A_78 : memref<1x40x128xi32, #tpu.memory_space<hbm>> -> memref<40x128xi32, #tpu.memory_space<hbm>>
      tpu.enqueue_dma source(%dma_start3A_79 : memref<40x128xi32, #tpu.memory_space<hbm>>) target(%arg7 : memref<40x128xi32, #tpu.memory_space<vmem>>) target_semaphore(%run_scoped3A : memref<!tpu.dma_semaphore, #tpu.memory_space<semaphore_mem>>)
      %dma_wait3A = arith.constant 40 : i32
      %dma_wait3A_80 = arith.constant 0 : i32
      %dma_wait3A_81 = tpu.memref_slice %arg3[%add3A, %dma_wait3A, %dma_wait3A_80] : memref<32x80x128xi32, #tpu.memory_space<hbm>> -> memref<1x40x128xi32, #tpu.memory_space<hbm>>
      %dma_wait3A_82 = tpu.memref_squeeze %dma_wait3A_81 : memref<1x40x128xi32, #tpu.memory_space<hbm>> -> memref<40x128xi32, #tpu.memory_space<hbm>>
      %dma_wait3A_83 = arith.constant 40 : i32
      %dma_wait3A_84 = arith.constant 0 : i32
      %dma_wait3A_85 = tpu.memref_slice %arg3[%add3A, %dma_wait3A_83, %dma_wait3A_84] : memref<32x80x128xi32, #tpu.memory_space<hbm>> -> memref<1x40x128xi32, #tpu.memory_space<hbm>>
      %dma_wait3A_86 = tpu.memref_squeeze %dma_wait3A_85 : memref<1x40x128xi32, #tpu.memory_space<hbm>> -> memref<40x128xi32, #tpu.memory_space<hbm>>
      tpu.wait_dma2 semaphore(%run_scoped3A : memref<!tpu.dma_semaphore, #tpu.memory_space<semaphore_mem>>) src(%dma_wait3A_86 : memref<40x128xi32, #tpu.memory_space<hbm>>) dst(%arg7 : memref<40x128xi32, #tpu.memory_space<vmem>>)
      tpu.yield
    }) : () -> ()
    "tpu.region"() ({
      %run_scoped3A = tpu.sem_alloc : memref<!tpu.dma_semaphore, #tpu.memory_space<semaphore_mem>>
      %dma_start3A_72 = arith.constant 40 : i32
      %dma_start3A_73 = arith.constant 0 : i32
      %dma_start3A_74 = tpu.memref_slice %arg4[%add3A, %dma_start3A_72, %dma_start3A_73] : memref<32x80x128xi32, #tpu.memory_space<hbm>> -> memref<1x40x128xi32, #tpu.memory_space<hbm>>
      %dma_start3A_75 = tpu.memref_squeeze %dma_start3A_74 : memref<1x40x128xi32, #tpu.memory_space<hbm>> -> memref<40x128xi32, #tpu.memory_space<hbm>>
      %dma_start3A_76 = arith.constant 40 : i32
      %dma_start3A_77 = arith.constant 0 : i32
      %dma_start3A_78 = tpu.memref_slice %arg4[%add3A, %dma_start3A_76, %dma_start3A_77] : memref<32x80x128xi32, #tpu.memory_space<hbm>> -> memref<1x40x128xi32, #tpu.memory_space<hbm>>
      %dma_start3A_79 = tpu.memref_squeeze %dma_start3A_78 : memref<1x40x128xi32, #tpu.memory_space<hbm>> -> memref<40x128xi32, #tpu.memory_space<hbm>>
      tpu.enqueue_dma source(%dma_start3A_79 : memref<40x128xi32, #tpu.memory_space<hbm>>) target(%arg8 : memref<40x128xi32, #tpu.memory_space<vmem>>) target_semaphore(%run_scoped3A : memref<!tpu.dma_semaphore, #tpu.memory_space<semaphore_mem>>)
      %dma_wait3A = arith.constant 40 : i32
      %dma_wait3A_80 = arith.constant 0 : i32
      %dma_wait3A_81 = tpu.memref_slice %arg4[%add3A, %dma_wait3A, %dma_wait3A_80] : memref<32x80x128xi32, #tpu.memory_space<hbm>> -> memref<1x40x128xi32, #tpu.memory_space<hbm>>
      %dma_wait3A_82 = tpu.memref_squeeze %dma_wait3A_81 : memref<1x40x128xi32, #tpu.memory_space<hbm>> -> memref<40x128xi32, #tpu.memory_space<hbm>>
      %dma_wait3A_83 = arith.constant 40 : i32
      %dma_wait3A_84 = arith.constant 0 : i32
      %dma_wait3A_85 = tpu.memref_slice %arg4[%add3A, %dma_wait3A_83, %dma_wait3A_84] : memref<32x80x128xi32, #tpu.memory_space<hbm>> -> memref<1x40x128xi32, #tpu.memory_space<hbm>>
      %dma_wait3A_86 = tpu.memref_squeeze %dma_wait3A_85 : memref<1x40x128xi32, #tpu.memory_space<hbm>> -> memref<40x128xi32, #tpu.memory_space<hbm>>
      tpu.wait_dma2 semaphore(%run_scoped3A : memref<!tpu.dma_semaphore, #tpu.memory_space<semaphore_mem>>) src(%dma_wait3A_86 : memref<40x128xi32, #tpu.memory_space<hbm>>) dst(%arg8 : memref<40x128xi32, #tpu.memory_space<vmem>>)
      tpu.yield
    }) : () -> ()
    %dma_start3A_31 = arith.constant 0 : i32
    %dma_start3A_32 = arith.constant 0 : i32
    %dma_start3A_33 = tpu.memref_slice %arg7[%dma_start3A_31, %dma_start3A_32] : memref<40x128xi32, #tpu.memory_space<vmem>> -> memref<1x128xi32, #tpu.memory_space<vmem>>
    %dma_start3A_34 = tpu.memref_squeeze %dma_start3A_33 : memref<1x128xi32, #tpu.memory_space<vmem>> -> memref<128xi32, #tpu.memory_space<vmem>>
    %dma_start3A_35 = arith.constant 0 : i32
    %dma_start3A_36 = arith.constant 0 : i32
    %dma_start3A_37 = tpu.memref_slice %arg2[%dma_start3A_35, %dma_start3A_36] : memref<10000x128xf32, #tpu.memory_space<hbm>> -> memref<10000x128xf32, #tpu.memory_space<hbm>>
    tpu.enqueue_indirect_dma source(%dma_start3A_37 : memref<10000x128xf32, #tpu.memory_space<hbm>>) target(%arg9 : memref<128x128xf32, #tpu.memory_space<vmem>>) offsets(%dma_start3A_34 : memref<128xi32, #tpu.memory_space<vmem>>) semaphore(%arg12 : memref<!tpu.dma_semaphore, #tpu.memory_space<semaphore_mem>>)
    %dma_start3A_38 = arith.constant 1 : i32
    %dma_start3A_39 = arith.constant 0 : i32
    %dma_start3A_40 = tpu.memref_slice %arg7[%dma_start3A_38, %dma_start3A_39] : memref<40x128xi32, #tpu.memory_space<vmem>> -> memref<1x128xi32, #tpu.memory_space<vmem>>
    %dma_start3A_41 = tpu.memref_squeeze %dma_start3A_40 : memref<1x128xi32, #tpu.memory_space<vmem>> -> memref<128xi32, #tpu.memory_space<vmem>>
    %dma_start3A_42 = arith.constant 0 : i32
    %dma_start3A_43 = arith.constant 0 : i32
    %dma_start3A_44 = tpu.memref_slice %arg2[%dma_start3A_42, %dma_start3A_43] : memref<10000x128xf32, #tpu.memory_space<hbm>> -> memref<10000x128xf32, #tpu.memory_space<hbm>>
    tpu.enqueue_indirect_dma source(%dma_start3A_44 : memref<10000x128xf32, #tpu.memory_space<hbm>>) target(%arg10 : memref<128x128xf32, #tpu.memory_space<vmem>>) offsets(%dma_start3A_41 : memref<128xi32, #tpu.memory_space<vmem>>) semaphore(%arg13 : memref<!tpu.dma_semaphore, #tpu.memory_space<semaphore_mem>>)
    %scan3A_45 = arith.constant 0 : i32
    %scan3A_46 = arith.constant 0 : i32
    %scan3A_47 = arith.constant 20 : i32
    %scan3A_48 = arith.addi %scan3A_46, %scan3A_47 : i32
    %scan3A_49 = arith.constant 1 : i32
    scf.for %scan3A_72 = %scan3A_46 to %scan3A_48 step %scan3A_49  : i32 {
      %dma_wait3A = arith.constant 0 : i32
      %dma_wait3A_73 = arith.constant 0 : i32
      %dma_wait3A_74 = tpu.memref_slice %arg7[%dma_wait3A, %dma_wait3A_73] : memref<40x128xi32, #tpu.memory_space<vmem>> -> memref<1x128xi32, #tpu.memory_space<vmem>>
      %dma_wait3A_75 = tpu.memref_squeeze %dma_wait3A_74 : memref<1x128xi32, #tpu.memory_space<vmem>> -> memref<128xi32, #tpu.memory_space<vmem>>
      %dma_wait3A_76 = arith.constant 0 : i32
      %dma_wait3A_77 = arith.constant 0 : i32
      %dma_wait3A_78 = tpu.memref_slice %arg2[%dma_wait3A_76, %dma_wait3A_77] : memref<10000x128xf32, #tpu.memory_space<hbm>> -> memref<10000x128xf32, #tpu.memory_space<hbm>>
      tpu.wait_indirect_dma semaphore(%arg12 : memref<!tpu.dma_semaphore, #tpu.memory_space<semaphore_mem>>) src(%dma_wait3A_78 : memref<10000x128xf32, #tpu.memory_space<hbm>>) dst(%arg9 : memref<128x128xf32, #tpu.memory_space<vmem>>)
      %mul3A_79 = arith.constant 2 : i32
      %mul3A_80 = arith.muli %mul3A_79, %scan3A_72 : i32
      "tpu.region"() ({
        %run_scoped3A = tpu.sem_alloc : memref<!tpu.dma_semaphore, #tpu.memory_space<semaphore_mem>>
        %dma_start3A_99 = arith.constant 0 : i32
        %dma_start3A_100 = tpu.memref_slice %arg8[%mul3A_80, %dma_start3A_99] : memref<40x128xi32, #tpu.memory_space<vmem>> -> memref<1x128xi32, #tpu.memory_space<vmem>>
        %dma_start3A_101 = tpu.memref_squeeze %dma_start3A_100 : memref<1x128xi32, #tpu.memory_space<vmem>> -> memref<128xi32, #tpu.memory_space<vmem>>
        %dma_start3A_102 = arith.constant 0 : i32
        %dma_start3A_103 = arith.constant 0 : i32
        %dma_start3A_104 = tpu.memref_slice %arg11[%dma_start3A_102, %dma_start3A_103] : memref<10240x128xf32, #tpu.memory_space<vmem_shared>> -> memref<10240x128xf32, #tpu.memory_space<vmem_shared>>
        tpu.enqueue_indirect_dma source(%arg9 : memref<128x128xf32, #tpu.memory_space<vmem>>) target(%dma_start3A_104 : memref<10240x128xf32, #tpu.memory_space<vmem_shared>>) offsets(%dma_start3A_101 : memref<128xi32, #tpu.memory_space<vmem>>) semaphore(%run_scoped3A : memref<!tpu.dma_semaphore, #tpu.memory_space<semaphore_mem>>) {add = true}
        %dma_wait3A_105 = arith.constant 0 : i32
        %dma_wait3A_106 = tpu.memref_slice %arg8[%mul3A_80, %dma_wait3A_105] : memref<40x128xi32, #tpu.memory_space<vmem>> -> memref<1x128xi32, #tpu.memory_space<vmem>>
        %dma_wait3A_107 = tpu.memref_squeeze %dma_wait3A_106 : memref<1x128xi32, #tpu.memory_space<vmem>> -> memref<128xi32, #tpu.memory_space<vmem>>
        %dma_wait3A_108 = arith.constant 0 : i32
        %dma_wait3A_109 = arith.constant 0 : i32
        %dma_wait3A_110 = tpu.memref_slice %arg11[%dma_wait3A_108, %dma_wait3A_109] : memref<10240x128xf32, #tpu.memory_space<vmem_shared>> -> memref<10240x128xf32, #tpu.memory_space<vmem_shared>>
        tpu.wait_indirect_dma semaphore(%run_scoped3A : memref<!tpu.dma_semaphore, #tpu.memory_space<semaphore_mem>>) src(%arg9 : memref<128x128xf32, #tpu.memory_space<vmem>>) dst(%dma_wait3A_110 : memref<10240x128xf32, #tpu.memory_space<vmem_shared>>)
        tpu.yield
      }) : () -> ()
      %lt3A = arith.constant 19 : i32
      %lt3A_81 = arith.cmpi slt, %scan3A_72, %lt3A : i32
      %convert_element_type3A = arith.extui %lt3A_81 : i1 to i32
      %cond3A = arith.constant 0 : i32
      %cond3A_82 = arith.cmpi ne, %convert_element_type3A, %cond3A : i32
      scf.if %cond3A_82 {
        %mul3A_99 = arith.constant 2 : i32
        %mul3A_100 = arith.muli %mul3A_99, %scan3A_72 : i32
        %add3A_101 = arith.constant 2 : i32
        %add3A_102 = arith.addi %mul3A_100, %add3A_101 : i32
        %dma_start3A_103 = arith.constant 0 : i32
        %dma_start3A_104 = tpu.memref_slice %arg7[%add3A_102, %dma_start3A_103] : memref<40x128xi32, #tpu.memory_space<vmem>> -> memref<1x128xi32, #tpu.memory_space<vmem>>
        %dma_start3A_105 = tpu.memref_squeeze %dma_start3A_104 : memref<1x128xi32, #tpu.memory_space<vmem>> -> memref<128xi32, #tpu.memory_space<vmem>>
        %dma_start3A_106 = arith.constant 0 : i32
        %dma_start3A_107 = arith.constant 0 : i32
        %dma_start3A_108 = tpu.memref_slice %arg2[%dma_start3A_106, %dma_start3A_107] : memref<10000x128xf32, #tpu.memory_space<hbm>> -> memref<10000x128xf32, #tpu.memory_space<hbm>>
        tpu.enqueue_indirect_dma source(%dma_start3A_108 : memref<10000x128xf32, #tpu.memory_space<hbm>>) target(%arg9 : memref<128x128xf32, #tpu.memory_space<vmem>>) offsets(%dma_start3A_105 : memref<128xi32, #tpu.memory_space<vmem>>) semaphore(%arg12 : memref<!tpu.dma_semaphore, #tpu.memory_space<semaphore_mem>>)
      } else {
      }
      %dma_wait3A_83 = arith.constant 0 : i32
      %dma_wait3A_84 = arith.constant 0 : i32
      %dma_wait3A_85 = tpu.memref_slice %arg7[%dma_wait3A_83, %dma_wait3A_84] : memref<40x128xi32, #tpu.memory_space<vmem>> -> memref<1x128xi32, #tpu.memory_space<vmem>>
      %dma_wait3A_86 = tpu.memref_squeeze %dma_wait3A_85 : memref<1x128xi32, #tpu.memory_space<vmem>> -> memref<128xi32, #tpu.memory_space<vmem>>
      %dma_wait3A_87 = arith.constant 0 : i32
      %dma_wait3A_88 = arith.constant 0 : i32
      %dma_wait3A_89 = tpu.memref_slice %arg2[%dma_wait3A_87, %dma_wait3A_88] : memref<10000x128xf32, #tpu.memory_space<hbm>> -> memref<10000x128xf32, #tpu.memory_space<hbm>>
      tpu.wait_indirect_dma semaphore(%arg13 : memref<!tpu.dma_semaphore, #tpu.memory_space<semaphore_mem>>) src(%dma_wait3A_89 : memref<10000x128xf32, #tpu.memory_space<hbm>>) dst(%arg10 : memref<128x128xf32, #tpu.memory_space<vmem>>)
      %mul3A_90 = arith.constant 2 : i32
      %mul3A_91 = arith.muli %mul3A_90, %scan3A_72 : i32
      %add3A_92 = arith.constant 1 : i32
      %add3A_93 = arith.addi %mul3A_91, %add3A_92 : i32
      "tpu.region"() ({
        %run_scoped3A = tpu.sem_alloc : memref<!tpu.dma_semaphore, #tpu.memory_space<semaphore_mem>>
        %dma_start3A_99 = arith.constant 0 : i32
        %dma_start3A_100 = tpu.memref_slice %arg8[%add3A_93, %dma_start3A_99] : memref<40x128xi32, #tpu.memory_space<vmem>> -> memref<1x128xi32, #tpu.memory_space<vmem>>
        %dma_start3A_101 = tpu.memref_squeeze %dma_start3A_100 : memref<1x128xi32, #tpu.memory_space<vmem>> -> memref<128xi32, #tpu.memory_space<vmem>>
        %dma_start3A_102 = arith.constant 0 : i32
        %dma_start3A_103 = arith.constant 0 : i32
        %dma_start3A_104 = tpu.memref_slice %arg11[%dma_start3A_102, %dma_start3A_103] : memref<10240x128xf32, #tpu.memory_space<vmem_shared>> -> memref<10240x128xf32, #tpu.memory_space<vmem_shared>>
        tpu.enqueue_indirect_dma source(%arg10 : memref<128x128xf32, #tpu.memory_space<vmem>>) target(%dma_start3A_104 : memref<10240x128xf32, #tpu.memory_space<vmem_shared>>) offsets(%dma_start3A_101 : memref<128xi32, #tpu.memory_space<vmem>>) semaphore(%run_scoped3A : memref<!tpu.dma_semaphore, #tpu.memory_space<semaphore_mem>>) {add = true}
        %dma_wait3A_105 = arith.constant 0 : i32
        %dma_wait3A_106 = tpu.memref_slice %arg8[%add3A_93, %dma_wait3A_105] : memref<40x128xi32, #tpu.memory_space<vmem>> -> memref<1x128xi32, #tpu.memory_space<vmem>>
        %dma_wait3A_107 = tpu.memref_squeeze %dma_wait3A_106 : memref<1x128xi32, #tpu.memory_space<vmem>> -> memref<128xi32, #tpu.memory_space<vmem>>
        %dma_wait3A_108 = arith.constant 0 : i32
        %dma_wait3A_109 = arith.constant 0 : i32
        %dma_wait3A_110 = tpu.memref_slice %arg11[%dma_wait3A_108, %dma_wait3A_109] : memref<10240x128xf32, #tpu.memory_space<vmem_shared>> -> memref<10240x128xf32, #tpu.memory_space<vmem_shared>>
        tpu.wait_indirect_dma semaphore(%run_scoped3A : memref<!tpu.dma_semaphore, #tpu.memory_space<semaphore_mem>>) src(%arg10 : memref<128x128xf32, #tpu.memory_space<vmem>>) dst(%dma_wait3A_110 : memref<10240x128xf32, #tpu.memory_space<vmem_shared>>)
        tpu.yield
      }) : () -> ()
      %lt3A_94 = arith.constant 19 : i32
      %lt3A_95 = arith.cmpi slt, %scan3A_72, %lt3A_94 : i32
      %convert_element_type3A_96 = arith.extui %lt3A_95 : i1 to i32
      %cond3A_97 = arith.constant 0 : i32
      %cond3A_98 = arith.cmpi ne, %convert_element_type3A_96, %cond3A_97 : i32
      scf.if %cond3A_98 {
        %mul3A_99 = arith.constant 2 : i32
        %mul3A_100 = arith.muli %mul3A_99, %scan3A_72 : i32
        %add3A_101 = arith.constant 3 : i32
        %add3A_102 = arith.addi %mul3A_100, %add3A_101 : i32
        %dma_start3A_103 = arith.constant 0 : i32
        %dma_start3A_104 = tpu.memref_slice %arg7[%add3A_102, %dma_start3A_103] : memref<40x128xi32, #tpu.memory_space<vmem>> -> memref<1x128xi32, #tpu.memory_space<vmem>>
        %dma_start3A_105 = tpu.memref_squeeze %dma_start3A_104 : memref<1x128xi32, #tpu.memory_space<vmem>> -> memref<128xi32, #tpu.memory_space<vmem>>
        %dma_start3A_106 = arith.constant 0 : i32
        %dma_start3A_107 = arith.constant 0 : i32
        %dma_start3A_108 = tpu.memref_slice %arg2[%dma_start3A_106, %dma_start3A_107] : memref<10000x128xf32, #tpu.memory_space<hbm>> -> memref<10000x128xf32, #tpu.memory_space<hbm>>
        tpu.enqueue_indirect_dma source(%dma_start3A_108 : memref<10000x128xf32, #tpu.memory_space<hbm>>) target(%arg10 : memref<128x128xf32, #tpu.memory_space<vmem>>) offsets(%dma_start3A_105 : memref<128xi32, #tpu.memory_space<vmem>>) semaphore(%arg13 : memref<!tpu.dma_semaphore, #tpu.memory_space<semaphore_mem>>)
      } else {
      }
    }
    %scan3A_50 = arith.constant 20 : i32
    %barrier3A_51 = arith.constant 0 : index
    tpu.barrier barrier_id(%barrier3A_51)
    %add3A_52 = arith.constant 0 : i32
    %add3A_53 = arith.addi %mul3A_2, %add3A_52 : i32
    "tpu.region"() ({
      %run_scoped3A = tpu.sem_alloc : memref<!tpu.dma_semaphore, #tpu.memory_space<semaphore_mem>>
      %dma_start3A_72 = arith.constant 0 : i32
      %dma_start3A_73 = tpu.memref_slice %arg11[%add3A_53, %dma_start3A_72] : memref<10240x128xf32, #tpu.memory_space<vmem_shared>> -> memref<128x128xf32, #tpu.memory_space<vmem_shared>>
      %dma_start3A_74 = arith.constant 0 : i32
      %dma_start3A_75 = tpu.memref_slice %arg11[%add3A_53, %dma_start3A_74] : memref<10240x128xf32, #tpu.memory_space<vmem_shared>> -> memref<128x128xf32, #tpu.memory_space<vmem_shared>>
      tpu.enqueue_dma source(%dma_start3A_75 : memref<128x128xf32, #tpu.memory_space<vmem_shared>>) target(%arg9 : memref<128x128xf32, #tpu.memory_space<vmem>>) target_semaphore(%run_scoped3A : memref<!tpu.dma_semaphore, #tpu.memory_space<semaphore_mem>>)
      %dma_wait3A = arith.constant 0 : i32
      %dma_wait3A_76 = tpu.memref_slice %arg11[%add3A_53, %dma_wait3A] : memref<10240x128xf32, #tpu.memory_space<vmem_shared>> -> memref<128x128xf32, #tpu.memory_space<vmem_shared>>
      %dma_wait3A_77 = arith.constant 0 : i32
      %dma_wait3A_78 = tpu.memref_slice %arg11[%add3A_53, %dma_wait3A_77] : memref<10240x128xf32, #tpu.memory_space<vmem_shared>> -> memref<128x128xf32, #tpu.memory_space<vmem_shared>>
      tpu.wait_dma2 semaphore(%run_scoped3A : memref<!tpu.dma_semaphore, #tpu.memory_space<semaphore_mem>>) src(%dma_wait3A_78 : memref<128x128xf32, #tpu.memory_space<vmem_shared>>) dst(%arg9 : memref<128x128xf32, #tpu.memory_space<vmem>>)
      tpu.yield
    }) : () -> ()
    %add3A_54 = arith.constant 0 : i32
    %add3A_55 = arith.addi %mul3A_2, %add3A_54 : i32
    "tpu.region"() ({
      %run_scoped3A = tpu.sem_alloc : memref<!tpu.dma_semaphore, #tpu.memory_space<semaphore_mem>>
      %dma_start3A_72 = arith.constant 0 : i32
      %dma_start3A_73 = tpu.memref_slice %arg6[%arg0, %add3A_55, %dma_start3A_72] : memref<2x10240x128xf32, #tpu.memory_space<hbm>> -> memref<1x128x128xf32, #tpu.memory_space<hbm>>
      %dma_start3A_74 = tpu.memref_squeeze %dma_start3A_73 : memref<1x128x128xf32, #tpu.memory_space<hbm>> -> memref<128x128xf32, #tpu.memory_space<hbm>>
      %dma_start3A_75 = arith.constant 0 : i32
      %dma_start3A_76 = tpu.memref_slice %arg6[%arg0, %add3A_55, %dma_start3A_75] : memref<2x10240x128xf32, #tpu.memory_space<hbm>> -> memref<1x128x128xf32, #tpu.memory_space<hbm>>
      %dma_start3A_77 = tpu.memref_squeeze %dma_start3A_76 : memref<1x128x128xf32, #tpu.memory_space<hbm>> -> memref<128x128xf32, #tpu.memory_space<hbm>>
      tpu.enqueue_dma source(%arg9 : memref<128x128xf32, #tpu.memory_space<vmem>>) target(%dma_start3A_77 : memref<128x128xf32, #tpu.memory_space<hbm>>) target_semaphore(%run_scoped3A : memref<!tpu.dma_semaphore, #tpu.memory_space<semaphore_mem>>)
      %dma_wait3A = arith.constant 0 : i32
      %dma_wait3A_78 = tpu.memref_slice %arg6[%arg0, %add3A_55, %dma_wait3A] : memref<2x10240x128xf32, #tpu.memory_space<hbm>> -> memref<1x128x128xf32, #tpu.memory_space<hbm>>
      %dma_wait3A_79 = tpu.memref_squeeze %dma_wait3A_78 : memref<1x128x128xf32, #tpu.memory_space<hbm>> -> memref<128x128xf32, #tpu.memory_space<hbm>>
      %dma_wait3A_80 = arith.constant 0 : i32
      %dma_wait3A_81 = tpu.memref_slice %arg6[%arg0, %add3A_55, %dma_wait3A_80] : memref<2x10240x128xf32, #tpu.memory_space<hbm>> -> memref<1x128x128xf32, #tpu.memory_space<hbm>>
      %dma_wait3A_82 = tpu.memref_squeeze %dma_wait3A_81 : memref<1x128x128xf32, #tpu.memory_space<hbm>> -> memref<128x128xf32, #tpu.memory_space<hbm>>
      tpu.wait_dma2 semaphore(%run_scoped3A : memref<!tpu.dma_semaphore, #tpu.memory_space<semaphore_mem>>) src(%arg9 : memref<128x128xf32, #tpu.memory_space<vmem>>) dst(%dma_wait3A_82 : memref<128x128xf32, #tpu.memory_space<hbm>>)
      tpu.yield
    }) : () -> ()
    %add3A_56 = arith.constant 128 : i32
    %add3A_57 = arith.addi %mul3A_2, %add3A_56 : i32
    "tpu.region"() ({
      %run_scoped3A = tpu.sem_alloc : memref<!tpu.dma_semaphore, #tpu.memory_space<semaphore_mem>>
      %dma_start3A_72 = arith.constant 0 : i32
      %dma_start3A_73 = tpu.memref_slice %arg11[%add3A_57, %dma_start3A_72] : memref<10240x128xf32, #tpu.memory_space<vmem_shared>> -> memref<128x128xf32, #tpu.memory_space<vmem_shared>>
      %dma_start3A_74 = arith.constant 0 : i32
      %dma_start3A_75 = tpu.memref_slice %arg11[%add3A_57, %dma_start3A_74] : memref<10240x128xf32, #tpu.memory_space<vmem_shared>> -> memref<128x128xf32, #tpu.memory_space<vmem_shared>>
      tpu.enqueue_dma source(%dma_start3A_75 : memref<128x128xf32, #tpu.memory_space<vmem_shared>>) target(%arg9 : memref<128x128xf32, #tpu.memory_space<vmem>>) target_semaphore(%run_scoped3A : memref<!tpu.dma_semaphore, #tpu.memory_space<semaphore_mem>>)
      %dma_wait3A = arith.constant 0 : i32
      %dma_wait3A_76 = tpu.memref_slice %arg11[%add3A_57, %dma_wait3A] : memref<10240x128xf32, #tpu.memory_space<vmem_shared>> -> memref<128x128xf32, #tpu.memory_space<vmem_shared>>
      %dma_wait3A_77 = arith.constant 0 : i32
      %dma_wait3A_78 = tpu.memref_slice %arg11[%add3A_57, %dma_wait3A_77] : memref<10240x128xf32, #tpu.memory_space<vmem_shared>> -> memref<128x128xf32, #tpu.memory_space<vmem_shared>>
      tpu.wait_dma2 semaphore(%run_scoped3A : memref<!tpu.dma_semaphore, #tpu.memory_space<semaphore_mem>>) src(%dma_wait3A_78 : memref<128x128xf32, #tpu.memory_space<vmem_shared>>) dst(%arg9 : memref<128x128xf32, #tpu.memory_space<vmem>>)
      tpu.yield
    }) : () -> ()
    %add3A_58 = arith.constant 128 : i32
    %add3A_59 = arith.addi %mul3A_2, %add3A_58 : i32
    "tpu.region"() ({
      %run_scoped3A = tpu.sem_alloc : memref<!tpu.dma_semaphore, #tpu.memory_space<semaphore_mem>>
      %dma_start3A_72 = arith.constant 0 : i32
      %dma_start3A_73 = tpu.memref_slice %arg6[%arg0, %add3A_59, %dma_start3A_72] : memref<2x10240x128xf32, #tpu.memory_space<hbm>> -> memref<1x128x128xf32, #tpu.memory_space<hbm>>
      %dma_start3A_74 = tpu.memref_squeeze %dma_start3A_73 : memref<1x128x128xf32, #tpu.memory_space<hbm>> -> memref<128x128xf32, #tpu.memory_space<hbm>>
      %dma_start3A_75 = arith.constant 0 : i32
      %dma_start3A_76 = tpu.memref_slice %arg6[%arg0, %add3A_59, %dma_start3A_75] : memref<2x10240x128xf32, #tpu.memory_space<hbm>> -> memref<1x128x128xf32, #tpu.memory_space<hbm>>
      %dma_start3A_77 = tpu.memref_squeeze %dma_start3A_76 : memref<1x128x128xf32, #tpu.memory_space<hbm>> -> memref<128x128xf32, #tpu.memory_space<hbm>>
      tpu.enqueue_dma source(%arg9 : memref<128x128xf32, #tpu.memory_space<vmem>>) target(%dma_start3A_77 : memref<128x128xf32, #tpu.memory_space<hbm>>) target_semaphore(%run_scoped3A : memref<!tpu.dma_semaphore, #tpu.memory_space<semaphore_mem>>)
      %dma_wait3A = arith.constant 0 : i32
      %dma_wait3A_78 = tpu.memref_slice %arg6[%arg0, %add3A_59, %dma_wait3A] : memref<2x10240x128xf32, #tpu.memory_space<hbm>> -> memref<1x128x128xf32, #tpu.memory_space<hbm>>
      %dma_wait3A_79 = tpu.memref_squeeze %dma_wait3A_78 : memref<1x128x128xf32, #tpu.memory_space<hbm>> -> memref<128x128xf32, #tpu.memory_space<hbm>>
      %dma_wait3A_80 = arith.constant 0 : i32
      %dma_wait3A_81 = tpu.memref_slice %arg6[%arg0, %add3A_59, %dma_wait3A_80] : memref<2x10240x128xf32, #tpu.memory_space<hbm>> -> memref<1x128x128xf32, #tpu.memory_space<hbm>>
      %dma_wait3A_82 = tpu.memref_squeeze %dma_wait3A_81 : memref<1x128x128xf32, #tpu.memory_space<hbm>> -> memref<128x128xf32, #tpu.memory_space<hbm>>
      tpu.wait_dma2 semaphore(%run_scoped3A : memref<!tpu.dma_semaphore, #tpu.memory_space<semaphore_mem>>) src(%arg9 : memref<128x128xf32, #tpu.memory_space<vmem>>) dst(%dma_wait3A_82 : memref<128x128xf32, #tpu.memory_space<hbm>>)
      tpu.yield
    }) : () -> ()
    %add3A_60 = arith.constant 256 : i32
    %add3A_61 = arith.addi %mul3A_2, %add3A_60 : i32
    "tpu.region"() ({
      %run_scoped3A = tpu.sem_alloc : memref<!tpu.dma_semaphore, #tpu.memory_space<semaphore_mem>>
      %dma_start3A_72 = arith.constant 0 : i32
      %dma_start3A_73 = tpu.memref_slice %arg11[%add3A_61, %dma_start3A_72] : memref<10240x128xf32, #tpu.memory_space<vmem_shared>> -> memref<128x128xf32, #tpu.memory_space<vmem_shared>>
      %dma_start3A_74 = arith.constant 0 : i32
      %dma_start3A_75 = tpu.memref_slice %arg11[%add3A_61, %dma_start3A_74] : memref<10240x128xf32, #tpu.memory_space<vmem_shared>> -> memref<128x128xf32, #tpu.memory_space<vmem_shared>>
      tpu.enqueue_dma source(%dma_start3A_75 : memref<128x128xf32, #tpu.memory_space<vmem_shared>>) target(%arg9 : memref<128x128xf32, #tpu.memory_space<vmem>>) target_semaphore(%run_scoped3A : memref<!tpu.dma_semaphore, #tpu.memory_space<semaphore_mem>>)
      %dma_wait3A = arith.constant 0 : i32
      %dma_wait3A_76 = tpu.memref_slice %arg11[%add3A_61, %dma_wait3A] : memref<10240x128xf32, #tpu.memory_space<vmem_shared>> -> memref<128x128xf32, #tpu.memory_space<vmem_shared>>
      %dma_wait3A_77 = arith.constant 0 : i32
      %dma_wait3A_78 = tpu.memref_slice %arg11[%add3A_61, %dma_wait3A_77] : memref<10240x128xf32, #tpu.memory_space<vmem_shared>> -> memref<128x128xf32, #tpu.memory_space<vmem_shared>>
      tpu.wait_dma2 semaphore(%run_scoped3A : memref<!tpu.dma_semaphore, #tpu.memory_space<semaphore_mem>>) src(%dma_wait3A_78 : memref<128x128xf32, #tpu.memory_space<vmem_shared>>) dst(%arg9 : memref<128x128xf32, #tpu.memory_space<vmem>>)
      tpu.yield
    }) : () -> ()
    %add3A_62 = arith.constant 256 : i32
    %add3A_63 = arith.addi %mul3A_2, %add3A_62 : i32
    "tpu.region"() ({
      %run_scoped3A = tpu.sem_alloc : memref<!tpu.dma_semaphore, #tpu.memory_space<semaphore_mem>>
      %dma_start3A_72 = arith.constant 0 : i32
      %dma_start3A_73 = tpu.memref_slice %arg6[%arg0, %add3A_63, %dma_start3A_72] : memref<2x10240x128xf32, #tpu.memory_space<hbm>> -> memref<1x128x128xf32, #tpu.memory_space<hbm>>
      %dma_start3A_74 = tpu.memref_squeeze %dma_start3A_73 : memref<1x128x128xf32, #tpu.memory_space<hbm>> -> memref<128x128xf32, #tpu.memory_space<hbm>>
      %dma_start3A_75 = arith.constant 0 : i32
      %dma_start3A_76 = tpu.memref_slice %arg6[%arg0, %add3A_63, %dma_start3A_75] : memref<2x10240x128xf32, #tpu.memory_space<hbm>> -> memref<1x128x128xf32, #tpu.memory_space<hbm>>
      %dma_start3A_77 = tpu.memref_squeeze %dma_start3A_76 : memref<1x128x128xf32, #tpu.memory_space<hbm>> -> memref<128x128xf32, #tpu.memory_space<hbm>>
      tpu.enqueue_dma source(%arg9 : memref<128x128xf32, #tpu.memory_space<vmem>>) target(%dma_start3A_77 : memref<128x128xf32, #tpu.memory_space<hbm>>) target_semaphore(%run_scoped3A : memref<!tpu.dma_semaphore, #tpu.memory_space<semaphore_mem>>)
      %dma_wait3A = arith.constant 0 : i32
      %dma_wait3A_78 = tpu.memref_slice %arg6[%arg0, %add3A_63, %dma_wait3A] : memref<2x10240x128xf32, #tpu.memory_space<hbm>> -> memref<1x128x128xf32, #tpu.memory_space<hbm>>
      %dma_wait3A_79 = tpu.memref_squeeze %dma_wait3A_78 : memref<1x128x128xf32, #tpu.memory_space<hbm>> -> memref<128x128xf32, #tpu.memory_space<hbm>>
      %dma_wait3A_80 = arith.constant 0 : i32
      %dma_wait3A_81 = tpu.memref_slice %arg6[%arg0, %add3A_63, %dma_wait3A_80] : memref<2x10240x128xf32, #tpu.memory_space<hbm>> -> memref<1x128x128xf32, #tpu.memory_space<hbm>>
      %dma_wait3A_82 = tpu.memref_squeeze %dma_wait3A_81 : memref<1x128x128xf32, #tpu.memory_space<hbm>> -> memref<128x128xf32, #tpu.memory_space<hbm>>
      tpu.wait_dma2 semaphore(%run_scoped3A : memref<!tpu.dma_semaphore, #tpu.memory_space<semaphore_mem>>) src(%arg9 : memref<128x128xf32, #tpu.memory_space<vmem>>) dst(%dma_wait3A_82 : memref<128x128xf32, #tpu.memory_space<hbm>>)
      tpu.yield
    }) : () -> ()
    %add3A_64 = arith.constant 384 : i32
    %add3A_65 = arith.addi %mul3A_2, %add3A_64 : i32
    "tpu.region"() ({
      %run_scoped3A = tpu.sem_alloc : memref<!tpu.dma_semaphore, #tpu.memory_space<semaphore_mem>>
      %dma_start3A_72 = arith.constant 0 : i32
      %dma_start3A_73 = tpu.memref_slice %arg11[%add3A_65, %dma_start3A_72] : memref<10240x128xf32, #tpu.memory_space<vmem_shared>> -> memref<128x128xf32, #tpu.memory_space<vmem_shared>>
      %dma_start3A_74 = arith.constant 0 : i32
      %dma_start3A_75 = tpu.memref_slice %arg11[%add3A_65, %dma_start3A_74] : memref<10240x128xf32, #tpu.memory_space<vmem_shared>> -> memref<128x128xf32, #tpu.memory_space<vmem_shared>>
      tpu.enqueue_dma source(%dma_start3A_75 : memref<128x128xf32, #tpu.memory_space<vmem_shared>>) target(%arg9 : memref<128x128xf32, #tpu.memory_space<vmem>>) target_semaphore(%run_scoped3A : memref<!tpu.dma_semaphore, #tpu.memory_space<semaphore_mem>>)
      %dma_wait3A = arith.constant 0 : i32
      %dma_wait3A_76 = tpu.memref_slice %arg11[%add3A_65, %dma_wait3A] : memref<10240x128xf32, #tpu.memory_space<vmem_shared>> -> memref<128x128xf32, #tpu.memory_space<vmem_shared>>
      %dma_wait3A_77 = arith.constant 0 : i32
      %dma_wait3A_78 = tpu.memref_slice %arg11[%add3A_65, %dma_wait3A_77] : memref<10240x128xf32, #tpu.memory_space<vmem_shared>> -> memref<128x128xf32, #tpu.memory_space<vmem_shared>>
      tpu.wait_dma2 semaphore(%run_scoped3A : memref<!tpu.dma_semaphore, #tpu.memory_space<semaphore_mem>>) src(%dma_wait3A_78 : memref<128x128xf32, #tpu.memory_space<vmem_shared>>) dst(%arg9 : memref<128x128xf32, #tpu.memory_space<vmem>>)
      tpu.yield
    }) : () -> ()
    %add3A_66 = arith.constant 384 : i32
    %add3A_67 = arith.addi %mul3A_2, %add3A_66 : i32
    "tpu.region"() ({
      %run_scoped3A = tpu.sem_alloc : memref<!tpu.dma_semaphore, #tpu.memory_space<semaphore_mem>>
      %dma_start3A_72 = arith.constant 0 : i32
      %dma_start3A_73 = tpu.memref_slice %arg6[%arg0, %add3A_67, %dma_start3A_72] : memref<2x10240x128xf32, #tpu.memory_space<hbm>> -> memref<1x128x128xf32, #tpu.memory_space<hbm>>
      %dma_start3A_74 = tpu.memref_squeeze %dma_start3A_73 : memref<1x128x128xf32, #tpu.memory_space<hbm>> -> memref<128x128xf32, #tpu.memory_space<hbm>>
      %dma_start3A_75 = arith.constant 0 : i32
      %dma_start3A_76 = tpu.memref_slice %arg6[%arg0, %add3A_67, %dma_start3A_75] : memref<2x10240x128xf32, #tpu.memory_space<hbm>> -> memref<1x128x128xf32, #tpu.memory_space<hbm>>
      %dma_start3A_77 = tpu.memref_squeeze %dma_start3A_76 : memref<1x128x128xf32, #tpu.memory_space<hbm>> -> memref<128x128xf32, #tpu.memory_space<hbm>>
      tpu.enqueue_dma source(%arg9 : memref<128x128xf32, #tpu.memory_space<vmem>>) target(%dma_start3A_77 : memref<128x128xf32, #tpu.memory_space<hbm>>) target_semaphore(%run_scoped3A : memref<!tpu.dma_semaphore, #tpu.memory_space<semaphore_mem>>)
      %dma_wait3A = arith.constant 0 : i32
      %dma_wait3A_78 = tpu.memref_slice %arg6[%arg0, %add3A_67, %dma_wait3A] : memref<2x10240x128xf32, #tpu.memory_space<hbm>> -> memref<1x128x128xf32, #tpu.memory_space<hbm>>
      %dma_wait3A_79 = tpu.memref_squeeze %dma_wait3A_78 : memref<1x128x128xf32, #tpu.memory_space<hbm>> -> memref<128x128xf32, #tpu.memory_space<hbm>>
      %dma_wait3A_80 = arith.constant 0 : i32
      %dma_wait3A_81 = tpu.memref_slice %arg6[%arg0, %add3A_67, %dma_wait3A_80] : memref<2x10240x128xf32, #tpu.memory_space<hbm>> -> memref<1x128x128xf32, #tpu.memory_space<hbm>>
      %dma_wait3A_82 = tpu.memref_squeeze %dma_wait3A_81 : memref<1x128x128xf32, #tpu.memory_space<hbm>> -> memref<128x128xf32, #tpu.memory_space<hbm>>
      tpu.wait_dma2 semaphore(%run_scoped3A : memref<!tpu.dma_semaphore, #tpu.memory_space<semaphore_mem>>) src(%arg9 : memref<128x128xf32, #tpu.memory_space<vmem>>) dst(%dma_wait3A_82 : memref<128x128xf32, #tpu.memory_space<hbm>>)
      tpu.yield
    }) : () -> ()
    %add3A_68 = arith.constant 512 : i32
    %add3A_69 = arith.addi %mul3A_2, %add3A_68 : i32
    "tpu.region"() ({
      %run_scoped3A = tpu.sem_alloc : memref<!tpu.dma_semaphore, #tpu.memory_space<semaphore_mem>>
      %dma_start3A_72 = arith.constant 0 : i32
      %dma_start3A_73 = tpu.memref_slice %arg11[%add3A_69, %dma_start3A_72] : memref<10240x128xf32, #tpu.memory_space<vmem_shared>> -> memref<128x128xf32, #tpu.memory_space<vmem_shared>>
      %dma_start3A_74 = arith.constant 0 : i32
      %dma_start3A_75 = tpu.memref_slice %arg11[%add3A_69, %dma_start3A_74] : memref<10240x128xf32, #tpu.memory_space<vmem_shared>> -> memref<128x128xf32, #tpu.memory_space<vmem_shared>>
      tpu.enqueue_dma source(%dma_start3A_75 : memref<128x128xf32, #tpu.memory_space<vmem_shared>>) target(%arg9 : memref<128x128xf32, #tpu.memory_space<vmem>>) target_semaphore(%run_scoped3A : memref<!tpu.dma_semaphore, #tpu.memory_space<semaphore_mem>>)
      %dma_wait3A = arith.constant 0 : i32
      %dma_wait3A_76 = tpu.memref_slice %arg11[%add3A_69, %dma_wait3A] : memref<10240x128xf32, #tpu.memory_space<vmem_shared>> -> memref<128x128xf32, #tpu.memory_space<vmem_shared>>
      %dma_wait3A_77 = arith.constant 0 : i32
      %dma_wait3A_78 = tpu.memref_slice %arg11[%add3A_69, %dma_wait3A_77] : memref<10240x128xf32, #tpu.memory_space<vmem_shared>> -> memref<128x128xf32, #tpu.memory_space<vmem_shared>>
      tpu.wait_dma2 semaphore(%run_scoped3A : memref<!tpu.dma_semaphore, #tpu.memory_space<semaphore_mem>>) src(%dma_wait3A_78 : memref<128x128xf32, #tpu.memory_space<vmem_shared>>) dst(%arg9 : memref<128x128xf32, #tpu.memory_space<vmem>>)
      tpu.yield
    }) : () -> ()
    %add3A_70 = arith.constant 512 : i32
    %add3A_71 = arith.addi %mul3A_2, %add3A_70 : i32
    "tpu.region"() ({
      %run_scoped3A = tpu.sem_alloc : memref<!tpu.dma_semaphore, #tpu.memory_space<semaphore_mem>>
      %dma_start3A_72 = arith.constant 0 : i32
      %dma_start3A_73 = tpu.memref_slice %arg6[%arg0, %add3A_71, %dma_start3A_72] : memref<2x10240x128xf32, #tpu.memory_space<hbm>> -> memref<1x128x128xf32, #tpu.memory_space<hbm>>
      %dma_start3A_74 = tpu.memref_squeeze %dma_start3A_73 : memref<1x128x128xf32, #tpu.memory_space<hbm>> -> memref<128x128xf32, #tpu.memory_space<hbm>>
      %dma_start3A_75 = arith.constant 0 : i32
      %dma_start3A_76 = tpu.memref_slice %arg6[%arg0, %add3A_71, %dma_start3A_75] : memref<2x10240x128xf32, #tpu.memory_space<hbm>> -> memref<1x128x128xf32, #tpu.memory_space<hbm>>
      %dma_start3A_77 = tpu.memref_squeeze %dma_start3A_76 : memref<1x128x128xf32, #tpu.memory_space<hbm>> -> memref<128x128xf32, #tpu.memory_space<hbm>>
      tpu.enqueue_dma source(%arg9 : memref<128x128xf32, #tpu.memory_space<vmem>>) target(%dma_start3A_77 : memref<128x128xf32, #tpu.memory_space<hbm>>) target_semaphore(%run_scoped3A : memref<!tpu.dma_semaphore, #tpu.memory_space<semaphore_mem>>)
      %dma_wait3A = arith.constant 0 : i32
      %dma_wait3A_78 = tpu.memref_slice %arg6[%arg0, %add3A_71, %dma_wait3A] : memref<2x10240x128xf32, #tpu.memory_space<hbm>> -> memref<1x128x128xf32, #tpu.memory_space<hbm>>
      %dma_wait3A_79 = tpu.memref_squeeze %dma_wait3A_78 : memref<1x128x128xf32, #tpu.memory_space<hbm>> -> memref<128x128xf32, #tpu.memory_space<hbm>>
      %dma_wait3A_80 = arith.constant 0 : i32
      %dma_wait3A_81 = tpu.memref_slice %arg6[%arg0, %add3A_71, %dma_wait3A_80] : memref<2x10240x128xf32, #tpu.memory_space<hbm>> -> memref<1x128x128xf32, #tpu.memory_space<hbm>>
      %dma_wait3A_82 = tpu.memref_squeeze %dma_wait3A_81 : memref<1x128x128xf32, #tpu.memory_space<hbm>> -> memref<128x128xf32, #tpu.memory_space<hbm>>
      tpu.wait_dma2 semaphore(%run_scoped3A : memref<!tpu.dma_semaphore, #tpu.memory_space<semaphore_mem>>) src(%arg9 : memref<128x128xf32, #tpu.memory_space<vmem>>) dst(%dma_wait3A_82 : memref<128x128xf32, #tpu.memory_space<hbm>>)
      tpu.yield
    }) : () -> ()
    return
  }
}

#map = affine_map<(d0, d1) -> (0, 0)>
#map1 = affine_map<(d0, d1) -> (0, 0, 0)>
module attributes {stable_mosaic.version = 14 : i64} {
  func.func @k(%arg0: i32, %arg1: i32, %arg2: memref<10000x128xf32, #tpu.memory_space<hbm>>, %arg3: memref<32x80x128xi32, #tpu.memory_space<hbm>>, %arg4: memref<32x80x128xi32, #tpu.memory_space<hbm>>, %arg5: memref<128x128xf32, #tpu.memory_space<hbm>>, %arg6: memref<2x10240x128xf32, #tpu.memory_space<hbm>>, %arg7: memref<40x128xi32, #tpu.memory_space<vmem>>, %arg8: memref<40x128xi32, #tpu.memory_space<vmem>>, %arg9: memref<128x128xf32, #tpu.memory_space<vmem>>, %arg10: memref<128x128xf32, #tpu.memory_space<vmem>>, %arg11: memref<10240x128xf32, #tpu.memory_space<vmem_shared>>, %arg12: memref<!tpu.dma_semaphore, #tpu.memory_space<semaphore_mem>>, %arg13: memref<!tpu.dma_semaphore, #tpu.memory_space<semaphore_mem>>) attributes {dimension_semantics = [#tpu.dimension_semantics<core_parallel>, #tpu.dimension_semantics<subcore_parallel>], iteration_bounds = array<i64: 2, 16>, scalar_prefetch = 0 : i64, scratch_operands = 7 : i64, tpu.core_type = #tpu.core_type<sc_vector_subcore>, window_params = [{transform_indices = #map}, {transform_indices = #map1}, {transform_indices = #map1}, {transform_indices = #map}, {transform_indices = #map1}]} {
    %mul3A = arith.constant 2 : i32
    %mul3A_0 = arith.muli %arg1, %mul3A : i32
    %add3A = arith.addi %mul3A_0, %arg0 : i32
    %mul3A_1 = arith.constant 640 : i32
    %mul3A_2 = arith.muli %arg1, %mul3A_1 : i32
    "tpu.region"() ({
      %run_scoped3A = tpu.sem_alloc : memref<!tpu.dma_semaphore, #tpu.memory_space<semaphore_mem>>
      tpu.enqueue_dma source(%arg5 : memref<128x128xf32, #tpu.memory_space<hbm>>) target(%arg9 : memref<128x128xf32, #tpu.memory_space<vmem>>) target_semaphore(%run_scoped3A : memref<!tpu.dma_semaphore, #tpu.memory_space<semaphore_mem>>)
      tpu.wait_dma2 semaphore(%run_scoped3A : memref<!tpu.dma_semaphore, #tpu.memory_space<semaphore_mem>>) src(%arg5 : memref<128x128xf32, #tpu.memory_space<hbm>>) dst(%arg9 : memref<128x128xf32, #tpu.memory_space<vmem>>)
      tpu.yield
    }) : () -> ()
    %add3A_3 = arith.constant 0 : i32
    %add3A_4 = arith.addi %mul3A_2, %add3A_3 : i32
    "tpu.region"() ({
      %run_scoped3A = tpu.sem_alloc : memref<!tpu.dma_semaphore, #tpu.memory_space<semaphore_mem>>
      %dma_start3A_72 = arith.constant 0 : i32
      %dma_start3A_73 = tpu.memref_slice %arg11[%add3A_4, %dma_start3A_72] : memref<10240x128xf32, #tpu.memory_space<vmem_shared>> -> memref<128x128xf32, #tpu.memory_space<vmem_shared>>
      %dma_start3A_74 = arith.constant 0 : i32
      %dma_start3A_75 = tpu.memref_slice %arg11[%add3A_4, %dma_start3A_74] : memref<10240x128xf32, #tpu.memory_space<vmem_shared>> -> memref<128x128xf32, #tpu.memory_space<vmem_shared>>
      tpu.enqueue_dma source(%arg9 : memref<128x128xf32, #tpu.memory_space<vmem>>) target(%dma_start3A_75 : memref<128x128xf32, #tpu.memory_space<vmem_shared>>) target_semaphore(%run_scoped3A : memref<!tpu.dma_semaphore, #tpu.memory_space<semaphore_mem>>)
      %dma_wait3A = arith.constant 0 : i32
      %dma_wait3A_76 = tpu.memref_slice %arg11[%add3A_4, %dma_wait3A] : memref<10240x128xf32, #tpu.memory_space<vmem_shared>> -> memref<128x128xf32, #tpu.memory_space<vmem_shared>>
      %dma_wait3A_77 = arith.constant 0 : i32
      %dma_wait3A_78 = tpu.memref_slice %arg11[%add3A_4, %dma_wait3A_77] : memref<10240x128xf32, #tpu.memory_space<vmem_shared>> -> memref<128x128xf32, #tpu.memory_space<vmem_shared>>
      tpu.wait_dma2 semaphore(%run_scoped3A : memref<!tpu.dma_semaphore, #tpu.memory_space<semaphore_mem>>) src(%arg9 : memref<128x128xf32, #tpu.memory_space<vmem>>) dst(%dma_wait3A_78 : memref<128x128xf32, #tpu.memory_space<vmem_shared>>)
      tpu.yield
    }) : () -> ()
    %add3A_5 = arith.constant 128 : i32
    %add3A_6 = arith.addi %mul3A_2, %add3A_5 : i32
    "tpu.region"() ({
      %run_scoped3A = tpu.sem_alloc : memref<!tpu.dma_semaphore, #tpu.memory_space<semaphore_mem>>
      %dma_start3A_72 = arith.constant 0 : i32
      %dma_start3A_73 = tpu.memref_slice %arg11[%add3A_6, %dma_start3A_72] : memref<10240x128xf32, #tpu.memory_space<vmem_shared>> -> memref<128x128xf32, #tpu.memory_space<vmem_shared>>
      %dma_start3A_74 = arith.constant 0 : i32
      %dma_start3A_75 = tpu.memref_slice %arg11[%add3A_6, %dma_start3A_74] : memref<10240x128xf32, #tpu.memory_space<vmem_shared>> -> memref<128x128xf32, #tpu.memory_space<vmem_shared>>
      tpu.enqueue_dma source(%arg9 : memref<128x128xf32, #tpu.memory_space<vmem>>) target(%dma_start3A_75 : memref<128x128xf32, #tpu.memory_space<vmem_shared>>) target_semaphore(%run_scoped3A : memref<!tpu.dma_semaphore, #tpu.memory_space<semaphore_mem>>)
      %dma_wait3A = arith.constant 0 : i32
      %dma_wait3A_76 = tpu.memref_slice %arg11[%add3A_6, %dma_wait3A] : memref<10240x128xf32, #tpu.memory_space<vmem_shared>> -> memref<128x128xf32, #tpu.memory_space<vmem_shared>>
      %dma_wait3A_77 = arith.constant 0 : i32
      %dma_wait3A_78 = tpu.memref_slice %arg11[%add3A_6, %dma_wait3A_77] : memref<10240x128xf32, #tpu.memory_space<vmem_shared>> -> memref<128x128xf32, #tpu.memory_space<vmem_shared>>
      tpu.wait_dma2 semaphore(%run_scoped3A : memref<!tpu.dma_semaphore, #tpu.memory_space<semaphore_mem>>) src(%arg9 : memref<128x128xf32, #tpu.memory_space<vmem>>) dst(%dma_wait3A_78 : memref<128x128xf32, #tpu.memory_space<vmem_shared>>)
      tpu.yield
    }) : () -> ()
    %add3A_7 = arith.constant 256 : i32
    %add3A_8 = arith.addi %mul3A_2, %add3A_7 : i32
    "tpu.region"() ({
      %run_scoped3A = tpu.sem_alloc : memref<!tpu.dma_semaphore, #tpu.memory_space<semaphore_mem>>
      %dma_start3A_72 = arith.constant 0 : i32
      %dma_start3A_73 = tpu.memref_slice %arg11[%add3A_8, %dma_start3A_72] : memref<10240x128xf32, #tpu.memory_space<vmem_shared>> -> memref<128x128xf32, #tpu.memory_space<vmem_shared>>
      %dma_start3A_74 = arith.constant 0 : i32
      %dma_start3A_75 = tpu.memref_slice %arg11[%add3A_8, %dma_start3A_74] : memref<10240x128xf32, #tpu.memory_space<vmem_shared>> -> memref<128x128xf32, #tpu.memory_space<vmem_shared>>
      tpu.enqueue_dma source(%arg9 : memref<128x128xf32, #tpu.memory_space<vmem>>) target(%dma_start3A_75 : memref<128x128xf32, #tpu.memory_space<vmem_shared>>) target_semaphore(%run_scoped3A : memref<!tpu.dma_semaphore, #tpu.memory_space<semaphore_mem>>)
      %dma_wait3A = arith.constant 0 : i32
      %dma_wait3A_76 = tpu.memref_slice %arg11[%add3A_8, %dma_wait3A] : memref<10240x128xf32, #tpu.memory_space<vmem_shared>> -> memref<128x128xf32, #tpu.memory_space<vmem_shared>>
      %dma_wait3A_77 = arith.constant 0 : i32
      %dma_wait3A_78 = tpu.memref_slice %arg11[%add3A_8, %dma_wait3A_77] : memref<10240x128xf32, #tpu.memory_space<vmem_shared>> -> memref<128x128xf32, #tpu.memory_space<vmem_shared>>
      tpu.wait_dma2 semaphore(%run_scoped3A : memref<!tpu.dma_semaphore, #tpu.memory_space<semaphore_mem>>) src(%arg9 : memref<128x128xf32, #tpu.memory_space<vmem>>) dst(%dma_wait3A_78 : memref<128x128xf32, #tpu.memory_space<vmem_shared>>)
      tpu.yield
    }) : () -> ()
    %add3A_9 = arith.constant 384 : i32
    %add3A_10 = arith.addi %mul3A_2, %add3A_9 : i32
    "tpu.region"() ({
      %run_scoped3A = tpu.sem_alloc : memref<!tpu.dma_semaphore, #tpu.memory_space<semaphore_mem>>
      %dma_start3A_72 = arith.constant 0 : i32
      %dma_start3A_73 = tpu.memref_slice %arg11[%add3A_10, %dma_start3A_72] : memref<10240x128xf32, #tpu.memory_space<vmem_shared>> -> memref<128x128xf32, #tpu.memory_space<vmem_shared>>
      %dma_start3A_74 = arith.constant 0 : i32
      %dma_start3A_75 = tpu.memref_slice %arg11[%add3A_10, %dma_start3A_74] : memref<10240x128xf32, #tpu.memory_space<vmem_shared>> -> memref<128x128xf32, #tpu.memory_space<vmem_shared>>
      tpu.enqueue_dma source(%arg9 : memref<128x128xf32, #tpu.memory_space<vmem>>) target(%dma_start3A_75 : memref<128x128xf32, #tpu.memory_space<vmem_shared>>) target_semaphore(%run_scoped3A : memref<!tpu.dma_semaphore, #tpu.memory_space<semaphore_mem>>)
      %dma_wait3A = arith.constant 0 : i32
      %dma_wait3A_76 = tpu.memref_slice %arg11[%add3A_10, %dma_wait3A] : memref<10240x128xf32, #tpu.memory_space<vmem_shared>> -> memref<128x128xf32, #tpu.memory_space<vmem_shared>>
      %dma_wait3A_77 = arith.constant 0 : i32
      %dma_wait3A_78 = tpu.memref_slice %arg11[%add3A_10, %dma_wait3A_77] : memref<10240x128xf32, #tpu.memory_space<vmem_shared>> -> memref<128x128xf32, #tpu.memory_space<vmem_shared>>
      tpu.wait_dma2 semaphore(%run_scoped3A : memref<!tpu.dma_semaphore, #tpu.memory_space<semaphore_mem>>) src(%arg9 : memref<128x128xf32, #tpu.memory_space<vmem>>) dst(%dma_wait3A_78 : memref<128x128xf32, #tpu.memory_space<vmem_shared>>)
      tpu.yield
    }) : () -> ()
    %add3A_11 = arith.constant 512 : i32
    %add3A_12 = arith.addi %mul3A_2, %add3A_11 : i32
    "tpu.region"() ({
      %run_scoped3A = tpu.sem_alloc : memref<!tpu.dma_semaphore, #tpu.memory_space<semaphore_mem>>
      %dma_start3A_72 = arith.constant 0 : i32
      %dma_start3A_73 = tpu.memref_slice %arg11[%add3A_12, %dma_start3A_72] : memref<10240x128xf32, #tpu.memory_space<vmem_shared>> -> memref<128x128xf32, #tpu.memory_space<vmem_shared>>
      %dma_start3A_74 = arith.constant 0 : i32
      %dma_start3A_75 = tpu.memref_slice %arg11[%add3A_12, %dma_start3A_74] : memref<10240x128xf32, #tpu.memory_space<vmem_shared>> -> memref<128x128xf32, #tpu.memory_space<vmem_shared>>
      tpu.enqueue_dma source(%arg9 : memref<128x128xf32, #tpu.memory_space<vmem>>) target(%dma_start3A_75 : memref<128x128xf32, #tpu.memory_space<vmem_shared>>) target_semaphore(%run_scoped3A : memref<!tpu.dma_semaphore, #tpu.memory_space<semaphore_mem>>)
      %dma_wait3A = arith.constant 0 : i32
      %dma_wait3A_76 = tpu.memref_slice %arg11[%add3A_12, %dma_wait3A] : memref<10240x128xf32, #tpu.memory_space<vmem_shared>> -> memref<128x128xf32, #tpu.memory_space<vmem_shared>>
      %dma_wait3A_77 = arith.constant 0 : i32
      %dma_wait3A_78 = tpu.memref_slice %arg11[%add3A_12, %dma_wait3A_77] : memref<10240x128xf32, #tpu.memory_space<vmem_shared>> -> memref<128x128xf32, #tpu.memory_space<vmem_shared>>
      tpu.wait_dma2 semaphore(%run_scoped3A : memref<!tpu.dma_semaphore, #tpu.memory_space<semaphore_mem>>) src(%arg9 : memref<128x128xf32, #tpu.memory_space<vmem>>) dst(%dma_wait3A_78 : memref<128x128xf32, #tpu.memory_space<vmem_shared>>)
      tpu.yield
    }) : () -> ()
    %barrier3A = arith.constant 0 : index
    tpu.barrier barrier_id(%barrier3A)
    "tpu.region"() ({
      %run_scoped3A = tpu.sem_alloc : memref<!tpu.dma_semaphore, #tpu.memory_space<semaphore_mem>>
      %dma_start3A_72 = arith.constant 0 : i32
      %dma_start3A_73 = arith.constant 0 : i32
      %dma_start3A_74 = tpu.memref_slice %arg3[%add3A, %dma_start3A_72, %dma_start3A_73] : memref<32x80x128xi32, #tpu.memory_space<hbm>> -> memref<1x40x128xi32, #tpu.memory_space<hbm>>
      %dma_start3A_75 = tpu.memref_squeeze %dma_start3A_74 : memref<1x40x128xi32, #tpu.memory_space<hbm>> -> memref<40x128xi32, #tpu.memory_space<hbm>>
      %dma_start3A_76 = arith.constant 0 : i32
      %dma_start3A_77 = arith.constant 0 : i32
      %dma_start3A_78 = tpu.memref_slice %arg3[%add3A, %dma_start3A_76, %dma_start3A_77] : memref<32x80x128xi32, #tpu.memory_space<hbm>> -> memref<1x40x128xi32, #tpu.memory_space<hbm>>
      %dma_start3A_79 = tpu.memref_squeeze %dma_start3A_78 : memref<1x40x128xi32, #tpu.memory_space<hbm>> -> memref<40x128xi32, #tpu.memory_space<hbm>>
      tpu.enqueue_dma source(%dma_start3A_79 : memref<40x128xi32, #tpu.memory_space<hbm>>) target(%arg7 : memref<40x128xi32, #tpu.memory_space<vmem>>) target_semaphore(%run_scoped3A : memref<!tpu.dma_semaphore, #tpu.memory_space<semaphore_mem>>)
      %dma_wait3A = arith.constant 0 : i32
      %dma_wait3A_80 = arith.constant 0 : i32
      %dma_wait3A_81 = tpu.memref_slice %arg3[%add3A, %dma_wait3A, %dma_wait3A_80] : memref<32x80x128xi32, #tpu.memory_space<hbm>> -> memref<1x40x128xi32, #tpu.memory_space<hbm>>
      %dma_wait3A_82 = tpu.memref_squeeze %dma_wait3A_81 : memref<1x40x128xi32, #tpu.memory_space<hbm>> -> memref<40x128xi32, #tpu.memory_space<hbm>>
      %dma_wait3A_83 = arith.constant 0 : i32
      %dma_wait3A_84 = arith.constant 0 : i32
      %dma_wait3A_85 = tpu.memref_slice %arg3[%add3A, %dma_wait3A_83, %dma_wait3A_84] : memref<32x80x128xi32, #tpu.memory_space<hbm>> -> memref<1x40x128xi32, #tpu.memory_space<hbm>>
      %dma_wait3A_86 = tpu.memref_squeeze %dma_wait3A_85 : memref<1x40x128xi32, #tpu.memory_space<hbm>> -> memref<40x128xi32, #tpu.memory_space<hbm>>
      tpu.wait_dma2 semaphore(%run_scoped3A : memref<!tpu.dma_semaphore, #tpu.memory_space<semaphore_mem>>) src(%dma_wait3A_86 : memref<40x128xi32, #tpu.memory_space<hbm>>) dst(%arg7 : memref<40x128xi32, #tpu.memory_space<vmem>>)
      tpu.yield
    }) : () -> ()
    "tpu.region"() ({
      %run_scoped3A = tpu.sem_alloc : memref<!tpu.dma_semaphore, #tpu.memory_space<semaphore_mem>>
      %dma_start3A_72 = arith.constant 0 : i32
      %dma_start3A_73 = arith.constant 0 : i32
      %dma_start3A_74 = tpu.memref_slice %arg4[%add3A, %dma_start3A_72, %dma_start3A_73] : memref<32x80x128xi32, #tpu.memory_space<hbm>> -> memref<1x40x128xi32, #tpu.memory_space<hbm>>
      %dma_start3A_75 = tpu.memref_squeeze %dma_start3A_74 : memref<1x40x128xi32, #tpu.memory_space<hbm>> -> memref<40x128xi32, #tpu.memory_space<hbm>>
      %dma_start3A_76 = arith.constant 0 : i32
      %dma_start3A_77 = arith.constant 0 : i32
      %dma_start3A_78 = tpu.memref_slice %arg4[%add3A, %dma_start3A_76, %dma_start3A_77] : memref<32x80x128xi32, #tpu.memory_space<hbm>> -> memref<1x40x128xi32, #tpu.memory_space<hbm>>
      %dma_start3A_79 = tpu.memref_squeeze %dma_start3A_78 : memref<1x40x128xi32, #tpu.memory_space<hbm>> -> memref<40x128xi32, #tpu.memory_space<hbm>>
      tpu.enqueue_dma source(%dma_start3A_79 : memref<40x128xi32, #tpu.memory_space<hbm>>) target(%arg8 : memref<40x128xi32, #tpu.memory_space<vmem>>) target_semaphore(%run_scoped3A : memref<!tpu.dma_semaphore, #tpu.memory_space<semaphore_mem>>)
      %dma_wait3A = arith.constant 0 : i32
      %dma_wait3A_80 = arith.constant 0 : i32
      %dma_wait3A_81 = tpu.memref_slice %arg4[%add3A, %dma_wait3A, %dma_wait3A_80] : memref<32x80x128xi32, #tpu.memory_space<hbm>> -> memref<1x40x128xi32, #tpu.memory_space<hbm>>
      %dma_wait3A_82 = tpu.memref_squeeze %dma_wait3A_81 : memref<1x40x128xi32, #tpu.memory_space<hbm>> -> memref<40x128xi32, #tpu.memory_space<hbm>>
      %dma_wait3A_83 = arith.constant 0 : i32
      %dma_wait3A_84 = arith.constant 0 : i32
      %dma_wait3A_85 = tpu.memref_slice %arg4[%add3A, %dma_wait3A_83, %dma_wait3A_84] : memref<32x80x128xi32, #tpu.memory_space<hbm>> -> memref<1x40x128xi32, #tpu.memory_space<hbm>>
      %dma_wait3A_86 = tpu.memref_squeeze %dma_wait3A_85 : memref<1x40x128xi32, #tpu.memory_space<hbm>> -> memref<40x128xi32, #tpu.memory_space<hbm>>
      tpu.wait_dma2 semaphore(%run_scoped3A : memref<!tpu.dma_semaphore, #tpu.memory_space<semaphore_mem>>) src(%dma_wait3A_86 : memref<40x128xi32, #tpu.memory_space<hbm>>) dst(%arg8 : memref<40x128xi32, #tpu.memory_space<vmem>>)
      tpu.yield
    }) : () -> ()
    %dma_start3A = arith.constant 0 : i32
    %dma_start3A_13 = arith.constant 0 : i32
    %dma_start3A_14 = tpu.memref_slice %arg7[%dma_start3A, %dma_start3A_13] : memref<40x128xi32, #tpu.memory_space<vmem>> -> memref<1x128xi32, #tpu.memory_space<vmem>>
    %dma_start3A_15 = tpu.memref_squeeze %dma_start3A_14 : memref<1x128xi32, #tpu.memory_space<vmem>> -> memref<128xi32, #tpu.memory_space<vmem>>
    %dma_start3A_16 = arith.constant 0 : i32
    %dma_start3A_17 = arith.constant 0 : i32
    %dma_start3A_18 = tpu.memref_slice %arg2[%dma_start3A_16, %dma_start3A_17] : memref<10000x128xf32, #tpu.memory_space<hbm>> -> memref<10000x128xf32, #tpu.memory_space<hbm>>
    tpu.enqueue_indirect_dma source(%dma_start3A_18 : memref<10000x128xf32, #tpu.memory_space<hbm>>) target(%arg9 : memref<128x128xf32, #tpu.memory_space<vmem>>) offsets(%dma_start3A_15 : memref<128xi32, #tpu.memory_space<vmem>>) semaphore(%arg12 : memref<!tpu.dma_semaphore, #tpu.memory_space<semaphore_mem>>)
    %dma_start3A_19 = arith.constant 1 : i32
    %dma_start3A_20 = arith.constant 0 : i32
    %dma_start3A_21 = tpu.memref_slice %arg7[%dma_start3A_19, %dma_start3A_20] : memref<40x128xi32, #tpu.memory_space<vmem>> -> memref<1x128xi32, #tpu.memory_space<vmem>>
    %dma_start3A_22 = tpu.memref_squeeze %dma_start3A_21 : memref<1x128xi32, #tpu.memory_space<vmem>> -> memref<128xi32, #tpu.memory_space<vmem>>
    %dma_start3A_23 = arith.constant 0 : i32
    %dma_start3A_24 = arith.constant 0 : i32
    %dma_start3A_25 = tpu.memref_slice %arg2[%dma_start3A_23, %dma_start3A_24] : memref<10000x128xf32, #tpu.memory_space<hbm>> -> memref<10000x128xf32, #tpu.memory_space<hbm>>
    tpu.enqueue_indirect_dma source(%dma_start3A_25 : memref<10000x128xf32, #tpu.memory_space<hbm>>) target(%arg10 : memref<128x128xf32, #tpu.memory_space<vmem>>) offsets(%dma_start3A_22 : memref<128xi32, #tpu.memory_space<vmem>>) semaphore(%arg13 : memref<!tpu.dma_semaphore, #tpu.memory_space<semaphore_mem>>)
    %scan3A = arith.constant 0 : i32
    %scan3A_26 = arith.constant 0 : i32
    %scan3A_27 = arith.constant 20 : i32
    %scan3A_28 = arith.addi %scan3A_26, %scan3A_27 : i32
    %scan3A_29 = arith.constant 1 : i32
    scf.for %scan3A_72 = %scan3A_26 to %scan3A_28 step %scan3A_29  : i32 {
      %dma_wait3A = arith.constant 0 : i32
      %dma_wait3A_73 = arith.constant 0 : i32
      %dma_wait3A_74 = tpu.memref_slice %arg7[%dma_wait3A, %dma_wait3A_73] : memref<40x128xi32, #tpu.memory_space<vmem>> -> memref<1x128xi32, #tpu.memory_space<vmem>>
      %dma_wait3A_75 = tpu.memref_squeeze %dma_wait3A_74 : memref<1x128xi32, #tpu.memory_space<vmem>> -> memref<128xi32, #tpu.memory_space<vmem>>
      %dma_wait3A_76 = arith.constant 0 : i32
      %dma_wait3A_77 = arith.constant 0 : i32
      %dma_wait3A_78 = tpu.memref_slice %arg2[%dma_wait3A_76, %dma_wait3A_77] : memref<10000x128xf32, #tpu.memory_space<hbm>> -> memref<10000x128xf32, #tpu.memory_space<hbm>>
      tpu.wait_indirect_dma semaphore(%arg12 : memref<!tpu.dma_semaphore, #tpu.memory_space<semaphore_mem>>) src(%dma_wait3A_78 : memref<10000x128xf32, #tpu.memory_space<hbm>>) dst(%arg9 : memref<128x128xf32, #tpu.memory_space<vmem>>)
      %mul3A_79 = arith.constant 2 : i32
      %mul3A_80 = arith.muli %mul3A_79, %scan3A_72 : i32
      "tpu.region"() ({
        %run_scoped3A = tpu.sem_alloc : memref<!tpu.dma_semaphore, #tpu.memory_space<semaphore_mem>>
        %dma_start3A_99 = arith.constant 0 : i32
        %dma_start3A_100 = tpu.memref_slice %arg8[%mul3A_80, %dma_start3A_99] : memref<40x128xi32, #tpu.memory_space<vmem>> -> memref<1x128xi32, #tpu.memory_space<vmem>>
        %dma_start3A_101 = tpu.memref_squeeze %dma_start3A_100 : memref<1x128xi32, #tpu.memory_space<vmem>> -> memref<128xi32, #tpu.memory_space<vmem>>
        %dma_start3A_102 = arith.constant 0 : i32
        %dma_start3A_103 = arith.constant 0 : i32
        %dma_start3A_104 = tpu.memref_slice %arg11[%dma_start3A_102, %dma_start3A_103] : memref<10240x128xf32, #tpu.memory_space<vmem_shared>> -> memref<10240x128xf32, #tpu.memory_space<vmem_shared>>
        tpu.enqueue_indirect_dma source(%arg9 : memref<128x128xf32, #tpu.memory_space<vmem>>) target(%dma_start3A_104 : memref<10240x128xf32, #tpu.memory_space<vmem_shared>>) offsets(%dma_start3A_101 : memref<128xi32, #tpu.memory_space<vmem>>) semaphore(%run_scoped3A : memref<!tpu.dma_semaphore, #tpu.memory_space<semaphore_mem>>) {add = true}
        %dma_wait3A_105 = arith.constant 0 : i32
        %dma_wait3A_106 = tpu.memref_slice %arg8[%mul3A_80, %dma_wait3A_105] : memref<40x128xi32, #tpu.memory_space<vmem>> -> memref<1x128xi32, #tpu.memory_space<vmem>>
        %dma_wait3A_107 = tpu.memref_squeeze %dma_wait3A_106 : memref<1x128xi32, #tpu.memory_space<vmem>> -> memref<128xi32, #tpu.memory_space<vmem>>
        %dma_wait3A_108 = arith.constant 0 : i32
        %dma_wait3A_109 = arith.constant 0 : i32
        %dma_wait3A_110 = tpu.memref_slice %arg11[%dma_wait3A_108, %dma_wait3A_109] : memref<10240x128xf32, #tpu.memory_space<vmem_shared>> -> memref<10240x128xf32, #tpu.memory_space<vmem_shared>>
        tpu.wait_indirect_dma semaphore(%run_scoped3A : memref<!tpu.dma_semaphore, #tpu.memory_space<semaphore_mem>>) src(%arg9 : memref<128x128xf32, #tpu.memory_space<vmem>>) dst(%dma_wait3A_110 : memref<10240x128xf32, #tpu.memory_space<vmem_shared>>)
        tpu.yield
      }) : () -> ()
      %lt3A = arith.constant 19 : i32
      %lt3A_81 = arith.cmpi slt, %scan3A_72, %lt3A : i32
      %convert_element_type3A = arith.extui %lt3A_81 : i1 to i32
      %cond3A = arith.constant 0 : i32
      %cond3A_82 = arith.cmpi ne, %convert_element_type3A, %cond3A : i32
      scf.if %cond3A_82 {
        %mul3A_99 = arith.constant 2 : i32
        %mul3A_100 = arith.muli %mul3A_99, %scan3A_72 : i32
        %add3A_101 = arith.constant 2 : i32
        %add3A_102 = arith.addi %mul3A_100, %add3A_101 : i32
        %dma_start3A_103 = arith.constant 0 : i32
        %dma_start3A_104 = tpu.memref_slice %arg7[%add3A_102, %dma_start3A_103] : memref<40x128xi32, #tpu.memory_space<vmem>> -> memref<1x128xi32, #tpu.memory_space<vmem>>
        %dma_start3A_105 = tpu.memref_squeeze %dma_start3A_104 : memref<1x128xi32, #tpu.memory_space<vmem>> -> memref<128xi32, #tpu.memory_space<vmem>>
        %dma_start3A_106 = arith.constant 0 : i32
        %dma_start3A_107 = arith.constant 0 : i32
        %dma_start3A_108 = tpu.memref_slice %arg2[%dma_start3A_106, %dma_start3A_107] : memref<10000x128xf32, #tpu.memory_space<hbm>> -> memref<10000x128xf32, #tpu.memory_space<hbm>>
        tpu.enqueue_indirect_dma source(%dma_start3A_108 : memref<10000x128xf32, #tpu.memory_space<hbm>>) target(%arg9 : memref<128x128xf32, #tpu.memory_space<vmem>>) offsets(%dma_start3A_105 : memref<128xi32, #tpu.memory_space<vmem>>) semaphore(%arg12 : memref<!tpu.dma_semaphore, #tpu.memory_space<semaphore_mem>>)
      } else {
      }
      %dma_wait3A_83 = arith.constant 0 : i32
      %dma_wait3A_84 = arith.constant 0 : i32
      %dma_wait3A_85 = tpu.memref_slice %arg7[%dma_wait3A_83, %dma_wait3A_84] : memref<40x128xi32, #tpu.memory_space<vmem>> -> memref<1x128xi32, #tpu.memory_space<vmem>>
      %dma_wait3A_86 = tpu.memref_squeeze %dma_wait3A_85 : memref<1x128xi32, #tpu.memory_space<vmem>> -> memref<128xi32, #tpu.memory_space<vmem>>
      %dma_wait3A_87 = arith.constant 0 : i32
      %dma_wait3A_88 = arith.constant 0 : i32
      %dma_wait3A_89 = tpu.memref_slice %arg2[%dma_wait3A_87, %dma_wait3A_88] : memref<10000x128xf32, #tpu.memory_space<hbm>> -> memref<10000x128xf32, #tpu.memory_space<hbm>>
      tpu.wait_indirect_dma semaphore(%arg13 : memref<!tpu.dma_semaphore, #tpu.memory_space<semaphore_mem>>) src(%dma_wait3A_89 : memref<10000x128xf32, #tpu.memory_space<hbm>>) dst(%arg10 : memref<128x128xf32, #tpu.memory_space<vmem>>)
      %mul3A_90 = arith.constant 2 : i32
      %mul3A_91 = arith.muli %mul3A_90, %scan3A_72 : i32
      %add3A_92 = arith.constant 1 : i32
      %add3A_93 = arith.addi %mul3A_91, %add3A_92 : i32
      "tpu.region"() ({
        %run_scoped3A = tpu.sem_alloc : memref<!tpu.dma_semaphore, #tpu.memory_space<semaphore_mem>>
        %dma_start3A_99 = arith.constant 0 : i32
        %dma_start3A_100 = tpu.memref_slice %arg8[%add3A_93, %dma_start3A_99] : memref<40x128xi32, #tpu.memory_space<vmem>> -> memref<1x128xi32, #tpu.memory_space<vmem>>
        %dma_start3A_101 = tpu.memref_squeeze %dma_start3A_100 : memref<1x128xi32, #tpu.memory_space<vmem>> -> memref<128xi32, #tpu.memory_space<vmem>>
        %dma_start3A_102 = arith.constant 0 : i32
        %dma_start3A_103 = arith.constant 0 : i32
        %dma_start3A_104 = tpu.memref_slice %arg11[%dma_start3A_102, %dma_start3A_103] : memref<10240x128xf32, #tpu.memory_space<vmem_shared>> -> memref<10240x128xf32, #tpu.memory_space<vmem_shared>>
        tpu.enqueue_indirect_dma source(%arg10 : memref<128x128xf32, #tpu.memory_space<vmem>>) target(%dma_start3A_104 : memref<10240x128xf32, #tpu.memory_space<vmem_shared>>) offsets(%dma_start3A_101 : memref<128xi32, #tpu.memory_space<vmem>>) semaphore(%run_scoped3A : memref<!tpu.dma_semaphore, #tpu.memory_space<semaphore_mem>>) {add = true}
        %dma_wait3A_105 = arith.constant 0 : i32
        %dma_wait3A_106 = tpu.memref_slice %arg8[%add3A_93, %dma_wait3A_105] : memref<40x128xi32, #tpu.memory_space<vmem>> -> memref<1x128xi32, #tpu.memory_space<vmem>>
        %dma_wait3A_107 = tpu.memref_squeeze %dma_wait3A_106 : memref<1x128xi32, #tpu.memory_space<vmem>> -> memref<128xi32, #tpu.memory_space<vmem>>
        %dma_wait3A_108 = arith.constant 0 : i32
        %dma_wait3A_109 = arith.constant 0 : i32
        %dma_wait3A_110 = tpu.memref_slice %arg11[%dma_wait3A_108, %dma_wait3A_109] : memref<10240x128xf32, #tpu.memory_space<vmem_shared>> -> memref<10240x128xf32, #tpu.memory_space<vmem_shared>>
        tpu.wait_indirect_dma semaphore(%run_scoped3A : memref<!tpu.dma_semaphore, #tpu.memory_space<semaphore_mem>>) src(%arg10 : memref<128x128xf32, #tpu.memory_space<vmem>>) dst(%dma_wait3A_110 : memref<10240x128xf32, #tpu.memory_space<vmem_shared>>)
        tpu.yield
      }) : () -> ()
      %lt3A_94 = arith.constant 19 : i32
      %lt3A_95 = arith.cmpi slt, %scan3A_72, %lt3A_94 : i32
      %convert_element_type3A_96 = arith.extui %lt3A_95 : i1 to i32
      %cond3A_97 = arith.constant 0 : i32
      %cond3A_98 = arith.cmpi ne, %convert_element_type3A_96, %cond3A_97 : i32
      scf.if %cond3A_98 {
        %mul3A_99 = arith.constant 2 : i32
        %mul3A_100 = arith.muli %mul3A_99, %scan3A_72 : i32
        %add3A_101 = arith.constant 3 : i32
        %add3A_102 = arith.addi %mul3A_100, %add3A_101 : i32
        %dma_start3A_103 = arith.constant 0 : i32
        %dma_start3A_104 = tpu.memref_slice %arg7[%add3A_102, %dma_start3A_103] : memref<40x128xi32, #tpu.memory_space<vmem>> -> memref<1x128xi32, #tpu.memory_space<vmem>>
        %dma_start3A_105 = tpu.memref_squeeze %dma_start3A_104 : memref<1x128xi32, #tpu.memory_space<vmem>> -> memref<128xi32, #tpu.memory_space<vmem>>
        %dma_start3A_106 = arith.constant 0 : i32
        %dma_start3A_107 = arith.constant 0 : i32
        %dma_start3A_108 = tpu.memref_slice %arg2[%dma_start3A_106, %dma_start3A_107] : memref<10000x128xf32, #tpu.memory_space<hbm>> -> memref<10000x128xf32, #tpu.memory_space<hbm>>
        tpu.enqueue_indirect_dma source(%dma_start3A_108 : memref<10000x128xf32, #tpu.memory_space<hbm>>) target(%arg10 : memref<128x128xf32, #tpu.memory_space<vmem>>) offsets(%dma_start3A_105 : memref<128xi32, #tpu.memory_space<vmem>>) semaphore(%arg13 : memref<!tpu.dma_semaphore, #tpu.memory_space<semaphore_mem>>)
      } else {
      }
    }
    %scan3A_30 = arith.constant 20 : i32
    "tpu.region"() ({
      %run_scoped3A = tpu.sem_alloc : memref<!tpu.dma_semaphore, #tpu.memory_space<semaphore_mem>>
      %dma_start3A_72 = arith.constant 40 : i32
      %dma_start3A_73 = arith.constant 0 : i32
      %dma_start3A_74 = tpu.memref_slice %arg3[%add3A, %dma_start3A_72, %dma_start3A_73] : memref<32x80x128xi32, #tpu.memory_space<hbm>> -> memref<1x40x128xi32, #tpu.memory_space<hbm>>
      %dma_start3A_75 = tpu.memref_squeeze %dma_start3A_74 : memref<1x40x128xi32, #tpu.memory_space<hbm>> -> memref<40x128xi32, #tpu.memory_space<hbm>>
      %dma_start3A_76 = arith.constant 40 : i32
      %dma_start3A_77 = arith.constant 0 : i32
      %dma_start3A_78 = tpu.memref_slice %arg3[%add3A, %dma_start3A_76, %dma_start3A_77] : memref<32x80x128xi32, #tpu.memory_space<hbm>> -> memref<1x40x128xi32, #tpu.memory_space<hbm>>
      %dma_start3A_79 = tpu.memref_squeeze %dma_start3A_78 : memref<1x40x128xi32, #tpu.memory_space<hbm>> -> memref<40x128xi32, #tpu.memory_space<hbm>>
      tpu.enqueue_dma source(%dma_start3A_79 : memref<40x128xi32, #tpu.memory_space<hbm>>) target(%arg7 : memref<40x128xi32, #tpu.memory_space<vmem>>) target_semaphore(%run_scoped3A : memref<!tpu.dma_semaphore, #tpu.memory_space<semaphore_mem>>)
      %dma_wait3A = arith.constant 40 : i32
      %dma_wait3A_80 = arith.constant 0 : i32
      %dma_wait3A_81 = tpu.memref_slice %arg3[%add3A, %dma_wait3A, %dma_wait3A_80] : memref<32x80x128xi32, #tpu.memory_space<hbm>> -> memref<1x40x128xi32, #tpu.memory_space<hbm>>
      %dma_wait3A_82 = tpu.memref_squeeze %dma_wait3A_81 : memref<1x40x128xi32, #tpu.memory_space<hbm>> -> memref<40x128xi32, #tpu.memory_space<hbm>>
      %dma_wait3A_83 = arith.constant 40 : i32
      %dma_wait3A_84 = arith.constant 0 : i32
      %dma_wait3A_85 = tpu.memref_slice %arg3[%add3A, %dma_wait3A_83, %dma_wait3A_84] : memref<32x80x128xi32, #tpu.memory_space<hbm>> -> memref<1x40x128xi32, #tpu.memory_space<hbm>>
      %dma_wait3A_86 = tpu.memref_squeeze %dma_wait3A_85 : memref<1x40x128xi32, #tpu.memory_space<hbm>> -> memref<40x128xi32, #tpu.memory_space<hbm>>
      tpu.wait_dma2 semaphore(%run_scoped3A : memref<!tpu.dma_semaphore, #tpu.memory_space<semaphore_mem>>) src(%dma_wait3A_86 : memref<40x128xi32, #tpu.memory_space<hbm>>) dst(%arg7 : memref<40x128xi32, #tpu.memory_space<vmem>>)
      tpu.yield
    }) : () -> ()
    "tpu.region"() ({
      %run_scoped3A = tpu.sem_alloc : memref<!tpu.dma_semaphore, #tpu.memory_space<semaphore_mem>>
      %dma_start3A_72 = arith.constant 40 : i32
      %dma_start3A_73 = arith.constant 0 : i32
      %dma_start3A_74 = tpu.memref_slice %arg4[%add3A, %dma_start3A_72, %dma_start3A_73] : memref<32x80x128xi32, #tpu.memory_space<hbm>> -> memref<1x40x128xi32, #tpu.memory_space<hbm>>
      %dma_start3A_75 = tpu.memref_squeeze %dma_start3A_74 : memref<1x40x128xi32, #tpu.memory_space<hbm>> -> memref<40x128xi32, #tpu.memory_space<hbm>>
      %dma_start3A_76 = arith.constant 40 : i32
      %dma_start3A_77 = arith.constant 0 : i32
      %dma_start3A_78 = tpu.memref_slice %arg4[%add3A, %dma_start3A_76, %dma_start3A_77] : memref<32x80x128xi32, #tpu.memory_space<hbm>> -> memref<1x40x128xi32, #tpu.memory_space<hbm>>
      %dma_start3A_79 = tpu.memref_squeeze %dma_start3A_78 : memref<1x40x128xi32, #tpu.memory_space<hbm>> -> memref<40x128xi32, #tpu.memory_space<hbm>>
      tpu.enqueue_dma source(%dma_start3A_79 : memref<40x128xi32, #tpu.memory_space<hbm>>) target(%arg8 : memref<40x128xi32, #tpu.memory_space<vmem>>) target_semaphore(%run_scoped3A : memref<!tpu.dma_semaphore, #tpu.memory_space<semaphore_mem>>)
      %dma_wait3A = arith.constant 40 : i32
      %dma_wait3A_80 = arith.constant 0 : i32
      %dma_wait3A_81 = tpu.memref_slice %arg4[%add3A, %dma_wait3A, %dma_wait3A_80] : memref<32x80x128xi32, #tpu.memory_space<hbm>> -> memref<1x40x128xi32, #tpu.memory_space<hbm>>
      %dma_wait3A_82 = tpu.memref_squeeze %dma_wait3A_81 : memref<1x40x128xi32, #tpu.memory_space<hbm>> -> memref<40x128xi32, #tpu.memory_space<hbm>>
      %dma_wait3A_83 = arith.constant 40 : i32
      %dma_wait3A_84 = arith.constant 0 : i32
      %dma_wait3A_85 = tpu.memref_slice %arg4[%add3A, %dma_wait3A_83, %dma_wait3A_84] : memref<32x80x128xi32, #tpu.memory_space<hbm>> -> memref<1x40x128xi32, #tpu.memory_space<hbm>>
      %dma_wait3A_86 = tpu.memref_squeeze %dma_wait3A_85 : memref<1x40x128xi32, #tpu.memory_space<hbm>> -> memref<40x128xi32, #tpu.memory_space<hbm>>
      tpu.wait_dma2 semaphore(%run_scoped3A : memref<!tpu.dma_semaphore, #tpu.memory_space<semaphore_mem>>) src(%dma_wait3A_86 : memref<40x128xi32, #tpu.memory_space<hbm>>) dst(%arg8 : memref<40x128xi32, #tpu.memory_space<vmem>>)
      tpu.yield
    }) : () -> ()
    %dma_start3A_31 = arith.constant 0 : i32
    %dma_start3A_32 = arith.constant 0 : i32
    %dma_start3A_33 = tpu.memref_slice %arg7[%dma_start3A_31, %dma_start3A_32] : memref<40x128xi32, #tpu.memory_space<vmem>> -> memref<1x128xi32, #tpu.memory_space<vmem>>
    %dma_start3A_34 = tpu.memref_squeeze %dma_start3A_33 : memref<1x128xi32, #tpu.memory_space<vmem>> -> memref<128xi32, #tpu.memory_space<vmem>>
    %dma_start3A_35 = arith.constant 0 : i32
    %dma_start3A_36 = arith.constant 0 : i32
    %dma_start3A_37 = tpu.memref_slice %arg2[%dma_start3A_35, %dma_start3A_36] : memref<10000x128xf32, #tpu.memory_space<hbm>> -> memref<10000x128xf32, #tpu.memory_space<hbm>>
    tpu.enqueue_indirect_dma source(%dma_start3A_37 : memref<10000x128xf32, #tpu.memory_space<hbm>>) target(%arg9 : memref<128x128xf32, #tpu.memory_space<vmem>>) offsets(%dma_start3A_34 : memref<128xi32, #tpu.memory_space<vmem>>) semaphore(%arg12 : memref<!tpu.dma_semaphore, #tpu.memory_space<semaphore_mem>>)
    %dma_start3A_38 = arith.constant 1 : i32
    %dma_start3A_39 = arith.constant 0 : i32
    %dma_start3A_40 = tpu.memref_slice %arg7[%dma_start3A_38, %dma_start3A_39] : memref<40x128xi32, #tpu.memory_space<vmem>> -> memref<1x128xi32, #tpu.memory_space<vmem>>
    %dma_start3A_41 = tpu.memref_squeeze %dma_start3A_40 : memref<1x128xi32, #tpu.memory_space<vmem>> -> memref<128xi32, #tpu.memory_space<vmem>>
    %dma_start3A_42 = arith.constant 0 : i32
    %dma_start3A_43 = arith.constant 0 : i32
    %dma_start3A_44 = tpu.memref_slice %arg2[%dma_start3A_42, %dma_start3A_43] : memref<10000x128xf32, #tpu.memory_space<hbm>> -> memref<10000x128xf32, #tpu.memory_space<hbm>>
    tpu.enqueue_indirect_dma source(%dma_start3A_44 : memref<10000x128xf32, #tpu.memory_space<hbm>>) target(%arg10 : memref<128x128xf32, #tpu.memory_space<vmem>>) offsets(%dma_start3A_41 : memref<128xi32, #tpu.memory_space<vmem>>) semaphore(%arg13 : memref<!tpu.dma_semaphore, #tpu.memory_space<semaphore_mem>>)
    %scan3A_45 = arith.constant 0 : i32
    %scan3A_46 = arith.constant 0 : i32
    %scan3A_47 = arith.constant 20 : i32
    %scan3A_48 = arith.addi %scan3A_46, %scan3A_47 : i32
    %scan3A_49 = arith.constant 1 : i32
    scf.for %scan3A_72 = %scan3A_46 to %scan3A_48 step %scan3A_49  : i32 {
      %dma_wait3A = arith.constant 0 : i32
      %dma_wait3A_73 = arith.constant 0 : i32
      %dma_wait3A_74 = tpu.memref_slice %arg7[%dma_wait3A, %dma_wait3A_73] : memref<40x128xi32, #tpu.memory_space<vmem>> -> memref<1x128xi32, #tpu.memory_space<vmem>>
      %dma_wait3A_75 = tpu.memref_squeeze %dma_wait3A_74 : memref<1x128xi32, #tpu.memory_space<vmem>> -> memref<128xi32, #tpu.memory_space<vmem>>
      %dma_wait3A_76 = arith.constant 0 : i32
      %dma_wait3A_77 = arith.constant 0 : i32
      %dma_wait3A_78 = tpu.memref_slice %arg2[%dma_wait3A_76, %dma_wait3A_77] : memref<10000x128xf32, #tpu.memory_space<hbm>> -> memref<10000x128xf32, #tpu.memory_space<hbm>>
      tpu.wait_indirect_dma semaphore(%arg12 : memref<!tpu.dma_semaphore, #tpu.memory_space<semaphore_mem>>) src(%dma_wait3A_78 : memref<10000x128xf32, #tpu.memory_space<hbm>>) dst(%arg9 : memref<128x128xf32, #tpu.memory_space<vmem>>)
      %mul3A_79 = arith.constant 2 : i32
      %mul3A_80 = arith.muli %mul3A_79, %scan3A_72 : i32
      "tpu.region"() ({
        %run_scoped3A = tpu.sem_alloc : memref<!tpu.dma_semaphore, #tpu.memory_space<semaphore_mem>>
        %dma_start3A_99 = arith.constant 0 : i32
        %dma_start3A_100 = tpu.memref_slice %arg8[%mul3A_80, %dma_start3A_99] : memref<40x128xi32, #tpu.memory_space<vmem>> -> memref<1x128xi32, #tpu.memory_space<vmem>>
        %dma_start3A_101 = tpu.memref_squeeze %dma_start3A_100 : memref<1x128xi32, #tpu.memory_space<vmem>> -> memref<128xi32, #tpu.memory_space<vmem>>
        %dma_start3A_102 = arith.constant 0 : i32
        %dma_start3A_103 = arith.constant 0 : i32
        %dma_start3A_104 = tpu.memref_slice %arg11[%dma_start3A_102, %dma_start3A_103] : memref<10240x128xf32, #tpu.memory_space<vmem_shared>> -> memref<10240x128xf32, #tpu.memory_space<vmem_shared>>
        tpu.enqueue_indirect_dma source(%arg9 : memref<128x128xf32, #tpu.memory_space<vmem>>) target(%dma_start3A_104 : memref<10240x128xf32, #tpu.memory_space<vmem_shared>>) offsets(%dma_start3A_101 : memref<128xi32, #tpu.memory_space<vmem>>) semaphore(%run_scoped3A : memref<!tpu.dma_semaphore, #tpu.memory_space<semaphore_mem>>) {add = true}
        %dma_wait3A_105 = arith.constant 0 : i32
        %dma_wait3A_106 = tpu.memref_slice %arg8[%mul3A_80, %dma_wait3A_105] : memref<40x128xi32, #tpu.memory_space<vmem>> -> memref<1x128xi32, #tpu.memory_space<vmem>>
        %dma_wait3A_107 = tpu.memref_squeeze %dma_wait3A_106 : memref<1x128xi32, #tpu.memory_space<vmem>> -> memref<128xi32, #tpu.memory_space<vmem>>
        %dma_wait3A_108 = arith.constant 0 : i32
        %dma_wait3A_109 = arith.constant 0 : i32
        %dma_wait3A_110 = tpu.memref_slice %arg11[%dma_wait3A_108, %dma_wait3A_109] : memref<10240x128xf32, #tpu.memory_space<vmem_shared>> -> memref<10240x128xf32, #tpu.memory_space<vmem_shared>>
        tpu.wait_indirect_dma semaphore(%run_scoped3A : memref<!tpu.dma_semaphore, #tpu.memory_space<semaphore_mem>>) src(%arg9 : memref<128x128xf32, #tpu.memory_space<vmem>>) dst(%dma_wait3A_110 : memref<10240x128xf32, #tpu.memory_space<vmem_shared>>)
        tpu.yield
      }) : () -> ()
      %lt3A = arith.constant 19 : i32
      %lt3A_81 = arith.cmpi slt, %scan3A_72, %lt3A : i32
      %convert_element_type3A = arith.extui %lt3A_81 : i1 to i32
      %cond3A = arith.constant 0 : i32
      %cond3A_82 = arith.cmpi ne, %convert_element_type3A, %cond3A : i32
      scf.if %cond3A_82 {
        %mul3A_99 = arith.constant 2 : i32
        %mul3A_100 = arith.muli %mul3A_99, %scan3A_72 : i32
        %add3A_101 = arith.constant 2 : i32
        %add3A_102 = arith.addi %mul3A_100, %add3A_101 : i32
        %dma_start3A_103 = arith.constant 0 : i32
        %dma_start3A_104 = tpu.memref_slice %arg7[%add3A_102, %dma_start3A_103] : memref<40x128xi32, #tpu.memory_space<vmem>> -> memref<1x128xi32, #tpu.memory_space<vmem>>
        %dma_start3A_105 = tpu.memref_squeeze %dma_start3A_104 : memref<1x128xi32, #tpu.memory_space<vmem>> -> memref<128xi32, #tpu.memory_space<vmem>>
        %dma_start3A_106 = arith.constant 0 : i32
        %dma_start3A_107 = arith.constant 0 : i32
        %dma_start3A_108 = tpu.memref_slice %arg2[%dma_start3A_106, %dma_start3A_107] : memref<10000x128xf32, #tpu.memory_space<hbm>> -> memref<10000x128xf32, #tpu.memory_space<hbm>>
        tpu.enqueue_indirect_dma source(%dma_start3A_108 : memref<10000x128xf32, #tpu.memory_space<hbm>>) target(%arg9 : memref<128x128xf32, #tpu.memory_space<vmem>>) offsets(%dma_start3A_105 : memref<128xi32, #tpu.memory_space<vmem>>) semaphore(%arg12 : memref<!tpu.dma_semaphore, #tpu.memory_space<semaphore_mem>>)
      } else {
      }
      %dma_wait3A_83 = arith.constant 0 : i32
      %dma_wait3A_84 = arith.constant 0 : i32
      %dma_wait3A_85 = tpu.memref_slice %arg7[%dma_wait3A_83, %dma_wait3A_84] : memref<40x128xi32, #tpu.memory_space<vmem>> -> memref<1x128xi32, #tpu.memory_space<vmem>>
      %dma_wait3A_86 = tpu.memref_squeeze %dma_wait3A_85 : memref<1x128xi32, #tpu.memory_space<vmem>> -> memref<128xi32, #tpu.memory_space<vmem>>
      %dma_wait3A_87 = arith.constant 0 : i32
      %dma_wait3A_88 = arith.constant 0 : i32
      %dma_wait3A_89 = tpu.memref_slice %arg2[%dma_wait3A_87, %dma_wait3A_88] : memref<10000x128xf32, #tpu.memory_space<hbm>> -> memref<10000x128xf32, #tpu.memory_space<hbm>>
      tpu.wait_indirect_dma semaphore(%arg13 : memref<!tpu.dma_semaphore, #tpu.memory_space<semaphore_mem>>) src(%dma_wait3A_89 : memref<10000x128xf32, #tpu.memory_space<hbm>>) dst(%arg10 : memref<128x128xf32, #tpu.memory_space<vmem>>)
      %mul3A_90 = arith.constant 2 : i32
      %mul3A_91 = arith.muli %mul3A_90, %scan3A_72 : i32
      %add3A_92 = arith.constant 1 : i32
      %add3A_93 = arith.addi %mul3A_91, %add3A_92 : i32
      "tpu.region"() ({
        %run_scoped3A = tpu.sem_alloc : memref<!tpu.dma_semaphore, #tpu.memory_space<semaphore_mem>>
        %dma_start3A_99 = arith.constant 0 : i32
        %dma_start3A_100 = tpu.memref_slice %arg8[%add3A_93, %dma_start3A_99] : memref<40x128xi32, #tpu.memory_space<vmem>> -> memref<1x128xi32, #tpu.memory_space<vmem>>
        %dma_start3A_101 = tpu.memref_squeeze %dma_start3A_100 : memref<1x128xi32, #tpu.memory_space<vmem>> -> memref<128xi32, #tpu.memory_space<vmem>>
        %dma_start3A_102 = arith.constant 0 : i32
        %dma_start3A_103 = arith.constant 0 : i32
        %dma_start3A_104 = tpu.memref_slice %arg11[%dma_start3A_102, %dma_start3A_103] : memref<10240x128xf32, #tpu.memory_space<vmem_shared>> -> memref<10240x128xf32, #tpu.memory_space<vmem_shared>>
        tpu.enqueue_indirect_dma source(%arg10 : memref<128x128xf32, #tpu.memory_space<vmem>>) target(%dma_start3A_104 : memref<10240x128xf32, #tpu.memory_space<vmem_shared>>) offsets(%dma_start3A_101 : memref<128xi32, #tpu.memory_space<vmem>>) semaphore(%run_scoped3A : memref<!tpu.dma_semaphore, #tpu.memory_space<semaphore_mem>>) {add = true}
        %dma_wait3A_105 = arith.constant 0 : i32
        %dma_wait3A_106 = tpu.memref_slice %arg8[%add3A_93, %dma_wait3A_105] : memref<40x128xi32, #tpu.memory_space<vmem>> -> memref<1x128xi32, #tpu.memory_space<vmem>>
        %dma_wait3A_107 = tpu.memref_squeeze %dma_wait3A_106 : memref<1x128xi32, #tpu.memory_space<vmem>> -> memref<128xi32, #tpu.memory_space<vmem>>
        %dma_wait3A_108 = arith.constant 0 : i32
        %dma_wait3A_109 = arith.constant 0 : i32
        %dma_wait3A_110 = tpu.memref_slice %arg11[%dma_wait3A_108, %dma_wait3A_109] : memref<10240x128xf32, #tpu.memory_space<vmem_shared>> -> memref<10240x128xf32, #tpu.memory_space<vmem_shared>>
        tpu.wait_indirect_dma semaphore(%run_scoped3A : memref<!tpu.dma_semaphore, #tpu.memory_space<semaphore_mem>>) src(%arg10 : memref<128x128xf32, #tpu.memory_space<vmem>>) dst(%dma_wait3A_110 : memref<10240x128xf32, #tpu.memory_space<vmem_shared>>)
        tpu.yield
      }) : () -> ()
      %lt3A_94 = arith.constant 19 : i32
      %lt3A_95 = arith.cmpi slt, %scan3A_72, %lt3A_94 : i32
      %convert_element_type3A_96 = arith.extui %lt3A_95 : i1 to i32
      %cond3A_97 = arith.constant 0 : i32
      %cond3A_98 = arith.cmpi ne, %convert_element_type3A_96, %cond3A_97 : i32
      scf.if %cond3A_98 {
        %mul3A_99 = arith.constant 2 : i32
        %mul3A_100 = arith.muli %mul3A_99, %scan3A_72 : i32
        %add3A_101 = arith.constant 3 : i32
        %add3A_102 = arith.addi %mul3A_100, %add3A_101 : i32
        %dma_start3A_103 = arith.constant 0 : i32
        %dma_start3A_104 = tpu.memref_slice %arg7[%add3A_102, %dma_start3A_103] : memref<40x128xi32, #tpu.memory_space<vmem>> -> memref<1x128xi32, #tpu.memory_space<vmem>>
        %dma_start3A_105 = tpu.memref_squeeze %dma_start3A_104 : memref<1x128xi32, #tpu.memory_space<vmem>> -> memref<128xi32, #tpu.memory_space<vmem>>
        %dma_start3A_106 = arith.constant 0 : i32
        %dma_start3A_107 = arith.constant 0 : i32
        %dma_start3A_108 = tpu.memref_slice %arg2[%dma_start3A_106, %dma_start3A_107] : memref<10000x128xf32, #tpu.memory_space<hbm>> -> memref<10000x128xf32, #tpu.memory_space<hbm>>
        tpu.enqueue_indirect_dma source(%dma_start3A_108 : memref<10000x128xf32, #tpu.memory_space<hbm>>) target(%arg10 : memref<128x128xf32, #tpu.memory_space<vmem>>) offsets(%dma_start3A_105 : memref<128xi32, #tpu.memory_space<vmem>>) semaphore(%arg13 : memref<!tpu.dma_semaphore, #tpu.memory_space<semaphore_mem>>)
      } else {
      }
    }
    %scan3A_50 = arith.constant 20 : i32
    %barrier3A_51 = arith.constant 0 : index
    tpu.barrier barrier_id(%barrier3A_51)
    %add3A_52 = arith.constant 0 : i32
    %add3A_53 = arith.addi %mul3A_2, %add3A_52 : i32
    "tpu.region"() ({
      %run_scoped3A = tpu.sem_alloc : memref<!tpu.dma_semaphore, #tpu.memory_space<semaphore_mem>>
      %dma_start3A_72 = arith.constant 0 : i32
      %dma_start3A_73 = tpu.memref_slice %arg11[%add3A_53, %dma_start3A_72] : memref<10240x128xf32, #tpu.memory_space<vmem_shared>> -> memref<128x128xf32, #tpu.memory_space<vmem_shared>>
      %dma_start3A_74 = arith.constant 0 : i32
      %dma_start3A_75 = tpu.memref_slice %arg11[%add3A_53, %dma_start3A_74] : memref<10240x128xf32, #tpu.memory_space<vmem_shared>> -> memref<128x128xf32, #tpu.memory_space<vmem_shared>>
      tpu.enqueue_dma source(%dma_start3A_75 : memref<128x128xf32, #tpu.memory_space<vmem_shared>>) target(%arg9 : memref<128x128xf32, #tpu.memory_space<vmem>>) target_semaphore(%run_scoped3A : memref<!tpu.dma_semaphore, #tpu.memory_space<semaphore_mem>>)
      %dma_wait3A = arith.constant 0 : i32
      %dma_wait3A_76 = tpu.memref_slice %arg11[%add3A_53, %dma_wait3A] : memref<10240x128xf32, #tpu.memory_space<vmem_shared>> -> memref<128x128xf32, #tpu.memory_space<vmem_shared>>
      %dma_wait3A_77 = arith.constant 0 : i32
      %dma_wait3A_78 = tpu.memref_slice %arg11[%add3A_53, %dma_wait3A_77] : memref<10240x128xf32, #tpu.memory_space<vmem_shared>> -> memref<128x128xf32, #tpu.memory_space<vmem_shared>>
      tpu.wait_dma2 semaphore(%run_scoped3A : memref<!tpu.dma_semaphore, #tpu.memory_space<semaphore_mem>>) src(%dma_wait3A_78 : memref<128x128xf32, #tpu.memory_space<vmem_shared>>) dst(%arg9 : memref<128x128xf32, #tpu.memory_space<vmem>>)
      tpu.yield
    }) : () -> ()
    %add3A_54 = arith.constant 0 : i32
    %add3A_55 = arith.addi %mul3A_2, %add3A_54 : i32
    "tpu.region"() ({
      %run_scoped3A = tpu.sem_alloc : memref<!tpu.dma_semaphore, #tpu.memory_space<semaphore_mem>>
      %dma_start3A_72 = arith.constant 0 : i32
      %dma_start3A_73 = tpu.memref_slice %arg6[%arg0, %add3A_55, %dma_start3A_72] : memref<2x10240x128xf32, #tpu.memory_space<hbm>> -> memref<1x128x128xf32, #tpu.memory_space<hbm>>
      %dma_start3A_74 = tpu.memref_squeeze %dma_start3A_73 : memref<1x128x128xf32, #tpu.memory_space<hbm>> -> memref<128x128xf32, #tpu.memory_space<hbm>>
      %dma_start3A_75 = arith.constant 0 : i32
      %dma_start3A_76 = tpu.memref_slice %arg6[%arg0, %add3A_55, %dma_start3A_75] : memref<2x10240x128xf32, #tpu.memory_space<hbm>> -> memref<1x128x128xf32, #tpu.memory_space<hbm>>
      %dma_start3A_77 = tpu.memref_squeeze %dma_start3A_76 : memref<1x128x128xf32, #tpu.memory_space<hbm>> -> memref<128x128xf32, #tpu.memory_space<hbm>>
      tpu.enqueue_dma source(%arg9 : memref<128x128xf32, #tpu.memory_space<vmem>>) target(%dma_start3A_77 : memref<128x128xf32, #tpu.memory_space<hbm>>) target_semaphore(%run_scoped3A : memref<!tpu.dma_semaphore, #tpu.memory_space<semaphore_mem>>)
      %dma_wait3A = arith.constant 0 : i32
      %dma_wait3A_78 = tpu.memref_slice %arg6[%arg0, %add3A_55, %dma_wait3A] : memref<2x10240x128xf32, #tpu.memory_space<hbm>> -> memref<1x128x128xf32, #tpu.memory_space<hbm>>
      %dma_wait3A_79 = tpu.memref_squeeze %dma_wait3A_78 : memref<1x128x128xf32, #tpu.memory_space<hbm>> -> memref<128x128xf32, #tpu.memory_space<hbm>>
      %dma_wait3A_80 = arith.constant 0 : i32
      %dma_wait3A_81 = tpu.memref_slice %arg6[%arg0, %add3A_55, %dma_wait3A_80] : memref<2x10240x128xf32, #tpu.memory_space<hbm>> -> memref<1x128x128xf32, #tpu.memory_space<hbm>>
      %dma_wait3A_82 = tpu.memref_squeeze %dma_wait3A_81 : memref<1x128x128xf32, #tpu.memory_space<hbm>> -> memref<128x128xf32, #tpu.memory_space<hbm>>
      tpu.wait_dma2 semaphore(%run_scoped3A : memref<!tpu.dma_semaphore, #tpu.memory_space<semaphore_mem>>) src(%arg9 : memref<128x128xf32, #tpu.memory_space<vmem>>) dst(%dma_wait3A_82 : memref<128x128xf32, #tpu.memory_space<hbm>>)
      tpu.yield
    }) : () -> ()
    %add3A_56 = arith.constant 128 : i32
    %add3A_57 = arith.addi %mul3A_2, %add3A_56 : i32
    "tpu.region"() ({
      %run_scoped3A = tpu.sem_alloc : memref<!tpu.dma_semaphore, #tpu.memory_space<semaphore_mem>>
      %dma_start3A_72 = arith.constant 0 : i32
      %dma_start3A_73 = tpu.memref_slice %arg11[%add3A_57, %dma_start3A_72] : memref<10240x128xf32, #tpu.memory_space<vmem_shared>> -> memref<128x128xf32, #tpu.memory_space<vmem_shared>>
      %dma_start3A_74 = arith.constant 0 : i32
      %dma_start3A_75 = tpu.memref_slice %arg11[%add3A_57, %dma_start3A_74] : memref<10240x128xf32, #tpu.memory_space<vmem_shared>> -> memref<128x128xf32, #tpu.memory_space<vmem_shared>>
      tpu.enqueue_dma source(%dma_start3A_75 : memref<128x128xf32, #tpu.memory_space<vmem_shared>>) target(%arg9 : memref<128x128xf32, #tpu.memory_space<vmem>>) target_semaphore(%run_scoped3A : memref<!tpu.dma_semaphore, #tpu.memory_space<semaphore_mem>>)
      %dma_wait3A = arith.constant 0 : i32
      %dma_wait3A_76 = tpu.memref_slice %arg11[%add3A_57, %dma_wait3A] : memref<10240x128xf32, #tpu.memory_space<vmem_shared>> -> memref<128x128xf32, #tpu.memory_space<vmem_shared>>
      %dma_wait3A_77 = arith.constant 0 : i32
      %dma_wait3A_78 = tpu.memref_slice %arg11[%add3A_57, %dma_wait3A_77] : memref<10240x128xf32, #tpu.memory_space<vmem_shared>> -> memref<128x128xf32, #tpu.memory_space<vmem_shared>>
      tpu.wait_dma2 semaphore(%run_scoped3A : memref<!tpu.dma_semaphore, #tpu.memory_space<semaphore_mem>>) src(%dma_wait3A_78 : memref<128x128xf32, #tpu.memory_space<vmem_shared>>) dst(%arg9 : memref<128x128xf32, #tpu.memory_space<vmem>>)
      tpu.yield
    }) : () -> ()
    %add3A_58 = arith.constant 128 : i32
    %add3A_59 = arith.addi %mul3A_2, %add3A_58 : i32
    "tpu.region"() ({
      %run_scoped3A = tpu.sem_alloc : memref<!tpu.dma_semaphore, #tpu.memory_space<semaphore_mem>>
      %dma_start3A_72 = arith.constant 0 : i32
      %dma_start3A_73 = tpu.memref_slice %arg6[%arg0, %add3A_59, %dma_start3A_72] : memref<2x10240x128xf32, #tpu.memory_space<hbm>> -> memref<1x128x128xf32, #tpu.memory_space<hbm>>
      %dma_start3A_74 = tpu.memref_squeeze %dma_start3A_73 : memref<1x128x128xf32, #tpu.memory_space<hbm>> -> memref<128x128xf32, #tpu.memory_space<hbm>>
      %dma_start3A_75 = arith.constant 0 : i32
      %dma_start3A_76 = tpu.memref_slice %arg6[%arg0, %add3A_59, %dma_start3A_75] : memref<2x10240x128xf32, #tpu.memory_space<hbm>> -> memref<1x128x128xf32, #tpu.memory_space<hbm>>
      %dma_start3A_77 = tpu.memref_squeeze %dma_start3A_76 : memref<1x128x128xf32, #tpu.memory_space<hbm>> -> memref<128x128xf32, #tpu.memory_space<hbm>>
      tpu.enqueue_dma source(%arg9 : memref<128x128xf32, #tpu.memory_space<vmem>>) target(%dma_start3A_77 : memref<128x128xf32, #tpu.memory_space<hbm>>) target_semaphore(%run_scoped3A : memref<!tpu.dma_semaphore, #tpu.memory_space<semaphore_mem>>)
      %dma_wait3A = arith.constant 0 : i32
      %dma_wait3A_78 = tpu.memref_slice %arg6[%arg0, %add3A_59, %dma_wait3A] : memref<2x10240x128xf32, #tpu.memory_space<hbm>> -> memref<1x128x128xf32, #tpu.memory_space<hbm>>
      %dma_wait3A_79 = tpu.memref_squeeze %dma_wait3A_78 : memref<1x128x128xf32, #tpu.memory_space<hbm>> -> memref<128x128xf32, #tpu.memory_space<hbm>>
      %dma_wait3A_80 = arith.constant 0 : i32
      %dma_wait3A_81 = tpu.memref_slice %arg6[%arg0, %add3A_59, %dma_wait3A_80] : memref<2x10240x128xf32, #tpu.memory_space<hbm>> -> memref<1x128x128xf32, #tpu.memory_space<hbm>>
      %dma_wait3A_82 = tpu.memref_squeeze %dma_wait3A_81 : memref<1x128x128xf32, #tpu.memory_space<hbm>> -> memref<128x128xf32, #tpu.memory_space<hbm>>
      tpu.wait_dma2 semaphore(%run_scoped3A : memref<!tpu.dma_semaphore, #tpu.memory_space<semaphore_mem>>) src(%arg9 : memref<128x128xf32, #tpu.memory_space<vmem>>) dst(%dma_wait3A_82 : memref<128x128xf32, #tpu.memory_space<hbm>>)
      tpu.yield
    }) : () -> ()
    %add3A_60 = arith.constant 256 : i32
    %add3A_61 = arith.addi %mul3A_2, %add3A_60 : i32
    "tpu.region"() ({
      %run_scoped3A = tpu.sem_alloc : memref<!tpu.dma_semaphore, #tpu.memory_space<semaphore_mem>>
      %dma_start3A_72 = arith.constant 0 : i32
      %dma_start3A_73 = tpu.memref_slice %arg11[%add3A_61, %dma_start3A_72] : memref<10240x128xf32, #tpu.memory_space<vmem_shared>> -> memref<128x128xf32, #tpu.memory_space<vmem_shared>>
      %dma_start3A_74 = arith.constant 0 : i32
      %dma_start3A_75 = tpu.memref_slice %arg11[%add3A_61, %dma_start3A_74] : memref<10240x128xf32, #tpu.memory_space<vmem_shared>> -> memref<128x128xf32, #tpu.memory_space<vmem_shared>>
      tpu.enqueue_dma source(%dma_start3A_75 : memref<128x128xf32, #tpu.memory_space<vmem_shared>>) target(%arg9 : memref<128x128xf32, #tpu.memory_space<vmem>>) target_semaphore(%run_scoped3A : memref<!tpu.dma_semaphore, #tpu.memory_space<semaphore_mem>>)
      %dma_wait3A = arith.constant 0 : i32
      %dma_wait3A_76 = tpu.memref_slice %arg11[%add3A_61, %dma_wait3A] : memref<10240x128xf32, #tpu.memory_space<vmem_shared>> -> memref<128x128xf32, #tpu.memory_space<vmem_shared>>
      %dma_wait3A_77 = arith.constant 0 : i32
      %dma_wait3A_78 = tpu.memref_slice %arg11[%add3A_61, %dma_wait3A_77] : memref<10240x128xf32, #tpu.memory_space<vmem_shared>> -> memref<128x128xf32, #tpu.memory_space<vmem_shared>>
      tpu.wait_dma2 semaphore(%run_scoped3A : memref<!tpu.dma_semaphore, #tpu.memory_space<semaphore_mem>>) src(%dma_wait3A_78 : memref<128x128xf32, #tpu.memory_space<vmem_shared>>) dst(%arg9 : memref<128x128xf32, #tpu.memory_space<vmem>>)
      tpu.yield
    }) : () -> ()
    %add3A_62 = arith.constant 256 : i32
    %add3A_63 = arith.addi %mul3A_2, %add3A_62 : i32
    "tpu.region"() ({
      %run_scoped3A = tpu.sem_alloc : memref<!tpu.dma_semaphore, #tpu.memory_space<semaphore_mem>>
      %dma_start3A_72 = arith.constant 0 : i32
      %dma_start3A_73 = tpu.memref_slice %arg6[%arg0, %add3A_63, %dma_start3A_72] : memref<2x10240x128xf32, #tpu.memory_space<hbm>> -> memref<1x128x128xf32, #tpu.memory_space<hbm>>
      %dma_start3A_74 = tpu.memref_squeeze %dma_start3A_73 : memref<1x128x128xf32, #tpu.memory_space<hbm>> -> memref<128x128xf32, #tpu.memory_space<hbm>>
      %dma_start3A_75 = arith.constant 0 : i32
      %dma_start3A_76 = tpu.memref_slice %arg6[%arg0, %add3A_63, %dma_start3A_75] : memref<2x10240x128xf32, #tpu.memory_space<hbm>> -> memref<1x128x128xf32, #tpu.memory_space<hbm>>
      %dma_start3A_77 = tpu.memref_squeeze %dma_start3A_76 : memref<1x128x128xf32, #tpu.memory_space<hbm>> -> memref<128x128xf32, #tpu.memory_space<hbm>>
      tpu.enqueue_dma source(%arg9 : memref<128x128xf32, #tpu.memory_space<vmem>>) target(%dma_start3A_77 : memref<128x128xf32, #tpu.memory_space<hbm>>) target_semaphore(%run_scoped3A : memref<!tpu.dma_semaphore, #tpu.memory_space<semaphore_mem>>)
      %dma_wait3A = arith.constant 0 : i32
      %dma_wait3A_78 = tpu.memref_slice %arg6[%arg0, %add3A_63, %dma_wait3A] : memref<2x10240x128xf32, #tpu.memory_space<hbm>> -> memref<1x128x128xf32, #tpu.memory_space<hbm>>
      %dma_wait3A_79 = tpu.memref_squeeze %dma_wait3A_78 : memref<1x128x128xf32, #tpu.memory_space<hbm>> -> memref<128x128xf32, #tpu.memory_space<hbm>>
      %dma_wait3A_80 = arith.constant 0 : i32
      %dma_wait3A_81 = tpu.memref_slice %arg6[%arg0, %add3A_63, %dma_wait3A_80] : memref<2x10240x128xf32, #tpu.memory_space<hbm>> -> memref<1x128x128xf32, #tpu.memory_space<hbm>>
      %dma_wait3A_82 = tpu.memref_squeeze %dma_wait3A_81 : memref<1x128x128xf32, #tpu.memory_space<hbm>> -> memref<128x128xf32, #tpu.memory_space<hbm>>
      tpu.wait_dma2 semaphore(%run_scoped3A : memref<!tpu.dma_semaphore, #tpu.memory_space<semaphore_mem>>) src(%arg9 : memref<128x128xf32, #tpu.memory_space<vmem>>) dst(%dma_wait3A_82 : memref<128x128xf32, #tpu.memory_space<hbm>>)
      tpu.yield
    }) : () -> ()
    %add3A_64 = arith.constant 384 : i32
    %add3A_65 = arith.addi %mul3A_2, %add3A_64 : i32
    "tpu.region"() ({
      %run_scoped3A = tpu.sem_alloc : memref<!tpu.dma_semaphore, #tpu.memory_space<semaphore_mem>>
      %dma_start3A_72 = arith.constant 0 : i32
      %dma_start3A_73 = tpu.memref_slice %arg11[%add3A_65, %dma_start3A_72] : memref<10240x128xf32, #tpu.memory_space<vmem_shared>> -> memref<128x128xf32, #tpu.memory_space<vmem_shared>>
      %dma_start3A_74 = arith.constant 0 : i32
      %dma_start3A_75 = tpu.memref_slice %arg11[%add3A_65, %dma_start3A_74] : memref<10240x128xf32, #tpu.memory_space<vmem_shared>> -> memref<128x128xf32, #tpu.memory_space<vmem_shared>>
      tpu.enqueue_dma source(%dma_start3A_75 : memref<128x128xf32, #tpu.memory_space<vmem_shared>>) target(%arg9 : memref<128x128xf32, #tpu.memory_space<vmem>>) target_semaphore(%run_scoped3A : memref<!tpu.dma_semaphore, #tpu.memory_space<semaphore_mem>>)
      %dma_wait3A = arith.constant 0 : i32
      %dma_wait3A_76 = tpu.memref_slice %arg11[%add3A_65, %dma_wait3A] : memref<10240x128xf32, #tpu.memory_space<vmem_shared>> -> memref<128x128xf32, #tpu.memory_space<vmem_shared>>
      %dma_wait3A_77 = arith.constant 0 : i32
      %dma_wait3A_78 = tpu.memref_slice %arg11[%add3A_65, %dma_wait3A_77] : memref<10240x128xf32, #tpu.memory_space<vmem_shared>> -> memref<128x128xf32, #tpu.memory_space<vmem_shared>>
      tpu.wait_dma2 semaphore(%run_scoped3A : memref<!tpu.dma_semaphore, #tpu.memory_space<semaphore_mem>>) src(%dma_wait3A_78 : memref<128x128xf32, #tpu.memory_space<vmem_shared>>) dst(%arg9 : memref<128x128xf32, #tpu.memory_space<vmem>>)
      tpu.yield
    }) : () -> ()
    %add3A_66 = arith.constant 384 : i32
    %add3A_67 = arith.addi %mul3A_2, %add3A_66 : i32
    "tpu.region"() ({
      %run_scoped3A = tpu.sem_alloc : memref<!tpu.dma_semaphore, #tpu.memory_space<semaphore_mem>>
      %dma_start3A_72 = arith.constant 0 : i32
      %dma_start3A_73 = tpu.memref_slice %arg6[%arg0, %add3A_67, %dma_start3A_72] : memref<2x10240x128xf32, #tpu.memory_space<hbm>> -> memref<1x128x128xf32, #tpu.memory_space<hbm>>
      %dma_start3A_74 = tpu.memref_squeeze %dma_start3A_73 : memref<1x128x128xf32, #tpu.memory_space<hbm>> -> memref<128x128xf32, #tpu.memory_space<hbm>>
      %dma_start3A_75 = arith.constant 0 : i32
      %dma_start3A_76 = tpu.memref_slice %arg6[%arg0, %add3A_67, %dma_start3A_75] : memref<2x10240x128xf32, #tpu.memory_space<hbm>> -> memref<1x128x128xf32, #tpu.memory_space<hbm>>
      %dma_start3A_77 = tpu.memref_squeeze %dma_start3A_76 : memref<1x128x128xf32, #tpu.memory_space<hbm>> -> memref<128x128xf32, #tpu.memory_space<hbm>>
      tpu.enqueue_dma source(%arg9 : memref<128x128xf32, #tpu.memory_space<vmem>>) target(%dma_start3A_77 : memref<128x128xf32, #tpu.memory_space<hbm>>) target_semaphore(%run_scoped3A : memref<!tpu.dma_semaphore, #tpu.memory_space<semaphore_mem>>)
      %dma_wait3A = arith.constant 0 : i32
      %dma_wait3A_78 = tpu.memref_slice %arg6[%arg0, %add3A_67, %dma_wait3A] : memref<2x10240x128xf32, #tpu.memory_space<hbm>> -> memref<1x128x128xf32, #tpu.memory_space<hbm>>
      %dma_wait3A_79 = tpu.memref_squeeze %dma_wait3A_78 : memref<1x128x128xf32, #tpu.memory_space<hbm>> -> memref<128x128xf32, #tpu.memory_space<hbm>>
      %dma_wait3A_80 = arith.constant 0 : i32
      %dma_wait3A_81 = tpu.memref_slice %arg6[%arg0, %add3A_67, %dma_wait3A_80] : memref<2x10240x128xf32, #tpu.memory_space<hbm>> -> memref<1x128x128xf32, #tpu.memory_space<hbm>>
      %dma_wait3A_82 = tpu.memref_squeeze %dma_wait3A_81 : memref<1x128x128xf32, #tpu.memory_space<hbm>> -> memref<128x128xf32, #tpu.memory_space<hbm>>
      tpu.wait_dma2 semaphore(%run_scoped3A : memref<!tpu.dma_semaphore, #tpu.memory_space<semaphore_mem>>) src(%arg9 : memref<128x128xf32, #tpu.memory_space<vmem>>) dst(%dma_wait3A_82 : memref<128x128xf32, #tpu.memory_space<hbm>>)
      tpu.yield
    }) : () -> ()
    %add3A_68 = arith.constant 512 : i32
    %add3A_69 = arith.addi %mul3A_2, %add3A_68 : i32
    "tpu.region"() ({
      %run_scoped3A = tpu.sem_alloc : memref<!tpu.dma_semaphore, #tpu.memory_space<semaphore_mem>>
      %dma_start3A_72 = arith.constant 0 : i32
      %dma_start3A_73 = tpu.memref_slice %arg11[%add3A_69, %dma_start3A_72] : memref<10240x128xf32, #tpu.memory_space<vmem_shared>> -> memref<128x128xf32, #tpu.memory_space<vmem_shared>>
      %dma_start3A_74 = arith.constant 0 : i32
      %dma_start3A_75 = tpu.memref_slice %arg11[%add3A_69, %dma_start3A_74] : memref<10240x128xf32, #tpu.memory_space<vmem_shared>> -> memref<128x128xf32, #tpu.memory_space<vmem_shared>>
      tpu.enqueue_dma source(%dma_start3A_75 : memref<128x128xf32, #tpu.memory_space<vmem_shared>>) target(%arg9 : memref<128x128xf32, #tpu.memory_space<vmem>>) target_semaphore(%run_scoped3A : memref<!tpu.dma_semaphore, #tpu.memory_space<semaphore_mem>>)
      %dma_wait3A = arith.constant 0 : i32
      %dma_wait3A_76 = tpu.memref_slice %arg11[%add3A_69, %dma_wait3A] : memref<10240x128xf32, #tpu.memory_space<vmem_shared>> -> memref<128x128xf32, #tpu.memory_space<vmem_shared>>
      %dma_wait3A_77 = arith.constant 0 : i32
      %dma_wait3A_78 = tpu.memref_slice %arg11[%add3A_69, %dma_wait3A_77] : memref<10240x128xf32, #tpu.memory_space<vmem_shared>> -> memref<128x128xf32, #tpu.memory_space<vmem_shared>>
      tpu.wait_dma2 semaphore(%run_scoped3A : memref<!tpu.dma_semaphore, #tpu.memory_space<semaphore_mem>>) src(%dma_wait3A_78 : memref<128x128xf32, #tpu.memory_space<vmem_shared>>) dst(%arg9 : memref<128x128xf32, #tpu.memory_space<vmem>>)
      tpu.yield
    }) : () -> ()
    %add3A_70 = arith.constant 512 : i32
    %add3A_71 = arith.addi %mul3A_2, %add3A_70 : i32
    "tpu.region"() ({
      %run_scoped3A = tpu.sem_alloc : memref<!tpu.dma_semaphore, #tpu.memory_space<semaphore_mem>>
      %dma_start3A_72 = arith.constant 0 : i32
      %dma_start3A_73 = tpu.memref_slice %arg6[%arg0, %add3A_71, %dma_start3A_72] : memref<2x10240x128xf32, #tpu.memory_space<hbm>> -> memref<1x128x128xf32, #tpu.memory_space<hbm>>
      %dma_start3A_74 = tpu.memref_squeeze %dma_start3A_73 : memref<1x128x128xf32, #tpu.memory_space<hbm>> -> memref<128x128xf32, #tpu.memory_space<hbm>>
      %dma_start3A_75 = arith.constant 0 : i32
      %dma_start3A_76 = tpu.memref_slice %arg6[%arg0, %add3A_71, %dma_start3A_75] : memref<2x10240x128xf32, #tpu.memory_space<hbm>> -> memref<1x128x128xf32, #tpu.memory_space<hbm>>
      %dma_start3A_77 = tpu.memref_squeeze %dma_start3A_76 : memref<1x128x128xf32, #tpu.memory_space<hbm>> -> memref<128x128xf32, #tpu.memory_space<hbm>>
      tpu.enqueue_dma source(%arg9 : memref<128x128xf32, #tpu.memory_space<vmem>>) target(%dma_start3A_77 : memref<128x128xf32, #tpu.memory_space<hbm>>) target_semaphore(%run_scoped3A : memref<!tpu.dma_semaphore, #tpu.memory_space<semaphore_mem>>)
      %dma_wait3A = arith.constant 0 : i32
      %dma_wait3A_78 = tpu.memref_slice %arg6[%arg0, %add3A_71, %dma_wait3A] : memref<2x10240x128xf32, #tpu.memory_space<hbm>> -> memref<1x128x128xf32, #tpu.memory_space<hbm>>
      %dma_wait3A_79 = tpu.memref_squeeze %dma_wait3A_78 : memref<1x128x128xf32, #tpu.memory_space<hbm>> -> memref<128x128xf32, #tpu.memory_space<hbm>>
      %dma_wait3A_80 = arith.constant 0 : i32
      %dma_wait3A_81 = tpu.memref_slice %arg6[%arg0, %add3A_71, %dma_wait3A_80] : memref<2x10240x128xf32, #tpu.memory_space<hbm>> -> memref<1x128x128xf32, #tpu.memory_space<hbm>>
      %dma_wait3A_82 = tpu.memref_squeeze %dma_wait3A_81 : memref<1x128x128xf32, #tpu.memory_space<hbm>> -> memref<128x128xf32, #tpu.memory_space<hbm>>
      tpu.wait_dma2 semaphore(%run_scoped3A : memref<!tpu.dma_semaphore, #tpu.memory_space<semaphore_mem>>) src(%arg9 : memref<128x128xf32, #tpu.memory_space<vmem>>) dst(%dma_wait3A_82 : memref<128x128xf32, #tpu.memory_space<hbm>>)
      tpu.yield
    }) : () -> ()
    return
  }
}

#map = affine_map<(d0, d1) -> (0, 0)>
#map1 = affine_map<(d0, d1) -> (0, 0, 0)>
module attributes {stable_mosaic.version = 14 : i64} {
  func.func @k(%arg0: i32, %arg1: i32, %arg2: memref<10000x128xf32, #tpu.memory_space<hbm>>, %arg3: memref<32x80x128xi32, #tpu.memory_space<hbm>>, %arg4: memref<32x80x128xi32, #tpu.memory_space<hbm>>, %arg5: memref<128x128xf32, #tpu.memory_space<hbm>>, %arg6: memref<2x10240x128xf32, #tpu.memory_space<hbm>>, %arg7: memref<40x128xi32, #tpu.memory_space<vmem>>, %arg8: memref<40x128xi32, #tpu.memory_space<vmem>>, %arg9: memref<128x128xf32, #tpu.memory_space<vmem>>, %arg10: memref<128x128xf32, #tpu.memory_space<vmem>>, %arg11: memref<10240x128xf32, #tpu.memory_space<vmem_shared>>, %arg12: memref<!tpu.dma_semaphore, #tpu.memory_space<semaphore_mem>>, %arg13: memref<!tpu.dma_semaphore, #tpu.memory_space<semaphore_mem>>) attributes {dimension_semantics = [#tpu.dimension_semantics<core_parallel>, #tpu.dimension_semantics<subcore_parallel>], iteration_bounds = array<i64: 2, 16>, scalar_prefetch = 0 : i64, scratch_operands = 7 : i64, tpu.core_type = #tpu.core_type<sc_vector_subcore>, window_params = [{transform_indices = #map}, {transform_indices = #map1}, {transform_indices = #map1}, {transform_indices = #map}, {transform_indices = #map1}]} {
    %mul3A = arith.constant 2 : i32
    %mul3A_0 = arith.muli %arg1, %mul3A : i32
    %add3A = arith.addi %mul3A_0, %arg0 : i32
    %mul3A_1 = arith.constant 640 : i32
    %mul3A_2 = arith.muli %arg1, %mul3A_1 : i32
    "tpu.region"() ({
      %run_scoped3A = tpu.sem_alloc : memref<!tpu.dma_semaphore, #tpu.memory_space<semaphore_mem>>
      tpu.enqueue_dma source(%arg5 : memref<128x128xf32, #tpu.memory_space<hbm>>) target(%arg9 : memref<128x128xf32, #tpu.memory_space<vmem>>) target_semaphore(%run_scoped3A : memref<!tpu.dma_semaphore, #tpu.memory_space<semaphore_mem>>)
      tpu.wait_dma2 semaphore(%run_scoped3A : memref<!tpu.dma_semaphore, #tpu.memory_space<semaphore_mem>>) src(%arg5 : memref<128x128xf32, #tpu.memory_space<hbm>>) dst(%arg9 : memref<128x128xf32, #tpu.memory_space<vmem>>)
      tpu.yield
    }) : () -> ()
    %add3A_3 = arith.constant 0 : i32
    %add3A_4 = arith.addi %mul3A_2, %add3A_3 : i32
    "tpu.region"() ({
      %run_scoped3A = tpu.sem_alloc : memref<!tpu.dma_semaphore, #tpu.memory_space<semaphore_mem>>
      %dma_start3A_72 = arith.constant 0 : i32
      %dma_start3A_73 = tpu.memref_slice %arg11[%add3A_4, %dma_start3A_72] : memref<10240x128xf32, #tpu.memory_space<vmem_shared>> -> memref<128x128xf32, #tpu.memory_space<vmem_shared>>
      %dma_start3A_74 = arith.constant 0 : i32
      %dma_start3A_75 = tpu.memref_slice %arg11[%add3A_4, %dma_start3A_74] : memref<10240x128xf32, #tpu.memory_space<vmem_shared>> -> memref<128x128xf32, #tpu.memory_space<vmem_shared>>
      tpu.enqueue_dma source(%arg9 : memref<128x128xf32, #tpu.memory_space<vmem>>) target(%dma_start3A_75 : memref<128x128xf32, #tpu.memory_space<vmem_shared>>) target_semaphore(%run_scoped3A : memref<!tpu.dma_semaphore, #tpu.memory_space<semaphore_mem>>)
      %dma_wait3A = arith.constant 0 : i32
      %dma_wait3A_76 = tpu.memref_slice %arg11[%add3A_4, %dma_wait3A] : memref<10240x128xf32, #tpu.memory_space<vmem_shared>> -> memref<128x128xf32, #tpu.memory_space<vmem_shared>>
      %dma_wait3A_77 = arith.constant 0 : i32
      %dma_wait3A_78 = tpu.memref_slice %arg11[%add3A_4, %dma_wait3A_77] : memref<10240x128xf32, #tpu.memory_space<vmem_shared>> -> memref<128x128xf32, #tpu.memory_space<vmem_shared>>
      tpu.wait_dma2 semaphore(%run_scoped3A : memref<!tpu.dma_semaphore, #tpu.memory_space<semaphore_mem>>) src(%arg9 : memref<128x128xf32, #tpu.memory_space<vmem>>) dst(%dma_wait3A_78 : memref<128x128xf32, #tpu.memory_space<vmem_shared>>)
      tpu.yield
    }) : () -> ()
    %add3A_5 = arith.constant 128 : i32
    %add3A_6 = arith.addi %mul3A_2, %add3A_5 : i32
    "tpu.region"() ({
      %run_scoped3A = tpu.sem_alloc : memref<!tpu.dma_semaphore, #tpu.memory_space<semaphore_mem>>
      %dma_start3A_72 = arith.constant 0 : i32
      %dma_start3A_73 = tpu.memref_slice %arg11[%add3A_6, %dma_start3A_72] : memref<10240x128xf32, #tpu.memory_space<vmem_shared>> -> memref<128x128xf32, #tpu.memory_space<vmem_shared>>
      %dma_start3A_74 = arith.constant 0 : i32
      %dma_start3A_75 = tpu.memref_slice %arg11[%add3A_6, %dma_start3A_74] : memref<10240x128xf32, #tpu.memory_space<vmem_shared>> -> memref<128x128xf32, #tpu.memory_space<vmem_shared>>
      tpu.enqueue_dma source(%arg9 : memref<128x128xf32, #tpu.memory_space<vmem>>) target(%dma_start3A_75 : memref<128x128xf32, #tpu.memory_space<vmem_shared>>) target_semaphore(%run_scoped3A : memref<!tpu.dma_semaphore, #tpu.memory_space<semaphore_mem>>)
      %dma_wait3A = arith.constant 0 : i32
      %dma_wait3A_76 = tpu.memref_slice %arg11[%add3A_6, %dma_wait3A] : memref<10240x128xf32, #tpu.memory_space<vmem_shared>> -> memref<128x128xf32, #tpu.memory_space<vmem_shared>>
      %dma_wait3A_77 = arith.constant 0 : i32
      %dma_wait3A_78 = tpu.memref_slice %arg11[%add3A_6, %dma_wait3A_77] : memref<10240x128xf32, #tpu.memory_space<vmem_shared>> -> memref<128x128xf32, #tpu.memory_space<vmem_shared>>
      tpu.wait_dma2 semaphore(%run_scoped3A : memref<!tpu.dma_semaphore, #tpu.memory_space<semaphore_mem>>) src(%arg9 : memref<128x128xf32, #tpu.memory_space<vmem>>) dst(%dma_wait3A_78 : memref<128x128xf32, #tpu.memory_space<vmem_shared>>)
      tpu.yield
    }) : () -> ()
    %add3A_7 = arith.constant 256 : i32
    %add3A_8 = arith.addi %mul3A_2, %add3A_7 : i32
    "tpu.region"() ({
      %run_scoped3A = tpu.sem_alloc : memref<!tpu.dma_semaphore, #tpu.memory_space<semaphore_mem>>
      %dma_start3A_72 = arith.constant 0 : i32
      %dma_start3A_73 = tpu.memref_slice %arg11[%add3A_8, %dma_start3A_72] : memref<10240x128xf32, #tpu.memory_space<vmem_shared>> -> memref<128x128xf32, #tpu.memory_space<vmem_shared>>
      %dma_start3A_74 = arith.constant 0 : i32
      %dma_start3A_75 = tpu.memref_slice %arg11[%add3A_8, %dma_start3A_74] : memref<10240x128xf32, #tpu.memory_space<vmem_shared>> -> memref<128x128xf32, #tpu.memory_space<vmem_shared>>
      tpu.enqueue_dma source(%arg9 : memref<128x128xf32, #tpu.memory_space<vmem>>) target(%dma_start3A_75 : memref<128x128xf32, #tpu.memory_space<vmem_shared>>) target_semaphore(%run_scoped3A : memref<!tpu.dma_semaphore, #tpu.memory_space<semaphore_mem>>)
      %dma_wait3A = arith.constant 0 : i32
      %dma_wait3A_76 = tpu.memref_slice %arg11[%add3A_8, %dma_wait3A] : memref<10240x128xf32, #tpu.memory_space<vmem_shared>> -> memref<128x128xf32, #tpu.memory_space<vmem_shared>>
      %dma_wait3A_77 = arith.constant 0 : i32
      %dma_wait3A_78 = tpu.memref_slice %arg11[%add3A_8, %dma_wait3A_77] : memref<10240x128xf32, #tpu.memory_space<vmem_shared>> -> memref<128x128xf32, #tpu.memory_space<vmem_shared>>
      tpu.wait_dma2 semaphore(%run_scoped3A : memref<!tpu.dma_semaphore, #tpu.memory_space<semaphore_mem>>) src(%arg9 : memref<128x128xf32, #tpu.memory_space<vmem>>) dst(%dma_wait3A_78 : memref<128x128xf32, #tpu.memory_space<vmem_shared>>)
      tpu.yield
    }) : () -> ()
    %add3A_9 = arith.constant 384 : i32
    %add3A_10 = arith.addi %mul3A_2, %add3A_9 : i32
    "tpu.region"() ({
      %run_scoped3A = tpu.sem_alloc : memref<!tpu.dma_semaphore, #tpu.memory_space<semaphore_mem>>
      %dma_start3A_72 = arith.constant 0 : i32
      %dma_start3A_73 = tpu.memref_slice %arg11[%add3A_10, %dma_start3A_72] : memref<10240x128xf32, #tpu.memory_space<vmem_shared>> -> memref<128x128xf32, #tpu.memory_space<vmem_shared>>
      %dma_start3A_74 = arith.constant 0 : i32
      %dma_start3A_75 = tpu.memref_slice %arg11[%add3A_10, %dma_start3A_74] : memref<10240x128xf32, #tpu.memory_space<vmem_shared>> -> memref<128x128xf32, #tpu.memory_space<vmem_shared>>
      tpu.enqueue_dma source(%arg9 : memref<128x128xf32, #tpu.memory_space<vmem>>) target(%dma_start3A_75 : memref<128x128xf32, #tpu.memory_space<vmem_shared>>) target_semaphore(%run_scoped3A : memref<!tpu.dma_semaphore, #tpu.memory_space<semaphore_mem>>)
      %dma_wait3A = arith.constant 0 : i32
      %dma_wait3A_76 = tpu.memref_slice %arg11[%add3A_10, %dma_wait3A] : memref<10240x128xf32, #tpu.memory_space<vmem_shared>> -> memref<128x128xf32, #tpu.memory_space<vmem_shared>>
      %dma_wait3A_77 = arith.constant 0 : i32
      %dma_wait3A_78 = tpu.memref_slice %arg11[%add3A_10, %dma_wait3A_77] : memref<10240x128xf32, #tpu.memory_space<vmem_shared>> -> memref<128x128xf32, #tpu.memory_space<vmem_shared>>
      tpu.wait_dma2 semaphore(%run_scoped3A : memref<!tpu.dma_semaphore, #tpu.memory_space<semaphore_mem>>) src(%arg9 : memref<128x128xf32, #tpu.memory_space<vmem>>) dst(%dma_wait3A_78 : memref<128x128xf32, #tpu.memory_space<vmem_shared>>)
      tpu.yield
    }) : () -> ()
    %add3A_11 = arith.constant 512 : i32
    %add3A_12 = arith.addi %mul3A_2, %add3A_11 : i32
    "tpu.region"() ({
      %run_scoped3A = tpu.sem_alloc : memref<!tpu.dma_semaphore, #tpu.memory_space<semaphore_mem>>
      %dma_start3A_72 = arith.constant 0 : i32
      %dma_start3A_73 = tpu.memref_slice %arg11[%add3A_12, %dma_start3A_72] : memref<10240x128xf32, #tpu.memory_space<vmem_shared>> -> memref<128x128xf32, #tpu.memory_space<vmem_shared>>
      %dma_start3A_74 = arith.constant 0 : i32
      %dma_start3A_75 = tpu.memref_slice %arg11[%add3A_12, %dma_start3A_74] : memref<10240x128xf32, #tpu.memory_space<vmem_shared>> -> memref<128x128xf32, #tpu.memory_space<vmem_shared>>
      tpu.enqueue_dma source(%arg9 : memref<128x128xf32, #tpu.memory_space<vmem>>) target(%dma_start3A_75 : memref<128x128xf32, #tpu.memory_space<vmem_shared>>) target_semaphore(%run_scoped3A : memref<!tpu.dma_semaphore, #tpu.memory_space<semaphore_mem>>)
      %dma_wait3A = arith.constant 0 : i32
      %dma_wait3A_76 = tpu.memref_slice %arg11[%add3A_12, %dma_wait3A] : memref<10240x128xf32, #tpu.memory_space<vmem_shared>> -> memref<128x128xf32, #tpu.memory_space<vmem_shared>>
      %dma_wait3A_77 = arith.constant 0 : i32
      %dma_wait3A_78 = tpu.memref_slice %arg11[%add3A_12, %dma_wait3A_77] : memref<10240x128xf32, #tpu.memory_space<vmem_shared>> -> memref<128x128xf32, #tpu.memory_space<vmem_shared>>
      tpu.wait_dma2 semaphore(%run_scoped3A : memref<!tpu.dma_semaphore, #tpu.memory_space<semaphore_mem>>) src(%arg9 : memref<128x128xf32, #tpu.memory_space<vmem>>) dst(%dma_wait3A_78 : memref<128x128xf32, #tpu.memory_space<vmem_shared>>)
      tpu.yield
    }) : () -> ()
    %barrier3A = arith.constant 0 : index
    tpu.barrier barrier_id(%barrier3A)
    "tpu.region"() ({
      %run_scoped3A = tpu.sem_alloc : memref<!tpu.dma_semaphore, #tpu.memory_space<semaphore_mem>>
      %dma_start3A_72 = arith.constant 0 : i32
      %dma_start3A_73 = arith.constant 0 : i32
      %dma_start3A_74 = tpu.memref_slice %arg3[%add3A, %dma_start3A_72, %dma_start3A_73] : memref<32x80x128xi32, #tpu.memory_space<hbm>> -> memref<1x40x128xi32, #tpu.memory_space<hbm>>
      %dma_start3A_75 = tpu.memref_squeeze %dma_start3A_74 : memref<1x40x128xi32, #tpu.memory_space<hbm>> -> memref<40x128xi32, #tpu.memory_space<hbm>>
      %dma_start3A_76 = arith.constant 0 : i32
      %dma_start3A_77 = arith.constant 0 : i32
      %dma_start3A_78 = tpu.memref_slice %arg3[%add3A, %dma_start3A_76, %dma_start3A_77] : memref<32x80x128xi32, #tpu.memory_space<hbm>> -> memref<1x40x128xi32, #tpu.memory_space<hbm>>
      %dma_start3A_79 = tpu.memref_squeeze %dma_start3A_78 : memref<1x40x128xi32, #tpu.memory_space<hbm>> -> memref<40x128xi32, #tpu.memory_space<hbm>>
      tpu.enqueue_dma source(%dma_start3A_79 : memref<40x128xi32, #tpu.memory_space<hbm>>) target(%arg7 : memref<40x128xi32, #tpu.memory_space<vmem>>) target_semaphore(%run_scoped3A : memref<!tpu.dma_semaphore, #tpu.memory_space<semaphore_mem>>)
      %dma_wait3A = arith.constant 0 : i32
      %dma_wait3A_80 = arith.constant 0 : i32
      %dma_wait3A_81 = tpu.memref_slice %arg3[%add3A, %dma_wait3A, %dma_wait3A_80] : memref<32x80x128xi32, #tpu.memory_space<hbm>> -> memref<1x40x128xi32, #tpu.memory_space<hbm>>
      %dma_wait3A_82 = tpu.memref_squeeze %dma_wait3A_81 : memref<1x40x128xi32, #tpu.memory_space<hbm>> -> memref<40x128xi32, #tpu.memory_space<hbm>>
      %dma_wait3A_83 = arith.constant 0 : i32
      %dma_wait3A_84 = arith.constant 0 : i32
      %dma_wait3A_85 = tpu.memref_slice %arg3[%add3A, %dma_wait3A_83, %dma_wait3A_84] : memref<32x80x128xi32, #tpu.memory_space<hbm>> -> memref<1x40x128xi32, #tpu.memory_space<hbm>>
      %dma_wait3A_86 = tpu.memref_squeeze %dma_wait3A_85 : memref<1x40x128xi32, #tpu.memory_space<hbm>> -> memref<40x128xi32, #tpu.memory_space<hbm>>
      tpu.wait_dma2 semaphore(%run_scoped3A : memref<!tpu.dma_semaphore, #tpu.memory_space<semaphore_mem>>) src(%dma_wait3A_86 : memref<40x128xi32, #tpu.memory_space<hbm>>) dst(%arg7 : memref<40x128xi32, #tpu.memory_space<vmem>>)
      tpu.yield
    }) : () -> ()
    "tpu.region"() ({
      %run_scoped3A = tpu.sem_alloc : memref<!tpu.dma_semaphore, #tpu.memory_space<semaphore_mem>>
      %dma_start3A_72 = arith.constant 0 : i32
      %dma_start3A_73 = arith.constant 0 : i32
      %dma_start3A_74 = tpu.memref_slice %arg4[%add3A, %dma_start3A_72, %dma_start3A_73] : memref<32x80x128xi32, #tpu.memory_space<hbm>> -> memref<1x40x128xi32, #tpu.memory_space<hbm>>
      %dma_start3A_75 = tpu.memref_squeeze %dma_start3A_74 : memref<1x40x128xi32, #tpu.memory_space<hbm>> -> memref<40x128xi32, #tpu.memory_space<hbm>>
      %dma_start3A_76 = arith.constant 0 : i32
      %dma_start3A_77 = arith.constant 0 : i32
      %dma_start3A_78 = tpu.memref_slice %arg4[%add3A, %dma_start3A_76, %dma_start3A_77] : memref<32x80x128xi32, #tpu.memory_space<hbm>> -> memref<1x40x128xi32, #tpu.memory_space<hbm>>
      %dma_start3A_79 = tpu.memref_squeeze %dma_start3A_78 : memref<1x40x128xi32, #tpu.memory_space<hbm>> -> memref<40x128xi32, #tpu.memory_space<hbm>>
      tpu.enqueue_dma source(%dma_start3A_79 : memref<40x128xi32, #tpu.memory_space<hbm>>) target(%arg8 : memref<40x128xi32, #tpu.memory_space<vmem>>) target_semaphore(%run_scoped3A : memref<!tpu.dma_semaphore, #tpu.memory_space<semaphore_mem>>)
      %dma_wait3A = arith.constant 0 : i32
      %dma_wait3A_80 = arith.constant 0 : i32
      %dma_wait3A_81 = tpu.memref_slice %arg4[%add3A, %dma_wait3A, %dma_wait3A_80] : memref<32x80x128xi32, #tpu.memory_space<hbm>> -> memref<1x40x128xi32, #tpu.memory_space<hbm>>
      %dma_wait3A_82 = tpu.memref_squeeze %dma_wait3A_81 : memref<1x40x128xi32, #tpu.memory_space<hbm>> -> memref<40x128xi32, #tpu.memory_space<hbm>>
      %dma_wait3A_83 = arith.constant 0 : i32
      %dma_wait3A_84 = arith.constant 0 : i32
      %dma_wait3A_85 = tpu.memref_slice %arg4[%add3A, %dma_wait3A_83, %dma_wait3A_84] : memref<32x80x128xi32, #tpu.memory_space<hbm>> -> memref<1x40x128xi32, #tpu.memory_space<hbm>>
      %dma_wait3A_86 = tpu.memref_squeeze %dma_wait3A_85 : memref<1x40x128xi32, #tpu.memory_space<hbm>> -> memref<40x128xi32, #tpu.memory_space<hbm>>
      tpu.wait_dma2 semaphore(%run_scoped3A : memref<!tpu.dma_semaphore, #tpu.memory_space<semaphore_mem>>) src(%dma_wait3A_86 : memref<40x128xi32, #tpu.memory_space<hbm>>) dst(%arg8 : memref<40x128xi32, #tpu.memory_space<vmem>>)
      tpu.yield
    }) : () -> ()
    %dma_start3A = arith.constant 0 : i32
    %dma_start3A_13 = arith.constant 0 : i32
    %dma_start3A_14 = tpu.memref_slice %arg7[%dma_start3A, %dma_start3A_13] : memref<40x128xi32, #tpu.memory_space<vmem>> -> memref<1x128xi32, #tpu.memory_space<vmem>>
    %dma_start3A_15 = tpu.memref_squeeze %dma_start3A_14 : memref<1x128xi32, #tpu.memory_space<vmem>> -> memref<128xi32, #tpu.memory_space<vmem>>
    %dma_start3A_16 = arith.constant 0 : i32
    %dma_start3A_17 = arith.constant 0 : i32
    %dma_start3A_18 = tpu.memref_slice %arg2[%dma_start3A_16, %dma_start3A_17] : memref<10000x128xf32, #tpu.memory_space<hbm>> -> memref<10000x128xf32, #tpu.memory_space<hbm>>
    tpu.enqueue_indirect_dma source(%dma_start3A_18 : memref<10000x128xf32, #tpu.memory_space<hbm>>) target(%arg9 : memref<128x128xf32, #tpu.memory_space<vmem>>) offsets(%dma_start3A_15 : memref<128xi32, #tpu.memory_space<vmem>>) semaphore(%arg12 : memref<!tpu.dma_semaphore, #tpu.memory_space<semaphore_mem>>)
    %dma_start3A_19 = arith.constant 1 : i32
    %dma_start3A_20 = arith.constant 0 : i32
    %dma_start3A_21 = tpu.memref_slice %arg7[%dma_start3A_19, %dma_start3A_20] : memref<40x128xi32, #tpu.memory_space<vmem>> -> memref<1x128xi32, #tpu.memory_space<vmem>>
    %dma_start3A_22 = tpu.memref_squeeze %dma_start3A_21 : memref<1x128xi32, #tpu.memory_space<vmem>> -> memref<128xi32, #tpu.memory_space<vmem>>
    %dma_start3A_23 = arith.constant 0 : i32
    %dma_start3A_24 = arith.constant 0 : i32
    %dma_start3A_25 = tpu.memref_slice %arg2[%dma_start3A_23, %dma_start3A_24] : memref<10000x128xf32, #tpu.memory_space<hbm>> -> memref<10000x128xf32, #tpu.memory_space<hbm>>
    tpu.enqueue_indirect_dma source(%dma_start3A_25 : memref<10000x128xf32, #tpu.memory_space<hbm>>) target(%arg10 : memref<128x128xf32, #tpu.memory_space<vmem>>) offsets(%dma_start3A_22 : memref<128xi32, #tpu.memory_space<vmem>>) semaphore(%arg13 : memref<!tpu.dma_semaphore, #tpu.memory_space<semaphore_mem>>)
    %scan3A = arith.constant 0 : i32
    %scan3A_26 = arith.constant 0 : i32
    %scan3A_27 = arith.constant 20 : i32
    %scan3A_28 = arith.addi %scan3A_26, %scan3A_27 : i32
    %scan3A_29 = arith.constant 1 : i32
    scf.for %scan3A_72 = %scan3A_26 to %scan3A_28 step %scan3A_29  : i32 {
      %dma_wait3A = arith.constant 0 : i32
      %dma_wait3A_73 = arith.constant 0 : i32
      %dma_wait3A_74 = tpu.memref_slice %arg7[%dma_wait3A, %dma_wait3A_73] : memref<40x128xi32, #tpu.memory_space<vmem>> -> memref<1x128xi32, #tpu.memory_space<vmem>>
      %dma_wait3A_75 = tpu.memref_squeeze %dma_wait3A_74 : memref<1x128xi32, #tpu.memory_space<vmem>> -> memref<128xi32, #tpu.memory_space<vmem>>
      %dma_wait3A_76 = arith.constant 0 : i32
      %dma_wait3A_77 = arith.constant 0 : i32
      %dma_wait3A_78 = tpu.memref_slice %arg2[%dma_wait3A_76, %dma_wait3A_77] : memref<10000x128xf32, #tpu.memory_space<hbm>> -> memref<10000x128xf32, #tpu.memory_space<hbm>>
      tpu.wait_indirect_dma semaphore(%arg12 : memref<!tpu.dma_semaphore, #tpu.memory_space<semaphore_mem>>) src(%dma_wait3A_78 : memref<10000x128xf32, #tpu.memory_space<hbm>>) dst(%arg9 : memref<128x128xf32, #tpu.memory_space<vmem>>)
      %mul3A_79 = arith.constant 2 : i32
      %mul3A_80 = arith.muli %mul3A_79, %scan3A_72 : i32
      "tpu.region"() ({
        %run_scoped3A = tpu.sem_alloc : memref<!tpu.dma_semaphore, #tpu.memory_space<semaphore_mem>>
        %dma_start3A_99 = arith.constant 0 : i32
        %dma_start3A_100 = tpu.memref_slice %arg8[%mul3A_80, %dma_start3A_99] : memref<40x128xi32, #tpu.memory_space<vmem>> -> memref<1x128xi32, #tpu.memory_space<vmem>>
        %dma_start3A_101 = tpu.memref_squeeze %dma_start3A_100 : memref<1x128xi32, #tpu.memory_space<vmem>> -> memref<128xi32, #tpu.memory_space<vmem>>
        %dma_start3A_102 = arith.constant 0 : i32
        %dma_start3A_103 = arith.constant 0 : i32
        %dma_start3A_104 = tpu.memref_slice %arg11[%dma_start3A_102, %dma_start3A_103] : memref<10240x128xf32, #tpu.memory_space<vmem_shared>> -> memref<10240x128xf32, #tpu.memory_space<vmem_shared>>
        tpu.enqueue_indirect_dma source(%arg9 : memref<128x128xf32, #tpu.memory_space<vmem>>) target(%dma_start3A_104 : memref<10240x128xf32, #tpu.memory_space<vmem_shared>>) offsets(%dma_start3A_101 : memref<128xi32, #tpu.memory_space<vmem>>) semaphore(%run_scoped3A : memref<!tpu.dma_semaphore, #tpu.memory_space<semaphore_mem>>) {add = true}
        %dma_wait3A_105 = arith.constant 0 : i32
        %dma_wait3A_106 = tpu.memref_slice %arg8[%mul3A_80, %dma_wait3A_105] : memref<40x128xi32, #tpu.memory_space<vmem>> -> memref<1x128xi32, #tpu.memory_space<vmem>>
        %dma_wait3A_107 = tpu.memref_squeeze %dma_wait3A_106 : memref<1x128xi32, #tpu.memory_space<vmem>> -> memref<128xi32, #tpu.memory_space<vmem>>
        %dma_wait3A_108 = arith.constant 0 : i32
        %dma_wait3A_109 = arith.constant 0 : i32
        %dma_wait3A_110 = tpu.memref_slice %arg11[%dma_wait3A_108, %dma_wait3A_109] : memref<10240x128xf32, #tpu.memory_space<vmem_shared>> -> memref<10240x128xf32, #tpu.memory_space<vmem_shared>>
        tpu.wait_indirect_dma semaphore(%run_scoped3A : memref<!tpu.dma_semaphore, #tpu.memory_space<semaphore_mem>>) src(%arg9 : memref<128x128xf32, #tpu.memory_space<vmem>>) dst(%dma_wait3A_110 : memref<10240x128xf32, #tpu.memory_space<vmem_shared>>)
        tpu.yield
      }) : () -> ()
      %lt3A = arith.constant 19 : i32
      %lt3A_81 = arith.cmpi slt, %scan3A_72, %lt3A : i32
      %convert_element_type3A = arith.extui %lt3A_81 : i1 to i32
      %cond3A = arith.constant 0 : i32
      %cond3A_82 = arith.cmpi ne, %convert_element_type3A, %cond3A : i32
      scf.if %cond3A_82 {
        %mul3A_99 = arith.constant 2 : i32
        %mul3A_100 = arith.muli %mul3A_99, %scan3A_72 : i32
        %add3A_101 = arith.constant 2 : i32
        %add3A_102 = arith.addi %mul3A_100, %add3A_101 : i32
        %dma_start3A_103 = arith.constant 0 : i32
        %dma_start3A_104 = tpu.memref_slice %arg7[%add3A_102, %dma_start3A_103] : memref<40x128xi32, #tpu.memory_space<vmem>> -> memref<1x128xi32, #tpu.memory_space<vmem>>
        %dma_start3A_105 = tpu.memref_squeeze %dma_start3A_104 : memref<1x128xi32, #tpu.memory_space<vmem>> -> memref<128xi32, #tpu.memory_space<vmem>>
        %dma_start3A_106 = arith.constant 0 : i32
        %dma_start3A_107 = arith.constant 0 : i32
        %dma_start3A_108 = tpu.memref_slice %arg2[%dma_start3A_106, %dma_start3A_107] : memref<10000x128xf32, #tpu.memory_space<hbm>> -> memref<10000x128xf32, #tpu.memory_space<hbm>>
        tpu.enqueue_indirect_dma source(%dma_start3A_108 : memref<10000x128xf32, #tpu.memory_space<hbm>>) target(%arg9 : memref<128x128xf32, #tpu.memory_space<vmem>>) offsets(%dma_start3A_105 : memref<128xi32, #tpu.memory_space<vmem>>) semaphore(%arg12 : memref<!tpu.dma_semaphore, #tpu.memory_space<semaphore_mem>>)
      } else {
      }
      %dma_wait3A_83 = arith.constant 0 : i32
      %dma_wait3A_84 = arith.constant 0 : i32
      %dma_wait3A_85 = tpu.memref_slice %arg7[%dma_wait3A_83, %dma_wait3A_84] : memref<40x128xi32, #tpu.memory_space<vmem>> -> memref<1x128xi32, #tpu.memory_space<vmem>>
      %dma_wait3A_86 = tpu.memref_squeeze %dma_wait3A_85 : memref<1x128xi32, #tpu.memory_space<vmem>> -> memref<128xi32, #tpu.memory_space<vmem>>
      %dma_wait3A_87 = arith.constant 0 : i32
      %dma_wait3A_88 = arith.constant 0 : i32
      %dma_wait3A_89 = tpu.memref_slice %arg2[%dma_wait3A_87, %dma_wait3A_88] : memref<10000x128xf32, #tpu.memory_space<hbm>> -> memref<10000x128xf32, #tpu.memory_space<hbm>>
      tpu.wait_indirect_dma semaphore(%arg13 : memref<!tpu.dma_semaphore, #tpu.memory_space<semaphore_mem>>) src(%dma_wait3A_89 : memref<10000x128xf32, #tpu.memory_space<hbm>>) dst(%arg10 : memref<128x128xf32, #tpu.memory_space<vmem>>)
      %mul3A_90 = arith.constant 2 : i32
      %mul3A_91 = arith.muli %mul3A_90, %scan3A_72 : i32
      %add3A_92 = arith.constant 1 : i32
      %add3A_93 = arith.addi %mul3A_91, %add3A_92 : i32
      "tpu.region"() ({
        %run_scoped3A = tpu.sem_alloc : memref<!tpu.dma_semaphore, #tpu.memory_space<semaphore_mem>>
        %dma_start3A_99 = arith.constant 0 : i32
        %dma_start3A_100 = tpu.memref_slice %arg8[%add3A_93, %dma_start3A_99] : memref<40x128xi32, #tpu.memory_space<vmem>> -> memref<1x128xi32, #tpu.memory_space<vmem>>
        %dma_start3A_101 = tpu.memref_squeeze %dma_start3A_100 : memref<1x128xi32, #tpu.memory_space<vmem>> -> memref<128xi32, #tpu.memory_space<vmem>>
        %dma_start3A_102 = arith.constant 0 : i32
        %dma_start3A_103 = arith.constant 0 : i32
        %dma_start3A_104 = tpu.memref_slice %arg11[%dma_start3A_102, %dma_start3A_103] : memref<10240x128xf32, #tpu.memory_space<vmem_shared>> -> memref<10240x128xf32, #tpu.memory_space<vmem_shared>>
        tpu.enqueue_indirect_dma source(%arg10 : memref<128x128xf32, #tpu.memory_space<vmem>>) target(%dma_start3A_104 : memref<10240x128xf32, #tpu.memory_space<vmem_shared>>) offsets(%dma_start3A_101 : memref<128xi32, #tpu.memory_space<vmem>>) semaphore(%run_scoped3A : memref<!tpu.dma_semaphore, #tpu.memory_space<semaphore_mem>>) {add = true}
        %dma_wait3A_105 = arith.constant 0 : i32
        %dma_wait3A_106 = tpu.memref_slice %arg8[%add3A_93, %dma_wait3A_105] : memref<40x128xi32, #tpu.memory_space<vmem>> -> memref<1x128xi32, #tpu.memory_space<vmem>>
        %dma_wait3A_107 = tpu.memref_squeeze %dma_wait3A_106 : memref<1x128xi32, #tpu.memory_space<vmem>> -> memref<128xi32, #tpu.memory_space<vmem>>
        %dma_wait3A_108 = arith.constant 0 : i32
        %dma_wait3A_109 = arith.constant 0 : i32
        %dma_wait3A_110 = tpu.memref_slice %arg11[%dma_wait3A_108, %dma_wait3A_109] : memref<10240x128xf32, #tpu.memory_space<vmem_shared>> -> memref<10240x128xf32, #tpu.memory_space<vmem_shared>>
        tpu.wait_indirect_dma semaphore(%run_scoped3A : memref<!tpu.dma_semaphore, #tpu.memory_space<semaphore_mem>>) src(%arg10 : memref<128x128xf32, #tpu.memory_space<vmem>>) dst(%dma_wait3A_110 : memref<10240x128xf32, #tpu.memory_space<vmem_shared>>)
        tpu.yield
      }) : () -> ()
      %lt3A_94 = arith.constant 19 : i32
      %lt3A_95 = arith.cmpi slt, %scan3A_72, %lt3A_94 : i32
      %convert_element_type3A_96 = arith.extui %lt3A_95 : i1 to i32
      %cond3A_97 = arith.constant 0 : i32
      %cond3A_98 = arith.cmpi ne, %convert_element_type3A_96, %cond3A_97 : i32
      scf.if %cond3A_98 {
        %mul3A_99 = arith.constant 2 : i32
        %mul3A_100 = arith.muli %mul3A_99, %scan3A_72 : i32
        %add3A_101 = arith.constant 3 : i32
        %add3A_102 = arith.addi %mul3A_100, %add3A_101 : i32
        %dma_start3A_103 = arith.constant 0 : i32
        %dma_start3A_104 = tpu.memref_slice %arg7[%add3A_102, %dma_start3A_103] : memref<40x128xi32, #tpu.memory_space<vmem>> -> memref<1x128xi32, #tpu.memory_space<vmem>>
        %dma_start3A_105 = tpu.memref_squeeze %dma_start3A_104 : memref<1x128xi32, #tpu.memory_space<vmem>> -> memref<128xi32, #tpu.memory_space<vmem>>
        %dma_start3A_106 = arith.constant 0 : i32
        %dma_start3A_107 = arith.constant 0 : i32
        %dma_start3A_108 = tpu.memref_slice %arg2[%dma_start3A_106, %dma_start3A_107] : memref<10000x128xf32, #tpu.memory_space<hbm>> -> memref<10000x128xf32, #tpu.memory_space<hbm>>
        tpu.enqueue_indirect_dma source(%dma_start3A_108 : memref<10000x128xf32, #tpu.memory_space<hbm>>) target(%arg10 : memref<128x128xf32, #tpu.memory_space<vmem>>) offsets(%dma_start3A_105 : memref<128xi32, #tpu.memory_space<vmem>>) semaphore(%arg13 : memref<!tpu.dma_semaphore, #tpu.memory_space<semaphore_mem>>)
      } else {
      }
    }
    %scan3A_30 = arith.constant 20 : i32
    "tpu.region"() ({
      %run_scoped3A = tpu.sem_alloc : memref<!tpu.dma_semaphore, #tpu.memory_space<semaphore_mem>>
      %dma_start3A_72 = arith.constant 40 : i32
      %dma_start3A_73 = arith.constant 0 : i32
      %dma_start3A_74 = tpu.memref_slice %arg3[%add3A, %dma_start3A_72, %dma_start3A_73] : memref<32x80x128xi32, #tpu.memory_space<hbm>> -> memref<1x40x128xi32, #tpu.memory_space<hbm>>
      %dma_start3A_75 = tpu.memref_squeeze %dma_start3A_74 : memref<1x40x128xi32, #tpu.memory_space<hbm>> -> memref<40x128xi32, #tpu.memory_space<hbm>>
      %dma_start3A_76 = arith.constant 40 : i32
      %dma_start3A_77 = arith.constant 0 : i32
      %dma_start3A_78 = tpu.memref_slice %arg3[%add3A, %dma_start3A_76, %dma_start3A_77] : memref<32x80x128xi32, #tpu.memory_space<hbm>> -> memref<1x40x128xi32, #tpu.memory_space<hbm>>
      %dma_start3A_79 = tpu.memref_squeeze %dma_start3A_78 : memref<1x40x128xi32, #tpu.memory_space<hbm>> -> memref<40x128xi32, #tpu.memory_space<hbm>>
      tpu.enqueue_dma source(%dma_start3A_79 : memref<40x128xi32, #tpu.memory_space<hbm>>) target(%arg7 : memref<40x128xi32, #tpu.memory_space<vmem>>) target_semaphore(%run_scoped3A : memref<!tpu.dma_semaphore, #tpu.memory_space<semaphore_mem>>)
      %dma_wait3A = arith.constant 40 : i32
      %dma_wait3A_80 = arith.constant 0 : i32
      %dma_wait3A_81 = tpu.memref_slice %arg3[%add3A, %dma_wait3A, %dma_wait3A_80] : memref<32x80x128xi32, #tpu.memory_space<hbm>> -> memref<1x40x128xi32, #tpu.memory_space<hbm>>
      %dma_wait3A_82 = tpu.memref_squeeze %dma_wait3A_81 : memref<1x40x128xi32, #tpu.memory_space<hbm>> -> memref<40x128xi32, #tpu.memory_space<hbm>>
      %dma_wait3A_83 = arith.constant 40 : i32
      %dma_wait3A_84 = arith.constant 0 : i32
      %dma_wait3A_85 = tpu.memref_slice %arg3[%add3A, %dma_wait3A_83, %dma_wait3A_84] : memref<32x80x128xi32, #tpu.memory_space<hbm>> -> memref<1x40x128xi32, #tpu.memory_space<hbm>>
      %dma_wait3A_86 = tpu.memref_squeeze %dma_wait3A_85 : memref<1x40x128xi32, #tpu.memory_space<hbm>> -> memref<40x128xi32, #tpu.memory_space<hbm>>
      tpu.wait_dma2 semaphore(%run_scoped3A : memref<!tpu.dma_semaphore, #tpu.memory_space<semaphore_mem>>) src(%dma_wait3A_86 : memref<40x128xi32, #tpu.memory_space<hbm>>) dst(%arg7 : memref<40x128xi32, #tpu.memory_space<vmem>>)
      tpu.yield
    }) : () -> ()
    "tpu.region"() ({
      %run_scoped3A = tpu.sem_alloc : memref<!tpu.dma_semaphore, #tpu.memory_space<semaphore_mem>>
      %dma_start3A_72 = arith.constant 40 : i32
      %dma_start3A_73 = arith.constant 0 : i32
      %dma_start3A_74 = tpu.memref_slice %arg4[%add3A, %dma_start3A_72, %dma_start3A_73] : memref<32x80x128xi32, #tpu.memory_space<hbm>> -> memref<1x40x128xi32, #tpu.memory_space<hbm>>
      %dma_start3A_75 = tpu.memref_squeeze %dma_start3A_74 : memref<1x40x128xi32, #tpu.memory_space<hbm>> -> memref<40x128xi32, #tpu.memory_space<hbm>>
      %dma_start3A_76 = arith.constant 40 : i32
      %dma_start3A_77 = arith.constant 0 : i32
      %dma_start3A_78 = tpu.memref_slice %arg4[%add3A, %dma_start3A_76, %dma_start3A_77] : memref<32x80x128xi32, #tpu.memory_space<hbm>> -> memref<1x40x128xi32, #tpu.memory_space<hbm>>
      %dma_start3A_79 = tpu.memref_squeeze %dma_start3A_78 : memref<1x40x128xi32, #tpu.memory_space<hbm>> -> memref<40x128xi32, #tpu.memory_space<hbm>>
      tpu.enqueue_dma source(%dma_start3A_79 : memref<40x128xi32, #tpu.memory_space<hbm>>) target(%arg8 : memref<40x128xi32, #tpu.memory_space<vmem>>) target_semaphore(%run_scoped3A : memref<!tpu.dma_semaphore, #tpu.memory_space<semaphore_mem>>)
      %dma_wait3A = arith.constant 40 : i32
      %dma_wait3A_80 = arith.constant 0 : i32
      %dma_wait3A_81 = tpu.memref_slice %arg4[%add3A, %dma_wait3A, %dma_wait3A_80] : memref<32x80x128xi32, #tpu.memory_space<hbm>> -> memref<1x40x128xi32, #tpu.memory_space<hbm>>
      %dma_wait3A_82 = tpu.memref_squeeze %dma_wait3A_81 : memref<1x40x128xi32, #tpu.memory_space<hbm>> -> memref<40x128xi32, #tpu.memory_space<hbm>>
      %dma_wait3A_83 = arith.constant 40 : i32
      %dma_wait3A_84 = arith.constant 0 : i32
      %dma_wait3A_85 = tpu.memref_slice %arg4[%add3A, %dma_wait3A_83, %dma_wait3A_84] : memref<32x80x128xi32, #tpu.memory_space<hbm>> -> memref<1x40x128xi32, #tpu.memory_space<hbm>>
      %dma_wait3A_86 = tpu.memref_squeeze %dma_wait3A_85 : memref<1x40x128xi32, #tpu.memory_space<hbm>> -> memref<40x128xi32, #tpu.memory_space<hbm>>
      tpu.wait_dma2 semaphore(%run_scoped3A : memref<!tpu.dma_semaphore, #tpu.memory_space<semaphore_mem>>) src(%dma_wait3A_86 : memref<40x128xi32, #tpu.memory_space<hbm>>) dst(%arg8 : memref<40x128xi32, #tpu.memory_space<vmem>>)
      tpu.yield
    }) : () -> ()
    %dma_start3A_31 = arith.constant 0 : i32
    %dma_start3A_32 = arith.constant 0 : i32
    %dma_start3A_33 = tpu.memref_slice %arg7[%dma_start3A_31, %dma_start3A_32] : memref<40x128xi32, #tpu.memory_space<vmem>> -> memref<1x128xi32, #tpu.memory_space<vmem>>
    %dma_start3A_34 = tpu.memref_squeeze %dma_start3A_33 : memref<1x128xi32, #tpu.memory_space<vmem>> -> memref<128xi32, #tpu.memory_space<vmem>>
    %dma_start3A_35 = arith.constant 0 : i32
    %dma_start3A_36 = arith.constant 0 : i32
    %dma_start3A_37 = tpu.memref_slice %arg2[%dma_start3A_35, %dma_start3A_36] : memref<10000x128xf32, #tpu.memory_space<hbm>> -> memref<10000x128xf32, #tpu.memory_space<hbm>>
    tpu.enqueue_indirect_dma source(%dma_start3A_37 : memref<10000x128xf32, #tpu.memory_space<hbm>>) target(%arg9 : memref<128x128xf32, #tpu.memory_space<vmem>>) offsets(%dma_start3A_34 : memref<128xi32, #tpu.memory_space<vmem>>) semaphore(%arg12 : memref<!tpu.dma_semaphore, #tpu.memory_space<semaphore_mem>>)
    %dma_start3A_38 = arith.constant 1 : i32
    %dma_start3A_39 = arith.constant 0 : i32
    %dma_start3A_40 = tpu.memref_slice %arg7[%dma_start3A_38, %dma_start3A_39] : memref<40x128xi32, #tpu.memory_space<vmem>> -> memref<1x128xi32, #tpu.memory_space<vmem>>
    %dma_start3A_41 = tpu.memref_squeeze %dma_start3A_40 : memref<1x128xi32, #tpu.memory_space<vmem>> -> memref<128xi32, #tpu.memory_space<vmem>>
    %dma_start3A_42 = arith.constant 0 : i32
    %dma_start3A_43 = arith.constant 0 : i32
    %dma_start3A_44 = tpu.memref_slice %arg2[%dma_start3A_42, %dma_start3A_43] : memref<10000x128xf32, #tpu.memory_space<hbm>> -> memref<10000x128xf32, #tpu.memory_space<hbm>>
    tpu.enqueue_indirect_dma source(%dma_start3A_44 : memref<10000x128xf32, #tpu.memory_space<hbm>>) target(%arg10 : memref<128x128xf32, #tpu.memory_space<vmem>>) offsets(%dma_start3A_41 : memref<128xi32, #tpu.memory_space<vmem>>) semaphore(%arg13 : memref<!tpu.dma_semaphore, #tpu.memory_space<semaphore_mem>>)
    %scan3A_45 = arith.constant 0 : i32
    %scan3A_46 = arith.constant 0 : i32
    %scan3A_47 = arith.constant 20 : i32
    %scan3A_48 = arith.addi %scan3A_46, %scan3A_47 : i32
    %scan3A_49 = arith.constant 1 : i32
    scf.for %scan3A_72 = %scan3A_46 to %scan3A_48 step %scan3A_49  : i32 {
      %dma_wait3A = arith.constant 0 : i32
      %dma_wait3A_73 = arith.constant 0 : i32
      %dma_wait3A_74 = tpu.memref_slice %arg7[%dma_wait3A, %dma_wait3A_73] : memref<40x128xi32, #tpu.memory_space<vmem>> -> memref<1x128xi32, #tpu.memory_space<vmem>>
      %dma_wait3A_75 = tpu.memref_squeeze %dma_wait3A_74 : memref<1x128xi32, #tpu.memory_space<vmem>> -> memref<128xi32, #tpu.memory_space<vmem>>
      %dma_wait3A_76 = arith.constant 0 : i32
      %dma_wait3A_77 = arith.constant 0 : i32
      %dma_wait3A_78 = tpu.memref_slice %arg2[%dma_wait3A_76, %dma_wait3A_77] : memref<10000x128xf32, #tpu.memory_space<hbm>> -> memref<10000x128xf32, #tpu.memory_space<hbm>>
      tpu.wait_indirect_dma semaphore(%arg12 : memref<!tpu.dma_semaphore, #tpu.memory_space<semaphore_mem>>) src(%dma_wait3A_78 : memref<10000x128xf32, #tpu.memory_space<hbm>>) dst(%arg9 : memref<128x128xf32, #tpu.memory_space<vmem>>)
      %mul3A_79 = arith.constant 2 : i32
      %mul3A_80 = arith.muli %mul3A_79, %scan3A_72 : i32
      "tpu.region"() ({
        %run_scoped3A = tpu.sem_alloc : memref<!tpu.dma_semaphore, #tpu.memory_space<semaphore_mem>>
        %dma_start3A_99 = arith.constant 0 : i32
        %dma_start3A_100 = tpu.memref_slice %arg8[%mul3A_80, %dma_start3A_99] : memref<40x128xi32, #tpu.memory_space<vmem>> -> memref<1x128xi32, #tpu.memory_space<vmem>>
        %dma_start3A_101 = tpu.memref_squeeze %dma_start3A_100 : memref<1x128xi32, #tpu.memory_space<vmem>> -> memref<128xi32, #tpu.memory_space<vmem>>
        %dma_start3A_102 = arith.constant 0 : i32
        %dma_start3A_103 = arith.constant 0 : i32
        %dma_start3A_104 = tpu.memref_slice %arg11[%dma_start3A_102, %dma_start3A_103] : memref<10240x128xf32, #tpu.memory_space<vmem_shared>> -> memref<10240x128xf32, #tpu.memory_space<vmem_shared>>
        tpu.enqueue_indirect_dma source(%arg9 : memref<128x128xf32, #tpu.memory_space<vmem>>) target(%dma_start3A_104 : memref<10240x128xf32, #tpu.memory_space<vmem_shared>>) offsets(%dma_start3A_101 : memref<128xi32, #tpu.memory_space<vmem>>) semaphore(%run_scoped3A : memref<!tpu.dma_semaphore, #tpu.memory_space<semaphore_mem>>) {add = true}
        %dma_wait3A_105 = arith.constant 0 : i32
        %dma_wait3A_106 = tpu.memref_slice %arg8[%mul3A_80, %dma_wait3A_105] : memref<40x128xi32, #tpu.memory_space<vmem>> -> memref<1x128xi32, #tpu.memory_space<vmem>>
        %dma_wait3A_107 = tpu.memref_squeeze %dma_wait3A_106 : memref<1x128xi32, #tpu.memory_space<vmem>> -> memref<128xi32, #tpu.memory_space<vmem>>
        %dma_wait3A_108 = arith.constant 0 : i32
        %dma_wait3A_109 = arith.constant 0 : i32
        %dma_wait3A_110 = tpu.memref_slice %arg11[%dma_wait3A_108, %dma_wait3A_109] : memref<10240x128xf32, #tpu.memory_space<vmem_shared>> -> memref<10240x128xf32, #tpu.memory_space<vmem_shared>>
        tpu.wait_indirect_dma semaphore(%run_scoped3A : memref<!tpu.dma_semaphore, #tpu.memory_space<semaphore_mem>>) src(%arg9 : memref<128x128xf32, #tpu.memory_space<vmem>>) dst(%dma_wait3A_110 : memref<10240x128xf32, #tpu.memory_space<vmem_shared>>)
        tpu.yield
      }) : () -> ()
      %lt3A = arith.constant 19 : i32
      %lt3A_81 = arith.cmpi slt, %scan3A_72, %lt3A : i32
      %convert_element_type3A = arith.extui %lt3A_81 : i1 to i32
      %cond3A = arith.constant 0 : i32
      %cond3A_82 = arith.cmpi ne, %convert_element_type3A, %cond3A : i32
      scf.if %cond3A_82 {
        %mul3A_99 = arith.constant 2 : i32
        %mul3A_100 = arith.muli %mul3A_99, %scan3A_72 : i32
        %add3A_101 = arith.constant 2 : i32
        %add3A_102 = arith.addi %mul3A_100, %add3A_101 : i32
        %dma_start3A_103 = arith.constant 0 : i32
        %dma_start3A_104 = tpu.memref_slice %arg7[%add3A_102, %dma_start3A_103] : memref<40x128xi32, #tpu.memory_space<vmem>> -> memref<1x128xi32, #tpu.memory_space<vmem>>
        %dma_start3A_105 = tpu.memref_squeeze %dma_start3A_104 : memref<1x128xi32, #tpu.memory_space<vmem>> -> memref<128xi32, #tpu.memory_space<vmem>>
        %dma_start3A_106 = arith.constant 0 : i32
        %dma_start3A_107 = arith.constant 0 : i32
        %dma_start3A_108 = tpu.memref_slice %arg2[%dma_start3A_106, %dma_start3A_107] : memref<10000x128xf32, #tpu.memory_space<hbm>> -> memref<10000x128xf32, #tpu.memory_space<hbm>>
        tpu.enqueue_indirect_dma source(%dma_start3A_108 : memref<10000x128xf32, #tpu.memory_space<hbm>>) target(%arg9 : memref<128x128xf32, #tpu.memory_space<vmem>>) offsets(%dma_start3A_105 : memref<128xi32, #tpu.memory_space<vmem>>) semaphore(%arg12 : memref<!tpu.dma_semaphore, #tpu.memory_space<semaphore_mem>>)
      } else {
      }
      %dma_wait3A_83 = arith.constant 0 : i32
      %dma_wait3A_84 = arith.constant 0 : i32
      %dma_wait3A_85 = tpu.memref_slice %arg7[%dma_wait3A_83, %dma_wait3A_84] : memref<40x128xi32, #tpu.memory_space<vmem>> -> memref<1x128xi32, #tpu.memory_space<vmem>>
      %dma_wait3A_86 = tpu.memref_squeeze %dma_wait3A_85 : memref<1x128xi32, #tpu.memory_space<vmem>> -> memref<128xi32, #tpu.memory_space<vmem>>
      %dma_wait3A_87 = arith.constant 0 : i32
      %dma_wait3A_88 = arith.constant 0 : i32
      %dma_wait3A_89 = tpu.memref_slice %arg2[%dma_wait3A_87, %dma_wait3A_88] : memref<10000x128xf32, #tpu.memory_space<hbm>> -> memref<10000x128xf32, #tpu.memory_space<hbm>>
      tpu.wait_indirect_dma semaphore(%arg13 : memref<!tpu.dma_semaphore, #tpu.memory_space<semaphore_mem>>) src(%dma_wait3A_89 : memref<10000x128xf32, #tpu.memory_space<hbm>>) dst(%arg10 : memref<128x128xf32, #tpu.memory_space<vmem>>)
      %mul3A_90 = arith.constant 2 : i32
      %mul3A_91 = arith.muli %mul3A_90, %scan3A_72 : i32
      %add3A_92 = arith.constant 1 : i32
      %add3A_93 = arith.addi %mul3A_91, %add3A_92 : i32
      "tpu.region"() ({
        %run_scoped3A = tpu.sem_alloc : memref<!tpu.dma_semaphore, #tpu.memory_space<semaphore_mem>>
        %dma_start3A_99 = arith.constant 0 : i32
        %dma_start3A_100 = tpu.memref_slice %arg8[%add3A_93, %dma_start3A_99] : memref<40x128xi32, #tpu.memory_space<vmem>> -> memref<1x128xi32, #tpu.memory_space<vmem>>
        %dma_start3A_101 = tpu.memref_squeeze %dma_start3A_100 : memref<1x128xi32, #tpu.memory_space<vmem>> -> memref<128xi32, #tpu.memory_space<vmem>>
        %dma_start3A_102 = arith.constant 0 : i32
        %dma_start3A_103 = arith.constant 0 : i32
        %dma_start3A_104 = tpu.memref_slice %arg11[%dma_start3A_102, %dma_start3A_103] : memref<10240x128xf32, #tpu.memory_space<vmem_shared>> -> memref<10240x128xf32, #tpu.memory_space<vmem_shared>>
        tpu.enqueue_indirect_dma source(%arg10 : memref<128x128xf32, #tpu.memory_space<vmem>>) target(%dma_start3A_104 : memref<10240x128xf32, #tpu.memory_space<vmem_shared>>) offsets(%dma_start3A_101 : memref<128xi32, #tpu.memory_space<vmem>>) semaphore(%run_scoped3A : memref<!tpu.dma_semaphore, #tpu.memory_space<semaphore_mem>>) {add = true}
        %dma_wait3A_105 = arith.constant 0 : i32
        %dma_wait3A_106 = tpu.memref_slice %arg8[%add3A_93, %dma_wait3A_105] : memref<40x128xi32, #tpu.memory_space<vmem>> -> memref<1x128xi32, #tpu.memory_space<vmem>>
        %dma_wait3A_107 = tpu.memref_squeeze %dma_wait3A_106 : memref<1x128xi32, #tpu.memory_space<vmem>> -> memref<128xi32, #tpu.memory_space<vmem>>
        %dma_wait3A_108 = arith.constant 0 : i32
        %dma_wait3A_109 = arith.constant 0 : i32
        %dma_wait3A_110 = tpu.memref_slice %arg11[%dma_wait3A_108, %dma_wait3A_109] : memref<10240x128xf32, #tpu.memory_space<vmem_shared>> -> memref<10240x128xf32, #tpu.memory_space<vmem_shared>>
        tpu.wait_indirect_dma semaphore(%run_scoped3A : memref<!tpu.dma_semaphore, #tpu.memory_space<semaphore_mem>>) src(%arg10 : memref<128x128xf32, #tpu.memory_space<vmem>>) dst(%dma_wait3A_110 : memref<10240x128xf32, #tpu.memory_space<vmem_shared>>)
        tpu.yield
      }) : () -> ()
      %lt3A_94 = arith.constant 19 : i32
      %lt3A_95 = arith.cmpi slt, %scan3A_72, %lt3A_94 : i32
      %convert_element_type3A_96 = arith.extui %lt3A_95 : i1 to i32
      %cond3A_97 = arith.constant 0 : i32
      %cond3A_98 = arith.cmpi ne, %convert_element_type3A_96, %cond3A_97 : i32
      scf.if %cond3A_98 {
        %mul3A_99 = arith.constant 2 : i32
        %mul3A_100 = arith.muli %mul3A_99, %scan3A_72 : i32
        %add3A_101 = arith.constant 3 : i32
        %add3A_102 = arith.addi %mul3A_100, %add3A_101 : i32
        %dma_start3A_103 = arith.constant 0 : i32
        %dma_start3A_104 = tpu.memref_slice %arg7[%add3A_102, %dma_start3A_103] : memref<40x128xi32, #tpu.memory_space<vmem>> -> memref<1x128xi32, #tpu.memory_space<vmem>>
        %dma_start3A_105 = tpu.memref_squeeze %dma_start3A_104 : memref<1x128xi32, #tpu.memory_space<vmem>> -> memref<128xi32, #tpu.memory_space<vmem>>
        %dma_start3A_106 = arith.constant 0 : i32
        %dma_start3A_107 = arith.constant 0 : i32
        %dma_start3A_108 = tpu.memref_slice %arg2[%dma_start3A_106, %dma_start3A_107] : memref<10000x128xf32, #tpu.memory_space<hbm>> -> memref<10000x128xf32, #tpu.memory_space<hbm>>
        tpu.enqueue_indirect_dma source(%dma_start3A_108 : memref<10000x128xf32, #tpu.memory_space<hbm>>) target(%arg10 : memref<128x128xf32, #tpu.memory_space<vmem>>) offsets(%dma_start3A_105 : memref<128xi32, #tpu.memory_space<vmem>>) semaphore(%arg13 : memref<!tpu.dma_semaphore, #tpu.memory_space<semaphore_mem>>)
      } else {
      }
    }
    %scan3A_50 = arith.constant 20 : i32
    %barrier3A_51 = arith.constant 0 : index
    tpu.barrier barrier_id(%barrier3A_51)
    %add3A_52 = arith.constant 0 : i32
    %add3A_53 = arith.addi %mul3A_2, %add3A_52 : i32
    "tpu.region"() ({
      %run_scoped3A = tpu.sem_alloc : memref<!tpu.dma_semaphore, #tpu.memory_space<semaphore_mem>>
      %dma_start3A_72 = arith.constant 0 : i32
      %dma_start3A_73 = tpu.memref_slice %arg11[%add3A_53, %dma_start3A_72] : memref<10240x128xf32, #tpu.memory_space<vmem_shared>> -> memref<128x128xf32, #tpu.memory_space<vmem_shared>>
      %dma_start3A_74 = arith.constant 0 : i32
      %dma_start3A_75 = tpu.memref_slice %arg11[%add3A_53, %dma_start3A_74] : memref<10240x128xf32, #tpu.memory_space<vmem_shared>> -> memref<128x128xf32, #tpu.memory_space<vmem_shared>>
      tpu.enqueue_dma source(%dma_start3A_75 : memref<128x128xf32, #tpu.memory_space<vmem_shared>>) target(%arg9 : memref<128x128xf32, #tpu.memory_space<vmem>>) target_semaphore(%run_scoped3A : memref<!tpu.dma_semaphore, #tpu.memory_space<semaphore_mem>>)
      %dma_wait3A = arith.constant 0 : i32
      %dma_wait3A_76 = tpu.memref_slice %arg11[%add3A_53, %dma_wait3A] : memref<10240x128xf32, #tpu.memory_space<vmem_shared>> -> memref<128x128xf32, #tpu.memory_space<vmem_shared>>
      %dma_wait3A_77 = arith.constant 0 : i32
      %dma_wait3A_78 = tpu.memref_slice %arg11[%add3A_53, %dma_wait3A_77] : memref<10240x128xf32, #tpu.memory_space<vmem_shared>> -> memref<128x128xf32, #tpu.memory_space<vmem_shared>>
      tpu.wait_dma2 semaphore(%run_scoped3A : memref<!tpu.dma_semaphore, #tpu.memory_space<semaphore_mem>>) src(%dma_wait3A_78 : memref<128x128xf32, #tpu.memory_space<vmem_shared>>) dst(%arg9 : memref<128x128xf32, #tpu.memory_space<vmem>>)
      tpu.yield
    }) : () -> ()
    %add3A_54 = arith.constant 0 : i32
    %add3A_55 = arith.addi %mul3A_2, %add3A_54 : i32
    "tpu.region"() ({
      %run_scoped3A = tpu.sem_alloc : memref<!tpu.dma_semaphore, #tpu.memory_space<semaphore_mem>>
      %dma_start3A_72 = arith.constant 0 : i32
      %dma_start3A_73 = tpu.memref_slice %arg6[%arg0, %add3A_55, %dma_start3A_72] : memref<2x10240x128xf32, #tpu.memory_space<hbm>> -> memref<1x128x128xf32, #tpu.memory_space<hbm>>
      %dma_start3A_74 = tpu.memref_squeeze %dma_start3A_73 : memref<1x128x128xf32, #tpu.memory_space<hbm>> -> memref<128x128xf32, #tpu.memory_space<hbm>>
      %dma_start3A_75 = arith.constant 0 : i32
      %dma_start3A_76 = tpu.memref_slice %arg6[%arg0, %add3A_55, %dma_start3A_75] : memref<2x10240x128xf32, #tpu.memory_space<hbm>> -> memref<1x128x128xf32, #tpu.memory_space<hbm>>
      %dma_start3A_77 = tpu.memref_squeeze %dma_start3A_76 : memref<1x128x128xf32, #tpu.memory_space<hbm>> -> memref<128x128xf32, #tpu.memory_space<hbm>>
      tpu.enqueue_dma source(%arg9 : memref<128x128xf32, #tpu.memory_space<vmem>>) target(%dma_start3A_77 : memref<128x128xf32, #tpu.memory_space<hbm>>) target_semaphore(%run_scoped3A : memref<!tpu.dma_semaphore, #tpu.memory_space<semaphore_mem>>)
      %dma_wait3A = arith.constant 0 : i32
      %dma_wait3A_78 = tpu.memref_slice %arg6[%arg0, %add3A_55, %dma_wait3A] : memref<2x10240x128xf32, #tpu.memory_space<hbm>> -> memref<1x128x128xf32, #tpu.memory_space<hbm>>
      %dma_wait3A_79 = tpu.memref_squeeze %dma_wait3A_78 : memref<1x128x128xf32, #tpu.memory_space<hbm>> -> memref<128x128xf32, #tpu.memory_space<hbm>>
      %dma_wait3A_80 = arith.constant 0 : i32
      %dma_wait3A_81 = tpu.memref_slice %arg6[%arg0, %add3A_55, %dma_wait3A_80] : memref<2x10240x128xf32, #tpu.memory_space<hbm>> -> memref<1x128x128xf32, #tpu.memory_space<hbm>>
      %dma_wait3A_82 = tpu.memref_squeeze %dma_wait3A_81 : memref<1x128x128xf32, #tpu.memory_space<hbm>> -> memref<128x128xf32, #tpu.memory_space<hbm>>
      tpu.wait_dma2 semaphore(%run_scoped3A : memref<!tpu.dma_semaphore, #tpu.memory_space<semaphore_mem>>) src(%arg9 : memref<128x128xf32, #tpu.memory_space<vmem>>) dst(%dma_wait3A_82 : memref<128x128xf32, #tpu.memory_space<hbm>>)
      tpu.yield
    }) : () -> ()
    %add3A_56 = arith.constant 128 : i32
    %add3A_57 = arith.addi %mul3A_2, %add3A_56 : i32
    "tpu.region"() ({
      %run_scoped3A = tpu.sem_alloc : memref<!tpu.dma_semaphore, #tpu.memory_space<semaphore_mem>>
      %dma_start3A_72 = arith.constant 0 : i32
      %dma_start3A_73 = tpu.memref_slice %arg11[%add3A_57, %dma_start3A_72] : memref<10240x128xf32, #tpu.memory_space<vmem_shared>> -> memref<128x128xf32, #tpu.memory_space<vmem_shared>>
      %dma_start3A_74 = arith.constant 0 : i32
      %dma_start3A_75 = tpu.memref_slice %arg11[%add3A_57, %dma_start3A_74] : memref<10240x128xf32, #tpu.memory_space<vmem_shared>> -> memref<128x128xf32, #tpu.memory_space<vmem_shared>>
      tpu.enqueue_dma source(%dma_start3A_75 : memref<128x128xf32, #tpu.memory_space<vmem_shared>>) target(%arg9 : memref<128x128xf32, #tpu.memory_space<vmem>>) target_semaphore(%run_scoped3A : memref<!tpu.dma_semaphore, #tpu.memory_space<semaphore_mem>>)
      %dma_wait3A = arith.constant 0 : i32
      %dma_wait3A_76 = tpu.memref_slice %arg11[%add3A_57, %dma_wait3A] : memref<10240x128xf32, #tpu.memory_space<vmem_shared>> -> memref<128x128xf32, #tpu.memory_space<vmem_shared>>
      %dma_wait3A_77 = arith.constant 0 : i32
      %dma_wait3A_78 = tpu.memref_slice %arg11[%add3A_57, %dma_wait3A_77] : memref<10240x128xf32, #tpu.memory_space<vmem_shared>> -> memref<128x128xf32, #tpu.memory_space<vmem_shared>>
      tpu.wait_dma2 semaphore(%run_scoped3A : memref<!tpu.dma_semaphore, #tpu.memory_space<semaphore_mem>>) src(%dma_wait3A_78 : memref<128x128xf32, #tpu.memory_space<vmem_shared>>) dst(%arg9 : memref<128x128xf32, #tpu.memory_space<vmem>>)
      tpu.yield
    }) : () -> ()
    %add3A_58 = arith.constant 128 : i32
    %add3A_59 = arith.addi %mul3A_2, %add3A_58 : i32
    "tpu.region"() ({
      %run_scoped3A = tpu.sem_alloc : memref<!tpu.dma_semaphore, #tpu.memory_space<semaphore_mem>>
      %dma_start3A_72 = arith.constant 0 : i32
      %dma_start3A_73 = tpu.memref_slice %arg6[%arg0, %add3A_59, %dma_start3A_72] : memref<2x10240x128xf32, #tpu.memory_space<hbm>> -> memref<1x128x128xf32, #tpu.memory_space<hbm>>
      %dma_start3A_74 = tpu.memref_squeeze %dma_start3A_73 : memref<1x128x128xf32, #tpu.memory_space<hbm>> -> memref<128x128xf32, #tpu.memory_space<hbm>>
      %dma_start3A_75 = arith.constant 0 : i32
      %dma_start3A_76 = tpu.memref_slice %arg6[%arg0, %add3A_59, %dma_start3A_75] : memref<2x10240x128xf32, #tpu.memory_space<hbm>> -> memref<1x128x128xf32, #tpu.memory_space<hbm>>
      %dma_start3A_77 = tpu.memref_squeeze %dma_start3A_76 : memref<1x128x128xf32, #tpu.memory_space<hbm>> -> memref<128x128xf32, #tpu.memory_space<hbm>>
      tpu.enqueue_dma source(%arg9 : memref<128x128xf32, #tpu.memory_space<vmem>>) target(%dma_start3A_77 : memref<128x128xf32, #tpu.memory_space<hbm>>) target_semaphore(%run_scoped3A : memref<!tpu.dma_semaphore, #tpu.memory_space<semaphore_mem>>)
      %dma_wait3A = arith.constant 0 : i32
      %dma_wait3A_78 = tpu.memref_slice %arg6[%arg0, %add3A_59, %dma_wait3A] : memref<2x10240x128xf32, #tpu.memory_space<hbm>> -> memref<1x128x128xf32, #tpu.memory_space<hbm>>
      %dma_wait3A_79 = tpu.memref_squeeze %dma_wait3A_78 : memref<1x128x128xf32, #tpu.memory_space<hbm>> -> memref<128x128xf32, #tpu.memory_space<hbm>>
      %dma_wait3A_80 = arith.constant 0 : i32
      %dma_wait3A_81 = tpu.memref_slice %arg6[%arg0, %add3A_59, %dma_wait3A_80] : memref<2x10240x128xf32, #tpu.memory_space<hbm>> -> memref<1x128x128xf32, #tpu.memory_space<hbm>>
      %dma_wait3A_82 = tpu.memref_squeeze %dma_wait3A_81 : memref<1x128x128xf32, #tpu.memory_space<hbm>> -> memref<128x128xf32, #tpu.memory_space<hbm>>
      tpu.wait_dma2 semaphore(%run_scoped3A : memref<!tpu.dma_semaphore, #tpu.memory_space<semaphore_mem>>) src(%arg9 : memref<128x128xf32, #tpu.memory_space<vmem>>) dst(%dma_wait3A_82 : memref<128x128xf32, #tpu.memory_space<hbm>>)
      tpu.yield
    }) : () -> ()
    %add3A_60 = arith.constant 256 : i32
    %add3A_61 = arith.addi %mul3A_2, %add3A_60 : i32
    "tpu.region"() ({
      %run_scoped3A = tpu.sem_alloc : memref<!tpu.dma_semaphore, #tpu.memory_space<semaphore_mem>>
      %dma_start3A_72 = arith.constant 0 : i32
      %dma_start3A_73 = tpu.memref_slice %arg11[%add3A_61, %dma_start3A_72] : memref<10240x128xf32, #tpu.memory_space<vmem_shared>> -> memref<128x128xf32, #tpu.memory_space<vmem_shared>>
      %dma_start3A_74 = arith.constant 0 : i32
      %dma_start3A_75 = tpu.memref_slice %arg11[%add3A_61, %dma_start3A_74] : memref<10240x128xf32, #tpu.memory_space<vmem_shared>> -> memref<128x128xf32, #tpu.memory_space<vmem_shared>>
      tpu.enqueue_dma source(%dma_start3A_75 : memref<128x128xf32, #tpu.memory_space<vmem_shared>>) target(%arg9 : memref<128x128xf32, #tpu.memory_space<vmem>>) target_semaphore(%run_scoped3A : memref<!tpu.dma_semaphore, #tpu.memory_space<semaphore_mem>>)
      %dma_wait3A = arith.constant 0 : i32
      %dma_wait3A_76 = tpu.memref_slice %arg11[%add3A_61, %dma_wait3A] : memref<10240x128xf32, #tpu.memory_space<vmem_shared>> -> memref<128x128xf32, #tpu.memory_space<vmem_shared>>
      %dma_wait3A_77 = arith.constant 0 : i32
      %dma_wait3A_78 = tpu.memref_slice %arg11[%add3A_61, %dma_wait3A_77] : memref<10240x128xf32, #tpu.memory_space<vmem_shared>> -> memref<128x128xf32, #tpu.memory_space<vmem_shared>>
      tpu.wait_dma2 semaphore(%run_scoped3A : memref<!tpu.dma_semaphore, #tpu.memory_space<semaphore_mem>>) src(%dma_wait3A_78 : memref<128x128xf32, #tpu.memory_space<vmem_shared>>) dst(%arg9 : memref<128x128xf32, #tpu.memory_space<vmem>>)
      tpu.yield
    }) : () -> ()
    %add3A_62 = arith.constant 256 : i32
    %add3A_63 = arith.addi %mul3A_2, %add3A_62 : i32
    "tpu.region"() ({
      %run_scoped3A = tpu.sem_alloc : memref<!tpu.dma_semaphore, #tpu.memory_space<semaphore_mem>>
      %dma_start3A_72 = arith.constant 0 : i32
      %dma_start3A_73 = tpu.memref_slice %arg6[%arg0, %add3A_63, %dma_start3A_72] : memref<2x10240x128xf32, #tpu.memory_space<hbm>> -> memref<1x128x128xf32, #tpu.memory_space<hbm>>
      %dma_start3A_74 = tpu.memref_squeeze %dma_start3A_73 : memref<1x128x128xf32, #tpu.memory_space<hbm>> -> memref<128x128xf32, #tpu.memory_space<hbm>>
      %dma_start3A_75 = arith.constant 0 : i32
      %dma_start3A_76 = tpu.memref_slice %arg6[%arg0, %add3A_63, %dma_start3A_75] : memref<2x10240x128xf32, #tpu.memory_space<hbm>> -> memref<1x128x128xf32, #tpu.memory_space<hbm>>
      %dma_start3A_77 = tpu.memref_squeeze %dma_start3A_76 : memref<1x128x128xf32, #tpu.memory_space<hbm>> -> memref<128x128xf32, #tpu.memory_space<hbm>>
      tpu.enqueue_dma source(%arg9 : memref<128x128xf32, #tpu.memory_space<vmem>>) target(%dma_start3A_77 : memref<128x128xf32, #tpu.memory_space<hbm>>) target_semaphore(%run_scoped3A : memref<!tpu.dma_semaphore, #tpu.memory_space<semaphore_mem>>)
      %dma_wait3A = arith.constant 0 : i32
      %dma_wait3A_78 = tpu.memref_slice %arg6[%arg0, %add3A_63, %dma_wait3A] : memref<2x10240x128xf32, #tpu.memory_space<hbm>> -> memref<1x128x128xf32, #tpu.memory_space<hbm>>
      %dma_wait3A_79 = tpu.memref_squeeze %dma_wait3A_78 : memref<1x128x128xf32, #tpu.memory_space<hbm>> -> memref<128x128xf32, #tpu.memory_space<hbm>>
      %dma_wait3A_80 = arith.constant 0 : i32
      %dma_wait3A_81 = tpu.memref_slice %arg6[%arg0, %add3A_63, %dma_wait3A_80] : memref<2x10240x128xf32, #tpu.memory_space<hbm>> -> memref<1x128x128xf32, #tpu.memory_space<hbm>>
      %dma_wait3A_82 = tpu.memref_squeeze %dma_wait3A_81 : memref<1x128x128xf32, #tpu.memory_space<hbm>> -> memref<128x128xf32, #tpu.memory_space<hbm>>
      tpu.wait_dma2 semaphore(%run_scoped3A : memref<!tpu.dma_semaphore, #tpu.memory_space<semaphore_mem>>) src(%arg9 : memref<128x128xf32, #tpu.memory_space<vmem>>) dst(%dma_wait3A_82 : memref<128x128xf32, #tpu.memory_space<hbm>>)
      tpu.yield
    }) : () -> ()
    %add3A_64 = arith.constant 384 : i32
    %add3A_65 = arith.addi %mul3A_2, %add3A_64 : i32
    "tpu.region"() ({
      %run_scoped3A = tpu.sem_alloc : memref<!tpu.dma_semaphore, #tpu.memory_space<semaphore_mem>>
      %dma_start3A_72 = arith.constant 0 : i32
      %dma_start3A_73 = tpu.memref_slice %arg11[%add3A_65, %dma_start3A_72] : memref<10240x128xf32, #tpu.memory_space<vmem_shared>> -> memref<128x128xf32, #tpu.memory_space<vmem_shared>>
      %dma_start3A_74 = arith.constant 0 : i32
      %dma_start3A_75 = tpu.memref_slice %arg11[%add3A_65, %dma_start3A_74] : memref<10240x128xf32, #tpu.memory_space<vmem_shared>> -> memref<128x128xf32, #tpu.memory_space<vmem_shared>>
      tpu.enqueue_dma source(%dma_start3A_75 : memref<128x128xf32, #tpu.memory_space<vmem_shared>>) target(%arg9 : memref<128x128xf32, #tpu.memory_space<vmem>>) target_semaphore(%run_scoped3A : memref<!tpu.dma_semaphore, #tpu.memory_space<semaphore_mem>>)
      %dma_wait3A = arith.constant 0 : i32
      %dma_wait3A_76 = tpu.memref_slice %arg11[%add3A_65, %dma_wait3A] : memref<10240x128xf32, #tpu.memory_space<vmem_shared>> -> memref<128x128xf32, #tpu.memory_space<vmem_shared>>
      %dma_wait3A_77 = arith.constant 0 : i32
      %dma_wait3A_78 = tpu.memref_slice %arg11[%add3A_65, %dma_wait3A_77] : memref<10240x128xf32, #tpu.memory_space<vmem_shared>> -> memref<128x128xf32, #tpu.memory_space<vmem_shared>>
      tpu.wait_dma2 semaphore(%run_scoped3A : memref<!tpu.dma_semaphore, #tpu.memory_space<semaphore_mem>>) src(%dma_wait3A_78 : memref<128x128xf32, #tpu.memory_space<vmem_shared>>) dst(%arg9 : memref<128x128xf32, #tpu.memory_space<vmem>>)
      tpu.yield
    }) : () -> ()
    %add3A_66 = arith.constant 384 : i32
    %add3A_67 = arith.addi %mul3A_2, %add3A_66 : i32
    "tpu.region"() ({
      %run_scoped3A = tpu.sem_alloc : memref<!tpu.dma_semaphore, #tpu.memory_space<semaphore_mem>>
      %dma_start3A_72 = arith.constant 0 : i32
      %dma_start3A_73 = tpu.memref_slice %arg6[%arg0, %add3A_67, %dma_start3A_72] : memref<2x10240x128xf32, #tpu.memory_space<hbm>> -> memref<1x128x128xf32, #tpu.memory_space<hbm>>
      %dma_start3A_74 = tpu.memref_squeeze %dma_start3A_73 : memref<1x128x128xf32, #tpu.memory_space<hbm>> -> memref<128x128xf32, #tpu.memory_space<hbm>>
      %dma_start3A_75 = arith.constant 0 : i32
      %dma_start3A_76 = tpu.memref_slice %arg6[%arg0, %add3A_67, %dma_start3A_75] : memref<2x10240x128xf32, #tpu.memory_space<hbm>> -> memref<1x128x128xf32, #tpu.memory_space<hbm>>
      %dma_start3A_77 = tpu.memref_squeeze %dma_start3A_76 : memref<1x128x128xf32, #tpu.memory_space<hbm>> -> memref<128x128xf32, #tpu.memory_space<hbm>>
      tpu.enqueue_dma source(%arg9 : memref<128x128xf32, #tpu.memory_space<vmem>>) target(%dma_start3A_77 : memref<128x128xf32, #tpu.memory_space<hbm>>) target_semaphore(%run_scoped3A : memref<!tpu.dma_semaphore, #tpu.memory_space<semaphore_mem>>)
      %dma_wait3A = arith.constant 0 : i32
      %dma_wait3A_78 = tpu.memref_slice %arg6[%arg0, %add3A_67, %dma_wait3A] : memref<2x10240x128xf32, #tpu.memory_space<hbm>> -> memref<1x128x128xf32, #tpu.memory_space<hbm>>
      %dma_wait3A_79 = tpu.memref_squeeze %dma_wait3A_78 : memref<1x128x128xf32, #tpu.memory_space<hbm>> -> memref<128x128xf32, #tpu.memory_space<hbm>>
      %dma_wait3A_80 = arith.constant 0 : i32
      %dma_wait3A_81 = tpu.memref_slice %arg6[%arg0, %add3A_67, %dma_wait3A_80] : memref<2x10240x128xf32, #tpu.memory_space<hbm>> -> memref<1x128x128xf32, #tpu.memory_space<hbm>>
      %dma_wait3A_82 = tpu.memref_squeeze %dma_wait3A_81 : memref<1x128x128xf32, #tpu.memory_space<hbm>> -> memref<128x128xf32, #tpu.memory_space<hbm>>
      tpu.wait_dma2 semaphore(%run_scoped3A : memref<!tpu.dma_semaphore, #tpu.memory_space<semaphore_mem>>) src(%arg9 : memref<128x128xf32, #tpu.memory_space<vmem>>) dst(%dma_wait3A_82 : memref<128x128xf32, #tpu.memory_space<hbm>>)
      tpu.yield
    }) : () -> ()
    %add3A_68 = arith.constant 512 : i32
    %add3A_69 = arith.addi %mul3A_2, %add3A_68 : i32
    "tpu.region"() ({
      %run_scoped3A = tpu.sem_alloc : memref<!tpu.dma_semaphore, #tpu.memory_space<semaphore_mem>>
      %dma_start3A_72 = arith.constant 0 : i32
      %dma_start3A_73 = tpu.memref_slice %arg11[%add3A_69, %dma_start3A_72] : memref<10240x128xf32, #tpu.memory_space<vmem_shared>> -> memref<128x128xf32, #tpu.memory_space<vmem_shared>>
      %dma_start3A_74 = arith.constant 0 : i32
      %dma_start3A_75 = tpu.memref_slice %arg11[%add3A_69, %dma_start3A_74] : memref<10240x128xf32, #tpu.memory_space<vmem_shared>> -> memref<128x128xf32, #tpu.memory_space<vmem_shared>>
      tpu.enqueue_dma source(%dma_start3A_75 : memref<128x128xf32, #tpu.memory_space<vmem_shared>>) target(%arg9 : memref<128x128xf32, #tpu.memory_space<vmem>>) target_semaphore(%run_scoped3A : memref<!tpu.dma_semaphore, #tpu.memory_space<semaphore_mem>>)
      %dma_wait3A = arith.constant 0 : i32
      %dma_wait3A_76 = tpu.memref_slice %arg11[%add3A_69, %dma_wait3A] : memref<10240x128xf32, #tpu.memory_space<vmem_shared>> -> memref<128x128xf32, #tpu.memory_space<vmem_shared>>
      %dma_wait3A_77 = arith.constant 0 : i32
      %dma_wait3A_78 = tpu.memref_slice %arg11[%add3A_69, %dma_wait3A_77] : memref<10240x128xf32, #tpu.memory_space<vmem_shared>> -> memref<128x128xf32, #tpu.memory_space<vmem_shared>>
      tpu.wait_dma2 semaphore(%run_scoped3A : memref<!tpu.dma_semaphore, #tpu.memory_space<semaphore_mem>>) src(%dma_wait3A_78 : memref<128x128xf32, #tpu.memory_space<vmem_shared>>) dst(%arg9 : memref<128x128xf32, #tpu.memory_space<vmem>>)
      tpu.yield
    }) : () -> ()
    %add3A_70 = arith.constant 512 : i32
    %add3A_71 = arith.addi %mul3A_2, %add3A_70 : i32
    "tpu.region"() ({
      %run_scoped3A = tpu.sem_alloc : memref<!tpu.dma_semaphore, #tpu.memory_space<semaphore_mem>>
      %dma_start3A_72 = arith.constant 0 : i32
      %dma_start3A_73 = tpu.memref_slice %arg6[%arg0, %add3A_71, %dma_start3A_72] : memref<2x10240x128xf32, #tpu.memory_space<hbm>> -> memref<1x128x128xf32, #tpu.memory_space<hbm>>
      %dma_start3A_74 = tpu.memref_squeeze %dma_start3A_73 : memref<1x128x128xf32, #tpu.memory_space<hbm>> -> memref<128x128xf32, #tpu.memory_space<hbm>>
      %dma_start3A_75 = arith.constant 0 : i32
      %dma_start3A_76 = tpu.memref_slice %arg6[%arg0, %add3A_71, %dma_start3A_75] : memref<2x10240x128xf32, #tpu.memory_space<hbm>> -> memref<1x128x128xf32, #tpu.memory_space<hbm>>
      %dma_start3A_77 = tpu.memref_squeeze %dma_start3A_76 : memref<1x128x128xf32, #tpu.memory_space<hbm>> -> memref<128x128xf32, #tpu.memory_space<hbm>>
      tpu.enqueue_dma source(%arg9 : memref<128x128xf32, #tpu.memory_space<vmem>>) target(%dma_start3A_77 : memref<128x128xf32, #tpu.memory_space<hbm>>) target_semaphore(%run_scoped3A : memref<!tpu.dma_semaphore, #tpu.memory_space<semaphore_mem>>)
      %dma_wait3A = arith.constant 0 : i32
      %dma_wait3A_78 = tpu.memref_slice %arg6[%arg0, %add3A_71, %dma_wait3A] : memref<2x10240x128xf32, #tpu.memory_space<hbm>> -> memref<1x128x128xf32, #tpu.memory_space<hbm>>
      %dma_wait3A_79 = tpu.memref_squeeze %dma_wait3A_78 : memref<1x128x128xf32, #tpu.memory_space<hbm>> -> memref<128x128xf32, #tpu.memory_space<hbm>>
      %dma_wait3A_80 = arith.constant 0 : i32
      %dma_wait3A_81 = tpu.memref_slice %arg6[%arg0, %add3A_71, %dma_wait3A_80] : memref<2x10240x128xf32, #tpu.memory_space<hbm>> -> memref<1x128x128xf32, #tpu.memory_space<hbm>>
      %dma_wait3A_82 = tpu.memref_squeeze %dma_wait3A_81 : memref<1x128x128xf32, #tpu.memory_space<hbm>> -> memref<128x128xf32, #tpu.memory_space<hbm>>
      tpu.wait_dma2 semaphore(%run_scoped3A : memref<!tpu.dma_semaphore, #tpu.memory_space<semaphore_mem>>) src(%arg9 : memref<128x128xf32, #tpu.memory_space<vmem>>) dst(%dma_wait3A_82 : memref<128x128xf32, #tpu.memory_space<hbm>>)
      tpu.yield
    }) : () -> ()
    return
  }
}

#map = affine_map<(d0, d1) -> (0, 0, 0)>
module attributes {stable_mosaic.version = 14 : i64} {
  func.func @k(%arg0: i32, %arg1: i32, %arg2: memref<32x80x128xi32, #tpu.memory_space<hbm>>, %arg3: memref<2x128x16xf32, #tpu.memory_space<hbm>>, %arg4: memref<2x10240x16xf32, #tpu.memory_space<hbm>>, %arg5: memref<80x128xi32, #tpu.memory_space<vmem>>, %arg6: memref<128x16xf32, #tpu.memory_space<vmem>>, %arg7: memref<10240x16xf32, #tpu.memory_space<vmem_shared>>) attributes {dimension_semantics = [#tpu.dimension_semantics<core_parallel>, #tpu.dimension_semantics<subcore_parallel>], iteration_bounds = array<i64: 2, 16>, scalar_prefetch = 0 : i64, scratch_operands = 3 : i64, tpu.core_type = #tpu.core_type<sc_vector_subcore>, window_params = [{transform_indices = #map}, {transform_indices = #map}, {transform_indices = #map}]} {
    %mul3A = arith.constant 2 : i32
    %mul3A_0 = arith.muli %arg1, %mul3A : i32
    %add3A = arith.addi %mul3A_0, %arg0 : i32
    %mul3A_1 = arith.constant 640 : i32
    %mul3A_2 = arith.muli %arg1, %mul3A_1 : i32
    %run_scoped3A = arith.constant 1 : i32
    "tpu.region"() ({
      %run_scoped3A_40 = tpu.sem_alloc : memref<!tpu.dma_semaphore, #tpu.memory_space<semaphore_mem>>
      %dma_start3A = arith.constant 0 : i32
      %dma_start3A_41 = arith.constant 0 : i32
      %dma_start3A_42 = tpu.memref_slice %arg3[%run_scoped3A, %dma_start3A, %dma_start3A_41] : memref<2x128x16xf32, #tpu.memory_space<hbm>> -> memref<1x128x16xf32, #tpu.memory_space<hbm>>
      %dma_start3A_43 = tpu.memref_squeeze %dma_start3A_42 : memref<1x128x16xf32, #tpu.memory_space<hbm>> -> memref<128x16xf32, #tpu.memory_space<hbm>>
      %dma_start3A_44 = arith.constant 0 : i32
      %dma_start3A_45 = arith.constant 0 : i32
      %dma_start3A_46 = tpu.memref_slice %arg3[%run_scoped3A, %dma_start3A_44, %dma_start3A_45] : memref<2x128x16xf32, #tpu.memory_space<hbm>> -> memref<1x128x16xf32, #tpu.memory_space<hbm>>
      %dma_start3A_47 = tpu.memref_squeeze %dma_start3A_46 : memref<1x128x16xf32, #tpu.memory_space<hbm>> -> memref<128x16xf32, #tpu.memory_space<hbm>>
      tpu.enqueue_dma source(%dma_start3A_47 : memref<128x16xf32, #tpu.memory_space<hbm>>) target(%arg6 : memref<128x16xf32, #tpu.memory_space<vmem>>) target_semaphore(%run_scoped3A_40 : memref<!tpu.dma_semaphore, #tpu.memory_space<semaphore_mem>>)
      %dma_wait3A = arith.constant 0 : i32
      %dma_wait3A_48 = arith.constant 0 : i32
      %dma_wait3A_49 = tpu.memref_slice %arg3[%run_scoped3A, %dma_wait3A, %dma_wait3A_48] : memref<2x128x16xf32, #tpu.memory_space<hbm>> -> memref<1x128x16xf32, #tpu.memory_space<hbm>>
      %dma_wait3A_50 = tpu.memref_squeeze %dma_wait3A_49 : memref<1x128x16xf32, #tpu.memory_space<hbm>> -> memref<128x16xf32, #tpu.memory_space<hbm>>
      %dma_wait3A_51 = arith.constant 0 : i32
      %dma_wait3A_52 = arith.constant 0 : i32
      %dma_wait3A_53 = tpu.memref_slice %arg3[%run_scoped3A, %dma_wait3A_51, %dma_wait3A_52] : memref<2x128x16xf32, #tpu.memory_space<hbm>> -> memref<1x128x16xf32, #tpu.memory_space<hbm>>
      %dma_wait3A_54 = tpu.memref_squeeze %dma_wait3A_53 : memref<1x128x16xf32, #tpu.memory_space<hbm>> -> memref<128x16xf32, #tpu.memory_space<hbm>>
      tpu.wait_dma2 semaphore(%run_scoped3A_40 : memref<!tpu.dma_semaphore, #tpu.memory_space<semaphore_mem>>) src(%dma_wait3A_54 : memref<128x16xf32, #tpu.memory_space<hbm>>) dst(%arg6 : memref<128x16xf32, #tpu.memory_space<vmem>>)
      tpu.yield
    }) : () -> ()
    %add3A_3 = arith.constant 0 : i32
    %add3A_4 = arith.addi %mul3A_2, %add3A_3 : i32
    "tpu.region"() ({
      %run_scoped3A_40 = tpu.sem_alloc : memref<!tpu.dma_semaphore, #tpu.memory_space<semaphore_mem>>
      %dma_start3A = arith.constant 0 : i32
      %dma_start3A_41 = tpu.memref_slice %arg7[%add3A_4, %dma_start3A] : memref<10240x16xf32, #tpu.memory_space<vmem_shared>> -> memref<128x16xf32, #tpu.memory_space<vmem_shared>>
      %dma_start3A_42 = arith.constant 0 : i32
      %dma_start3A_43 = tpu.memref_slice %arg7[%add3A_4, %dma_start3A_42] : memref<10240x16xf32, #tpu.memory_space<vmem_shared>> -> memref<128x16xf32, #tpu.memory_space<vmem_shared>>
      tpu.enqueue_dma source(%arg6 : memref<128x16xf32, #tpu.memory_space<vmem>>) target(%dma_start3A_43 : memref<128x16xf32, #tpu.memory_space<vmem_shared>>) target_semaphore(%run_scoped3A_40 : memref<!tpu.dma_semaphore, #tpu.memory_space<semaphore_mem>>)
      %dma_wait3A = arith.constant 0 : i32
      %dma_wait3A_44 = tpu.memref_slice %arg7[%add3A_4, %dma_wait3A] : memref<10240x16xf32, #tpu.memory_space<vmem_shared>> -> memref<128x16xf32, #tpu.memory_space<vmem_shared>>
      %dma_wait3A_45 = arith.constant 0 : i32
      %dma_wait3A_46 = tpu.memref_slice %arg7[%add3A_4, %dma_wait3A_45] : memref<10240x16xf32, #tpu.memory_space<vmem_shared>> -> memref<128x16xf32, #tpu.memory_space<vmem_shared>>
      tpu.wait_dma2 semaphore(%run_scoped3A_40 : memref<!tpu.dma_semaphore, #tpu.memory_space<semaphore_mem>>) src(%arg6 : memref<128x16xf32, #tpu.memory_space<vmem>>) dst(%dma_wait3A_46 : memref<128x16xf32, #tpu.memory_space<vmem_shared>>)
      tpu.yield
    }) : () -> ()
    %add3A_5 = arith.constant 128 : i32
    %add3A_6 = arith.addi %mul3A_2, %add3A_5 : i32
    "tpu.region"() ({
      %run_scoped3A_40 = tpu.sem_alloc : memref<!tpu.dma_semaphore, #tpu.memory_space<semaphore_mem>>
      %dma_start3A = arith.constant 0 : i32
      %dma_start3A_41 = tpu.memref_slice %arg7[%add3A_6, %dma_start3A] : memref<10240x16xf32, #tpu.memory_space<vmem_shared>> -> memref<128x16xf32, #tpu.memory_space<vmem_shared>>
      %dma_start3A_42 = arith.constant 0 : i32
      %dma_start3A_43 = tpu.memref_slice %arg7[%add3A_6, %dma_start3A_42] : memref<10240x16xf32, #tpu.memory_space<vmem_shared>> -> memref<128x16xf32, #tpu.memory_space<vmem_shared>>
      tpu.enqueue_dma source(%arg6 : memref<128x16xf32, #tpu.memory_space<vmem>>) target(%dma_start3A_43 : memref<128x16xf32, #tpu.memory_space<vmem_shared>>) target_semaphore(%run_scoped3A_40 : memref<!tpu.dma_semaphore, #tpu.memory_space<semaphore_mem>>)
      %dma_wait3A = arith.constant 0 : i32
      %dma_wait3A_44 = tpu.memref_slice %arg7[%add3A_6, %dma_wait3A] : memref<10240x16xf32, #tpu.memory_space<vmem_shared>> -> memref<128x16xf32, #tpu.memory_space<vmem_shared>>
      %dma_wait3A_45 = arith.constant 0 : i32
      %dma_wait3A_46 = tpu.memref_slice %arg7[%add3A_6, %dma_wait3A_45] : memref<10240x16xf32, #tpu.memory_space<vmem_shared>> -> memref<128x16xf32, #tpu.memory_space<vmem_shared>>
      tpu.wait_dma2 semaphore(%run_scoped3A_40 : memref<!tpu.dma_semaphore, #tpu.memory_space<semaphore_mem>>) src(%arg6 : memref<128x16xf32, #tpu.memory_space<vmem>>) dst(%dma_wait3A_46 : memref<128x16xf32, #tpu.memory_space<vmem_shared>>)
      tpu.yield
    }) : () -> ()
    %add3A_7 = arith.constant 256 : i32
    %add3A_8 = arith.addi %mul3A_2, %add3A_7 : i32
    "tpu.region"() ({
      %run_scoped3A_40 = tpu.sem_alloc : memref<!tpu.dma_semaphore, #tpu.memory_space<semaphore_mem>>
      %dma_start3A = arith.constant 0 : i32
      %dma_start3A_41 = tpu.memref_slice %arg7[%add3A_8, %dma_start3A] : memref<10240x16xf32, #tpu.memory_space<vmem_shared>> -> memref<128x16xf32, #tpu.memory_space<vmem_shared>>
      %dma_start3A_42 = arith.constant 0 : i32
      %dma_start3A_43 = tpu.memref_slice %arg7[%add3A_8, %dma_start3A_42] : memref<10240x16xf32, #tpu.memory_space<vmem_shared>> -> memref<128x16xf32, #tpu.memory_space<vmem_shared>>
      tpu.enqueue_dma source(%arg6 : memref<128x16xf32, #tpu.memory_space<vmem>>) target(%dma_start3A_43 : memref<128x16xf32, #tpu.memory_space<vmem_shared>>) target_semaphore(%run_scoped3A_40 : memref<!tpu.dma_semaphore, #tpu.memory_space<semaphore_mem>>)
      %dma_wait3A = arith.constant 0 : i32
      %dma_wait3A_44 = tpu.memref_slice %arg7[%add3A_8, %dma_wait3A] : memref<10240x16xf32, #tpu.memory_space<vmem_shared>> -> memref<128x16xf32, #tpu.memory_space<vmem_shared>>
      %dma_wait3A_45 = arith.constant 0 : i32
      %dma_wait3A_46 = tpu.memref_slice %arg7[%add3A_8, %dma_wait3A_45] : memref<10240x16xf32, #tpu.memory_space<vmem_shared>> -> memref<128x16xf32, #tpu.memory_space<vmem_shared>>
      tpu.wait_dma2 semaphore(%run_scoped3A_40 : memref<!tpu.dma_semaphore, #tpu.memory_space<semaphore_mem>>) src(%arg6 : memref<128x16xf32, #tpu.memory_space<vmem>>) dst(%dma_wait3A_46 : memref<128x16xf32, #tpu.memory_space<vmem_shared>>)
      tpu.yield
    }) : () -> ()
    %add3A_9 = arith.constant 384 : i32
    %add3A_10 = arith.addi %mul3A_2, %add3A_9 : i32
    "tpu.region"() ({
      %run_scoped3A_40 = tpu.sem_alloc : memref<!tpu.dma_semaphore, #tpu.memory_space<semaphore_mem>>
      %dma_start3A = arith.constant 0 : i32
      %dma_start3A_41 = tpu.memref_slice %arg7[%add3A_10, %dma_start3A] : memref<10240x16xf32, #tpu.memory_space<vmem_shared>> -> memref<128x16xf32, #tpu.memory_space<vmem_shared>>
      %dma_start3A_42 = arith.constant 0 : i32
      %dma_start3A_43 = tpu.memref_slice %arg7[%add3A_10, %dma_start3A_42] : memref<10240x16xf32, #tpu.memory_space<vmem_shared>> -> memref<128x16xf32, #tpu.memory_space<vmem_shared>>
      tpu.enqueue_dma source(%arg6 : memref<128x16xf32, #tpu.memory_space<vmem>>) target(%dma_start3A_43 : memref<128x16xf32, #tpu.memory_space<vmem_shared>>) target_semaphore(%run_scoped3A_40 : memref<!tpu.dma_semaphore, #tpu.memory_space<semaphore_mem>>)
      %dma_wait3A = arith.constant 0 : i32
      %dma_wait3A_44 = tpu.memref_slice %arg7[%add3A_10, %dma_wait3A] : memref<10240x16xf32, #tpu.memory_space<vmem_shared>> -> memref<128x16xf32, #tpu.memory_space<vmem_shared>>
      %dma_wait3A_45 = arith.constant 0 : i32
      %dma_wait3A_46 = tpu.memref_slice %arg7[%add3A_10, %dma_wait3A_45] : memref<10240x16xf32, #tpu.memory_space<vmem_shared>> -> memref<128x16xf32, #tpu.memory_space<vmem_shared>>
      tpu.wait_dma2 semaphore(%run_scoped3A_40 : memref<!tpu.dma_semaphore, #tpu.memory_space<semaphore_mem>>) src(%arg6 : memref<128x16xf32, #tpu.memory_space<vmem>>) dst(%dma_wait3A_46 : memref<128x16xf32, #tpu.memory_space<vmem_shared>>)
      tpu.yield
    }) : () -> ()
    %add3A_11 = arith.constant 512 : i32
    %add3A_12 = arith.addi %mul3A_2, %add3A_11 : i32
    "tpu.region"() ({
      %run_scoped3A_40 = tpu.sem_alloc : memref<!tpu.dma_semaphore, #tpu.memory_space<semaphore_mem>>
      %dma_start3A = arith.constant 0 : i32
      %dma_start3A_41 = tpu.memref_slice %arg7[%add3A_12, %dma_start3A] : memref<10240x16xf32, #tpu.memory_space<vmem_shared>> -> memref<128x16xf32, #tpu.memory_space<vmem_shared>>
      %dma_start3A_42 = arith.constant 0 : i32
      %dma_start3A_43 = tpu.memref_slice %arg7[%add3A_12, %dma_start3A_42] : memref<10240x16xf32, #tpu.memory_space<vmem_shared>> -> memref<128x16xf32, #tpu.memory_space<vmem_shared>>
      tpu.enqueue_dma source(%arg6 : memref<128x16xf32, #tpu.memory_space<vmem>>) target(%dma_start3A_43 : memref<128x16xf32, #tpu.memory_space<vmem_shared>>) target_semaphore(%run_scoped3A_40 : memref<!tpu.dma_semaphore, #tpu.memory_space<semaphore_mem>>)
      %dma_wait3A = arith.constant 0 : i32
      %dma_wait3A_44 = tpu.memref_slice %arg7[%add3A_12, %dma_wait3A] : memref<10240x16xf32, #tpu.memory_space<vmem_shared>> -> memref<128x16xf32, #tpu.memory_space<vmem_shared>>
      %dma_wait3A_45 = arith.constant 0 : i32
      %dma_wait3A_46 = tpu.memref_slice %arg7[%add3A_12, %dma_wait3A_45] : memref<10240x16xf32, #tpu.memory_space<vmem_shared>> -> memref<128x16xf32, #tpu.memory_space<vmem_shared>>
      tpu.wait_dma2 semaphore(%run_scoped3A_40 : memref<!tpu.dma_semaphore, #tpu.memory_space<semaphore_mem>>) src(%arg6 : memref<128x16xf32, #tpu.memory_space<vmem>>) dst(%dma_wait3A_46 : memref<128x16xf32, #tpu.memory_space<vmem_shared>>)
      tpu.yield
    }) : () -> ()
    %run_scoped3A_13 = arith.constant 0 : i32
    "tpu.region"() ({
      %run_scoped3A_40 = tpu.sem_alloc : memref<!tpu.dma_semaphore, #tpu.memory_space<semaphore_mem>>
      %dma_start3A = arith.constant 0 : i32
      %dma_start3A_41 = arith.constant 0 : i32
      %dma_start3A_42 = tpu.memref_slice %arg3[%run_scoped3A_13, %dma_start3A, %dma_start3A_41] : memref<2x128x16xf32, #tpu.memory_space<hbm>> -> memref<1x128x16xf32, #tpu.memory_space<hbm>>
      %dma_start3A_43 = tpu.memref_squeeze %dma_start3A_42 : memref<1x128x16xf32, #tpu.memory_space<hbm>> -> memref<128x16xf32, #tpu.memory_space<hbm>>
      %dma_start3A_44 = arith.constant 0 : i32
      %dma_start3A_45 = arith.constant 0 : i32
      %dma_start3A_46 = tpu.memref_slice %arg3[%run_scoped3A_13, %dma_start3A_44, %dma_start3A_45] : memref<2x128x16xf32, #tpu.memory_space<hbm>> -> memref<1x128x16xf32, #tpu.memory_space<hbm>>
      %dma_start3A_47 = tpu.memref_squeeze %dma_start3A_46 : memref<1x128x16xf32, #tpu.memory_space<hbm>> -> memref<128x16xf32, #tpu.memory_space<hbm>>
      tpu.enqueue_dma source(%dma_start3A_47 : memref<128x16xf32, #tpu.memory_space<hbm>>) target(%arg6 : memref<128x16xf32, #tpu.memory_space<vmem>>) target_semaphore(%run_scoped3A_40 : memref<!tpu.dma_semaphore, #tpu.memory_space<semaphore_mem>>)
      %dma_wait3A = arith.constant 0 : i32
      %dma_wait3A_48 = arith.constant 0 : i32
      %dma_wait3A_49 = tpu.memref_slice %arg3[%run_scoped3A_13, %dma_wait3A, %dma_wait3A_48] : memref<2x128x16xf32, #tpu.memory_space<hbm>> -> memref<1x128x16xf32, #tpu.memory_space<hbm>>
      %dma_wait3A_50 = tpu.memref_squeeze %dma_wait3A_49 : memref<1x128x16xf32, #tpu.memory_space<hbm>> -> memref<128x16xf32, #tpu.memory_space<hbm>>
      %dma_wait3A_51 = arith.constant 0 : i32
      %dma_wait3A_52 = arith.constant 0 : i32
      %dma_wait3A_53 = tpu.memref_slice %arg3[%run_scoped3A_13, %dma_wait3A_51, %dma_wait3A_52] : memref<2x128x16xf32, #tpu.memory_space<hbm>> -> memref<1x128x16xf32, #tpu.memory_space<hbm>>
      %dma_wait3A_54 = tpu.memref_squeeze %dma_wait3A_53 : memref<1x128x16xf32, #tpu.memory_space<hbm>> -> memref<128x16xf32, #tpu.memory_space<hbm>>
      tpu.wait_dma2 semaphore(%run_scoped3A_40 : memref<!tpu.dma_semaphore, #tpu.memory_space<semaphore_mem>>) src(%dma_wait3A_54 : memref<128x16xf32, #tpu.memory_space<hbm>>) dst(%arg6 : memref<128x16xf32, #tpu.memory_space<vmem>>)
      tpu.yield
    }) : () -> ()
    "tpu.region"() ({
      %run_scoped3A_40 = tpu.sem_alloc : memref<!tpu.dma_semaphore, #tpu.memory_space<semaphore_mem>>
      %dma_start3A = arith.constant 0 : i32
      %dma_start3A_41 = arith.constant 0 : i32
      %dma_start3A_42 = tpu.memref_slice %arg2[%add3A, %dma_start3A, %dma_start3A_41] : memref<32x80x128xi32, #tpu.memory_space<hbm>> -> memref<1x80x128xi32, #tpu.memory_space<hbm>>
      %dma_start3A_43 = tpu.memref_squeeze %dma_start3A_42 : memref<1x80x128xi32, #tpu.memory_space<hbm>> -> memref<80x128xi32, #tpu.memory_space<hbm>>
      %dma_start3A_44 = arith.constant 0 : i32
      %dma_start3A_45 = arith.constant 0 : i32
      %dma_start3A_46 = tpu.memref_slice %arg2[%add3A, %dma_start3A_44, %dma_start3A_45] : memref<32x80x128xi32, #tpu.memory_space<hbm>> -> memref<1x80x128xi32, #tpu.memory_space<hbm>>
      %dma_start3A_47 = tpu.memref_squeeze %dma_start3A_46 : memref<1x80x128xi32, #tpu.memory_space<hbm>> -> memref<80x128xi32, #tpu.memory_space<hbm>>
      tpu.enqueue_dma source(%dma_start3A_47 : memref<80x128xi32, #tpu.memory_space<hbm>>) target(%arg5 : memref<80x128xi32, #tpu.memory_space<vmem>>) target_semaphore(%run_scoped3A_40 : memref<!tpu.dma_semaphore, #tpu.memory_space<semaphore_mem>>)
      %dma_wait3A = arith.constant 0 : i32
      %dma_wait3A_48 = arith.constant 0 : i32
      %dma_wait3A_49 = tpu.memref_slice %arg2[%add3A, %dma_wait3A, %dma_wait3A_48] : memref<32x80x128xi32, #tpu.memory_space<hbm>> -> memref<1x80x128xi32, #tpu.memory_space<hbm>>
      %dma_wait3A_50 = tpu.memref_squeeze %dma_wait3A_49 : memref<1x80x128xi32, #tpu.memory_space<hbm>> -> memref<80x128xi32, #tpu.memory_space<hbm>>
      %dma_wait3A_51 = arith.constant 0 : i32
      %dma_wait3A_52 = arith.constant 0 : i32
      %dma_wait3A_53 = tpu.memref_slice %arg2[%add3A, %dma_wait3A_51, %dma_wait3A_52] : memref<32x80x128xi32, #tpu.memory_space<hbm>> -> memref<1x80x128xi32, #tpu.memory_space<hbm>>
      %dma_wait3A_54 = tpu.memref_squeeze %dma_wait3A_53 : memref<1x80x128xi32, #tpu.memory_space<hbm>> -> memref<80x128xi32, #tpu.memory_space<hbm>>
      tpu.wait_dma2 semaphore(%run_scoped3A_40 : memref<!tpu.dma_semaphore, #tpu.memory_space<semaphore_mem>>) src(%dma_wait3A_54 : memref<80x128xi32, #tpu.memory_space<hbm>>) dst(%arg5 : memref<80x128xi32, #tpu.memory_space<vmem>>)
      tpu.yield
    }) : () -> ()
    %barrier3A = arith.constant 0 : index
    tpu.barrier barrier_id(%barrier3A)
    %scan3A = arith.constant 0 : i32
    %scan3A_14 = arith.constant 0 : i32
    %scan3A_15 = arith.constant 80 : i32
    %scan3A_16 = arith.addi %scan3A_14, %scan3A_15 : i32
    %scan3A_17 = arith.constant 1 : i32
    scf.for %scan3A_40 = %scan3A_14 to %scan3A_16 step %scan3A_17  : i32 {
      "tpu.region"() ({
        %run_scoped3A_41 = tpu.sem_alloc : memref<!tpu.dma_semaphore, #tpu.memory_space<semaphore_mem>>
        %dma_start3A = arith.constant 0 : i32
        %dma_start3A_42 = tpu.memref_slice %arg5[%scan3A_40, %dma_start3A] : memref<80x128xi32, #tpu.memory_space<vmem>> -> memref<1x128xi32, #tpu.memory_space<vmem>>
        %dma_start3A_43 = tpu.memref_squeeze %dma_start3A_42 : memref<1x128xi32, #tpu.memory_space<vmem>> -> memref<128xi32, #tpu.memory_space<vmem>>
        %dma_start3A_44 = arith.constant 0 : i32
        %dma_start3A_45 = arith.constant 0 : i32
        %dma_start3A_46 = tpu.memref_slice %arg7[%dma_start3A_44, %dma_start3A_45] : memref<10240x16xf32, #tpu.memory_space<vmem_shared>> -> memref<10240x16xf32, #tpu.memory_space<vmem_shared>>
        tpu.enqueue_indirect_dma source(%arg6 : memref<128x16xf32, #tpu.memory_space<vmem>>) target(%dma_start3A_46 : memref<10240x16xf32, #tpu.memory_space<vmem_shared>>) offsets(%dma_start3A_43 : memref<128xi32, #tpu.memory_space<vmem>>) semaphore(%run_scoped3A_41 : memref<!tpu.dma_semaphore, #tpu.memory_space<semaphore_mem>>) {add = true}
        %dma_wait3A = arith.constant 0 : i32
        %dma_wait3A_47 = tpu.memref_slice %arg5[%scan3A_40, %dma_wait3A] : memref<80x128xi32, #tpu.memory_space<vmem>> -> memref<1x128xi32, #tpu.memory_space<vmem>>
        %dma_wait3A_48 = tpu.memref_squeeze %dma_wait3A_47 : memref<1x128xi32, #tpu.memory_space<vmem>> -> memref<128xi32, #tpu.memory_space<vmem>>
        %dma_wait3A_49 = arith.constant 0 : i32
        %dma_wait3A_50 = arith.constant 0 : i32
        %dma_wait3A_51 = tpu.memref_slice %arg7[%dma_wait3A_49, %dma_wait3A_50] : memref<10240x16xf32, #tpu.memory_space<vmem_shared>> -> memref<10240x16xf32, #tpu.memory_space<vmem_shared>>
        tpu.wait_indirect_dma semaphore(%run_scoped3A_41 : memref<!tpu.dma_semaphore, #tpu.memory_space<semaphore_mem>>) src(%arg6 : memref<128x16xf32, #tpu.memory_space<vmem>>) dst(%dma_wait3A_51 : memref<10240x16xf32, #tpu.memory_space<vmem_shared>>)
        tpu.yield
      }) : () -> ()
    }
    %scan3A_18 = arith.constant 80 : i32
    %barrier3A_19 = arith.constant 0 : index
    tpu.barrier barrier_id(%barrier3A_19)
    %add3A_20 = arith.constant 0 : i32
    %add3A_21 = arith.addi %mul3A_2, %add3A_20 : i32
    "tpu.region"() ({
      %run_scoped3A_40 = tpu.sem_alloc : memref<!tpu.dma_semaphore, #tpu.memory_space<semaphore_mem>>
      %dma_start3A = arith.constant 0 : i32
      %dma_start3A_41 = tpu.memref_slice %arg7[%add3A_21, %dma_start3A] : memref<10240x16xf32, #tpu.memory_space<vmem_shared>> -> memref<128x16xf32, #tpu.memory_space<vmem_shared>>
      %dma_start3A_42 = arith.constant 0 : i32
      %dma_start3A_43 = tpu.memref_slice %arg7[%add3A_21, %dma_start3A_42] : memref<10240x16xf32, #tpu.memory_space<vmem_shared>> -> memref<128x16xf32, #tpu.memory_space<vmem_shared>>
      tpu.enqueue_dma source(%dma_start3A_43 : memref<128x16xf32, #tpu.memory_space<vmem_shared>>) target(%arg6 : memref<128x16xf32, #tpu.memory_space<vmem>>) target_semaphore(%run_scoped3A_40 : memref<!tpu.dma_semaphore, #tpu.memory_space<semaphore_mem>>)
      %dma_wait3A = arith.constant 0 : i32
      %dma_wait3A_44 = tpu.memref_slice %arg7[%add3A_21, %dma_wait3A] : memref<10240x16xf32, #tpu.memory_space<vmem_shared>> -> memref<128x16xf32, #tpu.memory_space<vmem_shared>>
      %dma_wait3A_45 = arith.constant 0 : i32
      %dma_wait3A_46 = tpu.memref_slice %arg7[%add3A_21, %dma_wait3A_45] : memref<10240x16xf32, #tpu.memory_space<vmem_shared>> -> memref<128x16xf32, #tpu.memory_space<vmem_shared>>
      tpu.wait_dma2 semaphore(%run_scoped3A_40 : memref<!tpu.dma_semaphore, #tpu.memory_space<semaphore_mem>>) src(%dma_wait3A_46 : memref<128x16xf32, #tpu.memory_space<vmem_shared>>) dst(%arg6 : memref<128x16xf32, #tpu.memory_space<vmem>>)
      tpu.yield
    }) : () -> ()
    %add3A_22 = arith.constant 0 : i32
    %add3A_23 = arith.addi %mul3A_2, %add3A_22 : i32
    "tpu.region"() ({
      %run_scoped3A_40 = tpu.sem_alloc : memref<!tpu.dma_semaphore, #tpu.memory_space<semaphore_mem>>
      %dma_start3A = arith.constant 0 : i32
      %dma_start3A_41 = tpu.memref_slice %arg4[%arg0, %add3A_23, %dma_start3A] : memref<2x10240x16xf32, #tpu.memory_space<hbm>> -> memref<1x128x16xf32, #tpu.memory_space<hbm>>
      %dma_start3A_42 = tpu.memref_squeeze %dma_start3A_41 : memref<1x128x16xf32, #tpu.memory_space<hbm>> -> memref<128x16xf32, #tpu.memory_space<hbm>>
      %dma_start3A_43 = arith.constant 0 : i32
      %dma_start3A_44 = tpu.memref_slice %arg4[%arg0, %add3A_23, %dma_start3A_43] : memref<2x10240x16xf32, #tpu.memory_space<hbm>> -> memref<1x128x16xf32, #tpu.memory_space<hbm>>
      %dma_start3A_45 = tpu.memref_squeeze %dma_start3A_44 : memref<1x128x16xf32, #tpu.memory_space<hbm>> -> memref<128x16xf32, #tpu.memory_space<hbm>>
      tpu.enqueue_dma source(%arg6 : memref<128x16xf32, #tpu.memory_space<vmem>>) target(%dma_start3A_45 : memref<128x16xf32, #tpu.memory_space<hbm>>) target_semaphore(%run_scoped3A_40 : memref<!tpu.dma_semaphore, #tpu.memory_space<semaphore_mem>>)
      %dma_wait3A = arith.constant 0 : i32
      %dma_wait3A_46 = tpu.memref_slice %arg4[%arg0, %add3A_23, %dma_wait3A] : memref<2x10240x16xf32, #tpu.memory_space<hbm>> -> memref<1x128x16xf32, #tpu.memory_space<hbm>>
      %dma_wait3A_47 = tpu.memref_squeeze %dma_wait3A_46 : memref<1x128x16xf32, #tpu.memory_space<hbm>> -> memref<128x16xf32, #tpu.memory_space<hbm>>
      %dma_wait3A_48 = arith.constant 0 : i32
      %dma_wait3A_49 = tpu.memref_slice %arg4[%arg0, %add3A_23, %dma_wait3A_48] : memref<2x10240x16xf32, #tpu.memory_space<hbm>> -> memref<1x128x16xf32, #tpu.memory_space<hbm>>
      %dma_wait3A_50 = tpu.memref_squeeze %dma_wait3A_49 : memref<1x128x16xf32, #tpu.memory_space<hbm>> -> memref<128x16xf32, #tpu.memory_space<hbm>>
      tpu.wait_dma2 semaphore(%run_scoped3A_40 : memref<!tpu.dma_semaphore, #tpu.memory_space<semaphore_mem>>) src(%arg6 : memref<128x16xf32, #tpu.memory_space<vmem>>) dst(%dma_wait3A_50 : memref<128x16xf32, #tpu.memory_space<hbm>>)
      tpu.yield
    }) : () -> ()
    %add3A_24 = arith.constant 128 : i32
    %add3A_25 = arith.addi %mul3A_2, %add3A_24 : i32
    "tpu.region"() ({
      %run_scoped3A_40 = tpu.sem_alloc : memref<!tpu.dma_semaphore, #tpu.memory_space<semaphore_mem>>
      %dma_start3A = arith.constant 0 : i32
      %dma_start3A_41 = tpu.memref_slice %arg7[%add3A_25, %dma_start3A] : memref<10240x16xf32, #tpu.memory_space<vmem_shared>> -> memref<128x16xf32, #tpu.memory_space<vmem_shared>>
      %dma_start3A_42 = arith.constant 0 : i32
      %dma_start3A_43 = tpu.memref_slice %arg7[%add3A_25, %dma_start3A_42] : memref<10240x16xf32, #tpu.memory_space<vmem_shared>> -> memref<128x16xf32, #tpu.memory_space<vmem_shared>>
      tpu.enqueue_dma source(%dma_start3A_43 : memref<128x16xf32, #tpu.memory_space<vmem_shared>>) target(%arg6 : memref<128x16xf32, #tpu.memory_space<vmem>>) target_semaphore(%run_scoped3A_40 : memref<!tpu.dma_semaphore, #tpu.memory_space<semaphore_mem>>)
      %dma_wait3A = arith.constant 0 : i32
      %dma_wait3A_44 = tpu.memref_slice %arg7[%add3A_25, %dma_wait3A] : memref<10240x16xf32, #tpu.memory_space<vmem_shared>> -> memref<128x16xf32, #tpu.memory_space<vmem_shared>>
      %dma_wait3A_45 = arith.constant 0 : i32
      %dma_wait3A_46 = tpu.memref_slice %arg7[%add3A_25, %dma_wait3A_45] : memref<10240x16xf32, #tpu.memory_space<vmem_shared>> -> memref<128x16xf32, #tpu.memory_space<vmem_shared>>
      tpu.wait_dma2 semaphore(%run_scoped3A_40 : memref<!tpu.dma_semaphore, #tpu.memory_space<semaphore_mem>>) src(%dma_wait3A_46 : memref<128x16xf32, #tpu.memory_space<vmem_shared>>) dst(%arg6 : memref<128x16xf32, #tpu.memory_space<vmem>>)
      tpu.yield
    }) : () -> ()
    %add3A_26 = arith.constant 128 : i32
    %add3A_27 = arith.addi %mul3A_2, %add3A_26 : i32
    "tpu.region"() ({
      %run_scoped3A_40 = tpu.sem_alloc : memref<!tpu.dma_semaphore, #tpu.memory_space<semaphore_mem>>
      %dma_start3A = arith.constant 0 : i32
      %dma_start3A_41 = tpu.memref_slice %arg4[%arg0, %add3A_27, %dma_start3A] : memref<2x10240x16xf32, #tpu.memory_space<hbm>> -> memref<1x128x16xf32, #tpu.memory_space<hbm>>
      %dma_start3A_42 = tpu.memref_squeeze %dma_start3A_41 : memref<1x128x16xf32, #tpu.memory_space<hbm>> -> memref<128x16xf32, #tpu.memory_space<hbm>>
      %dma_start3A_43 = arith.constant 0 : i32
      %dma_start3A_44 = tpu.memref_slice %arg4[%arg0, %add3A_27, %dma_start3A_43] : memref<2x10240x16xf32, #tpu.memory_space<hbm>> -> memref<1x128x16xf32, #tpu.memory_space<hbm>>
      %dma_start3A_45 = tpu.memref_squeeze %dma_start3A_44 : memref<1x128x16xf32, #tpu.memory_space<hbm>> -> memref<128x16xf32, #tpu.memory_space<hbm>>
      tpu.enqueue_dma source(%arg6 : memref<128x16xf32, #tpu.memory_space<vmem>>) target(%dma_start3A_45 : memref<128x16xf32, #tpu.memory_space<hbm>>) target_semaphore(%run_scoped3A_40 : memref<!tpu.dma_semaphore, #tpu.memory_space<semaphore_mem>>)
      %dma_wait3A = arith.constant 0 : i32
      %dma_wait3A_46 = tpu.memref_slice %arg4[%arg0, %add3A_27, %dma_wait3A] : memref<2x10240x16xf32, #tpu.memory_space<hbm>> -> memref<1x128x16xf32, #tpu.memory_space<hbm>>
      %dma_wait3A_47 = tpu.memref_squeeze %dma_wait3A_46 : memref<1x128x16xf32, #tpu.memory_space<hbm>> -> memref<128x16xf32, #tpu.memory_space<hbm>>
      %dma_wait3A_48 = arith.constant 0 : i32
      %dma_wait3A_49 = tpu.memref_slice %arg4[%arg0, %add3A_27, %dma_wait3A_48] : memref<2x10240x16xf32, #tpu.memory_space<hbm>> -> memref<1x128x16xf32, #tpu.memory_space<hbm>>
      %dma_wait3A_50 = tpu.memref_squeeze %dma_wait3A_49 : memref<1x128x16xf32, #tpu.memory_space<hbm>> -> memref<128x16xf32, #tpu.memory_space<hbm>>
      tpu.wait_dma2 semaphore(%run_scoped3A_40 : memref<!tpu.dma_semaphore, #tpu.memory_space<semaphore_mem>>) src(%arg6 : memref<128x16xf32, #tpu.memory_space<vmem>>) dst(%dma_wait3A_50 : memref<128x16xf32, #tpu.memory_space<hbm>>)
      tpu.yield
    }) : () -> ()
    %add3A_28 = arith.constant 256 : i32
    %add3A_29 = arith.addi %mul3A_2, %add3A_28 : i32
    "tpu.region"() ({
      %run_scoped3A_40 = tpu.sem_alloc : memref<!tpu.dma_semaphore, #tpu.memory_space<semaphore_mem>>
      %dma_start3A = arith.constant 0 : i32
      %dma_start3A_41 = tpu.memref_slice %arg7[%add3A_29, %dma_start3A] : memref<10240x16xf32, #tpu.memory_space<vmem_shared>> -> memref<128x16xf32, #tpu.memory_space<vmem_shared>>
      %dma_start3A_42 = arith.constant 0 : i32
      %dma_start3A_43 = tpu.memref_slice %arg7[%add3A_29, %dma_start3A_42] : memref<10240x16xf32, #tpu.memory_space<vmem_shared>> -> memref<128x16xf32, #tpu.memory_space<vmem_shared>>
      tpu.enqueue_dma source(%dma_start3A_43 : memref<128x16xf32, #tpu.memory_space<vmem_shared>>) target(%arg6 : memref<128x16xf32, #tpu.memory_space<vmem>>) target_semaphore(%run_scoped3A_40 : memref<!tpu.dma_semaphore, #tpu.memory_space<semaphore_mem>>)
      %dma_wait3A = arith.constant 0 : i32
      %dma_wait3A_44 = tpu.memref_slice %arg7[%add3A_29, %dma_wait3A] : memref<10240x16xf32, #tpu.memory_space<vmem_shared>> -> memref<128x16xf32, #tpu.memory_space<vmem_shared>>
      %dma_wait3A_45 = arith.constant 0 : i32
      %dma_wait3A_46 = tpu.memref_slice %arg7[%add3A_29, %dma_wait3A_45] : memref<10240x16xf32, #tpu.memory_space<vmem_shared>> -> memref<128x16xf32, #tpu.memory_space<vmem_shared>>
      tpu.wait_dma2 semaphore(%run_scoped3A_40 : memref<!tpu.dma_semaphore, #tpu.memory_space<semaphore_mem>>) src(%dma_wait3A_46 : memref<128x16xf32, #tpu.memory_space<vmem_shared>>) dst(%arg6 : memref<128x16xf32, #tpu.memory_space<vmem>>)
      tpu.yield
    }) : () -> ()
    %add3A_30 = arith.constant 256 : i32
    %add3A_31 = arith.addi %mul3A_2, %add3A_30 : i32
    "tpu.region"() ({
      %run_scoped3A_40 = tpu.sem_alloc : memref<!tpu.dma_semaphore, #tpu.memory_space<semaphore_mem>>
      %dma_start3A = arith.constant 0 : i32
      %dma_start3A_41 = tpu.memref_slice %arg4[%arg0, %add3A_31, %dma_start3A] : memref<2x10240x16xf32, #tpu.memory_space<hbm>> -> memref<1x128x16xf32, #tpu.memory_space<hbm>>
      %dma_start3A_42 = tpu.memref_squeeze %dma_start3A_41 : memref<1x128x16xf32, #tpu.memory_space<hbm>> -> memref<128x16xf32, #tpu.memory_space<hbm>>
      %dma_start3A_43 = arith.constant 0 : i32
      %dma_start3A_44 = tpu.memref_slice %arg4[%arg0, %add3A_31, %dma_start3A_43] : memref<2x10240x16xf32, #tpu.memory_space<hbm>> -> memref<1x128x16xf32, #tpu.memory_space<hbm>>
      %dma_start3A_45 = tpu.memref_squeeze %dma_start3A_44 : memref<1x128x16xf32, #tpu.memory_space<hbm>> -> memref<128x16xf32, #tpu.memory_space<hbm>>
      tpu.enqueue_dma source(%arg6 : memref<128x16xf32, #tpu.memory_space<vmem>>) target(%dma_start3A_45 : memref<128x16xf32, #tpu.memory_space<hbm>>) target_semaphore(%run_scoped3A_40 : memref<!tpu.dma_semaphore, #tpu.memory_space<semaphore_mem>>)
      %dma_wait3A = arith.constant 0 : i32
      %dma_wait3A_46 = tpu.memref_slice %arg4[%arg0, %add3A_31, %dma_wait3A] : memref<2x10240x16xf32, #tpu.memory_space<hbm>> -> memref<1x128x16xf32, #tpu.memory_space<hbm>>
      %dma_wait3A_47 = tpu.memref_squeeze %dma_wait3A_46 : memref<1x128x16xf32, #tpu.memory_space<hbm>> -> memref<128x16xf32, #tpu.memory_space<hbm>>
      %dma_wait3A_48 = arith.constant 0 : i32
      %dma_wait3A_49 = tpu.memref_slice %arg4[%arg0, %add3A_31, %dma_wait3A_48] : memref<2x10240x16xf32, #tpu.memory_space<hbm>> -> memref<1x128x16xf32, #tpu.memory_space<hbm>>
      %dma_wait3A_50 = tpu.memref_squeeze %dma_wait3A_49 : memref<1x128x16xf32, #tpu.memory_space<hbm>> -> memref<128x16xf32, #tpu.memory_space<hbm>>
      tpu.wait_dma2 semaphore(%run_scoped3A_40 : memref<!tpu.dma_semaphore, #tpu.memory_space<semaphore_mem>>) src(%arg6 : memref<128x16xf32, #tpu.memory_space<vmem>>) dst(%dma_wait3A_50 : memref<128x16xf32, #tpu.memory_space<hbm>>)
      tpu.yield
    }) : () -> ()
    %add3A_32 = arith.constant 384 : i32
    %add3A_33 = arith.addi %mul3A_2, %add3A_32 : i32
    "tpu.region"() ({
      %run_scoped3A_40 = tpu.sem_alloc : memref<!tpu.dma_semaphore, #tpu.memory_space<semaphore_mem>>
      %dma_start3A = arith.constant 0 : i32
      %dma_start3A_41 = tpu.memref_slice %arg7[%add3A_33, %dma_start3A] : memref<10240x16xf32, #tpu.memory_space<vmem_shared>> -> memref<128x16xf32, #tpu.memory_space<vmem_shared>>
      %dma_start3A_42 = arith.constant 0 : i32
      %dma_start3A_43 = tpu.memref_slice %arg7[%add3A_33, %dma_start3A_42] : memref<10240x16xf32, #tpu.memory_space<vmem_shared>> -> memref<128x16xf32, #tpu.memory_space<vmem_shared>>
      tpu.enqueue_dma source(%dma_start3A_43 : memref<128x16xf32, #tpu.memory_space<vmem_shared>>) target(%arg6 : memref<128x16xf32, #tpu.memory_space<vmem>>) target_semaphore(%run_scoped3A_40 : memref<!tpu.dma_semaphore, #tpu.memory_space<semaphore_mem>>)
      %dma_wait3A = arith.constant 0 : i32
      %dma_wait3A_44 = tpu.memref_slice %arg7[%add3A_33, %dma_wait3A] : memref<10240x16xf32, #tpu.memory_space<vmem_shared>> -> memref<128x16xf32, #tpu.memory_space<vmem_shared>>
      %dma_wait3A_45 = arith.constant 0 : i32
      %dma_wait3A_46 = tpu.memref_slice %arg7[%add3A_33, %dma_wait3A_45] : memref<10240x16xf32, #tpu.memory_space<vmem_shared>> -> memref<128x16xf32, #tpu.memory_space<vmem_shared>>
      tpu.wait_dma2 semaphore(%run_scoped3A_40 : memref<!tpu.dma_semaphore, #tpu.memory_space<semaphore_mem>>) src(%dma_wait3A_46 : memref<128x16xf32, #tpu.memory_space<vmem_shared>>) dst(%arg6 : memref<128x16xf32, #tpu.memory_space<vmem>>)
      tpu.yield
    }) : () -> ()
    %add3A_34 = arith.constant 384 : i32
    %add3A_35 = arith.addi %mul3A_2, %add3A_34 : i32
    "tpu.region"() ({
      %run_scoped3A_40 = tpu.sem_alloc : memref<!tpu.dma_semaphore, #tpu.memory_space<semaphore_mem>>
      %dma_start3A = arith.constant 0 : i32
      %dma_start3A_41 = tpu.memref_slice %arg4[%arg0, %add3A_35, %dma_start3A] : memref<2x10240x16xf32, #tpu.memory_space<hbm>> -> memref<1x128x16xf32, #tpu.memory_space<hbm>>
      %dma_start3A_42 = tpu.memref_squeeze %dma_start3A_41 : memref<1x128x16xf32, #tpu.memory_space<hbm>> -> memref<128x16xf32, #tpu.memory_space<hbm>>
      %dma_start3A_43 = arith.constant 0 : i32
      %dma_start3A_44 = tpu.memref_slice %arg4[%arg0, %add3A_35, %dma_start3A_43] : memref<2x10240x16xf32, #tpu.memory_space<hbm>> -> memref<1x128x16xf32, #tpu.memory_space<hbm>>
      %dma_start3A_45 = tpu.memref_squeeze %dma_start3A_44 : memref<1x128x16xf32, #tpu.memory_space<hbm>> -> memref<128x16xf32, #tpu.memory_space<hbm>>
      tpu.enqueue_dma source(%arg6 : memref<128x16xf32, #tpu.memory_space<vmem>>) target(%dma_start3A_45 : memref<128x16xf32, #tpu.memory_space<hbm>>) target_semaphore(%run_scoped3A_40 : memref<!tpu.dma_semaphore, #tpu.memory_space<semaphore_mem>>)
      %dma_wait3A = arith.constant 0 : i32
      %dma_wait3A_46 = tpu.memref_slice %arg4[%arg0, %add3A_35, %dma_wait3A] : memref<2x10240x16xf32, #tpu.memory_space<hbm>> -> memref<1x128x16xf32, #tpu.memory_space<hbm>>
      %dma_wait3A_47 = tpu.memref_squeeze %dma_wait3A_46 : memref<1x128x16xf32, #tpu.memory_space<hbm>> -> memref<128x16xf32, #tpu.memory_space<hbm>>
      %dma_wait3A_48 = arith.constant 0 : i32
      %dma_wait3A_49 = tpu.memref_slice %arg4[%arg0, %add3A_35, %dma_wait3A_48] : memref<2x10240x16xf32, #tpu.memory_space<hbm>> -> memref<1x128x16xf32, #tpu.memory_space<hbm>>
      %dma_wait3A_50 = tpu.memref_squeeze %dma_wait3A_49 : memref<1x128x16xf32, #tpu.memory_space<hbm>> -> memref<128x16xf32, #tpu.memory_space<hbm>>
      tpu.wait_dma2 semaphore(%run_scoped3A_40 : memref<!tpu.dma_semaphore, #tpu.memory_space<semaphore_mem>>) src(%arg6 : memref<128x16xf32, #tpu.memory_space<vmem>>) dst(%dma_wait3A_50 : memref<128x16xf32, #tpu.memory_space<hbm>>)
      tpu.yield
    }) : () -> ()
    %add3A_36 = arith.constant 512 : i32
    %add3A_37 = arith.addi %mul3A_2, %add3A_36 : i32
    "tpu.region"() ({
      %run_scoped3A_40 = tpu.sem_alloc : memref<!tpu.dma_semaphore, #tpu.memory_space<semaphore_mem>>
      %dma_start3A = arith.constant 0 : i32
      %dma_start3A_41 = tpu.memref_slice %arg7[%add3A_37, %dma_start3A] : memref<10240x16xf32, #tpu.memory_space<vmem_shared>> -> memref<128x16xf32, #tpu.memory_space<vmem_shared>>
      %dma_start3A_42 = arith.constant 0 : i32
      %dma_start3A_43 = tpu.memref_slice %arg7[%add3A_37, %dma_start3A_42] : memref<10240x16xf32, #tpu.memory_space<vmem_shared>> -> memref<128x16xf32, #tpu.memory_space<vmem_shared>>
      tpu.enqueue_dma source(%dma_start3A_43 : memref<128x16xf32, #tpu.memory_space<vmem_shared>>) target(%arg6 : memref<128x16xf32, #tpu.memory_space<vmem>>) target_semaphore(%run_scoped3A_40 : memref<!tpu.dma_semaphore, #tpu.memory_space<semaphore_mem>>)
      %dma_wait3A = arith.constant 0 : i32
      %dma_wait3A_44 = tpu.memref_slice %arg7[%add3A_37, %dma_wait3A] : memref<10240x16xf32, #tpu.memory_space<vmem_shared>> -> memref<128x16xf32, #tpu.memory_space<vmem_shared>>
      %dma_wait3A_45 = arith.constant 0 : i32
      %dma_wait3A_46 = tpu.memref_slice %arg7[%add3A_37, %dma_wait3A_45] : memref<10240x16xf32, #tpu.memory_space<vmem_shared>> -> memref<128x16xf32, #tpu.memory_space<vmem_shared>>
      tpu.wait_dma2 semaphore(%run_scoped3A_40 : memref<!tpu.dma_semaphore, #tpu.memory_space<semaphore_mem>>) src(%dma_wait3A_46 : memref<128x16xf32, #tpu.memory_space<vmem_shared>>) dst(%arg6 : memref<128x16xf32, #tpu.memory_space<vmem>>)
      tpu.yield
    }) : () -> ()
    %add3A_38 = arith.constant 512 : i32
    %add3A_39 = arith.addi %mul3A_2, %add3A_38 : i32
    "tpu.region"() ({
      %run_scoped3A_40 = tpu.sem_alloc : memref<!tpu.dma_semaphore, #tpu.memory_space<semaphore_mem>>
      %dma_start3A = arith.constant 0 : i32
      %dma_start3A_41 = tpu.memref_slice %arg4[%arg0, %add3A_39, %dma_start3A] : memref<2x10240x16xf32, #tpu.memory_space<hbm>> -> memref<1x128x16xf32, #tpu.memory_space<hbm>>
      %dma_start3A_42 = tpu.memref_squeeze %dma_start3A_41 : memref<1x128x16xf32, #tpu.memory_space<hbm>> -> memref<128x16xf32, #tpu.memory_space<hbm>>
      %dma_start3A_43 = arith.constant 0 : i32
      %dma_start3A_44 = tpu.memref_slice %arg4[%arg0, %add3A_39, %dma_start3A_43] : memref<2x10240x16xf32, #tpu.memory_space<hbm>> -> memref<1x128x16xf32, #tpu.memory_space<hbm>>
      %dma_start3A_45 = tpu.memref_squeeze %dma_start3A_44 : memref<1x128x16xf32, #tpu.memory_space<hbm>> -> memref<128x16xf32, #tpu.memory_space<hbm>>
      tpu.enqueue_dma source(%arg6 : memref<128x16xf32, #tpu.memory_space<vmem>>) target(%dma_start3A_45 : memref<128x16xf32, #tpu.memory_space<hbm>>) target_semaphore(%run_scoped3A_40 : memref<!tpu.dma_semaphore, #tpu.memory_space<semaphore_mem>>)
      %dma_wait3A = arith.constant 0 : i32
      %dma_wait3A_46 = tpu.memref_slice %arg4[%arg0, %add3A_39, %dma_wait3A] : memref<2x10240x16xf32, #tpu.memory_space<hbm>> -> memref<1x128x16xf32, #tpu.memory_space<hbm>>
      %dma_wait3A_47 = tpu.memref_squeeze %dma_wait3A_46 : memref<1x128x16xf32, #tpu.memory_space<hbm>> -> memref<128x16xf32, #tpu.memory_space<hbm>>
      %dma_wait3A_48 = arith.constant 0 : i32
      %dma_wait3A_49 = tpu.memref_slice %arg4[%arg0, %add3A_39, %dma_wait3A_48] : memref<2x10240x16xf32, #tpu.memory_space<hbm>> -> memref<1x128x16xf32, #tpu.memory_space<hbm>>
      %dma_wait3A_50 = tpu.memref_squeeze %dma_wait3A_49 : memref<1x128x16xf32, #tpu.memory_space<hbm>> -> memref<128x16xf32, #tpu.memory_space<hbm>>
      tpu.wait_dma2 semaphore(%run_scoped3A_40 : memref<!tpu.dma_semaphore, #tpu.memory_space<semaphore_mem>>) src(%arg6 : memref<128x16xf32, #tpu.memory_space<vmem>>) dst(%dma_wait3A_50 : memref<128x16xf32, #tpu.memory_space<hbm>>)
      tpu.yield
    }) : () -> ()
    return
  }
}

module attributes {stable_mosaic.version = 14 : i64} {
  func.func @body(%arg0: memref<10000x128xf32, #tpu.memory_space<vmem>>, %arg1: memref<128x128xf32, #tpu.memory_space<vmem>>, %arg2: memref<128x128xf32, #tpu.memory_space<vmem>>, %arg3: memref<10000x128xf32, #tpu.memory_space<vmem>>, %arg4: memref<10000x128xf32, #tpu.memory_space<vmem>>) attributes {dimension_semantics = [], scalar_prefetch = 0 : i64, scratch_operands = 0 : i64, tpu.core_type = #tpu.core_type<tc>} {
    %get3A = arith.constant 0 : index
    %get3A_0 = arith.constant 0 : index
    %get3A_1 = vector.load %arg0[%get3A, %get3A_0] : memref<10000x128xf32, #tpu.memory_space<vmem>>, vector<10000x128xf32>
    %get3A_2 = arith.constant 0 : index
    %get3A_3 = arith.constant 0 : index
    %get3A_4 = vector.load %arg1[%get3A_2, %get3A_3] : memref<128x128xf32, #tpu.memory_space<vmem>>, vector<128x128xf32>
    %dot_general3A = arith.constant dense<0.000000e+00> : vector<10000x128xf32>
    %dot_general3A_5 = tpu.matmul %get3A_1, %get3A_4, %dot_general3A {dimension_numbers = #tpu.dot_dimension_numbers<[1], [0], [0], [1], [0, 0, 1, 1], [], []>, transpose_lhs_hint = false} : vector<10000x128xf32>, vector<128x128xf32>, vector<10000x128xf32> -> vector<10000x128xf32>
    %swap3A = arith.constant 0 : index
    %swap3A_6 = arith.constant 0 : index
    %swap3A_7 = vector.load %arg3[%swap3A, %swap3A_6] : memref<10000x128xf32, #tpu.memory_space<vmem>>, vector<10000x128xf32>
    tpu.vector_store %arg3[%swap3A, %swap3A_6], %dot_general3A_5 {strides = array<i32>} : memref<10000x128xf32, #tpu.memory_space<vmem>>, vector<10000x128xf32>,
    %get3A_8 = arith.constant 0 : index
    %get3A_9 = arith.constant 0 : index
    %get3A_10 = vector.load %arg2[%get3A_8, %get3A_9] : memref<128x128xf32, #tpu.memory_space<vmem>>, vector<128x128xf32>
    %dot_general3A_11 = arith.constant dense<0.000000e+00> : vector<10000x128xf32>
    %dot_general3A_12 = tpu.matmul %get3A_1, %get3A_10, %dot_general3A_11 {dimension_numbers = #tpu.dot_dimension_numbers<[1], [0], [0], [1], [0, 0, 1, 1], [], []>, transpose_lhs_hint = false} : vector<10000x128xf32>, vector<128x128xf32>, vector<10000x128xf32> -> vector<10000x128xf32>
    %swap3A_13 = arith.constant 0 : index
    %swap3A_14 = arith.constant 0 : index
    %swap3A_15 = vector.load %arg4[%swap3A_13, %swap3A_14] : memref<10000x128xf32, #tpu.memory_space<vmem>>, vector<10000x128xf32>
    tpu.vector_store %arg4[%swap3A_13, %swap3A_14], %dot_general3A_12 {strides = array<i32>} : memref<10000x128xf32, #tpu.memory_space<vmem>>, vector<10000x128xf32>,
    return
  }
}

module attributes {stable_mosaic.version = 14 : i64} {
  func.func @body(%arg0: memref<2x10240x128xf32, #tpu.memory_space<vmem>>, %arg1: memref<2x10240x16xf32, #tpu.memory_space<vmem>>, %arg2: memref<10000x128xf32, #tpu.memory_space<vmem>>, %arg3: memref<1x128xf32, #tpu.memory_space<vmem>>, %arg4: memref<1x128xf32, #tpu.memory_space<vmem>>, %arg5: memref<1x128xf32, #tpu.memory_space<vmem>>, %arg6: memref<128x128xf32, #tpu.memory_space<vmem>>, %arg7: memref<128x128xf32, #tpu.memory_space<vmem>>, %arg8: memref<10000x128xf32, #tpu.memory_space<vmem>>, %arg9: memref<10000x128xf32, #tpu.memory_space<vmem>>) attributes {dimension_semantics = [], scalar_prefetch = 0 : i64, scratch_operands = 0 : i64, tpu.core_type = #tpu.core_type<tc>} {
    %get3A = arith.constant 0 : index
    %get3A_0 = arith.constant 0 : index
    %get3A_1 = arith.constant 0 : index
    %get3A_2 = vector.load %arg0[%get3A, %get3A_0, %get3A_1] : memref<2x10240x128xf32, #tpu.memory_space<vmem>>, vector<1x10000x128xf32>
    %get3A_3 = vector.shape_cast %get3A_2 : vector<1x10000x128xf32> to vector<10000x128xf32>
    %get3A_4 = arith.constant 1 : index
    %get3A_5 = arith.constant 0 : index
    %get3A_6 = arith.constant 0 : index
    %get3A_7 = vector.load %arg0[%get3A_4, %get3A_5, %get3A_6] : memref<2x10240x128xf32, #tpu.memory_space<vmem>>, vector<1x10000x128xf32>
    %get3A_8 = vector.shape_cast %get3A_7 : vector<1x10000x128xf32> to vector<10000x128xf32>
    %add3A = arith.addf %get3A_3, %get3A_8 : vector<10000x128xf32>
    %get3A_9 = arith.constant 0 : index
    %get3A_10 = arith.constant 0 : index
    %get3A_11 = arith.constant 0 : index
    %get3A_12 = vector.load %arg1[%get3A_9, %get3A_10, %get3A_11] : memref<2x10240x16xf32, #tpu.memory_space<vmem>>, vector<1x10000x1xf32>
    %get3A_13 = vector.shape_cast %get3A_12 : vector<1x10000x1xf32> to vector<10000x1xf32>
    %get3A_14 = arith.constant 1 : index
    %get3A_15 = arith.constant 0 : index
    %get3A_16 = arith.constant 0 : index
    %get3A_17 = vector.load %arg1[%get3A_14, %get3A_15, %get3A_16] : memref<2x10240x16xf32, #tpu.memory_space<vmem>>, vector<1x10000x1xf32>
    %get3A_18 = vector.shape_cast %get3A_17 : vector<1x10000x1xf32> to vector<10000x1xf32>
    %add3A_19 = arith.addf %get3A_13, %get3A_18 : vector<10000x1xf32>
    %max3A = arith.constant 1.000000e+00 : f32
    %max3A_20 = vector.broadcast %max3A : f32 to vector<10000x1xf32>
    %max3A_21 = arith.maximumf %add3A_19, %max3A_20 : vector<10000x1xf32>
    %div3A = arith.constant 1.000000e+00 : f32
    %div3A_22 = vector.broadcast %div3A : f32 to vector<10000x1xf32>
    %div3A_23 = arith.divf %div3A_22, %max3A_21 : vector<10000x1xf32>
    %mul3A = vector.broadcast %div3A_23 : vector<10000x1xf32> to vector<10000x128xf32>
    %mul3A_24 = arith.mulf %add3A, %mul3A : vector<10000x128xf32>
    %get3A_25 = arith.constant 0 : index
    %get3A_26 = arith.constant 0 : index
    %get3A_27 = vector.load %arg3[%get3A_25, %get3A_26] : memref<1x128xf32, #tpu.memory_space<vmem>>, vector<1x128xf32>
    %add3A_28 = vector.broadcast %get3A_27 : vector<1x128xf32> to vector<10000x128xf32>
    %add3A_29 = arith.addf %mul3A_24, %add3A_28 : vector<10000x128xf32>
    %get3A_30 = arith.constant 0 : index
    %get3A_31 = arith.constant 0 : index
    %get3A_32 = vector.load %arg2[%get3A_30, %get3A_31] : memref<10000x128xf32, #tpu.memory_space<vmem>>, vector<10000x128xf32>
    %add3A_33 = arith.addf %add3A_29, %get3A_32 : vector<10000x128xf32>
    %reduce_sum3A = arith.constant dense<0.000000e+00> : vector<128xf32>
    %reduce_sum3A_34 = vector.multi_reduction <add>, %add3A_33, %reduce_sum3A [0] : vector<10000x128xf32> to vector<128xf32>
    %broadcast_in_dim3A = vector.shape_cast %reduce_sum3A_34 : vector<128xf32> to vector<1x128xf32>
    %div3A_35 = arith.constant 1.000000e+04 : f32
    %div3A_36 = vector.broadcast %div3A_35 : f32 to vector<1x128xf32>
    %div3A_37 = arith.divf %broadcast_in_dim3A, %div3A_36 : vector<1x128xf32>
    %sub3A = vector.broadcast %div3A_37 : vector<1x128xf32> to vector<10000x128xf32>
    %sub3A_38 = arith.subf %add3A_33, %sub3A : vector<10000x128xf32>
    %sub3A_39 = vector.broadcast %div3A_37 : vector<1x128xf32> to vector<10000x128xf32>
    %sub3A_40 = arith.subf %add3A_33, %sub3A_39 : vector<10000x128xf32>
    %mul3A_41 = arith.mulf %sub3A_38, %sub3A_40 : vector<10000x128xf32>
    %reduce_sum3A_42 = arith.constant dense<0.000000e+00> : vector<128xf32>
    %reduce_sum3A_43 = vector.multi_reduction <add>, %mul3A_41, %reduce_sum3A_42 [0] : vector<10000x128xf32> to vector<128xf32>
    %broadcast_in_dim3A_44 = vector.shape_cast %reduce_sum3A_43 : vector<128xf32> to vector<1x128xf32>
    %div3A_45 = arith.constant 1.000000e+04 : f32
    %div3A_46 = vector.broadcast %div3A_45 : f32 to vector<1x128xf32>
    %div3A_47 = arith.divf %broadcast_in_dim3A_44, %div3A_46 : vector<1x128xf32>
    %sub3A_48 = vector.broadcast %div3A_37 : vector<1x128xf32> to vector<10000x128xf32>
    %sub3A_49 = arith.subf %add3A_33, %sub3A_48 : vector<10000x128xf32>
    %add3A_50 = arith.constant 9.99999974E-6 : f32
    %add3A_51 = vector.broadcast %add3A_50 : f32 to vector<1x128xf32>
    %add3A_52 = arith.addf %div3A_47, %add3A_51 : vector<1x128xf32>
    %rsqrt3A = math.rsqrt %add3A_52 : vector<1x128xf32>
    %mul3A_53 = vector.broadcast %rsqrt3A : vector<1x128xf32> to vector<10000x128xf32>
    %mul3A_54 = arith.mulf %sub3A_49, %mul3A_53 : vector<10000x128xf32>
    %get3A_55 = arith.constant 0 : index
    %get3A_56 = arith.constant 0 : index
    %get3A_57 = vector.load %arg4[%get3A_55, %get3A_56] : memref<1x128xf32, #tpu.memory_space<vmem>>, vector<1x128xf32>
    %mul3A_58 = vector.broadcast %get3A_57 : vector<1x128xf32> to vector<10000x128xf32>
    %mul3A_59 = arith.mulf %mul3A_54, %mul3A_58 : vector<10000x128xf32>
    %get3A_60 = arith.constant 0 : index
    %get3A_61 = arith.constant 0 : index
    %get3A_62 = vector.load %arg5[%get3A_60, %get3A_61] : memref<1x128xf32, #tpu.memory_space<vmem>>, vector<1x128xf32>
    %add3A_63 = vector.broadcast %get3A_62 : vector<1x128xf32> to vector<10000x128xf32>
    %add3A_64 = arith.addf %mul3A_59, %add3A_63 : vector<10000x128xf32>
    %max3A_65 = arith.constant 0.000000e+00 : f32
    %max3A_66 = vector.broadcast %max3A_65 : f32 to vector<10000x128xf32>
    %max3A_67 = arith.maximumf %add3A_64, %max3A_66 : vector<10000x128xf32>
    %get3A_68 = arith.constant 0 : index
    %get3A_69 = arith.constant 0 : index
    %get3A_70 = vector.load %arg6[%get3A_68, %get3A_69] : memref<128x128xf32, #tpu.memory_space<vmem>>, vector<128x128xf32>
    %dot_general3A = arith.constant dense<0.000000e+00> : vector<10000x128xf32>
    %dot_general3A_71 = tpu.matmul %max3A_67, %get3A_70, %dot_general3A {dimension_numbers = #tpu.dot_dimension_numbers<[1], [0], [0], [1], [0, 0, 1, 1], [], []>, transpose_lhs_hint = false} : vector<10000x128xf32>, vector<128x128xf32>, vector<10000x128xf32> -> vector<10000x128xf32>
    %swap3A = arith.constant 0 : index
    %swap3A_72 = arith.constant 0 : index
    %swap3A_73 = vector.load %arg8[%swap3A, %swap3A_72] : memref<10000x128xf32, #tpu.memory_space<vmem>>, vector<10000x128xf32>
    tpu.vector_store %arg8[%swap3A, %swap3A_72], %dot_general3A_71 {strides = array<i32>} : memref<10000x128xf32, #tpu.memory_space<vmem>>, vector<10000x128xf32>,
    %get3A_74 = arith.constant 0 : index
    %get3A_75 = arith.constant 0 : index
    %get3A_76 = vector.load %arg7[%get3A_74, %get3A_75] : memref<128x128xf32, #tpu.memory_space<vmem>>, vector<128x128xf32>
    %dot_general3A_77 = arith.constant dense<0.000000e+00> : vector<10000x128xf32>
    %dot_general3A_78 = tpu.matmul %max3A_67, %get3A_76, %dot_general3A_77 {dimension_numbers = #tpu.dot_dimension_numbers<[1], [0], [0], [1], [0, 0, 1, 1], [], []>, transpose_lhs_hint = false} : vector<10000x128xf32>, vector<128x128xf32>, vector<10000x128xf32> -> vector<10000x128xf32>
    %swap3A_79 = arith.constant 0 : index
    %swap3A_80 = arith.constant 0 : index
    %swap3A_81 = vector.load %arg9[%swap3A_79, %swap3A_80] : memref<10000x128xf32, #tpu.memory_space<vmem>>, vector<10000x128xf32>
    tpu.vector_store %arg9[%swap3A_79, %swap3A_80], %dot_general3A_78 {strides = array<i32>} : memref<10000x128xf32, #tpu.memory_space<vmem>>, vector<10000x128xf32>,
    return
  }
}

module attributes {stable_mosaic.version = 14 : i64} {
  func.func @body(%arg0: memref<2x10240x128xf32, #tpu.memory_space<vmem>>, %arg1: memref<2x10240x16xf32, #tpu.memory_space<vmem>>, %arg2: memref<10000x128xf32, #tpu.memory_space<vmem>>, %arg3: memref<1x128xf32, #tpu.memory_space<vmem>>, %arg4: memref<1x128xf32, #tpu.memory_space<vmem>>, %arg5: memref<1x128xf32, #tpu.memory_space<vmem>>, %arg6: memref<128x64xf32, #tpu.memory_space<vmem>>, %arg7: memref<10000x128xf32, #tpu.memory_space<vmem>>, %arg8: memref<10000x64xf32, #tpu.memory_space<vmem>>) attributes {dimension_semantics = [], scalar_prefetch = 0 : i64, scratch_operands = 0 : i64, tpu.core_type = #tpu.core_type<tc>} {
    %get3A = arith.constant 0 : index
    %get3A_0 = arith.constant 0 : index
    %get3A_1 = arith.constant 0 : index
    %get3A_2 = vector.load %arg0[%get3A, %get3A_0, %get3A_1] : memref<2x10240x128xf32, #tpu.memory_space<vmem>>, vector<1x10000x128xf32>
    %get3A_3 = vector.shape_cast %get3A_2 : vector<1x10000x128xf32> to vector<10000x128xf32>
    %get3A_4 = arith.constant 1 : index
    %get3A_5 = arith.constant 0 : index
    %get3A_6 = arith.constant 0 : index
    %get3A_7 = vector.load %arg0[%get3A_4, %get3A_5, %get3A_6] : memref<2x10240x128xf32, #tpu.memory_space<vmem>>, vector<1x10000x128xf32>
    %get3A_8 = vector.shape_cast %get3A_7 : vector<1x10000x128xf32> to vector<10000x128xf32>
    %add3A = arith.addf %get3A_3, %get3A_8 : vector<10000x128xf32>
    %get3A_9 = arith.constant 0 : index
    %get3A_10 = arith.constant 0 : index
    %get3A_11 = arith.constant 0 : index
    %get3A_12 = vector.load %arg1[%get3A_9, %get3A_10, %get3A_11] : memref<2x10240x16xf32, #tpu.memory_space<vmem>>, vector<1x10000x1xf32>
    %get3A_13 = vector.shape_cast %get3A_12 : vector<1x10000x1xf32> to vector<10000x1xf32>
    %get3A_14 = arith.constant 1 : index
    %get3A_15 = arith.constant 0 : index
    %get3A_16 = arith.constant 0 : index
    %get3A_17 = vector.load %arg1[%get3A_14, %get3A_15, %get3A_16] : memref<2x10240x16xf32, #tpu.memory_space<vmem>>, vector<1x10000x1xf32>
    %get3A_18 = vector.shape_cast %get3A_17 : vector<1x10000x1xf32> to vector<10000x1xf32>
    %add3A_19 = arith.addf %get3A_13, %get3A_18 : vector<10000x1xf32>
    %max3A = arith.constant 1.000000e+00 : f32
    %max3A_20 = vector.broadcast %max3A : f32 to vector<10000x1xf32>
    %max3A_21 = arith.maximumf %add3A_19, %max3A_20 : vector<10000x1xf32>
    %div3A = arith.constant 1.000000e+00 : f32
    %div3A_22 = vector.broadcast %div3A : f32 to vector<10000x1xf32>
    %div3A_23 = arith.divf %div3A_22, %max3A_21 : vector<10000x1xf32>
    %mul3A = vector.broadcast %div3A_23 : vector<10000x1xf32> to vector<10000x128xf32>
    %mul3A_24 = arith.mulf %add3A, %mul3A : vector<10000x128xf32>
    %get3A_25 = arith.constant 0 : index
    %get3A_26 = arith.constant 0 : index
    %get3A_27 = vector.load %arg3[%get3A_25, %get3A_26] : memref<1x128xf32, #tpu.memory_space<vmem>>, vector<1x128xf32>
    %add3A_28 = vector.broadcast %get3A_27 : vector<1x128xf32> to vector<10000x128xf32>
    %add3A_29 = arith.addf %mul3A_24, %add3A_28 : vector<10000x128xf32>
    %get3A_30 = arith.constant 0 : index
    %get3A_31 = arith.constant 0 : index
    %get3A_32 = vector.load %arg2[%get3A_30, %get3A_31] : memref<10000x128xf32, #tpu.memory_space<vmem>>, vector<10000x128xf32>
    %add3A_33 = arith.addf %add3A_29, %get3A_32 : vector<10000x128xf32>
    %reduce_sum3A = arith.constant dense<0.000000e+00> : vector<128xf32>
    %reduce_sum3A_34 = vector.multi_reduction <add>, %add3A_33, %reduce_sum3A [0] : vector<10000x128xf32> to vector<128xf32>
    %broadcast_in_dim3A = vector.shape_cast %reduce_sum3A_34 : vector<128xf32> to vector<1x128xf32>
    %div3A_35 = arith.constant 1.000000e+04 : f32
    %div3A_36 = vector.broadcast %div3A_35 : f32 to vector<1x128xf32>
    %div3A_37 = arith.divf %broadcast_in_dim3A, %div3A_36 : vector<1x128xf32>
    %sub3A = vector.broadcast %div3A_37 : vector<1x128xf32> to vector<10000x128xf32>
    %sub3A_38 = arith.subf %add3A_33, %sub3A : vector<10000x128xf32>
    %sub3A_39 = vector.broadcast %div3A_37 : vector<1x128xf32> to vector<10000x128xf32>
    %sub3A_40 = arith.subf %add3A_33, %sub3A_39 : vector<10000x128xf32>
    %mul3A_41 = arith.mulf %sub3A_38, %sub3A_40 : vector<10000x128xf32>
    %reduce_sum3A_42 = arith.constant dense<0.000000e+00> : vector<128xf32>
    %reduce_sum3A_43 = vector.multi_reduction <add>, %mul3A_41, %reduce_sum3A_42 [0] : vector<10000x128xf32> to vector<128xf32>
    %broadcast_in_dim3A_44 = vector.shape_cast %reduce_sum3A_43 : vector<128xf32> to vector<1x128xf32>
    %div3A_45 = arith.constant 1.000000e+04 : f32
    %div3A_46 = vector.broadcast %div3A_45 : f32 to vector<1x128xf32>
    %div3A_47 = arith.divf %broadcast_in_dim3A_44, %div3A_46 : vector<1x128xf32>
    %sub3A_48 = vector.broadcast %div3A_37 : vector<1x128xf32> to vector<10000x128xf32>
    %sub3A_49 = arith.subf %add3A_33, %sub3A_48 : vector<10000x128xf32>
    %add3A_50 = arith.constant 9.99999974E-6 : f32
    %add3A_51 = vector.broadcast %add3A_50 : f32 to vector<1x128xf32>
    %add3A_52 = arith.addf %div3A_47, %add3A_51 : vector<1x128xf32>
    %rsqrt3A = math.rsqrt %add3A_52 : vector<1x128xf32>
    %mul3A_53 = vector.broadcast %rsqrt3A : vector<1x128xf32> to vector<10000x128xf32>
    %mul3A_54 = arith.mulf %sub3A_49, %mul3A_53 : vector<10000x128xf32>
    %get3A_55 = arith.constant 0 : index
    %get3A_56 = arith.constant 0 : index
    %get3A_57 = vector.load %arg4[%get3A_55, %get3A_56] : memref<1x128xf32, #tpu.memory_space<vmem>>, vector<1x128xf32>
    %mul3A_58 = vector.broadcast %get3A_57 : vector<1x128xf32> to vector<10000x128xf32>
    %mul3A_59 = arith.mulf %mul3A_54, %mul3A_58 : vector<10000x128xf32>
    %get3A_60 = arith.constant 0 : index
    %get3A_61 = arith.constant 0 : index
    %get3A_62 = vector.load %arg5[%get3A_60, %get3A_61] : memref<1x128xf32, #tpu.memory_space<vmem>>, vector<1x128xf32>
    %add3A_63 = vector.broadcast %get3A_62 : vector<1x128xf32> to vector<10000x128xf32>
    %add3A_64 = arith.addf %mul3A_59, %add3A_63 : vector<10000x128xf32>
    %max3A_65 = arith.constant 0.000000e+00 : f32
    %max3A_66 = vector.broadcast %max3A_65 : f32 to vector<10000x128xf32>
    %max3A_67 = arith.maximumf %add3A_64, %max3A_66 : vector<10000x128xf32>
    %swap3A = arith.constant 0 : index
    %swap3A_68 = arith.constant 0 : index
    %swap3A_69 = vector.load %arg7[%swap3A, %swap3A_68] : memref<10000x128xf32, #tpu.memory_space<vmem>>, vector<10000x128xf32>
    tpu.vector_store %arg7[%swap3A, %swap3A_68], %max3A_67 {strides = array<i32>} : memref<10000x128xf32, #tpu.memory_space<vmem>>, vector<10000x128xf32>,
    %get3A_70 = arith.constant 0 : index
    %get3A_71 = arith.constant 0 : index
    %get3A_72 = vector.load %arg6[%get3A_70, %get3A_71] : memref<128x64xf32, #tpu.memory_space<vmem>>, vector<128x64xf32>
    %dot_general3A = arith.constant dense<0.000000e+00> : vector<10000x64xf32>
    %dot_general3A_73 = tpu.matmul %max3A_67, %get3A_72, %dot_general3A {dimension_numbers = #tpu.dot_dimension_numbers<[1], [0], [0], [1], [0, 0, 1, 1], [], []>, transpose_lhs_hint = false} : vector<10000x128xf32>, vector<128x64xf32>, vector<10000x64xf32> -> vector<10000x64xf32>
    %swap3A_74 = arith.constant 0 : index
    %swap3A_75 = arith.constant 0 : index
    %swap3A_76 = vector.load %arg8[%swap3A_74, %swap3A_75] : memref<10000x64xf32, #tpu.memory_space<vmem>>, vector<10000x64xf32>
    tpu.vector_store %arg8[%swap3A_74, %swap3A_75], %dot_general3A_73 {strides = array<i32>} : memref<10000x64xf32, #tpu.memory_space<vmem>>, vector<10000x64xf32>,
    return
  }
}

module attributes {stable_mosaic.version = 14 : i64} {
  func.func @body(%arg0: memref<2x10240x128xf32, #tpu.memory_space<vmem>>, %arg1: memref<2x10240x16xf32, #tpu.memory_space<vmem>>, %arg2: memref<10000x64xf32, #tpu.memory_space<vmem>>, %arg3: memref<128x64xf32, #tpu.memory_space<vmem>>, %arg4: memref<1x64xf32, #tpu.memory_space<vmem>>, %arg5: memref<64x32xf32, #tpu.memory_space<vmem>>, %arg6: memref<1x32xf32, #tpu.memory_space<vmem>>, %arg7: memref<32x16xf32, #tpu.memory_space<vmem>>, %arg8: memref<1x16xf32, #tpu.memory_space<vmem>>, %arg9: memref<10000x16xf32, #tpu.memory_space<vmem>>) attributes {dimension_semantics = [], scalar_prefetch = 0 : i64, scratch_operands = 0 : i64, tpu.core_type = #tpu.core_type<tc>} {
    %get3A = arith.constant 0 : index
    %get3A_0 = arith.constant 0 : index
    %get3A_1 = arith.constant 0 : index
    %get3A_2 = vector.load %arg0[%get3A, %get3A_0, %get3A_1] : memref<2x10240x128xf32, #tpu.memory_space<vmem>>, vector<1x10000x128xf32>
    %get3A_3 = vector.shape_cast %get3A_2 : vector<1x10000x128xf32> to vector<10000x128xf32>
    %get3A_4 = arith.constant 1 : index
    %get3A_5 = arith.constant 0 : index
    %get3A_6 = arith.constant 0 : index
    %get3A_7 = vector.load %arg0[%get3A_4, %get3A_5, %get3A_6] : memref<2x10240x128xf32, #tpu.memory_space<vmem>>, vector<1x10000x128xf32>
    %get3A_8 = vector.shape_cast %get3A_7 : vector<1x10000x128xf32> to vector<10000x128xf32>
    %add3A = arith.addf %get3A_3, %get3A_8 : vector<10000x128xf32>
    %get3A_9 = arith.constant 0 : index
    %get3A_10 = arith.constant 0 : index
    %get3A_11 = arith.constant 0 : index
    %get3A_12 = vector.load %arg1[%get3A_9, %get3A_10, %get3A_11] : memref<2x10240x16xf32, #tpu.memory_space<vmem>>, vector<1x10000x1xf32>
    %get3A_13 = vector.shape_cast %get3A_12 : vector<1x10000x1xf32> to vector<10000x1xf32>
    %get3A_14 = arith.constant 1 : index
    %get3A_15 = arith.constant 0 : index
    %get3A_16 = arith.constant 0 : index
    %get3A_17 = vector.load %arg1[%get3A_14, %get3A_15, %get3A_16] : memref<2x10240x16xf32, #tpu.memory_space<vmem>>, vector<1x10000x1xf32>
    %get3A_18 = vector.shape_cast %get3A_17 : vector<1x10000x1xf32> to vector<10000x1xf32>
    %add3A_19 = arith.addf %get3A_13, %get3A_18 : vector<10000x1xf32>
    %max3A = arith.constant 1.000000e+00 : f32
    %max3A_20 = vector.broadcast %max3A : f32 to vector<10000x1xf32>
    %max3A_21 = arith.maximumf %add3A_19, %max3A_20 : vector<10000x1xf32>
    %div3A = arith.constant 1.000000e+00 : f32
    %div3A_22 = vector.broadcast %div3A : f32 to vector<10000x1xf32>
    %div3A_23 = arith.divf %div3A_22, %max3A_21 : vector<10000x1xf32>
    %mul3A = vector.broadcast %div3A_23 : vector<10000x1xf32> to vector<10000x128xf32>
    %mul3A_24 = arith.mulf %add3A, %mul3A : vector<10000x128xf32>
    %get3A_25 = arith.constant 0 : index
    %get3A_26 = arith.constant 0 : index
    %get3A_27 = vector.load %arg3[%get3A_25, %get3A_26] : memref<128x64xf32, #tpu.memory_space<vmem>>, vector<128x64xf32>
    %dot_general3A = arith.constant dense<0.000000e+00> : vector<10000x64xf32>
    %dot_general3A_28 = tpu.matmul %mul3A_24, %get3A_27, %dot_general3A {dimension_numbers = #tpu.dot_dimension_numbers<[1], [0], [0], [1], [0, 0, 1, 1], [], []>, transpose_lhs_hint = false} : vector<10000x128xf32>, vector<128x64xf32>, vector<10000x64xf32> -> vector<10000x64xf32>
    %get3A_29 = arith.constant 0 : index
    %get3A_30 = arith.constant 0 : index
    %get3A_31 = vector.load %arg4[%get3A_29, %get3A_30] : memref<1x64xf32, #tpu.memory_space<vmem>>, vector<1x64xf32>
    %add3A_32 = vector.broadcast %get3A_31 : vector<1x64xf32> to vector<10000x64xf32>
    %add3A_33 = arith.addf %dot_general3A_28, %add3A_32 : vector<10000x64xf32>
    %get3A_34 = arith.constant 0 : index
    %get3A_35 = arith.constant 0 : index
    %get3A_36 = vector.load %arg2[%get3A_34, %get3A_35] : memref<10000x64xf32, #tpu.memory_space<vmem>>, vector<10000x64xf32>
    %add3A_37 = arith.addf %add3A_33, %get3A_36 : vector<10000x64xf32>
    %max3A_38 = arith.constant 0.000000e+00 : f32
    %max3A_39 = vector.broadcast %max3A_38 : f32 to vector<10000x64xf32>
    %max3A_40 = arith.maximumf %add3A_37, %max3A_39 : vector<10000x64xf32>
    %get3A_41 = arith.constant 0 : index
    %get3A_42 = arith.constant 0 : index
    %get3A_43 = vector.load %arg5[%get3A_41, %get3A_42] : memref<64x32xf32, #tpu.memory_space<vmem>>, vector<64x32xf32>
    %dot_general3A_44 = arith.constant dense<0.000000e+00> : vector<10000x32xf32>
    %dot_general3A_45 = tpu.matmul %max3A_40, %get3A_43, %dot_general3A_44 {dimension_numbers = #tpu.dot_dimension_numbers<[1], [0], [0], [1], [0, 0, 1, 1], [], []>, transpose_lhs_hint = false} : vector<10000x64xf32>, vector<64x32xf32>, vector<10000x32xf32> -> vector<10000x32xf32>
    %get3A_46 = arith.constant 0 : index
    %get3A_47 = arith.constant 0 : index
    %get3A_48 = vector.load %arg6[%get3A_46, %get3A_47] : memref<1x32xf32, #tpu.memory_space<vmem>>, vector<1x32xf32>
    %add3A_49 = vector.broadcast %get3A_48 : vector<1x32xf32> to vector<10000x32xf32>
    %add3A_50 = arith.addf %dot_general3A_45, %add3A_49 : vector<10000x32xf32>
    %max3A_51 = arith.constant 0.000000e+00 : f32
    %max3A_52 = vector.broadcast %max3A_51 : f32 to vector<10000x32xf32>
    %max3A_53 = arith.maximumf %add3A_50, %max3A_52 : vector<10000x32xf32>
    %get3A_54 = arith.constant 0 : index
    %get3A_55 = arith.constant 0 : index
    %get3A_56 = vector.load %arg7[%get3A_54, %get3A_55] : memref<32x16xf32, #tpu.memory_space<vmem>>, vector<32x16xf32>
    %dot_general3A_57 = arith.constant dense<0.000000e+00> : vector<10000x16xf32>
    %dot_general3A_58 = tpu.matmul %max3A_53, %get3A_56, %dot_general3A_57 {dimension_numbers = #tpu.dot_dimension_numbers<[1], [0], [0], [1], [0, 0, 1, 1], [], []>, transpose_lhs_hint = false} : vector<10000x32xf32>, vector<32x16xf32>, vector<10000x16xf32> -> vector<10000x16xf32>
    %get3A_59 = arith.constant 0 : index
    %get3A_60 = arith.constant 0 : index
    %get3A_61 = vector.load %arg8[%get3A_59, %get3A_60] : memref<1x16xf32, #tpu.memory_space<vmem>>, vector<1x16xf32>
    %add3A_62 = vector.broadcast %get3A_61 : vector<1x16xf32> to vector<10000x16xf32>
    %add3A_63 = arith.addf %dot_general3A_58, %add3A_62 : vector<10000x16xf32>
    %reduce_max3A = arith.constant dense<0xFF800000> : vector<10000xf32>
    %reduce_max3A_64 = vector.multi_reduction <maximumf>, %add3A_63, %reduce_max3A [1] : vector<10000x16xf32> to vector<10000xf32>
    %broadcast_in_dim3A = vector.shape_cast %reduce_max3A_64 : vector<10000xf32> to vector<10000x1xf32>
    %sub3A = vector.broadcast %broadcast_in_dim3A : vector<10000x1xf32> to vector<10000x16xf32>
    %sub3A_65 = arith.subf %add3A_63, %sub3A : vector<10000x16xf32>
    %exp3A = math.exp %sub3A_65 : vector<10000x16xf32>
    %reduce_sum3A = arith.constant dense<0.000000e+00> : vector<10000xf32>
    %reduce_sum3A_66 = vector.multi_reduction <add>, %exp3A, %reduce_sum3A [1] : vector<10000x16xf32> to vector<10000xf32>
    %broadcast_in_dim3A_67 = vector.shape_cast %reduce_sum3A_66 : vector<10000xf32> to vector<10000x1xf32>
    %log3A = math.log %broadcast_in_dim3A_67 : vector<10000x1xf32>
    %sub3A_68 = vector.broadcast %log3A : vector<10000x1xf32> to vector<10000x16xf32>
    %sub3A_69 = arith.subf %sub3A_65, %sub3A_68 : vector<10000x16xf32>
    %swap3A = arith.constant 0 : index
    %swap3A_70 = arith.constant 0 : index
    %swap3A_71 = vector.load %arg9[%swap3A, %swap3A_70] : memref<10000x16xf32, #tpu.memory_space<vmem>>, vector<10000x16xf32>
    tpu.vector_store %arg9[%swap3A, %swap3A_70], %sub3A_69 {strides = array<i32>} : memref<10000x16xf32, #tpu.memory_space<vmem>>, vector<10000x16xf32>,
    return
  }
}

</mosaic_0001>

<sc_bundles>
// kernel: kernel.10.cloned.1.call-start
scs
__scs_entry_jumppad:
0x0: {  	(pc) =	sbr.rel $0x88, $3  }
0x1: {  	(tag) =	ssettag $0x0;
	lr =	simm.s32 $0x1  }
0x2: {  	[smem:$0x3F8E] =	sst lr;
	_ =	strace $0xD0000000  }
0x3: {  	_ = 	snop  }
0x4: {  	_ = 	snop  }
0x5: {  	_ = 	snop  }
0x6: {  	_ = 	snop  }
0x7: {  	_ = 	snop  }
__scs_overlays_trampoline_lowered:
0x8: {  	[smem:$0x3F9D] =	sst s0  }
0x9: {  	[smem:$0x3F9E] =	sst s1  }
0xa: {  	[smem:$0x3F9F] =	sst s2  }
0xb: {  	[smem:$0x3FA0] =	sst s3  }
0xc: {  	[smem:$0x3FA1] =	sst s4  }
0xd: {  	[smem:$0x3FA2] =	sst s5  }
0xe: {  	[smem:$0x3FA3] =	sst s6  }
0xf: {  	[smem:$0x3FA4] =	sst s7  }
0x10: {  	[smem:$0x3FA5] =	sst s8  }
0x11: {  	[smem:$0x3FA6] =	sst s9;
	s0 =	simm.s32 @!p0 $0x0  }
0x12: {  	s1 =	sld [smem:$0x3F8C];
	s0 =	simm.s32 @p0 $0x1  }
0x13: {  	[smem:$0x3FA7] =	sst s0;
	s0 =	simm.s32 @!p1 $0x0  }
0x14: {  	s2 =	sld [smem:$0x3F8B];
	s0 =	simm.s32 @p1 $0x1  }
0x15: {  	[smem:$0x3FA8] =	sst s0;
	s0 =	simm.s32 @!p2 $0x0  }
0x16: {  	s3 =	sld [smem:$0x3FDB];
	s0 =	simm.s32 @p2 $0x1  }
0x17: {  	s4 =	simm.s32 $0x1BF5;
	[smem:$0x3FAA] =	sst s0  }
0x18: {  	s0 =	sld [smem:$0x3F8D];
	_ =	swait.ge [sflag:s4], $0x0  }
0x19: {  	s7 =	sld [smem:$0x3F8E]  }
0x1a: {  	s8 =	sadd.s32 $0xFFFFE003, lr  }
0x1b: {  	s9 =	sadd.s32 $0xFFFFFEF7, lr;
	s5 =	simm.s32 $0xFFFFFFFF;
	p2 =	slt.u32 s8, $0xFFFFF086  }
0x1c: {  	p1 =	slt.u32 s9, $0xF7A;
	s5 =	simm.s32 @!p2 $0x0  }
0x1d: {  	s5 =	simm.s32 @p1 $0x1;
	p0 =	seq.s32 s7, s2  }
0x1e: {  	s7 =	smul.u32 @!p0 $0xF7A, s2;
	p2 =	seq.s32 @!p0 s5, $0x0  }
0x1f: {  	s9 =	smul.u32 $0xF7A, s1;
	s8 =	simm.s32 @!p0 $0x1BF5;
	p2 =	por !p2, p0  }
0x20: {  	[sflag:s8] =	ssyncset.s32 @!p0 $0xFFFFF086;
	s6 =	sadd.s32 @!p0 s3, s7;
	s7 =	simm.s32 @!p0 $0x108  }
0x21: {  	s3 =	sadd.s32 s3, s9;
	s6 =	sadd.s32 @!p0 $0x88, s6;
	s7 =	simm.s32 @p2 $0x1082  }
0x22: {  	[simem:s7], [sflag:s8] =	dma.local @!p0 [hbm:s6], $0xF7A  }
0x23: {  	s9 =	sor.u32 $0xD0000000, s2;
	s6 =	simm.s32 $0x108;
	_ =	swait.ge @!p0 [sflag:s8], $0x0  }
0x24: {  	s3 =	sadd.s32 $0x88, s3;
	s6 =	simm.s32 @!p1 $0x1082;
	[sflag:s4] =	ssyncset.s32 $0xFFFFF086  }
0x25: {  	[simem:s6], [sflag:s4] =	dma.local [hbm:s3], $0xF7A  }
0x26: {  	[smem:$0x3F8E] =	sst s1;
	(tag) =	ssettag s2;
	_ =	strace s9  }
0x27: {  	s1 =	sld [smem:$0x3F9E]  }
0x28: {  	s2 =	sld [smem:$0x3F9F]  }
0x29: {  	s4 =	sld [smem:$0x3FA1]  }
0x2a: {  	p0 =	seq.s32 s5, $0x0;
	s5 =	sld [smem:$0x3FA2]  }
0x2b: {  	s6 =	sld [smem:$0x3FA3]  }
0x2c: {  	s7 =	sld [smem:$0x3FA4]  }
0x2d: {  	s3 =	simm.s32 $0x108;
	s8 =	sld [smem:$0x3FA5]  }
0x2e: {  	s3 =	simm.s32 @!p0 $0x1082;
	s9 =	sld [smem:$0x3FA6]  }
0x2f: {  	lr =	sadd.s32 s0, s3;
	s0 =	sld [smem:$0x3F9D]  }
0x30: {  	s3 =	sld [smem:$0x3FA0]  }
0x31: {  	[smem:$0x3FA9] =	sst s10  }
0x32: {  	s10 =	sld [smem:$0x3FA7];
	_ =	sdelay $0x3  }
0x33: {  	p0 =	seq.s32 s10, $0x1;
	s10 =	sld [smem:$0x3FA9];
	_ =	sdelay $0x3  }
0x34: {  	[smem:$0x3FA9] =	sst s10  }
0x35: {  	s10 =	sld [smem:$0x3FA8];
	_ =	sdelay $0x3  }
0x36: {  	p1 =	seq.s32 s10, $0x1;
	s10 =	sld [smem:$0x3FA9];
	_ =	sdelay $0x3  }
0x37: {  	[smem:$0x3FA9] =	sst s10  }
0x38: {  	s10 =	sld [smem:$0x3FAA]  }
0x39: {  	_ = 	snop;
	(pc) =	sbr.ind lr, $3  }
0x3a: {  	_ = 	snop  }
0x3b: {  	_ = 	snop  }
0x3c: {  	p2 =	seq.s32 s10, $0x1;
	s10 =	sld [smem:$0x3FA9]  }
0x3d: {  	_ =	shalt  }
0x3e: {  	_ =	shalt  }
0x3f: {  	_ =	shalt  }
0x40: {  	_ =	shalt  }
0x41: {  	_ =	shalt  }
0x42: {  	_ =	shalt  }
0x43: {  	_ =	shalt  }
0x44: {  	_ =	shalt  }
0x45: {  	_ =	shalt  }
0x46: {  	_ =	shalt  }
0x47: {  	_ =	shalt  }
0x48: {  	_ =	shalt  }
0x49: {  	_ =	shalt  }
0x4a: {  	_ =	shalt  }
0x4b: {  	_ =	shalt  }
0x4c: {  	_ =	shalt  }
0x4d: {  	_ =	shalt  }
0x4e: {  	_ =	shalt  }
0x4f: {  	_ =	shalt  }
0x50: {  	_ =	shalt  }
0x51: {  	_ =	shalt  }
0x52: {  	_ =	shalt  }
0x53: {  	_ =	shalt  }
0x54: {  	_ =	shalt  }
0x55: {  	_ =	shalt  }
0x56: {  	_ =	shalt  }
0x57: {  	_ =	shalt  }
0x58: {  	_ =	shalt  }
0x59: {  	_ =	shalt  }
0x5a: {  	_ =	shalt  }
0x5b: {  	_ =	shalt  }
0x5c: {  	_ =	shalt  }
0x5d: {  	_ =	shalt  }
0x5e: {  	_ =	shalt  }
0x5f: {  	_ =	shalt  }
0x60: {  	_ =	shalt  }
0x61: {  	_ =	shalt  }
0x62: {  	_ =	shalt  }
0x63: {  	_ =	shalt  }
0x64: {  	_ =	shalt  }
0x65: {  	_ =	shalt  }
0x66: {  	_ =	shalt  }
0x67: {  	_ =	shalt  }
0x68: {  	_ =	shalt  }
0x69: {  	_ =	shalt  }
0x6a: {  	_ =	shalt  }
0x6b: {  	_ =	shalt  }
0x6c: {  	_ =	shalt  }
0x6d: {  	_ =	shalt  }
0x6e: {  	_ =	shalt  }
0x6f: {  	_ =	shalt  }
0x70: {  	_ =	shalt  }
0x71: {  	_ =	shalt  }
0x72: {  	_ =	shalt  }
0x73: {  	_ =	shalt  }
0x74: {  	_ =	shalt  }
0x75: {  	_ =	shalt  }
0x76: {  	_ =	shalt  }
0x77: {  	_ =	shalt  }
0x78: {  	_ =	shalt  }
0x79: {  	_ =	shalt  }
0x7a: {  	_ =	shalt  }
0x7b: {  	_ =	shalt  }
0x7c: {  	_ =	shalt  }
0x7d: {  	_ =	shalt  }
0x7e: {  	_ =	shalt  }
0x7f: {  	_ =	shalt  }
0x80: {  	_ =	shalt  }
0x81: {  	_ =	shalt  }
0x82: {  	_ =	shalt  }
0x83: {  	_ =	shalt  }
0x84: {  	_ =	shalt  }
0x85: {  	_ =	shalt  }
0x86: {  	_ =	shalt  }
0x87: {  	_ =	shalt  }
.Lfunc_end0:
.L_simem_size_0:
called_computation_lowered:
.L_overlay_start_0:
0x88: {  	s2 =	sld [smem:$0x3FD9]  }
0x89: {  	s3 =	sld [smem:$0x3FFE];
	_ =	sdelay $0x1  }
0x8a: {  	s1 =	srdreg.scid  }
0x8b: {  	s0 =	sand.u32 $0x1, s1  }
0x8c: {  	s17 =	sshll.u32 s0, $0xA;
	s2 =	sadd.s32 s3, s2  }
0x8d: {  	s2 =	sadd.s32 s2, s17  }
0x8e: {  	[smem:$0x3FB5] =	sst s2  }
0x8f: {  	_ = 	snop  }
0x90: {  	s18 =	sld [smem:$0x3FD0];
	(tm) =	ssettm $0x1  }
0x91: {  	s19 =	sld [smem:$0x3FFB];
	_ =	sdelay $0x3  }
0x92: {  	_ =	strace s19  }
0x93: {  	s2 =	sld [smem:$0x3FFC];
	_ =	sdelay $0x3  }
0x94: {  	_ =	strace s2  }
0x95: {  	s2 =	sld [smem:$0x3FFD];
	_ =	sdelay $0x3  }
0x96: {  	_ =	strace s2  }
0x97: {  	_ =	strace $0x8FFFFFFF  }
0x98: {  	s20 =	sld [smem:$0x3FDB];
	_ =	sdelay $0x1  }
0x99: {  	s4 =	simm.s32 $_scs_section_size  }
0x9a: {  	s5 =	simm.s32 $_size__tile_overlayer_lowered;
	s6 =	simm.s32 $_tile_overlayer_lowered  }
0x9b: {  	s7 =	simm.s32 $0x1BFF;
	s21 =	sshll.u32 s6, $0x1;
	s4 =	sadd.s32 s4, s20  }
0x9c: {  	s22 =	simm.s32 $0x0;
	s5 =	sshll.u32 s5, $0x1;
	s6 =	sadd.s32 s21, s4  }
0x9d: {  	[timem:s22], [sflag:s7] =	dma.local [hbm:s6], s5  }
0x9e: {  	_ =	swait.ge [sflag:s7], s5  }
0x9f: {  	s5 =	ssub.s32 $0x0, s5;
	[sflag:s7] =	ssyncset.done $0x0  }
0xa0: {  	[sflag:s7] =	ssyncadd.s32 s5;
	_ =	sdelay $0x1  }
0xa1: {  	s23 =	simm.s32 $0x1B8B  }
0xa2: {  	_ =	swait.ge [sflag:s23], $0x1  }
0xa3: {  	[sflag:s23] =	ssyncset.done $0x0  }
0xa4: {  	[sflag:s23] =	ssyncadd.s32 $0xFFFFFFFF  }
0xa5: {  	s5 =	sld [smem:$0x0]  }
0xa6: {  	s6 =	sand.u32 $0xFFFFFFFE, s1  }
0xa7: {  	p0 =	sne.s32 s1, s6  }
0xa8: {  	s6 =	sshll.u32 @p0 s6, $0xE  }
0xa9: {  	s6 =	sadd.s32 @p0 $0x11B8D, s6;
	s7 =	sshll.u32 @p0 s5, $0x11  }
0xaa: {  	s6 =	sor.u32 @p0 s7, s6  }
0xab: {  	[sflag:s6] =	ssyncadd.remote.s32 @p0 $0x1;
	_ =	sdelay $0x1  }
0xac: {  	s6 =	simm.s32 @p0 $0x1B8D  }
0xad: {  	_ =	swait.eq @p0 [sflag:s6], $0x1  }
0xae: {  	[sflag:s6] =	ssyncadd.s32 @p0 $0xFFFFFFFF  }
0xaf: {  	s7 =	sshll.u32 @!p0 s1, $0xE  }
0xb0: {  	s7 =	sor.u32 @!p0 $0x4000, s7;
	s6 =	simm.s32 @!p0 $0x1B8D  }
0xb1: {  	s5 =	sshll.u32 @!p0 s5, $0x11;
	s7 =	sadd.s32 @!p0 $0x11B8D, s7;
	_ =	swait.eq @!p0 [sflag:s6], $0x1  }
0xb2: {  	s5 =	sor.u32 @!p0 s5, s7;
	[sflag:s6] =	ssyncadd.s32 @!p0 $0xFFFFFFFF  }
0xb3: {  	s25 =	simm.s32 $0x1B8E;
	s24 =	sld [smem:$0x3FFE];
	[sflag:s5] =	ssyncadd.remote.s32 @!p0 $0x1  }
0xb4: {  	s26 =	simm.s32 $execute0_lowered;
	[smem:$0x3FD2] =	sst s25  }
0xb5: {  	s6 =	sshll.u32 s26, $0x1;
	_ =	strace $0x80000049;
	[dreg:$0x1] =	wrdreg $0xFFFFFFFF  }
0xb6: {  	s28 =	simm.s32 $_size_execute0_lowered;
	s4 =	sadd.s32 s4, s6;
	[dreg:$0x0] =	wrdreg $0x0  }
0xb7: {  	s6 =	sshll.u32 s28, $0x1;
	[dreg:$0x2] =	wrdreg s4  }
0xb8: {  	[dreg:$0x3] =	wrdreg s6  }
0xb9: {  	[dreg:$0x4] =	wrdreg $0xC0  }
0xba: {  	_ =	task [dreg:s22], $0x5FFFF  }
0xbb: {  	[dreg:$0x1] =	wrdreg $0xFFFFFFFF  }
0xbc: {  	[dreg:$0x0] =	wrdreg $0x60  }
0xbd: {  	[dreg:$0x2] =	wrdreg s24  }
0xbe: {  	[dreg:$0x3] =	wrdreg s18  }
0xbf: {  	[dreg:$0x4] =	wrdreg $0x68000  }
0xc0: {  	[dreg:$0x5] =	wrdreg $0x9  }
0xc1: {  	_ =	task.clear_ibuf [dreg:s22], $0x6FFFF;
	_ =	strace $0x90000049  }
0xc2: {  	s29 =	simm.s32 $0x9;
	_ =	strace $0x8000004B  }
0xc3: {  	_ =	swait.ge [sflag:s29], $0x1  }
0xc4: {  	[sflag:s29] =	ssyncadd.s32 $0xFFFFFFFF  }
0xc5: {  	_ =	strace $0x9000004B  }
0xc6: {  	_ =	sfence  }
0xc7: {  	s30 =	sld [smem:$0x0];
	_ =	sdelay $0x2  }
0xc8: {  	s31 =	sshll.u32 s1, $0xD;
	s1 =	sshrl.u32 s1, $0x2  }
0xc9: {  	s4 =	sand.u32 $0x4000, s31;
	s1 =	sadd.s32 s1, s30  }
0xca: {  	s0 =	sor.u32 s4, s0;
	s1 =	sshll.u32 s1, $0x11  }
0xcb: {  	s0 =	sor.u32 s1, s0  }
0xcc: {  	s0 =	sadd.s32 $0x8F2B, s0  }
0xcd: {  	[sflag:s0] =	ssyncadd.remote.s32 $0x1  }
0xce: {  	_ =	sfence.sel $0xFFFF  }
0xcf: {  	[dreg:$0x0] =	wrdreg $0xFFFFFFFF;
	(pc) =	sbr.abs _section_cstart, $3  }
0xd0: {  	[dreg:$0x1] =	wrdreg $0xFFFFFFFF  }
0xd1: {  	_ =	task.clear_ibuf [dreg:s22], $0x2FFFF;
	_ =	strace $0x9FFFFFFF  }
0xd2: {  	(tm) =	ssettm $0x7FFFFFFF  }
0xd3: {  	_ =	shalt  }
tec
execute0_lowered:
.L_overlay_start_1:
0x0: {  	(tag) =	ssettag $0x1  }
0x1: {  	s5 =	rddreg [dreg:$0x0]  }
0x2: {  	s2 =	rddreg [dreg:$0x1];
	s1 =	srdreg.scid  }
0x3: {  	s0 =	stileid.u32;
	s3 =	rddreg [dreg:$0x2]  }
0x4: {  	s4 =	simm.s32 $0x0;
	s21 =	simm.s32 $0x0;
	s7 =	sand.u32 $0x1, s1  }
0x5: {  	s6 =	sshll.u32 s0, $0x1;
	s1 =	rddreg [dreg:$0x3];
	s8 =	smul.u32 $0x50000, s0  }
0x6: {  	[smem:$0x7FF] =	sst s4;
	s16 =	sadd.s32 $0x8F600, s5;
	s10 =	smul.u32 $0x14000, s0  }
0x7: {  	s6 =	sor.u32 s7, s6;
	s28 =	ssub.s32 $0x2, s7;
	s15 =	smul.u32 $0x140000, s7  }
0x8: {  	_ =	strace $0x8000004A;
	s6 =	smul.u32 $0x500, s6;
	s29 =	sshrl.u32 s28, $0x1  }
0x9: {  	s8 =	sshrl.u32 s8, $0x2;
	s12 =	sadd.s32 $0x4000, s10;
	s14 =	sadd.s32 $0x8000, s10  }
0xa: {  	s18 =	sadd.s32 $0xC000, s10;
	s19 =	sadd.s32 $0x10000, s10;
	s17 =	ssub.s32 s28, s29  }
0xb: {  	s7 =	sadd.s32 s12, s3;
	s9 =	sadd.s32 s18, s3;
	s13 =	sadd.s32 s10, s15  }
0xc: {  	s10 =	sadd.s32 s19, s3;
	s20 =	sadd.s32 s15, s12;
	s18 =	sadd.s32 s15, s18  }
0xd: {  	s19 =	sadd.s32 s15, s19;
	s11 =	sadd.s32 s6, s5;
	s5 =	sadd.s32 $0x800, s2  }
0xe: {  	s6 =	sadd.s32 s8, s3;
	s8 =	sadd.s32 s14, s3;
	s13 =	sshrl.u32 s13, $0x3  }
0xf: {  	s30 =	sshrl.u32 s20, $0x3;
	s14 =	sadd.s32 s15, s14;
	s18 =	sshrl.u32 s18, $0x3  }
0x10: {  	s31 =	sshrl.u32 s19, $0x3;
	s17 =	smax.u32 s17, $0x1;
	s19 =	simm.s32 $0x1  }
0x11: {  	s20 =	simm.s32 $0x80;
	s11 =	sadd.s32 $0x3C00, s11;
	s12 =	sadd.s32 s16, s13  }
0x12: {  	s13 =	sadd.s32 s16, s30;
	s14 =	sshrl.u32 s14, $0x3;
	s15 =	sadd.s32 s16, s18  }
0x13: {  	s18 =	simm.s32 $0x2800;
	s14 =	sadd.s32 s16, s14;
	s16 =	sadd.s32 s16, s31  }
.LBB2_1:
0x14: {  	[tilespmem:s18], [sflag:$0x1] =	stream.linear.gather [hbm4b:s5+s4], $0x4000, $0x38;
	[tilespmem:$0x9000] =	vst v63  }
0x15: {  	_ =	swait.ge [sflag:s19], $0x4000  }
0x16: {  	[sflag:s19] =	ssyncset.done $0x0  }
0x17: {  	[sflag:s19] =	ssyncadd.s32 $0xFFFFC000  }
0x18: {  	[spmem:s6] =	stream.linear.scatter [tilespmem:s18], [sflag:$0x1], $0x4000, $0x38;
	[tilespmem:$0x9000] =	vst v63  }
0x19: {  	_ =	swait.ge [sflag:s19], $0x4000  }
0x1a: {  	[sflag:s19] =	ssyncset.done $0x0  }
0x1b: {  	[sflag:s19] =	ssyncadd.s32 $0xFFFFC000  }
0x1c: {  	[spmem:s7] =	stream.linear.scatter [tilespmem:s18], [sflag:$0x1], $0x4000, $0x38;
	[tilespmem:$0x9000] =	vst v63  }
0x1d: {  	_ =	swait.ge [sflag:s19], $0x4000  }
0x1e: {  	[sflag:s19] =	ssyncset.done $0x0  }
0x1f: {  	[sflag:s19] =	ssyncadd.s32 $0xFFFFC000  }
0x20: {  	[spmem:s8] =	stream.linear.scatter [tilespmem:s18], [sflag:$0x1], $0x4000, $0x38;
	[tilespmem:$0x9000] =	vst v63  }
0x21: {  	_ =	swait.ge [sflag:s19], $0x4000  }
0x22: {  	[sflag:s19] =	ssyncset.done $0x0  }
0x23: {  	[sflag:s19] =	ssyncadd.s32 $0xFFFFC000  }
0x24: {  	[spmem:s9] =	stream.linear.scatter [tilespmem:s18], [sflag:$0x1], $0x4000, $0x38;
	[tilespmem:$0x9000] =	vst v63  }
0x25: {  	_ =	swait.ge [sflag:s19], $0x4000  }
0x26: {  	[sflag:s19] =	ssyncset.done $0x0  }
0x27: {  	[sflag:s19] =	ssyncadd.s32 $0xFFFFC000  }
0x28: {  	[spmem:s10] =	stream.linear.scatter [tilespmem:s18], [sflag:$0x1], $0x4000, $0x38;
	[tilespmem:$0x9000] =	vst v63  }
0x29: {  	_ =	swait.ge [sflag:s19], $0x4000  }
0x2a: {  	[sflag:s19] =	ssyncset.done $0x0  }
0x2b: {  	[sflag:s19] =	ssyncadd.s32 $0xFFFFC000  }
0x2c: {  	[tilespmem:s18], [sflag:$0x1] =	stream.linear.gather [hbm4b:s2+s4], $0x4000, $0x38;
	[tilespmem:$0x9000] =	vst v63  }
0x2d: {  	_ =	swait.ge [sflag:s19], $0x4000  }
0x2e: {  	[sflag:s19] =	ssyncset.done $0x0  }
0x2f: {  	[sflag:s19] =	ssyncadd.s32 $0xFFFFC000  }
0x30: {  	[tilespmem:s4], [sflag:$0x1] =	stream.linear.gather [hbm4b:s11+s4], $0x2800, $0x38;
	[tilespmem:$0x9000] =	vst v63  }
0x31: {  	_ =	swait.ge [sflag:s19], $0x2800  }
0x32: {  	[sflag:s19] =	ssyncset.done $0x0  }
0x33: {  	[sflag:s19] =	ssyncadd.s32 $0xFFFFD800  }
0x34: {  	s22 =	simm.s32 $0x0;
	[bflag:$0x0] =	sbarrier.arrive $0xFFFF  }
0x35: {  	[spmem:s3] =	stream.indirect.scatter.add.f32 [tilespmem:s18], [sflag:$0x1], $0x10, s22, s20, $0xb8;
	[tilespmem:$0x9000] =	vst v63  }
0x36: {  	_ =	swait.ge [sflag:s19], $0x800  }
0x37: {  	s22 =	simm.s32 $0x200;
	[sflag:s19] =	ssyncset.done $0x0  }
.LBB2_2:
0x38: {  	s23 =	sshra.s32 s22, $0x2;
	[sflag:s19] =	ssyncadd.s32 $0xFFFFF800;
	p0 =	sne.s32 s22, $0x9E00  }
0x39: {  	[spmem:s3] =	stream.indirect.scatter.add.f32 [tilespmem:s18], [sflag:$0x1], $0x10, s23, s20, $0xb8;
	[tilespmem:$0x9000] =	vst v63  }
.Ltmp0:
0x3a: {  	_ = 	snop;
	(pc) =	sbr.rel @p0 .LBB2_2-.Ltmp0, $4  }
0x3b: {  	_ = 	snop  }
0x3c: {  	s22 =	sadd.s32 $0x200, s22  }
0x3d: {  	_ =	swait.ge [sflag:s19], $0x800  }
0x3e: {  	[sflag:s19] =	ssyncset.done $0x0  }
0x3f: {  	[sflag:s19] =	ssyncadd.s32 $0xFFFFF800  }
0x40: {  	[bflag:$0x0] =	sbarrier.arrive $0xFFFF  }
0x41: {  	[tilespmem:s18], [sflag:$0x1] =	stream.linear.gather [spmem:s6], $0x4000, $0x38;
	[tilespmem:$0x9000] =	vst v63  }
0x42: {  	_ =	swait.ge [sflag:s19], $0x4000  }
0x43: {  	[sflag:s19] =	ssyncset.done $0x0  }
0x44: {  	[sflag:s19] =	ssyncadd.s32 $0xFFFFC000  }
0x45: {  	[hbm4b:s12+s4] =	stream.linear.scatter [tilespmem:s18], [sflag:$0x1], $0x4000, $0x38;
	[tilespmem:$0x9000] =	vst v63  }
0x46: {  	_ =	swait.ge [sflag:s19], $0x4000  }
0x47: {  	[sflag:s19] =	ssyncset.done $0x0  }
0x48: {  	[sflag:s19] =	ssyncadd.s32 $0xFFFFC000  }
0x49: {  	[tilespmem:s18], [sflag:$0x1] =	stream.linear.gather [spmem:s7], $0x4000, $0x38;
	[tilespmem:$0x9000] =	vst v63  }
0x4a: {  	_ =	swait.ge [sflag:s19], $0x4000  }
0x4b: {  	[sflag:s19] =	ssyncset.done $0x0  }
0x4c: {  	[sflag:s19] =	ssyncadd.s32 $0xFFFFC000  }
0x4d: {  	[hbm4b:s13+s4] =	stream.linear.scatter [tilespmem:s18], [sflag:$0x1], $0x4000, $0x38;
	[tilespmem:$0x9000] =	vst v63  }
0x4e: {  	_ =	swait.ge [sflag:s19], $0x4000  }
0x4f: {  	[sflag:s19] =	ssyncset.done $0x0  }
0x50: {  	[sflag:s19] =	ssyncadd.s32 $0xFFFFC000  }
0x51: {  	[tilespmem:s18], [sflag:$0x1] =	stream.linear.gather [spmem:s8], $0x4000, $0x38;
	[tilespmem:$0x9000] =	vst v63  }
0x52: {  	_ =	swait.ge [sflag:s19], $0x4000  }
0x53: {  	[sflag:s19] =	ssyncset.done $0x0  }
0x54: {  	[sflag:s19] =	ssyncadd.s32 $0xFFFFC000  }
0x55: {  	[hbm4b:s14+s4] =	stream.linear.scatter [tilespmem:s18], [sflag:$0x1], $0x4000, $0x38;
	[tilespmem:$0x9000] =	vst v63  }
0x56: {  	_ =	swait.ge [sflag:s19], $0x4000  }
0x57: {  	[sflag:s19] =	ssyncset.done $0x0  }
0x58: {  	[sflag:s19] =	ssyncadd.s32 $0xFFFFC000  }
0x59: {  	[tilespmem:s18], [sflag:$0x1] =	stream.linear.gather [spmem:s9], $0x4000, $0x38;
	[tilespmem:$0x9000] =	vst v63  }
0x5a: {  	_ =	swait.ge [sflag:s19], $0x4000  }
0x5b: {  	[sflag:s19] =	ssyncset.done $0x0  }
0x5c: {  	[sflag:s19] =	ssyncadd.s32 $0xFFFFC000  }
0x5d: {  	[hbm4b:s15+s4] =	stream.linear.scatter [tilespmem:s18], [sflag:$0x1], $0x4000, $0x38;
	[tilespmem:$0x9000] =	vst v63  }
0x5e: {  	_ =	swait.ge [sflag:s19], $0x4000  }
0x5f: {  	[sflag:s19] =	ssyncset.done $0x0  }
0x60: {  	[sflag:s19] =	ssyncadd.s32 $0xFFFFC000  }
0x61: {  	[tilespmem:s18], [sflag:$0x1] =	stream.linear.gather [spmem:s10], $0x4000, $0x38;
	[tilespmem:$0x9000] =	vst v63  }
0x62: {  	s21 =	sadd.s32 $0x1, s21;
	_ =	swait.ge [sflag:s19], $0x4000  }
0x63: {  	p0 =	sne.s32 s21, s17;
	[sflag:s19] =	ssyncset.done $0x0  }
.Ltmp1:
0x64: {  	[sflag:s19] =	ssyncadd.s32 $0xFFFFC000;
	(pc) =	sbr.rel @p0 .LBB2_1-.Ltmp1, $4  }
0x65: {  	[hbm4b:s16+s4] =	stream.linear.scatter [tilespmem:s18], [sflag:$0x1], $0x4000, $0x38;
	[tilespmem:$0x9000] =	vst v63  }
0x66: {  	_ =	swait.ge [sflag:s19], $0x4000  }
0x67: {  	[sflag:s19] =	ssyncset.done $0x0  }
0x68: {  	[sflag:s19] =	ssyncadd.s32 $0xFFFFC000  }
0x69: {  	_ =	sfence.sel $0x180000  }
0x6a: {  	[bflag:$0x0] =	sbarrier.arrive $0xFFFF  }
0x6b: {  	p0 =	sne.s32 s0, $0x0;
	_ =	strace $0x9000004A  }
0x6c: {  	s0 =	sadd.s32 @!p0 $0x100000, s1;
	[bflag:$0x2] =	sbarrier.arrive $0xFFFF  }
0x6d: {  	[sflag:s0] =	ssyncadd.tile.s32 @!p0 $0x1;
	_ =	shalt  }
.Lfunc_end2:
_tile_overlayer_lowered:
.L_overlay_start_2:
0x6e: {  	(tag) =	ssettag $0x2  }
0x6f: {  	s0 =	rddreg [dreg:$0x0];
	s2 =	stileid.u32  }
0x70: {  	s1 =	rddreg [dreg:$0x1];
	p0 =	sne.s32 s2, $0x0  }
0x71: {  	s3 =	rddreg [dreg:$0x2];
	[bflag:$0x3] =	sbarrier.arrive $0xFFFF;
	s2 =	simm.s32 @!p0 $0x1C01  }
0x72: {  	[timem:s3], [sflag:s2] =	dma.local @!p0 [hbm:s0], s1  }
0x73: {  	s0 =	simm.s32 @!p0 $0x1  }
0x74: {  	_ =	swait.ge @!p0 [sflag:s0], s1  }
0x75: {  	s1 =	ssub.s32 @!p0 $0x0, s1;
	[sflag:s0] =	ssyncset.done @!p0 $0x0  }
0x76: {  	[sflag:s0] =	ssyncadd.s32 @!p0 s1  }
0x77: {  	[bflag:$0x3] =	sbarrier.arrive $0xFFFF  }
0x78: {  	_ =	shalt  }

// kernel: kernel.13.cloned.1.call-start
scs
__scs_entry_jumppad:
0x0: {  	(pc) =	sbr.rel $0x88, $3  }
0x1: {  	(tag) =	ssettag $0x0;
	lr =	simm.s32 $0x1  }
0x2: {  	[smem:$0x3F8E] =	sst lr;
	_ =	strace $0xD0000000  }
0x3: {  	_ = 	snop  }
0x4: {  	_ = 	snop  }
0x5: {  	_ = 	snop  }
0x6: {  	_ = 	snop  }
0x7: {  	_ = 	snop  }
__scs_overlays_trampoline_lowered:
0x8: {  	[smem:$0x3F9D] =	sst s0  }
0x9: {  	[smem:$0x3F9E] =	sst s1  }
0xa: {  	[smem:$0x3F9F] =	sst s2  }
0xb: {  	[smem:$0x3FA0] =	sst s3  }
0xc: {  	[smem:$0x3FA1] =	sst s4  }
0xd: {  	[smem:$0x3FA2] =	sst s5  }
0xe: {  	[smem:$0x3FA3] =	sst s6  }
0xf: {  	[smem:$0x3FA4] =	sst s7  }
0x10: {  	[smem:$0x3FA5] =	sst s8  }
0x11: {  	[smem:$0x3FA6] =	sst s9;
	s0 =	simm.s32 @!p0 $0x0  }
0x12: {  	s1 =	sld [smem:$0x3F8C];
	s0 =	simm.s32 @p0 $0x1  }
0x13: {  	[smem:$0x3FA7] =	sst s0;
	s0 =	simm.s32 @!p1 $0x0  }
0x14: {  	s2 =	sld [smem:$0x3F8B];
	s0 =	simm.s32 @p1 $0x1  }
0x15: {  	[smem:$0x3FA8] =	sst s0;
	s0 =	simm.s32 @!p2 $0x0  }
0x16: {  	s3 =	sld [smem:$0x3FDB];
	s0 =	simm.s32 @p2 $0x1  }
0x17: {  	s4 =	simm.s32 $0x1BF5;
	[smem:$0x3FAA] =	sst s0  }
0x18: {  	s0 =	sld [smem:$0x3F8D];
	_ =	swait.ge [sflag:s4], $0x0  }
0x19: {  	s7 =	sld [smem:$0x3F8E]  }
0x1a: {  	s8 =	sadd.s32 $0xFFFFE003, lr  }
0x1b: {  	s9 =	sadd.s32 $0xFFFFFEF7, lr;
	s5 =	simm.s32 $0xFFFFFFFF;
	p2 =	slt.u32 s8, $0xFFFFF086  }
0x1c: {  	p1 =	slt.u32 s9, $0xF7A;
	s5 =	simm.s32 @!p2 $0x0  }
0x1d: {  	s5 =	simm.s32 @p1 $0x1;
	p0 =	seq.s32 s7, s2  }
0x1e: {  	s7 =	smul.u32 @!p0 $0xF7A, s2;
	p2 =	seq.s32 @!p0 s5, $0x0  }
0x1f: {  	s9 =	smul.u32 $0xF7A, s1;
	s8 =	simm.s32 @!p0 $0x1BF5;
	p2 =	por !p2, p0  }
0x20: {  	[sflag:s8] =	ssyncset.s32 @!p0 $0xFFFFF086;
	s6 =	sadd.s32 @!p0 s3, s7;
	s7 =	simm.s32 @!p0 $0x108  }
0x21: {  	s3 =	sadd.s32 s3, s9;
	s6 =	sadd.s32 @!p0 $0x88, s6;
	s7 =	simm.s32 @p2 $0x1082  }
0x22: {  	[simem:s7], [sflag:s8] =	dma.local @!p0 [hbm:s6], $0xF7A  }
0x23: {  	s9 =	sor.u32 $0xD0000000, s2;
	s6 =	simm.s32 $0x108;
	_ =	swait.ge @!p0 [sflag:s8], $0x0  }
0x24: {  	s3 =	sadd.s32 $0x88, s3;
	s6 =	simm.s32 @!p1 $0x1082;
	[sflag:s4] =	ssyncset.s32 $0xFFFFF086  }
0x25: {  	[simem:s6], [sflag:s4] =	dma.local [hbm:s3], $0xF7A  }
0x26: {  	[smem:$0x3F8E] =	sst s1;
	(tag) =	ssettag s2;
	_ =	strace s9  }
0x27: {  	s1 =	sld [smem:$0x3F9E]  }
0x28: {  	s2 =	sld [smem:$0x3F9F]  }
0x29: {  	s4 =	sld [smem:$0x3FA1]  }
0x2a: {  	p0 =	seq.s32 s5, $0x0;
	s5 =	sld [smem:$0x3FA2]  }
0x2b: {  	s6 =	sld [smem:$0x3FA3]  }
0x2c: {  	s7 =	sld [smem:$0x3FA4]  }
0x2d: {  	s3 =	simm.s32 $0x108;
	s8 =	sld [smem:$0x3FA5]  }
0x2e: {  	s3 =	simm.s32 @!p0 $0x1082;
	s9 =	sld [smem:$0x3FA6]  }
0x2f: {  	lr =	sadd.s32 s0, s3;
	s0 =	sld [smem:$0x3F9D]  }
0x30: {  	s3 =	sld [smem:$0x3FA0]  }
0x31: {  	[smem:$0x3FA9] =	sst s10  }
0x32: {  	s10 =	sld [smem:$0x3FA7];
	_ =	sdelay $0x3  }
0x33: {  	p0 =	seq.s32 s10, $0x1;
	s10 =	sld [smem:$0x3FA9];
	_ =	sdelay $0x3  }
0x34: {  	[smem:$0x3FA9] =	sst s10  }
0x35: {  	s10 =	sld [smem:$0x3FA8];
	_ =	sdelay $0x3  }
0x36: {  	p1 =	seq.s32 s10, $0x1;
	s10 =	sld [smem:$0x3FA9];
	_ =	sdelay $0x3  }
0x37: {  	[smem:$0x3FA9] =	sst s10  }
0x38: {  	s10 =	sld [smem:$0x3FAA]  }
0x39: {  	_ = 	snop;
	(pc) =	sbr.ind lr, $3  }
0x3a: {  	_ = 	snop  }
0x3b: {  	_ = 	snop  }
0x3c: {  	p2 =	seq.s32 s10, $0x1;
	s10 =	sld [smem:$0x3FA9]  }
0x3d: {  	_ =	shalt  }
0x3e: {  	_ =	shalt  }
0x3f: {  	_ =	shalt  }
0x40: {  	_ =	shalt  }
0x41: {  	_ =	shalt  }
0x42: {  	_ =	shalt  }
0x43: {  	_ =	shalt  }
0x44: {  	_ =	shalt  }
0x45: {  	_ =	shalt  }
0x46: {  	_ =	shalt  }
0x47: {  	_ =	shalt  }
0x48: {  	_ =	shalt  }
0x49: {  	_ =	shalt  }
0x4a: {  	_ =	shalt  }
0x4b: {  	_ =	shalt  }
0x4c: {  	_ =	shalt  }
0x4d: {  	_ =	shalt  }
0x4e: {  	_ =	shalt  }
0x4f: {  	_ =	shalt  }
0x50: {  	_ =	shalt  }
0x51: {  	_ =	shalt  }
0x52: {  	_ =	shalt  }
0x53: {  	_ =	shalt  }
0x54: {  	_ =	shalt  }
0x55: {  	_ =	shalt  }
0x56: {  	_ =	shalt  }
0x57: {  	_ =	shalt  }
0x58: {  	_ =	shalt  }
0x59: {  	_ =	shalt  }
0x5a: {  	_ =	shalt  }
0x5b: {  	_ =	shalt  }
0x5c: {  	_ =	shalt  }
0x5d: {  	_ =	shalt  }
0x5e: {  	_ =	shalt  }
0x5f: {  	_ =	shalt  }
0x60: {  	_ =	shalt  }
0x61: {  	_ =	shalt  }
0x62: {  	_ =	shalt  }
0x63: {  	_ =	shalt  }
0x64: {  	_ =	shalt  }
0x65: {  	_ =	shalt  }
0x66: {  	_ =	shalt  }
0x67: {  	_ =	shalt  }
0x68: {  	_ =	shalt  }
0x69: {  	_ =	shalt  }
0x6a: {  	_ =	shalt  }
0x6b: {  	_ =	shalt  }
0x6c: {  	_ =	shalt  }
0x6d: {  	_ =	shalt  }
0x6e: {  	_ =	shalt  }
0x6f: {  	_ =	shalt  }
0x70: {  	_ =	shalt  }
0x71: {  	_ =	shalt  }
0x72: {  	_ =	shalt  }
0x73: {  	_ =	shalt  }
0x74: {  	_ =	shalt  }
0x75: {  	_ =	shalt  }
0x76: {  	_ =	shalt  }
0x77: {  	_ =	shalt  }
0x78: {  	_ =	shalt  }
0x79: {  	_ =	shalt  }
0x7a: {  	_ =	shalt  }
0x7b: {  	_ =	shalt  }
0x7c: {  	_ =	shalt  }
0x7d: {  	_ =	shalt  }
0x7e: {  	_ =	shalt  }
0x7f: {  	_ =	shalt  }
0x80: {  	_ =	shalt  }
0x81: {  	_ =	shalt  }
0x82: {  	_ =	shalt  }
0x83: {  	_ =	shalt  }
0x84: {  	_ =	shalt  }
0x85: {  	_ =	shalt  }
0x86: {  	_ =	shalt  }
0x87: {  	_ =	shalt  }
.Lfunc_end0:
.L_simem_size_0:
called_computation.1_lowered:
.L_overlay_start_0:
0x88: {  	s2 =	sld [smem:$0x3FD9]  }
0x89: {  	s3 =	sld [smem:$0x3FFE];
	_ =	sdelay $0x1  }
0x8a: {  	s1 =	srdreg.scid  }
0x8b: {  	s0 =	sand.u32 $0x1, s1  }
0x8c: {  	s16 =	sshll.u32 s0, $0xA;
	s2 =	sadd.s32 s3, s2  }
0x8d: {  	s2 =	sadd.s32 s2, s16  }
0x8e: {  	[smem:$0x3FB5] =	sst s2  }
0x8f: {  	_ = 	snop  }
0x90: {  	(tm) =	ssettm $0x1  }
0x91: {  	s17 =	sld [smem:$0x3FFB];
	_ =	sdelay $0x3  }
0x92: {  	_ =	strace s17  }
0x93: {  	s2 =	sld [smem:$0x3FFC];
	_ =	sdelay $0x3  }
0x94: {  	_ =	strace s2  }
0x95: {  	s2 =	sld [smem:$0x3FFD];
	_ =	sdelay $0x3  }
0x96: {  	_ =	strace s2  }
0x97: {  	_ =	strace $0x8FFFFFFF  }
0x98: {  	s18 =	sld [smem:$0x3FDB];
	_ =	sdelay $0x1  }
0x99: {  	s19 =	simm.s32 $_scs_section_size  }
0x9a: {  	s4 =	simm.s32 $_size__tile_overlayer_lowered;
	s5 =	simm.s32 $_tile_overlayer_lowered  }
0x9b: {  	s22 =	simm.s32 $0x1BFF;
	s21 =	sshll.u32 s5, $0x1;
	s2 =	sadd.s32 s19, s18  }
0x9c: {  	s6 =	simm.s32 $0x0;
	s20 =	sshll.u32 s4, $0x1;
	s4 =	sadd.s32 s21, s2  }
0x9d: {  	[timem:s6], [sflag:s22] =	dma.local [hbm:s4], s20  }
0x9e: {  	_ =	swait.ge [sflag:s22], s20  }
0x9f: {  	s3 =	ssub.s32 $0x0, s20;
	[sflag:s22] =	ssyncset.done $0x0  }
0xa0: {  	[sflag:s22] =	ssyncadd.s32 s3;
	_ =	sdelay $0x1  }
0xa1: {  	s23 =	simm.s32 $0x1B8B  }
0xa2: {  	_ =	swait.ge [sflag:s23], $0x1  }
0xa3: {  	[sflag:s23] =	ssyncset.done $0x0  }
0xa4: {  	s25 =	simm.s32 $0x1B8E;
	s24 =	sld [smem:$0x3FFE];
	[sflag:s23] =	ssyncadd.s32 $0xFFFFFFFF  }
0xa5: {  	s26 =	simm.s32 $execute0_lowered;
	[smem:$0x3FD2] =	sst s25  }
0xa6: {  	s4 =	sshll.u32 s26, $0x1;
	_ =	strace $0x80000046;
	[dreg:$0x1] =	wrdreg $0xFFFFFFFF  }
0xa7: {  	s28 =	simm.s32 $_size_execute0_lowered;
	s2 =	sadd.s32 s2, s4;
	[dreg:$0x0] =	wrdreg $0x0  }
0xa8: {  	s4 =	sshll.u32 s28, $0x1;
	[dreg:$0x2] =	wrdreg s2  }
0xa9: {  	[dreg:$0x3] =	wrdreg s4  }
0xaa: {  	[dreg:$0x4] =	wrdreg $0xC0  }
0xab: {  	_ =	task [dreg:s6], $0x5FFFF  }
0xac: {  	[dreg:$0x1] =	wrdreg $0xFFFFFFFF  }
0xad: {  	[dreg:$0x0] =	wrdreg $0x60  }
0xae: {  	[dreg:$0x2] =	wrdreg s24  }
0xaf: {  	[dreg:$0x3] =	wrdreg $0xA8000  }
0xb0: {  	[dreg:$0x4] =	wrdreg $0xA  }
0xb1: {  	_ =	task.clear_ibuf [dreg:s6], $0x5FFFF;
	_ =	strace $0x90000046  }
0xb2: {  	s29 =	simm.s32 $0xA;
	_ =	strace $0x80000048  }
0xb3: {  	_ =	swait.ge [sflag:s29], $0x1  }
0xb4: {  	[sflag:s29] =	ssyncadd.s32 $0xFFFFFFFF  }
0xb5: {  	_ =	strace $0x90000048  }
0xb6: {  	_ =	sfence  }
0xb7: {  	s30 =	sld [smem:$0x0];
	_ =	sdelay $0x2  }
0xb8: {  	s31 =	sshll.u32 s1, $0xD;
	s1 =	sshrl.u32 s1, $0x2  }
0xb9: {  	s3 =	sand.u32 $0x4000, s31;
	s1 =	sadd.s32 s1, s30  }
0xba: {  	s0 =	sor.u32 s3, s0;
	s1 =	sshll.u32 s1, $0x11  }
0xbb: {  	s0 =	sor.u32 s1, s0  }
0xbc: {  	s0 =	sadd.s32 $0x8F2B, s0  }
0xbd: {  	[sflag:s0] =	ssyncadd.remote.s32 $0x1  }
0xbe: {  	_ =	sfence.sel $0xFFFF  }
0xbf: {  	[dreg:$0x0] =	wrdreg $0xFFFFFFFF;
	(pc) =	sbr.abs _section_cstart, $3  }
0xc0: {  	[dreg:$0x1] =	wrdreg $0xFFFFFFFF  }
0xc1: {  	_ =	task.clear_ibuf [dreg:s6], $0x2FFFF;
	_ =	strace $0x9FFFFFFF  }
0xc2: {  	(tm) =	ssettm $0x7FFFFFFF  }
0xc3: {  	_ =	shalt  }
tec
execute0_lowered:
.L_overlay_start_1:
0x0: {  	(tag) =	ssettag $0x1  }
0x1: {  	s0 =	rddreg [dreg:$0x0]  }
0x2: {  	s1 =	rddreg [dreg:$0x1]  }
0x3: {  	s2 =	simm.s32 $0x0;
	s3 =	srdreg.scid;
	s5 =	stileid.u32  }
0x4: {  	s22 =	simm.s32 $0x3;
	s23 =	simm.s32 $0x1400;
	s24 =	simm.s32 $0x80  }
0x5: {  	s28 =	simm.s32 $0x2;
	s29 =	simm.s32 $0x2700;
	s30 =	simm.s32 $0x2780  }
0x6: {  	s31 =	simm.s32 $0x0;
	[smem:$0x7FF] =	sst s2;
	s4 =	sadd.s32 $0x17C00, s0  }
0x7: {  	s13 =	sadd.s32 $0xDC00, s0;
	s3 =	sand.u32 $0x1, s3;
	s14 =	sadd.s32 $0x3C00, s0  }
0x8: {  	s7 =	smul.u32 $0x50000, s5;
	s8 =	sadd.s32 $0x3EE00, s0;
	s0 =	sadd.s32 $0x3F600, s0  }
0x9: {  	s9 =	sshll.u32 s5, $0x1;
	s15 =	smul.u32 $0x14000, s5;
	_ =	strace $0x80000047  }
0xa: {  	s6 =	ssub.s32 $0x2, s3;
	[dreg:$0x3] =	wrdreg s8;
	s26 =	sor.u32 s3, s9  }
0xb: {  	s3 =	smul.u32 $0x140000, s3;
	s25 =	sshrl.u32 s6, $0x1;
	s7 =	sshrl.u32 s7, $0x2  }
0xc: {  	s16 =	sadd.s32 $0x4000, s15;
	s17 =	sadd.s32 $0x8000, s15;
	s9 =	smul.u32 $0x2800, s26  }
0xd: {  	s18 =	sadd.s32 $0xC000, s15;
	s19 =	sadd.s32 $0x10000, s15;
	s26 =	simm.s32 $0x1  }
0xe: {  	s20 =	ssub.s32 s6, s25;
	s6 =	sadd.s32 s7, s1;
	s7 =	sadd.s32 s16, s1  }
0xf: {  	s8 =	sadd.s32 s17, s1;
	s10 =	sadd.s32 s19, s1;
	s15 =	sadd.s32 s15, s3  }
0x10: {  	s16 =	sadd.s32 s3, s16;
	s17 =	sadd.s32 s3, s17;
	s25 =	simm.s32 $0x6800  }
0x11: {  	s21 =	sshrl.u32 s9, $0x3;
	s9 =	sadd.s32 s18, s1;
	s15 =	sshrl.u32 s15, $0x3  }
0x12: {  	s16 =	sshrl.u32 s16, $0x3;
	s18 =	sadd.s32 s3, s18;
	s17 =	sshrl.u32 s17, $0x3  }
0x13: {  	s3 =	sadd.s32 s3, s19;
	s20 =	smax.u32 s20, $0x1;
	s11 =	sadd.s32 s13, s21  }
0x14: {  	s12 =	sadd.s32 s14, s21;
	s21 =	sadd.s32 $0x280, s21;
	s15 =	sadd.s32 s0, s15  }
0x15: {  	s16 =	sadd.s32 s0, s16;
	s18 =	sshrl.u32 s18, $0x3;
	s17 =	sadd.s32 s0, s17  }
0x16: {  	s3 =	sshrl.u32 s3, $0x3;
	s13 =	sadd.s32 s13, s21;
	s14 =	sadd.s32 s14, s21  }
0x17: {  	s18 =	sadd.s32 s0, s18;
	s19 =	sadd.s32 s0, s3;
	s21 =	simm.s32 $0x2800  }
.LBB2_1:
0x18: {  	s0 =	rddreg [dreg:$0x3]  }
0x19: {  	[tilespmem:s21], [sflag:$0x3] =	stream.linear.gather [hbm4b:s0+s2], $0x4000, $0x38;
	[tilespmem:$0x1E800] =	vst v63  }
0x1a: {  	_ =	swait.ge [sflag:s22], $0x4000  }
0x1b: {  	[sflag:s22] =	ssyncset.done $0x0  }
0x1c: {  	[sflag:s22] =	ssyncadd.s32 $0xFFFFC000  }
0x1d: {  	[spmem:s6] =	stream.linear.scatter [tilespmem:s21], [sflag:$0x3], $0x4000, $0x38;
	[tilespmem:$0x1E800] =	vst v63  }
0x1e: {  	_ =	swait.ge [sflag:s22], $0x4000  }
0x1f: {  	[sflag:s22] =	ssyncset.done $0x0  }
0x20: {  	[sflag:s22] =	ssyncadd.s32 $0xFFFFC000  }
0x21: {  	[spmem:s7] =	stream.linear.scatter [tilespmem:s21], [sflag:$0x3], $0x4000, $0x38;
	[tilespmem:$0x1E800] =	vst v63  }
0x22: {  	_ =	swait.ge [sflag:s22], $0x4000  }
0x23: {  	[sflag:s22] =	ssyncset.done $0x0  }
0x24: {  	[sflag:s22] =	ssyncadd.s32 $0xFFFFC000  }
0x25: {  	[spmem:s8] =	stream.linear.scatter [tilespmem:s21], [sflag:$0x3], $0x4000, $0x38;
	[tilespmem:$0x1E800] =	vst v63  }
0x26: {  	_ =	swait.ge [sflag:s22], $0x4000  }
0x27: {  	[sflag:s22] =	ssyncset.done $0x0  }
0x28: {  	[sflag:s22] =	ssyncadd.s32 $0xFFFFC000  }
0x29: {  	[spmem:s9] =	stream.linear.scatter [tilespmem:s21], [sflag:$0x3], $0x4000, $0x38;
	[tilespmem:$0x1E800] =	vst v63  }
0x2a: {  	_ =	swait.ge [sflag:s22], $0x4000  }
0x2b: {  	[sflag:s22] =	ssyncset.done $0x0  }
0x2c: {  	[sflag:s22] =	ssyncadd.s32 $0xFFFFC000  }
0x2d: {  	[spmem:s10] =	stream.linear.scatter [tilespmem:s21], [sflag:$0x3], $0x4000, $0x38;
	[tilespmem:$0x1E800] =	vst v63  }
0x2e: {  	_ =	swait.ge [sflag:s22], $0x4000  }
0x2f: {  	[sflag:s22] =	ssyncset.done $0x0  }
0x30: {  	[sflag:s22] =	ssyncadd.s32 $0xFFFFC000  }
0x31: {  	[bflag:$0x0] =	sbarrier.arrive $0xFFFF  }
0x32: {  	[tilespmem:s2], [sflag:$0x3] =	stream.linear.gather [hbm4b:s11+s2], $0x1400, $0x38;
	[tilespmem:$0x1E800] =	vst v63  }
0x33: {  	_ =	swait.ge [sflag:s22], $0x1400  }
0x34: {  	[sflag:s22] =	ssyncset.done $0x0  }
0x35: {  	[sflag:s22] =	ssyncadd.s32 $0xFFFFEC00  }
0x36: {  	[tilespmem:s23], [sflag:$0x3] =	stream.linear.gather [hbm4b:s12+s2], $0x1400, $0x38;
	[tilespmem:$0x1E800] =	vst v63  }
0x37: {  	_ =	swait.ge [sflag:s22], $0x1400  }
0x38: {  	[sflag:s22] =	ssyncset.done $0x0  }
0x39: {  	[sflag:s22] =	ssyncadd.s32 $0xFFFFEC00  }
0x3a: {  	[tilespmem:s21], [sflag:$0x1] =	stream.indirect.gather [hbm4b:s4+s24], $0x80, s2, s24, $0xb8;
	[tilespmem:$0x1E800] =	vst v63  }
0x3b: {  	_ = 	snop  }
0x3c: {  	[tilespmem:s25], [sflag:$0x2] =	stream.indirect.gather [hbm4b:s4+s24], $0x80, s24, s24, $0xb8;
	[tilespmem:$0x1E800] =	vst v63  }
0x3d: {  	_ =	swait.ge [sflag:s26], $0x4000  }
0x3e: {  	[sflag:s26] =	ssyncset.done $0x0  }
0x3f: {  	s5 =	simm.s32 $0x1400;
	[sflag:s26] =	ssyncadd.s32 $0xFFFFC000  }
0x40: {  	[spmem:s1] =	stream.indirect.scatter.add.f32 [tilespmem:s21], [sflag:$0x3], $0x80, s5, s24, $0xb8;
	[tilespmem:$0x1E800] =	vst v63  }
0x41: {  	_ =	swait.ge [sflag:s22], $0x4000  }
0x42: {  	[sflag:s22] =	ssyncset.done $0x0  }
0x43: {  	s3 =	simm.s32 $0x100;
	[sflag:s22] =	ssyncadd.s32 $0xFFFFC000  }
0x44: {  	[tilespmem:s21], [sflag:$0x1] =	stream.indirect.gather [hbm4b:s4+s24], $0x80, s3, s24, $0xb8;
	[tilespmem:$0x1E800] =	vst v63  }
0x45: {  	_ =	swait.ge [sflag:s28], $0x4000  }
0x46: {  	[sflag:s28] =	ssyncset.done $0x0  }
0x47: {  	s5 =	simm.s32 $0x1480;
	[sflag:s28] =	ssyncadd.s32 $0xFFFFC000  }
0x48: {  	[spmem:s1] =	stream.indirect.scatter.add.f32 [tilespmem:s25], [sflag:$0x3], $0x80, s5, s24, $0xb8;
	[tilespmem:$0x1E800] =	vst v63  }
0x49: {  	_ =	swait.ge [sflag:s22], $0x4000  }
0x4a: {  	[sflag:s22] =	ssyncset.done $0x0  }
0x4b: {  	s0 =	simm.s32 $0x400;
	s3 =	simm.s32 $0x180;
	[sflag:s22] =	ssyncadd.s32 $0xFFFFC000  }
.LBB2_2:
0x4c: {  	[tilespmem:s25], [sflag:$0x2] =	stream.indirect.gather [hbm4b:s4+s24], $0x80, s3, s24, $0xb8;
	[tilespmem:$0x1E800] =	vst v63  }
0x4d: {  	s3 =	smov.u32 s0  }
0x4e: {  	p0 =	sne.s32 s0, $0x4800;
	s0 =	sadd.s32 $0x400, s0;
	_ =	swait.ge [sflag:s26], $0x4000  }
0x4f: {  	s3 =	sshra.s32 s3, $0x2;
	[sflag:s26] =	ssyncset.done $0x0  }
0x50: {  	s5 =	sadd.s32 $0x1400, s3;
	[sflag:s26] =	ssyncadd.s32 $0xFFFFC000  }
0x51: {  	[spmem:s1] =	stream.indirect.scatter.add.f32 [tilespmem:s21], [sflag:$0x3], $0x80, s5, s24, $0xb8;
	[tilespmem:$0x1E800] =	vst v63  }
0x52: {  	_ =	swait.ge [sflag:s22], $0x4000  }
0x53: {  	[sflag:s22] =	ssyncset.done $0x0  }
0x54: {  	s5 =	sadd.s32 $0x100, s3;
	[sflag:s22] =	ssyncadd.s32 $0xFFFFC000  }
0x55: {  	[tilespmem:s21], [sflag:$0x1] =	stream.indirect.gather [hbm4b:s4+s24], $0x80, s5, s24, $0xb8;
	[tilespmem:$0x1E800] =	vst v63  }
0x56: {  	_ =	swait.ge [sflag:s28], $0x4000  }
0x57: {  	[sflag:s28] =	ssyncset.done $0x0  }
.Ltmp0:
0x58: {  	s5 =	sadd.s32 $0x1480, s3;
	[sflag:s28] =	ssyncadd.s32 $0xFFFFC000;
	(pc) =	sbr.rel @p0 .LBB2_2-.Ltmp0, $4  }
0x59: {  	[spmem:s1] =	stream.indirect.scatter.add.f32 [tilespmem:s25], [sflag:$0x3], $0x80, s5, s24, $0xb8;
	[tilespmem:$0x1E800] =	vst v63  }
0x5a: {  	_ =	swait.ge [sflag:s22], $0x4000  }
0x5b: {  	[sflag:s22] =	ssyncset.done $0x0  }
0x5c: {  	s3 =	sadd.s32 $0x180, s3;
	[sflag:s22] =	ssyncadd.s32 $0xFFFFC000  }
0x5d: {  	[tilespmem:s25], [sflag:$0x2] =	stream.indirect.gather [hbm4b:s4+s24], $0x80, s3, s24, $0xb8;
	[tilespmem:$0x1E800] =	vst v63  }
0x5e: {  	_ =	swait.ge [sflag:s26], $0x4000  }
0x5f: {  	[sflag:s26] =	ssyncset.done $0x0  }
0x60: {  	[sflag:s26] =	ssyncadd.s32 $0xFFFFC000  }
0x61: {  	[spmem:s1] =	stream.indirect.scatter.add.f32 [tilespmem:s21], [sflag:$0x3], $0x80, s29, s24, $0xb8;
	[tilespmem:$0x1E800] =	vst v63  }
0x62: {  	_ =	swait.ge [sflag:s22], $0x4000  }
0x63: {  	[sflag:s22] =	ssyncset.done $0x0  }
0x64: {  	[sflag:s22] =	ssyncadd.s32 $0xFFFFC000  }
0x65: {  	_ =	swait.ge [sflag:s28], $0x4000  }
0x66: {  	[sflag:s28] =	ssyncset.done $0x0  }
0x67: {  	[sflag:s28] =	ssyncadd.s32 $0xFFFFC000  }
0x68: {  	[spmem:s1] =	stream.indirect.scatter.add.f32 [tilespmem:s25], [sflag:$0x3], $0x80, s30, s24, $0xb8;
	[tilespmem:$0x1E800] =	vst v63  }
0x69: {  	_ =	swait.ge [sflag:s22], $0x4000  }
0x6a: {  	[sflag:s22] =	ssyncset.done $0x0  }
0x6b: {  	s0 =	simm.s32 $0x0;
	[sflag:s22] =	ssyncadd.s32 $0xFFFFC000  }
0x6c: {  	[tilespmem:s0], [sflag:$0x3] =	stream.linear.gather [hbm4b:s13+s0], $0x1400, $0x38;
	[tilespmem:$0x1E800] =	vst v63  }
0x6d: {  	_ =	swait.ge [sflag:s22], $0x1400  }
0x6e: {  	[sflag:s22] =	ssyncset.done $0x0  }
0x6f: {  	[sflag:s22] =	ssyncadd.s32 $0xFFFFEC00  }
0x70: {  	[tilespmem:s23], [sflag:$0x3] =	stream.linear.gather [hbm4b:s14+s0], $0x1400, $0x38;
	[tilespmem:$0x1E800] =	vst v63  }
0x71: {  	_ =	swait.ge [sflag:s22], $0x1400  }
0x72: {  	[sflag:s22] =	ssyncset.done $0x0  }
0x73: {  	[sflag:s22] =	ssyncadd.s32 $0xFFFFEC00  }
0x74: {  	[tilespmem:s21], [sflag:$0x1] =	stream.indirect.gather [hbm4b:s4+s24], $0x80, s0, s24, $0xb8;
	[tilespmem:$0x1E800] =	vst v63  }
0x75: {  	_ = 	snop  }
0x76: {  	[tilespmem:s25], [sflag:$0x2] =	stream.indirect.gather [hbm4b:s4+s24], $0x80, s24, s24, $0xb8;
	[tilespmem:$0x1E800] =	vst v63  }
0x77: {  	_ =	swait.ge [sflag:s26], $0x4000  }
0x78: {  	[sflag:s26] =	ssyncset.done $0x0  }
0x79: {  	s5 =	simm.s32 $0x1400;
	[sflag:s26] =	ssyncadd.s32 $0xFFFFC000  }
0x7a: {  	[spmem:s1] =	stream.indirect.scatter.add.f32 [tilespmem:s21], [sflag:$0x3], $0x80, s5, s24, $0xb8;
	[tilespmem:$0x1E800] =	vst v63  }
0x7b: {  	_ =	swait.ge [sflag:s22], $0x4000  }
0x7c: {  	[sflag:s22] =	ssyncset.done $0x0  }
0x7d: {  	s3 =	simm.s32 $0x100;
	[sflag:s22] =	ssyncadd.s32 $0xFFFFC000  }
0x7e: {  	[tilespmem:s21], [sflag:$0x1] =	stream.indirect.gather [hbm4b:s4+s24], $0x80, s3, s24, $0xb8;
	[tilespmem:$0x1E800] =	vst v63  }
0x7f: {  	_ =	swait.ge [sflag:s28], $0x4000  }
0x80: {  	[sflag:s28] =	ssyncset.done $0x0  }
0x81: {  	s5 =	simm.s32 $0x1480;
	[sflag:s28] =	ssyncadd.s32 $0xFFFFC000  }
0x82: {  	[spmem:s1] =	stream.indirect.scatter.add.f32 [tilespmem:s25], [sflag:$0x3], $0x80, s5, s24, $0xb8;
	[tilespmem:$0x1E800] =	vst v63  }
0x83: {  	_ =	swait.ge [sflag:s22], $0x4000  }
0x84: {  	[sflag:s22] =	ssyncset.done $0x0  }
0x85: {  	s0 =	simm.s32 $0x400;
	s3 =	simm.s32 $0x180;
	[sflag:s22] =	ssyncadd.s32 $0xFFFFC000  }
.LBB2_4:
0x86: {  	[tilespmem:s25], [sflag:$0x2] =	stream.indirect.gather [hbm4b:s4+s24], $0x80, s3, s24, $0xb8;
	[tilespmem:$0x1E800] =	vst v63  }
0x87: {  	s3 =	smov.u32 s0  }
0x88: {  	p0 =	sne.s32 s0, $0x4800;
	s0 =	sadd.s32 $0x400, s0;
	_ =	swait.ge [sflag:s26], $0x4000  }
0x89: {  	s3 =	sshra.s32 s3, $0x2;
	[sflag:s26] =	ssyncset.done $0x0  }
0x8a: {  	s5 =	sadd.s32 $0x1400, s3;
	[sflag:s26] =	ssyncadd.s32 $0xFFFFC000  }
0x8b: {  	[spmem:s1] =	stream.indirect.scatter.add.f32 [tilespmem:s21], [sflag:$0x3], $0x80, s5, s24, $0xb8;
	[tilespmem:$0x1E800] =	vst v63  }
0x8c: {  	_ =	swait.ge [sflag:s22], $0x4000  }
0x8d: {  	[sflag:s22] =	ssyncset.done $0x0  }
0x8e: {  	s5 =	sadd.s32 $0x100, s3;
	[sflag:s22] =	ssyncadd.s32 $0xFFFFC000  }
0x8f: {  	[tilespmem:s21], [sflag:$0x1] =	stream.indirect.gather [hbm4b:s4+s24], $0x80, s5, s24, $0xb8;
	[tilespmem:$0x1E800] =	vst v63  }
0x90: {  	_ =	swait.ge [sflag:s28], $0x4000  }
0x91: {  	[sflag:s28] =	ssyncset.done $0x0  }
.Ltmp1:
0x92: {  	s5 =	sadd.s32 $0x1480, s3;
	[sflag:s28] =	ssyncadd.s32 $0xFFFFC000;
	(pc) =	sbr.rel @p0 .LBB2_4-.Ltmp1, $4  }
0x93: {  	[spmem:s1] =	stream.indirect.scatter.add.f32 [tilespmem:s25], [sflag:$0x3], $0x80, s5, s24, $0xb8;
	[tilespmem:$0x1E800] =	vst v63  }
0x94: {  	_ =	swait.ge [sflag:s22], $0x4000  }
0x95: {  	[sflag:s22] =	ssyncset.done $0x0  }
0x96: {  	s3 =	sadd.s32 $0x180, s3;
	[sflag:s22] =	ssyncadd.s32 $0xFFFFC000  }
0x97: {  	[tilespmem:s25], [sflag:$0x2] =	stream.indirect.gather [hbm4b:s4+s24], $0x80, s3, s24, $0xb8;
	[tilespmem:$0x1E800] =	vst v63  }
0x98: {  	_ =	swait.ge [sflag:s26], $0x4000  }
0x99: {  	[sflag:s26] =	ssyncset.done $0x0  }
0x9a: {  	[sflag:s26] =	ssyncadd.s32 $0xFFFFC000  }
0x9b: {  	[spmem:s1] =	stream.indirect.scatter.add.f32 [tilespmem:s21], [sflag:$0x3], $0x80, s29, s24, $0xb8;
	[tilespmem:$0x1E800] =	vst v63  }
0x9c: {  	_ =	swait.ge [sflag:s22], $0x4000  }
0x9d: {  	[sflag:s22] =	ssyncset.done $0x0  }
0x9e: {  	[sflag:s22] =	ssyncadd.s32 $0xFFFFC000  }
0x9f: {  	_ =	swait.ge [sflag:s28], $0x4000  }
0xa0: {  	[sflag:s28] =	ssyncset.done $0x0  }
0xa1: {  	[sflag:s28] =	ssyncadd.s32 $0xFFFFC000  }
0xa2: {  	[spmem:s1] =	stream.indirect.scatter.add.f32 [tilespmem:s25], [sflag:$0x3], $0x80, s30, s24, $0xb8;
	[tilespmem:$0x1E800] =	vst v63  }
0xa3: {  	_ =	swait.ge [sflag:s22], $0x4000  }
0xa4: {  	[sflag:s22] =	ssyncset.done $0x0  }
0xa5: {  	[sflag:s22] =	ssyncadd.s32 $0xFFFFC000  }
0xa6: {  	[bflag:$0x0] =	sbarrier.arrive $0xFFFF  }
0xa7: {  	[tilespmem:s21], [sflag:$0x3] =	stream.linear.gather [spmem:s6], $0x4000, $0x38;
	[tilespmem:$0x1E800] =	vst v63  }
0xa8: {  	_ =	swait.ge [sflag:s22], $0x4000  }
0xa9: {  	[sflag:s22] =	ssyncset.done $0x0  }
0xaa: {  	[sflag:s22] =	ssyncadd.s32 $0xFFFFC000  }
0xab: {  	[hbm4b:s15+s2] =	stream.linear.scatter [tilespmem:s21], [sflag:$0x3], $0x4000, $0x38;
	[tilespmem:$0x1E800] =	vst v63  }
0xac: {  	_ =	swait.ge [sflag:s22], $0x4000  }
0xad: {  	[sflag:s22] =	ssyncset.done $0x0  }
0xae: {  	[sflag:s22] =	ssyncadd.s32 $0xFFFFC000  }
0xaf: {  	[tilespmem:s21], [sflag:$0x3] =	stream.linear.gather [spmem:s7], $0x4000, $0x38;
	[tilespmem:$0x1E800] =	vst v63  }
0xb0: {  	_ =	swait.ge [sflag:s22], $0x4000  }
0xb1: {  	[sflag:s22] =	ssyncset.done $0x0  }
0xb2: {  	[sflag:s22] =	ssyncadd.s32 $0xFFFFC000  }
0xb3: {  	[hbm4b:s16+s2] =	stream.linear.scatter [tilespmem:s21], [sflag:$0x3], $0x4000, $0x38;
	[tilespmem:$0x1E800] =	vst v63  }
0xb4: {  	_ =	swait.ge [sflag:s22], $0x4000  }
0xb5: {  	[sflag:s22] =	ssyncset.done $0x0  }
0xb6: {  	[sflag:s22] =	ssyncadd.s32 $0xFFFFC000  }
0xb7: {  	[tilespmem:s21], [sflag:$0x3] =	stream.linear.gather [spmem:s8], $0x4000, $0x38;
	[tilespmem:$0x1E800] =	vst v63  }
0xb8: {  	_ =	swait.ge [sflag:s22], $0x4000  }
0xb9: {  	[sflag:s22] =	ssyncset.done $0x0  }
0xba: {  	[sflag:s22] =	ssyncadd.s32 $0xFFFFC000  }
0xbb: {  	[hbm4b:s17+s2] =	stream.linear.scatter [tilespmem:s21], [sflag:$0x3], $0x4000, $0x38;
	[tilespmem:$0x1E800] =	vst v63  }
0xbc: {  	_ =	swait.ge [sflag:s22], $0x4000  }
0xbd: {  	[sflag:s22] =	ssyncset.done $0x0  }
0xbe: {  	[sflag:s22] =	ssyncadd.s32 $0xFFFFC000  }
0xbf: {  	[tilespmem:s21], [sflag:$0x3] =	stream.linear.gather [spmem:s9], $0x4000, $0x38;
	[tilespmem:$0x1E800] =	vst v63  }
0xc0: {  	_ =	swait.ge [sflag:s22], $0x4000  }
0xc1: {  	[sflag:s22] =	ssyncset.done $0x0  }
0xc2: {  	[sflag:s22] =	ssyncadd.s32 $0xFFFFC000  }
0xc3: {  	[hbm4b:s18+s2] =	stream.linear.scatter [tilespmem:s21], [sflag:$0x3], $0x4000, $0x38;
	[tilespmem:$0x1E800] =	vst v63  }
0xc4: {  	_ =	swait.ge [sflag:s22], $0x4000  }
0xc5: {  	[sflag:s22] =	ssyncset.done $0x0  }
0xc6: {  	[sflag:s22] =	ssyncadd.s32 $0xFFFFC000  }
0xc7: {  	[tilespmem:s21], [sflag:$0x3] =	stream.linear.gather [spmem:s10], $0x4000, $0x38;
	[tilespmem:$0x1E800] =	vst v63  }
0xc8: {  	s31 =	sadd.s32 $0x1, s31;
	_ =	swait.ge [sflag:s22], $0x4000  }
0xc9: {  	p0 =	sne.s32 s31, s20;
	[sflag:s22] =	ssyncset.done $0x0  }
.Ltmp2:
0xca: {  	[sflag:s22] =	ssyncadd.s32 $0xFFFFC000;
	(pc) =	sbr.rel @p0 .LBB2_1-.Ltmp2, $4  }
0xcb: {  	[hbm4b:s19+s2] =	stream.linear.scatter [tilespmem:s21], [sflag:$0x3], $0x4000, $0x38;
	[tilespmem:$0x1E800] =	vst v63  }
0xcc: {  	_ =	swait.ge [sflag:s22], $0x4000  }
0xcd: {  	[sflag:s22] =	ssyncset.done $0x0  }
0xce: {  	[sflag:s22] =	ssyncadd.s32 $0xFFFFC000  }
0xcf: {  	_ =	sfence.sel $0x180000  }
0xd0: {  	[bflag:$0x0] =	sbarrier.arrive $0xFFFF  }
0xd1: {  	_ =	strace $0x90000047  }
0xd2: {  	s0 =	stileid.u32;
	[bflag:$0x2] =	sbarrier.arrive $0xFFFF  }
0xd3: {  	p0 =	sne.s32 s0, $0x0;
	s0 =	rddreg [dreg:$0x2]  }
0xd4: {  	s0 =	sadd.s32 @!p0 $0x100000, s0  }
0xd5: {  	[sflag:s0] =	ssyncadd.tile.s32 @!p0 $0x1;
	_ =	shalt  }
.Lfunc_end2:
_tile_overlayer_lowered:
.L_overlay_start_2:
0xd6: {  	(tag) =	ssettag $0x2  }
0xd7: {  	s0 =	rddreg [dreg:$0x0];
	s2 =	stileid.u32  }
0xd8: {  	s1 =	rddreg [dreg:$0x1];
	p0 =	sne.s32 s2, $0x0  }
0xd9: {  	s3 =	rddreg [dreg:$0x2];
	[bflag:$0x3] =	sbarrier.arrive $0xFFFF;
	s2 =	simm.s32 @!p0 $0x1C03  }
0xda: {  	[timem:s3], [sflag:s2] =	dma.local @!p0 [hbm:s0], s1  }
0xdb: {  	s0 =	simm.s32 @!p0 $0x3  }
0xdc: {  	_ =	swait.ge @!p0 [sflag:s0], s1  }
0xdd: {  	s1 =	ssub.s32 @!p0 $0x0, s1;
	[sflag:s0] =	ssyncset.done @!p0 $0x0  }
0xde: {  	[sflag:s0] =	ssyncadd.s32 @!p0 s1  }
0xdf: {  	[bflag:$0x3] =	sbarrier.arrive $0xFFFF  }
0xe0: {  	_ =	shalt  }

// kernel: kernel.16.cloned.1.call-start
scs
__scs_entry_jumppad:
0x0: {  	(pc) =	sbr.rel $0x88, $3  }
0x1: {  	(tag) =	ssettag $0x0;
	lr =	simm.s32 $0x1  }
0x2: {  	[smem:$0x3F8E] =	sst lr;
	_ =	strace $0xD0000000  }
0x3: {  	_ = 	snop  }
0x4: {  	_ = 	snop  }
0x5: {  	_ = 	snop  }
0x6: {  	_ = 	snop  }
0x7: {  	_ = 	snop  }
__scs_overlays_trampoline_lowered:
0x8: {  	[smem:$0x3F9D] =	sst s0  }
0x9: {  	[smem:$0x3F9E] =	sst s1  }
0xa: {  	[smem:$0x3F9F] =	sst s2  }
0xb: {  	[smem:$0x3FA0] =	sst s3  }
0xc: {  	[smem:$0x3FA1] =	sst s4  }
0xd: {  	[smem:$0x3FA2] =	sst s5  }
0xe: {  	[smem:$0x3FA3] =	sst s6  }
0xf: {  	[smem:$0x3FA4] =	sst s7  }
0x10: {  	[smem:$0x3FA5] =	sst s8  }
0x11: {  	[smem:$0x3FA6] =	sst s9;
	s0 =	simm.s32 @!p0 $0x0  }
0x12: {  	s1 =	sld [smem:$0x3F8C];
	s0 =	simm.s32 @p0 $0x1  }
0x13: {  	[smem:$0x3FA7] =	sst s0;
	s0 =	simm.s32 @!p1 $0x0  }
0x14: {  	s2 =	sld [smem:$0x3F8B];
	s0 =	simm.s32 @p1 $0x1  }
0x15: {  	[smem:$0x3FA8] =	sst s0;
	s0 =	simm.s32 @!p2 $0x0  }
0x16: {  	s3 =	sld [smem:$0x3FDB];
	s0 =	simm.s32 @p2 $0x1  }
0x17: {  	s4 =	simm.s32 $0x1BF5;
	[smem:$0x3FAA] =	sst s0  }
0x18: {  	s0 =	sld [smem:$0x3F8D];
	_ =	swait.ge [sflag:s4], $0x0  }
0x19: {  	s7 =	sld [smem:$0x3F8E]  }
0x1a: {  	s8 =	sadd.s32 $0xFFFFE003, lr  }
0x1b: {  	s9 =	sadd.s32 $0xFFFFFEF7, lr;
	s5 =	simm.s32 $0xFFFFFFFF;
	p2 =	slt.u32 s8, $0xFFFFF086  }
0x1c: {  	p1 =	slt.u32 s9, $0xF7A;
	s5 =	simm.s32 @!p2 $0x0  }
0x1d: {  	s5 =	simm.s32 @p1 $0x1;
	p0 =	seq.s32 s7, s2  }
0x1e: {  	s7 =	smul.u32 @!p0 $0xF7A, s2;
	p2 =	seq.s32 @!p0 s5, $0x0  }
0x1f: {  	s9 =	smul.u32 $0xF7A, s1;
	s8 =	simm.s32 @!p0 $0x1BF5;
	p2 =	por !p2, p0  }
0x20: {  	[sflag:s8] =	ssyncset.s32 @!p0 $0xFFFFF086;
	s6 =	sadd.s32 @!p0 s3, s7;
	s7 =	simm.s32 @!p0 $0x108  }
0x21: {  	s3 =	sadd.s32 s3, s9;
	s6 =	sadd.s32 @!p0 $0x88, s6;
	s7 =	simm.s32 @p2 $0x1082  }
0x22: {  	[simem:s7], [sflag:s8] =	dma.local @!p0 [hbm:s6], $0xF7A  }
0x23: {  	s9 =	sor.u32 $0xD0000000, s2;
	s6 =	simm.s32 $0x108;
	_ =	swait.ge @!p0 [sflag:s8], $0x0  }
0x24: {  	s3 =	sadd.s32 $0x88, s3;
	s6 =	simm.s32 @!p1 $0x1082;
	[sflag:s4] =	ssyncset.s32 $0xFFFFF086  }
0x25: {  	[simem:s6], [sflag:s4] =	dma.local [hbm:s3], $0xF7A  }
0x26: {  	[smem:$0x3F8E] =	sst s1;
	(tag) =	ssettag s2;
	_ =	strace s9  }
0x27: {  	s1 =	sld [smem:$0x3F9E]  }
0x28: {  	s2 =	sld [smem:$0x3F9F]  }
0x29: {  	s4 =	sld [smem:$0x3FA1]  }
0x2a: {  	p0 =	seq.s32 s5, $0x0;
	s5 =	sld [smem:$0x3FA2]  }
0x2b: {  	s6 =	sld [smem:$0x3FA3]  }
0x2c: {  	s7 =	sld [smem:$0x3FA4]  }
0x2d: {  	s3 =	simm.s32 $0x108;
	s8 =	sld [smem:$0x3FA5]  }
0x2e: {  	s3 =	simm.s32 @!p0 $0x1082;
	s9 =	sld [smem:$0x3FA6]  }
0x2f: {  	lr =	sadd.s32 s0, s3;
	s0 =	sld [smem:$0x3F9D]  }
0x30: {  	s3 =	sld [smem:$0x3FA0]  }
0x31: {  	[smem:$0x3FA9] =	sst s10  }
0x32: {  	s10 =	sld [smem:$0x3FA7];
	_ =	sdelay $0x3  }
0x33: {  	p0 =	seq.s32 s10, $0x1;
	s10 =	sld [smem:$0x3FA9];
	_ =	sdelay $0x3  }
0x34: {  	[smem:$0x3FA9] =	sst s10  }
0x35: {  	s10 =	sld [smem:$0x3FA8];
	_ =	sdelay $0x3  }
0x36: {  	p1 =	seq.s32 s10, $0x1;
	s10 =	sld [smem:$0x3FA9];
	_ =	sdelay $0x3  }
0x37: {  	[smem:$0x3FA9] =	sst s10  }
0x38: {  	s10 =	sld [smem:$0x3FAA]  }
0x39: {  	_ = 	snop;
	(pc) =	sbr.ind lr, $3  }
0x3a: {  	_ = 	snop  }
0x3b: {  	_ = 	snop  }
0x3c: {  	p2 =	seq.s32 s10, $0x1;
	s10 =	sld [smem:$0x3FA9]  }
0x3d: {  	_ =	shalt  }
0x3e: {  	_ =	shalt  }
0x3f: {  	_ =	shalt  }
0x40: {  	_ =	shalt  }
0x41: {  	_ =	shalt  }
0x42: {  	_ =	shalt  }
0x43: {  	_ =	shalt  }
0x44: {  	_ =	shalt  }
0x45: {  	_ =	shalt  }
0x46: {  	_ =	shalt  }
0x47: {  	_ =	shalt  }
0x48: {  	_ =	shalt  }
0x49: {  	_ =	shalt  }
0x4a: {  	_ =	shalt  }
0x4b: {  	_ =	shalt  }
0x4c: {  	_ =	shalt  }
0x4d: {  	_ =	shalt  }
0x4e: {  	_ =	shalt  }
0x4f: {  	_ =	shalt  }
0x50: {  	_ =	shalt  }
0x51: {  	_ =	shalt  }
0x52: {  	_ =	shalt  }
0x53: {  	_ =	shalt  }
0x54: {  	_ =	shalt  }
0x55: {  	_ =	shalt  }
0x56: {  	_ =	shalt  }
0x57: {  	_ =	shalt  }
0x58: {  	_ =	shalt  }
0x59: {  	_ =	shalt  }
0x5a: {  	_ =	shalt  }
0x5b: {  	_ =	shalt  }
0x5c: {  	_ =	shalt  }
0x5d: {  	_ =	shalt  }
0x5e: {  	_ =	shalt  }
0x5f: {  	_ =	shalt  }
0x60: {  	_ =	shalt  }
0x61: {  	_ =	shalt  }
0x62: {  	_ =	shalt  }
0x63: {  	_ =	shalt  }
0x64: {  	_ =	shalt  }
0x65: {  	_ =	shalt  }
0x66: {  	_ =	shalt  }
0x67: {  	_ =	shalt  }
0x68: {  	_ =	shalt  }
0x69: {  	_ =	shalt  }
0x6a: {  	_ =	shalt  }
0x6b: {  	_ =	shalt  }
0x6c: {  	_ =	shalt  }
0x6d: {  	_ =	shalt  }
0x6e: {  	_ =	shalt  }
0x6f: {  	_ =	shalt  }
0x70: {  	_ =	shalt  }
0x71: {  	_ =	shalt  }
0x72: {  	_ =	shalt  }
0x73: {  	_ =	shalt  }
0x74: {  	_ =	shalt  }
0x75: {  	_ =	shalt  }
0x76: {  	_ =	shalt  }
0x77: {  	_ =	shalt  }
0x78: {  	_ =	shalt  }
0x79: {  	_ =	shalt  }
0x7a: {  	_ =	shalt  }
0x7b: {  	_ =	shalt  }
0x7c: {  	_ =	shalt  }
0x7d: {  	_ =	shalt  }
0x7e: {  	_ =	shalt  }
0x7f: {  	_ =	shalt  }
0x80: {  	_ =	shalt  }
0x81: {  	_ =	shalt  }
0x82: {  	_ =	shalt  }
0x83: {  	_ =	shalt  }
0x84: {  	_ =	shalt  }
0x85: {  	_ =	shalt  }
0x86: {  	_ =	shalt  }
0x87: {  	_ =	shalt  }
.Lfunc_end0:
.L_simem_size_0:
called_computation.2_lowered:
.L_overlay_start_0:
0x88: {  	s2 =	sld [smem:$0x3FD9]  }
0x89: {  	s3 =	sld [smem:$0x3FFE];
	_ =	sdelay $0x1  }
0x8a: {  	s1 =	srdreg.scid  }
0x8b: {  	s0 =	sand.u32 $0x1, s1  }
0x8c: {  	s16 =	sshll.u32 s0, $0xA;
	s2 =	sadd.s32 s3, s2  }
0x8d: {  	s2 =	sadd.s32 s2, s16  }
0x8e: {  	[smem:$0x3FB5] =	sst s2  }
0x8f: {  	_ = 	snop  }
0x90: {  	(tm) =	ssettm $0x1  }
0x91: {  	s17 =	sld [smem:$0x3FFB];
	_ =	sdelay $0x3  }
0x92: {  	_ =	strace s17  }
0x93: {  	s2 =	sld [smem:$0x3FFC];
	_ =	sdelay $0x3  }
0x94: {  	_ =	strace s2  }
0x95: {  	s2 =	sld [smem:$0x3FFD];
	_ =	sdelay $0x3  }
0x96: {  	_ =	strace s2  }
0x97: {  	_ =	strace $0x8FFFFFFF  }
0x98: {  	s18 =	sld [smem:$0x3FDB];
	_ =	sdelay $0x1  }
0x99: {  	s19 =	simm.s32 $_scs_section_size  }
0x9a: {  	s4 =	simm.s32 $_size__tile_overlayer_lowered;
	s5 =	simm.s32 $_tile_overlayer_lowered  }
0x9b: {  	s22 =	simm.s32 $0x1BFF;
	s21 =	sshll.u32 s5, $0x1;
	s2 =	sadd.s32 s19, s18  }
0x9c: {  	s6 =	simm.s32 $0x0;
	s20 =	sshll.u32 s4, $0x1;
	s4 =	sadd.s32 s21, s2  }
0x9d: {  	[timem:s6], [sflag:s22] =	dma.local [hbm:s4], s20  }
0x9e: {  	_ =	swait.ge [sflag:s22], s20  }
0x9f: {  	s3 =	ssub.s32 $0x0, s20;
	[sflag:s22] =	ssyncset.done $0x0  }
0xa0: {  	[sflag:s22] =	ssyncadd.s32 s3;
	_ =	sdelay $0x1  }
0xa1: {  	s23 =	simm.s32 $0x1B8B  }
0xa2: {  	_ =	swait.ge [sflag:s23], $0x1  }
0xa3: {  	[sflag:s23] =	ssyncset.done $0x0  }
0xa4: {  	s25 =	simm.s32 $0x1B8E;
	s24 =	sld [smem:$0x3FFE];
	[sflag:s23] =	ssyncadd.s32 $0xFFFFFFFF  }
0xa5: {  	s26 =	simm.s32 $execute0_lowered;
	[smem:$0x3FD2] =	sst s25  }
0xa6: {  	s4 =	sshll.u32 s26, $0x1;
	_ =	strace $0x8000004C;
	[dreg:$0x1] =	wrdreg $0xFFFFFFFF  }
0xa7: {  	s28 =	simm.s32 $_size_execute0_lowered;
	s2 =	sadd.s32 s2, s4;
	[dreg:$0x0] =	wrdreg $0x0  }
0xa8: {  	s4 =	sshll.u32 s28, $0x1;
	[dreg:$0x2] =	wrdreg s2  }
0xa9: {  	[dreg:$0x3] =	wrdreg s4  }
0xaa: {  	[dreg:$0x4] =	wrdreg $0xC0  }
0xab: {  	_ =	task [dreg:s6], $0x5FFFF  }
0xac: {  	[dreg:$0x1] =	wrdreg $0xFFFFFFFF  }
0xad: {  	[dreg:$0x0] =	wrdreg $0x60  }
0xae: {  	[dreg:$0x2] =	wrdreg s24  }
0xaf: {  	[dreg:$0x3] =	wrdreg $0xA8000  }
0xb0: {  	[dreg:$0x4] =	wrdreg $0x9  }
0xb1: {  	_ =	task.clear_ibuf [dreg:s6], $0x5FFFF;
	_ =	strace $0x9000004C  }
0xb2: {  	s29 =	simm.s32 $0x9;
	_ =	strace $0x8000004E  }
0xb3: {  	_ =	swait.ge [sflag:s29], $0x1  }
0xb4: {  	[sflag:s29] =	ssyncadd.s32 $0xFFFFFFFF  }
0xb5: {  	_ =	strace $0x9000004E  }
0xb6: {  	_ =	sfence  }
0xb7: {  	s30 =	sld [smem:$0x0];
	_ =	sdelay $0x2  }
0xb8: {  	s31 =	sshll.u32 s1, $0xD;
	s1 =	sshrl.u32 s1, $0x2  }
0xb9: {  	s3 =	sand.u32 $0x4000, s31;
	s1 =	sadd.s32 s1, s30  }
0xba: {  	s0 =	sor.u32 s3, s0;
	s1 =	sshll.u32 s1, $0x11  }
0xbb: {  	s0 =	sor.u32 s1, s0  }
0xbc: {  	s0 =	sadd.s32 $0x8F2B, s0  }
0xbd: {  	[sflag:s0] =	ssyncadd.remote.s32 $0x1  }
0xbe: {  	_ =	sfence.sel $0xFFFF  }
0xbf: {  	[dreg:$0x0] =	wrdreg $0xFFFFFFFF;
	(pc) =	sbr.abs _section_cstart, $3  }
0xc0: {  	[dreg:$0x1] =	wrdreg $0xFFFFFFFF  }
0xc1: {  	_ =	task.clear_ibuf [dreg:s6], $0x2FFFF;
	_ =	strace $0x9FFFFFFF  }
0xc2: {  	(tm) =	ssettm $0x7FFFFFFF  }
0xc3: {  	_ =	shalt  }
tec
execute0_lowered:
.L_overlay_start_1:
0x0: {  	(tag) =	ssettag $0x1  }
0x1: {  	s0 =	rddreg [dreg:$0x0]  }
0x2: {  	s1 =	rddreg [dreg:$0x1]  }
0x3: {  	s2 =	simm.s32 $0x0;
	s3 =	srdreg.scid;
	s5 =	stileid.u32  }
0x4: {  	s22 =	simm.s32 $0x3;
	s23 =	simm.s32 $0x1400;
	s24 =	simm.s32 $0x80  }
0x5: {  	s28 =	simm.s32 $0x2;
	s29 =	simm.s32 $0x2700;
	s30 =	simm.s32 $0x2780  }
0x6: {  	s31 =	simm.s32 $0x0;
	[smem:$0x7FF] =	sst s2;
	s4 =	sadd.s32 $0x17C00, s0  }
0x7: {  	s13 =	sadd.s32 $0xDC00, s0;
	s3 =	sand.u32 $0x1, s3;
	s14 =	sadd.s32 $0x3C00, s0  }
0x8: {  	s7 =	smul.u32 $0x50000, s5;
	s8 =	sadd.s32 $0x3EE00, s0;
	s0 =	sadd.s32 $0x3F600, s0  }
0x9: {  	s9 =	sshll.u32 s5, $0x1;
	s15 =	smul.u32 $0x14000, s5;
	_ =	strace $0x8000004D  }
0xa: {  	s6 =	ssub.s32 $0x2, s3;
	[dreg:$0x3] =	wrdreg s8;
	s26 =	sor.u32 s3, s9  }
0xb: {  	s3 =	smul.u32 $0x140000, s3;
	s25 =	sshrl.u32 s6, $0x1;
	s7 =	sshrl.u32 s7, $0x2  }
0xc: {  	s16 =	sadd.s32 $0x4000, s15;
	s17 =	sadd.s32 $0x8000, s15;
	s9 =	smul.u32 $0x2800, s26  }
0xd: {  	s18 =	sadd.s32 $0xC000, s15;
	s19 =	sadd.s32 $0x10000, s15;
	s26 =	simm.s32 $0x1  }
0xe: {  	s20 =	ssub.s32 s6, s25;
	s6 =	sadd.s32 s7, s1;
	s7 =	sadd.s32 s16, s1  }
0xf: {  	s8 =	sadd.s32 s17, s1;
	s10 =	sadd.s32 s19, s1;
	s15 =	sadd.s32 s15, s3  }
0x10: {  	s16 =	sadd.s32 s3, s16;
	s17 =	sadd.s32 s3, s17;
	s25 =	simm.s32 $0x6800  }
0x11: {  	s21 =	sshrl.u32 s9, $0x3;
	s9 =	sadd.s32 s18, s1;
	s15 =	sshrl.u32 s15, $0x3  }
0x12: {  	s16 =	sshrl.u32 s16, $0x3;
	s18 =	sadd.s32 s3, s18;
	s17 =	sshrl.u32 s17, $0x3  }
0x13: {  	s3 =	sadd.s32 s3, s19;
	s20 =	smax.u32 s20, $0x1;
	s11 =	sadd.s32 s13, s21  }
0x14: {  	s12 =	sadd.s32 s14, s21;
	s21 =	sadd.s32 $0x280, s21;
	s15 =	sadd.s32 s0, s15  }
0x15: {  	s16 =	sadd.s32 s0, s16;
	s18 =	sshrl.u32 s18, $0x3;
	s17 =	sadd.s32 s0, s17  }
0x16: {  	s3 =	sshrl.u32 s3, $0x3;
	s13 =	sadd.s32 s13, s21;
	s14 =	sadd.s32 s14, s21  }
0x17: {  	s18 =	sadd.s32 s0, s18;
	s19 =	sadd.s32 s0, s3;
	s21 =	simm.s32 $0x2800  }
.LBB2_1:
0x18: {  	s0 =	rddreg [dreg:$0x3]  }
0x19: {  	[tilespmem:s21], [sflag:$0x3] =	stream.linear.gather [hbm4b:s0+s2], $0x4000, $0x38;
	[tilespmem:$0x1E800] =	vst v63  }
0x1a: {  	_ =	swait.ge [sflag:s22], $0x4000  }
0x1b: {  	[sflag:s22] =	ssyncset.done $0x0  }
0x1c: {  	[sflag:s22] =	ssyncadd.s32 $0xFFFFC000  }
0x1d: {  	[spmem:s6] =	stream.linear.scatter [tilespmem:s21], [sflag:$0x3], $0x4000, $0x38;
	[tilespmem:$0x1E800] =	vst v63  }
0x1e: {  	_ =	swait.ge [sflag:s22], $0x4000  }
0x1f: {  	[sflag:s22] =	ssyncset.done $0x0  }
0x20: {  	[sflag:s22] =	ssyncadd.s32 $0xFFFFC000  }
0x21: {  	[spmem:s7] =	stream.linear.scatter [tilespmem:s21], [sflag:$0x3], $0x4000, $0x38;
	[tilespmem:$0x1E800] =	vst v63  }
0x22: {  	_ =	swait.ge [sflag:s22], $0x4000  }
0x23: {  	[sflag:s22] =	ssyncset.done $0x0  }
0x24: {  	[sflag:s22] =	ssyncadd.s32 $0xFFFFC000  }
0x25: {  	[spmem:s8] =	stream.linear.scatter [tilespmem:s21], [sflag:$0x3], $0x4000, $0x38;
	[tilespmem:$0x1E800] =	vst v63  }
0x26: {  	_ =	swait.ge [sflag:s22], $0x4000  }
0x27: {  	[sflag:s22] =	ssyncset.done $0x0  }
0x28: {  	[sflag:s22] =	ssyncadd.s32 $0xFFFFC000  }
0x29: {  	[spmem:s9] =	stream.linear.scatter [tilespmem:s21], [sflag:$0x3], $0x4000, $0x38;
	[tilespmem:$0x1E800] =	vst v63  }
0x2a: {  	_ =	swait.ge [sflag:s22], $0x4000  }
0x2b: {  	[sflag:s22] =	ssyncset.done $0x0  }
0x2c: {  	[sflag:s22] =	ssyncadd.s32 $0xFFFFC000  }
0x2d: {  	[spmem:s10] =	stream.linear.scatter [tilespmem:s21], [sflag:$0x3], $0x4000, $0x38;
	[tilespmem:$0x1E800] =	vst v63  }
0x2e: {  	_ =	swait.ge [sflag:s22], $0x4000  }
0x2f: {  	[sflag:s22] =	ssyncset.done $0x0  }
0x30: {  	[sflag:s22] =	ssyncadd.s32 $0xFFFFC000  }
0x31: {  	[bflag:$0x0] =	sbarrier.arrive $0xFFFF  }
0x32: {  	[tilespmem:s2], [sflag:$0x3] =	stream.linear.gather [hbm4b:s11+s2], $0x1400, $0x38;
	[tilespmem:$0x1E800] =	vst v63  }
0x33: {  	_ =	swait.ge [sflag:s22], $0x1400  }
0x34: {  	[sflag:s22] =	ssyncset.done $0x0  }
0x35: {  	[sflag:s22] =	ssyncadd.s32 $0xFFFFEC00  }
0x36: {  	[tilespmem:s23], [sflag:$0x3] =	stream.linear.gather [hbm4b:s12+s2], $0x1400, $0x38;
	[tilespmem:$0x1E800] =	vst v63  }
0x37: {  	_ =	swait.ge [sflag:s22], $0x1400  }
0x38: {  	[sflag:s22] =	ssyncset.done $0x0  }
0x39: {  	[sflag:s22] =	ssyncadd.s32 $0xFFFFEC00  }
0x3a: {  	[tilespmem:s21], [sflag:$0x1] =	stream.indirect.gather [hbm4b:s4+s24], $0x80, s2, s24, $0xb8;
	[tilespmem:$0x1E800] =	vst v63  }
0x3b: {  	_ = 	snop  }
0x3c: {  	[tilespmem:s25], [sflag:$0x2] =	stream.indirect.gather [hbm4b:s4+s24], $0x80, s24, s24, $0xb8;
	[tilespmem:$0x1E800] =	vst v63  }
0x3d: {  	_ =	swait.ge [sflag:s26], $0x4000  }
0x3e: {  	[sflag:s26] =	ssyncset.done $0x0  }
0x3f: {  	s5 =	simm.s32 $0x1400;
	[sflag:s26] =	ssyncadd.s32 $0xFFFFC000  }
0x40: {  	[spmem:s1] =	stream.indirect.scatter.add.f32 [tilespmem:s21], [sflag:$0x3], $0x80, s5, s24, $0xb8;
	[tilespmem:$0x1E800] =	vst v63  }
0x41: {  	_ =	swait.ge [sflag:s22], $0x4000  }
0x42: {  	[sflag:s22] =	ssyncset.done $0x0  }
0x43: {  	s3 =	simm.s32 $0x100;
	[sflag:s22] =	ssyncadd.s32 $0xFFFFC000  }
0x44: {  	[tilespmem:s21], [sflag:$0x1] =	stream.indirect.gather [hbm4b:s4+s24], $0x80, s3, s24, $0xb8;
	[tilespmem:$0x1E800] =	vst v63  }
0x45: {  	_ =	swait.ge [sflag:s28], $0x4000  }
0x46: {  	[sflag:s28] =	ssyncset.done $0x0  }
0x47: {  	s5 =	simm.s32 $0x1480;
	[sflag:s28] =	ssyncadd.s32 $0xFFFFC000  }
0x48: {  	[spmem:s1] =	stream.indirect.scatter.add.f32 [tilespmem:s25], [sflag:$0x3], $0x80, s5, s24, $0xb8;
	[tilespmem:$0x1E800] =	vst v63  }
0x49: {  	_ =	swait.ge [sflag:s22], $0x4000  }
0x4a: {  	[sflag:s22] =	ssyncset.done $0x0  }
0x4b: {  	s0 =	simm.s32 $0x400;
	s3 =	simm.s32 $0x180;
	[sflag:s22] =	ssyncadd.s32 $0xFFFFC000  }
.LBB2_2:
0x4c: {  	[tilespmem:s25], [sflag:$0x2] =	stream.indirect.gather [hbm4b:s4+s24], $0x80, s3, s24, $0xb8;
	[tilespmem:$0x1E800] =	vst v63  }
0x4d: {  	s3 =	smov.u32 s0  }
0x4e: {  	p0 =	sne.s32 s0, $0x4800;
	s0 =	sadd.s32 $0x400, s0;
	_ =	swait.ge [sflag:s26], $0x4000  }
0x4f: {  	s3 =	sshra.s32 s3, $0x2;
	[sflag:s26] =	ssyncset.done $0x0  }
0x50: {  	s5 =	sadd.s32 $0x1400, s3;
	[sflag:s26] =	ssyncadd.s32 $0xFFFFC000  }
0x51: {  	[spmem:s1] =	stream.indirect.scatter.add.f32 [tilespmem:s21], [sflag:$0x3], $0x80, s5, s24, $0xb8;
	[tilespmem:$0x1E800] =	vst v63  }
0x52: {  	_ =	swait.ge [sflag:s22], $0x4000  }
0x53: {  	[sflag:s22] =	ssyncset.done $0x0  }
0x54: {  	s5 =	sadd.s32 $0x100, s3;
	[sflag:s22] =	ssyncadd.s32 $0xFFFFC000  }
0x55: {  	[tilespmem:s21], [sflag:$0x1] =	stream.indirect.gather [hbm4b:s4+s24], $0x80, s5, s24, $0xb8;
	[tilespmem:$0x1E800] =	vst v63  }
0x56: {  	_ =	swait.ge [sflag:s28], $0x4000  }
0x57: {  	[sflag:s28] =	ssyncset.done $0x0  }
.Ltmp0:
0x58: {  	s5 =	sadd.s32 $0x1480, s3;
	[sflag:s28] =	ssyncadd.s32 $0xFFFFC000;
	(pc) =	sbr.rel @p0 .LBB2_2-.Ltmp0, $4  }
0x59: {  	[spmem:s1] =	stream.indirect.scatter.add.f32 [tilespmem:s25], [sflag:$0x3], $0x80, s5, s24, $0xb8;
	[tilespmem:$0x1E800] =	vst v63  }
0x5a: {  	_ =	swait.ge [sflag:s22], $0x4000  }
0x5b: {  	[sflag:s22] =	ssyncset.done $0x0  }
0x5c: {  	s3 =	sadd.s32 $0x180, s3;
	[sflag:s22] =	ssyncadd.s32 $0xFFFFC000  }
0x5d: {  	[tilespmem:s25], [sflag:$0x2] =	stream.indirect.gather [hbm4b:s4+s24], $0x80, s3, s24, $0xb8;
	[tilespmem:$0x1E800] =	vst v63  }
0x5e: {  	_ =	swait.ge [sflag:s26], $0x4000  }
0x5f: {  	[sflag:s26] =	ssyncset.done $0x0  }
0x60: {  	[sflag:s26] =	ssyncadd.s32 $0xFFFFC000  }
0x61: {  	[spmem:s1] =	stream.indirect.scatter.add.f32 [tilespmem:s21], [sflag:$0x3], $0x80, s29, s24, $0xb8;
	[tilespmem:$0x1E800] =	vst v63  }
0x62: {  	_ =	swait.ge [sflag:s22], $0x4000  }
0x63: {  	[sflag:s22] =	ssyncset.done $0x0  }
0x64: {  	[sflag:s22] =	ssyncadd.s32 $0xFFFFC000  }
0x65: {  	_ =	swait.ge [sflag:s28], $0x4000  }
0x66: {  	[sflag:s28] =	ssyncset.done $0x0  }
0x67: {  	[sflag:s28] =	ssyncadd.s32 $0xFFFFC000  }
0x68: {  	[spmem:s1] =	stream.indirect.scatter.add.f32 [tilespmem:s25], [sflag:$0x3], $0x80, s30, s24, $0xb8;
	[tilespmem:$0x1E800] =	vst v63  }
0x69: {  	_ =	swait.ge [sflag:s22], $0x4000  }
0x6a: {  	[sflag:s22] =	ssyncset.done $0x0  }
0x6b: {  	s0 =	simm.s32 $0x0;
	[sflag:s22] =	ssyncadd.s32 $0xFFFFC000  }
0x6c: {  	[tilespmem:s0], [sflag:$0x3] =	stream.linear.gather [hbm4b:s13+s0], $0x1400, $0x38;
	[tilespmem:$0x1E800] =	vst v63  }
0x6d: {  	_ =	swait.ge [sflag:s22], $0x1400  }
0x6e: {  	[sflag:s22] =	ssyncset.done $0x0  }
0x6f: {  	[sflag:s22] =	ssyncadd.s32 $0xFFFFEC00  }
0x70: {  	[tilespmem:s23], [sflag:$0x3] =	stream.linear.gather [hbm4b:s14+s0], $0x1400, $0x38;
	[tilespmem:$0x1E800] =	vst v63  }
0x71: {  	_ =	swait.ge [sflag:s22], $0x1400  }
0x72: {  	[sflag:s22] =	ssyncset.done $0x0  }
0x73: {  	[sflag:s22] =	ssyncadd.s32 $0xFFFFEC00  }
0x74: {  	[tilespmem:s21], [sflag:$0x1] =	stream.indirect.gather [hbm4b:s4+s24], $0x80, s0, s24, $0xb8;
	[tilespmem:$0x1E800] =	vst v63  }
0x75: {  	_ = 	snop  }
0x76: {  	[tilespmem:s25], [sflag:$0x2] =	stream.indirect.gather [hbm4b:s4+s24], $0x80, s24, s24, $0xb8;
	[tilespmem:$0x1E800] =	vst v63  }
0x77: {  	_ =	swait.ge [sflag:s26], $0x4000  }
0x78: {  	[sflag:s26] =	ssyncset.done $0x0  }
0x79: {  	s5 =	simm.s32 $0x1400;
	[sflag:s26] =	ssyncadd.s32 $0xFFFFC000  }
0x7a: {  	[spmem:s1] =	stream.indirect.scatter.add.f32 [tilespmem:s21], [sflag:$0x3], $0x80, s5, s24, $0xb8;
	[tilespmem:$0x1E800] =	vst v63  }
0x7b: {  	_ =	swait.ge [sflag:s22], $0x4000  }
0x7c: {  	[sflag:s22] =	ssyncset.done $0x0  }
0x7d: {  	s3 =	simm.s32 $0x100;
	[sflag:s22] =	ssyncadd.s32 $0xFFFFC000  }
0x7e: {  	[tilespmem:s21], [sflag:$0x1] =	stream.indirect.gather [hbm4b:s4+s24], $0x80, s3, s24, $0xb8;
	[tilespmem:$0x1E800] =	vst v63  }
0x7f: {  	_ =	swait.ge [sflag:s28], $0x4000  }
0x80: {  	[sflag:s28] =	ssyncset.done $0x0  }
0x81: {  	s5 =	simm.s32 $0x1480;
	[sflag:s28] =	ssyncadd.s32 $0xFFFFC000  }
0x82: {  	[spmem:s1] =	stream.indirect.scatter.add.f32 [tilespmem:s25], [sflag:$0x3], $0x80, s5, s24, $0xb8;
	[tilespmem:$0x1E800] =	vst v63  }
0x83: {  	_ =	swait.ge [sflag:s22], $0x4000  }
0x84: {  	[sflag:s22] =	ssyncset.done $0x0  }
0x85: {  	s0 =	simm.s32 $0x400;
	s3 =	simm.s32 $0x180;
	[sflag:s22] =	ssyncadd.s32 $0xFFFFC000  }
.LBB2_4:
0x86: {  	[tilespmem:s25], [sflag:$0x2] =	stream.indirect.gather [hbm4b:s4+s24], $0x80, s3, s24, $0xb8;
	[tilespmem:$0x1E800] =	vst v63  }
0x87: {  	s3 =	smov.u32 s0  }
0x88: {  	p0 =	sne.s32 s0, $0x4800;
	s0 =	sadd.s32 $0x400, s0;
	_ =	swait.ge [sflag:s26], $0x4000  }
0x89: {  	s3 =	sshra.s32 s3, $0x2;
	[sflag:s26] =	ssyncset.done $0x0  }
0x8a: {  	s5 =	sadd.s32 $0x1400, s3;
	[sflag:s26] =	ssyncadd.s32 $0xFFFFC000  }
0x8b: {  	[spmem:s1] =	stream.indirect.scatter.add.f32 [tilespmem:s21], [sflag:$0x3], $0x80, s5, s24, $0xb8;
	[tilespmem:$0x1E800] =	vst v63  }
0x8c: {  	_ =	swait.ge [sflag:s22], $0x4000  }
0x8d: {  	[sflag:s22] =	ssyncset.done $0x0  }
0x8e: {  	s5 =	sadd.s32 $0x100, s3;
	[sflag:s22] =	ssyncadd.s32 $0xFFFFC000  }
0x8f: {  	[tilespmem:s21], [sflag:$0x1] =	stream.indirect.gather [hbm4b:s4+s24], $0x80, s5, s24, $0xb8;
	[tilespmem:$0x1E800] =	vst v63  }
0x90: {  	_ =	swait.ge [sflag:s28], $0x4000  }
0x91: {  	[sflag:s28] =	ssyncset.done $0x0  }
.Ltmp1:
0x92: {  	s5 =	sadd.s32 $0x1480, s3;
	[sflag:s28] =	ssyncadd.s32 $0xFFFFC000;
	(pc) =	sbr.rel @p0 .LBB2_4-.Ltmp1, $4  }
0x93: {  	[spmem:s1] =	stream.indirect.scatter.add.f32 [tilespmem:s25], [sflag:$0x3], $0x80, s5, s24, $0xb8;
	[tilespmem:$0x1E800] =	vst v63  }
0x94: {  	_ =	swait.ge [sflag:s22], $0x4000  }
0x95: {  	[sflag:s22] =	ssyncset.done $0x0  }
0x96: {  	s3 =	sadd.s32 $0x180, s3;
	[sflag:s22] =	ssyncadd.s32 $0xFFFFC000  }
0x97: {  	[tilespmem:s25], [sflag:$0x2] =	stream.indirect.gather [hbm4b:s4+s24], $0x80, s3, s24, $0xb8;
	[tilespmem:$0x1E800] =	vst v63  }
0x98: {  	_ =	swait.ge [sflag:s26], $0x4000  }
0x99: {  	[sflag:s26] =	ssyncset.done $0x0  }
0x9a: {  	[sflag:s26] =	ssyncadd.s32 $0xFFFFC000  }
0x9b: {  	[spmem:s1] =	stream.indirect.scatter.add.f32 [tilespmem:s21], [sflag:$0x3], $0x80, s29, s24, $0xb8;
	[tilespmem:$0x1E800] =	vst v63  }
0x9c: {  	_ =	swait.ge [sflag:s22], $0x4000  }
0x9d: {  	[sflag:s22] =	ssyncset.done $0x0  }
0x9e: {  	[sflag:s22] =	ssyncadd.s32 $0xFFFFC000  }
0x9f: {  	_ =	swait.ge [sflag:s28], $0x4000  }
0xa0: {  	[sflag:s28] =	ssyncset.done $0x0  }
0xa1: {  	[sflag:s28] =	ssyncadd.s32 $0xFFFFC000  }
0xa2: {  	[spmem:s1] =	stream.indirect.scatter.add.f32 [tilespmem:s25], [sflag:$0x3], $0x80, s30, s24, $0xb8;
	[tilespmem:$0x1E800] =	vst v63  }
0xa3: {  	_ =	swait.ge [sflag:s22], $0x4000  }
0xa4: {  	[sflag:s22] =	ssyncset.done $0x0  }
0xa5: {  	[sflag:s22] =	ssyncadd.s32 $0xFFFFC000  }
0xa6: {  	[bflag:$0x0] =	sbarrier.arrive $0xFFFF  }
0xa7: {  	[tilespmem:s21], [sflag:$0x3] =	stream.linear.gather [spmem:s6], $0x4000, $0x38;
	[tilespmem:$0x1E800] =	vst v63  }
0xa8: {  	_ =	swait.ge [sflag:s22], $0x4000  }
0xa9: {  	[sflag:s22] =	ssyncset.done $0x0  }
0xaa: {  	[sflag:s22] =	ssyncadd.s32 $0xFFFFC000  }
0xab: {  	[hbm4b:s15+s2] =	stream.linear.scatter [tilespmem:s21], [sflag:$0x3], $0x4000, $0x38;
	[tilespmem:$0x1E800] =	vst v63  }
0xac: {  	_ =	swait.ge [sflag:s22], $0x4000  }
0xad: {  	[sflag:s22] =	ssyncset.done $0x0  }
0xae: {  	[sflag:s22] =	ssyncadd.s32 $0xFFFFC000  }
0xaf: {  	[tilespmem:s21], [sflag:$0x3] =	stream.linear.gather [spmem:s7], $0x4000, $0x38;
	[tilespmem:$0x1E800] =	vst v63  }
0xb0: {  	_ =	swait.ge [sflag:s22], $0x4000  }
0xb1: {  	[sflag:s22] =	ssyncset.done $0x0  }
0xb2: {  	[sflag:s22] =	ssyncadd.s32 $0xFFFFC000  }
0xb3: {  	[hbm4b:s16+s2] =	stream.linear.scatter [tilespmem:s21], [sflag:$0x3], $0x4000, $0x38;
	[tilespmem:$0x1E800] =	vst v63  }
0xb4: {  	_ =	swait.ge [sflag:s22], $0x4000  }
0xb5: {  	[sflag:s22] =	ssyncset.done $0x0  }
0xb6: {  	[sflag:s22] =	ssyncadd.s32 $0xFFFFC000  }
0xb7: {  	[tilespmem:s21], [sflag:$0x3] =	stream.linear.gather [spmem:s8], $0x4000, $0x38;
	[tilespmem:$0x1E800] =	vst v63  }
0xb8: {  	_ =	swait.ge [sflag:s22], $0x4000  }
0xb9: {  	[sflag:s22] =	ssyncset.done $0x0  }
0xba: {  	[sflag:s22] =	ssyncadd.s32 $0xFFFFC000  }
0xbb: {  	[hbm4b:s17+s2] =	stream.linear.scatter [tilespmem:s21], [sflag:$0x3], $0x4000, $0x38;
	[tilespmem:$0x1E800] =	vst v63  }
0xbc: {  	_ =	swait.ge [sflag:s22], $0x4000  }
0xbd: {  	[sflag:s22] =	ssyncset.done $0x0  }
0xbe: {  	[sflag:s22] =	ssyncadd.s32 $0xFFFFC000  }
0xbf: {  	[tilespmem:s21], [sflag:$0x3] =	stream.linear.gather [spmem:s9], $0x4000, $0x38;
	[tilespmem:$0x1E800] =	vst v63  }
0xc0: {  	_ =	swait.ge [sflag:s22], $0x4000  }
0xc1: {  	[sflag:s22] =	ssyncset.done $0x0  }
0xc2: {  	[sflag:s22] =	ssyncadd.s32 $0xFFFFC000  }
0xc3: {  	[hbm4b:s18+s2] =	stream.linear.scatter [tilespmem:s21], [sflag:$0x3], $0x4000, $0x38;
	[tilespmem:$0x1E800] =	vst v63  }
0xc4: {  	_ =	swait.ge [sflag:s22], $0x4000  }
0xc5: {  	[sflag:s22] =	ssyncset.done $0x0  }
0xc6: {  	[sflag:s22] =	ssyncadd.s32 $0xFFFFC000  }
0xc7: {  	[tilespmem:s21], [sflag:$0x3] =	stream.linear.gather [spmem:s10], $0x4000, $0x38;
	[tilespmem:$0x1E800] =	vst v63  }
0xc8: {  	s31 =	sadd.s32 $0x1, s31;
	_ =	swait.ge [sflag:s22], $0x4000  }
0xc9: {  	p0 =	sne.s32 s31, s20;
	[sflag:s22] =	ssyncset.done $0x0  }
.Ltmp2:
0xca: {  	[sflag:s22] =	ssyncadd.s32 $0xFFFFC000;
	(pc) =	sbr.rel @p0 .LBB2_1-.Ltmp2, $4  }
0xcb: {  	[hbm4b:s19+s2] =	stream.linear.scatter [tilespmem:s21], [sflag:$0x3], $0x4000, $0x38;
	[tilespmem:$0x1E800] =	vst v63  }
0xcc: {  	_ =	swait.ge [sflag:s22], $0x4000  }
0xcd: {  	[sflag:s22] =	ssyncset.done $0x0  }
0xce: {  	[sflag:s22] =	ssyncadd.s32 $0xFFFFC000  }
0xcf: {  	_ =	sfence.sel $0x180000  }
0xd0: {  	[bflag:$0x0] =	sbarrier.arrive $0xFFFF  }
0xd1: {  	_ =	strace $0x9000004D  }
0xd2: {  	s0 =	stileid.u32;
	[bflag:$0x2] =	sbarrier.arrive $0xFFFF  }
0xd3: {  	p0 =	sne.s32 s0, $0x0;
	s0 =	rddreg [dreg:$0x2]  }
0xd4: {  	s0 =	sadd.s32 @!p0 $0x100000, s0  }
0xd5: {  	[sflag:s0] =	ssyncadd.tile.s32 @!p0 $0x1;
	_ =	shalt  }
.Lfunc_end2:
_tile_overlayer_lowered:
.L_overlay_start_2:
0xd6: {  	(tag) =	ssettag $0x2  }
0xd7: {  	s0 =	rddreg [dreg:$0x0];
	s2 =	stileid.u32  }
0xd8: {  	s1 =	rddreg [dreg:$0x1];
	p0 =	sne.s32 s2, $0x0  }
0xd9: {  	s3 =	rddreg [dreg:$0x2];
	[bflag:$0x3] =	sbarrier.arrive $0xFFFF;
	s2 =	simm.s32 @!p0 $0x1C03  }
0xda: {  	[timem:s3], [sflag:s2] =	dma.local @!p0 [hbm:s0], s1  }
0xdb: {  	s0 =	simm.s32 @!p0 $0x3  }
0xdc: {  	_ =	swait.ge @!p0 [sflag:s0], s1  }
0xdd: {  	s1 =	ssub.s32 @!p0 $0x0, s1;
	[sflag:s0] =	ssyncset.done @!p0 $0x0  }
0xde: {  	[sflag:s0] =	ssyncadd.s32 @!p0 s1  }
0xdf: {  	[bflag:$0x3] =	sbarrier.arrive $0xFFFF  }
0xe0: {  	_ =	shalt  }

// kernel: kernel.19.cloned.1.call-start
scs
__scs_entry_jumppad:
0x0: {  	(pc) =	sbr.rel $0x88, $3  }
0x1: {  	(tag) =	ssettag $0x0;
	lr =	simm.s32 $0x1  }
0x2: {  	[smem:$0x3F8E] =	sst lr;
	_ =	strace $0xD0000000  }
0x3: {  	_ = 	snop  }
0x4: {  	_ = 	snop  }
0x5: {  	_ = 	snop  }
0x6: {  	_ = 	snop  }
0x7: {  	_ = 	snop  }
__scs_overlays_trampoline_lowered:
0x8: {  	[smem:$0x3F9D] =	sst s0  }
0x9: {  	[smem:$0x3F9E] =	sst s1  }
0xa: {  	[smem:$0x3F9F] =	sst s2  }
0xb: {  	[smem:$0x3FA0] =	sst s3  }
0xc: {  	[smem:$0x3FA1] =	sst s4  }
0xd: {  	[smem:$0x3FA2] =	sst s5  }
0xe: {  	[smem:$0x3FA3] =	sst s6  }
0xf: {  	[smem:$0x3FA4] =	sst s7  }
0x10: {  	[smem:$0x3FA5] =	sst s8  }
0x11: {  	[smem:$0x3FA6] =	sst s9;
	s0 =	simm.s32 @!p0 $0x0  }
0x12: {  	s1 =	sld [smem:$0x3F8C];
	s0 =	simm.s32 @p0 $0x1  }
0x13: {  	[smem:$0x3FA7] =	sst s0;
	s0 =	simm.s32 @!p1 $0x0  }
0x14: {  	s2 =	sld [smem:$0x3F8B];
	s0 =	simm.s32 @p1 $0x1  }
0x15: {  	[smem:$0x3FA8] =	sst s0;
	s0 =	simm.s32 @!p2 $0x0  }
0x16: {  	s3 =	sld [smem:$0x3FDB];
	s0 =	simm.s32 @p2 $0x1  }
0x17: {  	s4 =	simm.s32 $0x1BF5;
	[smem:$0x3FAA] =	sst s0  }
0x18: {  	s0 =	sld [smem:$0x3F8D];
	_ =	swait.ge [sflag:s4], $0x0  }
0x19: {  	s7 =	sld [smem:$0x3F8E]  }
0x1a: {  	s8 =	sadd.s32 $0xFFFFE003, lr  }
0x1b: {  	s9 =	sadd.s32 $0xFFFFFEF7, lr;
	s5 =	simm.s32 $0xFFFFFFFF;
	p2 =	slt.u32 s8, $0xFFFFF086  }
0x1c: {  	p1 =	slt.u32 s9, $0xF7A;
	s5 =	simm.s32 @!p2 $0x0  }
0x1d: {  	s5 =	simm.s32 @p1 $0x1;
	p0 =	seq.s32 s7, s2  }
0x1e: {  	s7 =	smul.u32 @!p0 $0xF7A, s2;
	p2 =	seq.s32 @!p0 s5, $0x0  }
0x1f: {  	s9 =	smul.u32 $0xF7A, s1;
	s8 =	simm.s32 @!p0 $0x1BF5;
	p2 =	por !p2, p0  }
0x20: {  	[sflag:s8] =	ssyncset.s32 @!p0 $0xFFFFF086;
	s6 =	sadd.s32 @!p0 s3, s7;
	s7 =	simm.s32 @!p0 $0x108  }
0x21: {  	s3 =	sadd.s32 s3, s9;
	s6 =	sadd.s32 @!p0 $0x88, s6;
	s7 =	simm.s32 @p2 $0x1082  }
0x22: {  	[simem:s7], [sflag:s8] =	dma.local @!p0 [hbm:s6], $0xF7A  }
0x23: {  	s9 =	sor.u32 $0xD0000000, s2;
	s6 =	simm.s32 $0x108;
	_ =	swait.ge @!p0 [sflag:s8], $0x0  }
0x24: {  	s3 =	sadd.s32 $0x88, s3;
	s6 =	simm.s32 @!p1 $0x1082;
	[sflag:s4] =	ssyncset.s32 $0xFFFFF086  }
0x25: {  	[simem:s6], [sflag:s4] =	dma.local [hbm:s3], $0xF7A  }
0x26: {  	[smem:$0x3F8E] =	sst s1;
	(tag) =	ssettag s2;
	_ =	strace s9  }
0x27: {  	s1 =	sld [smem:$0x3F9E]  }
0x28: {  	s2 =	sld [smem:$0x3F9F]  }
0x29: {  	s4 =	sld [smem:$0x3FA1]  }
0x2a: {  	p0 =	seq.s32 s5, $0x0;
	s5 =	sld [smem:$0x3FA2]  }
0x2b: {  	s6 =	sld [smem:$0x3FA3]  }
0x2c: {  	s7 =	sld [smem:$0x3FA4]  }
0x2d: {  	s3 =	simm.s32 $0x108;
	s8 =	sld [smem:$0x3FA5]  }
0x2e: {  	s3 =	simm.s32 @!p0 $0x1082;
	s9 =	sld [smem:$0x3FA6]  }
0x2f: {  	lr =	sadd.s32 s0, s3;
	s0 =	sld [smem:$0x3F9D]  }
0x30: {  	s3 =	sld [smem:$0x3FA0]  }
0x31: {  	[smem:$0x3FA9] =	sst s10  }
0x32: {  	s10 =	sld [smem:$0x3FA7];
	_ =	sdelay $0x3  }
0x33: {  	p0 =	seq.s32 s10, $0x1;
	s10 =	sld [smem:$0x3FA9];
	_ =	sdelay $0x3  }
0x34: {  	[smem:$0x3FA9] =	sst s10  }
0x35: {  	s10 =	sld [smem:$0x3FA8];
	_ =	sdelay $0x3  }
0x36: {  	p1 =	seq.s32 s10, $0x1;
	s10 =	sld [smem:$0x3FA9];
	_ =	sdelay $0x3  }
0x37: {  	[smem:$0x3FA9] =	sst s10  }
0x38: {  	s10 =	sld [smem:$0x3FAA]  }
0x39: {  	_ = 	snop;
	(pc) =	sbr.ind lr, $3  }
0x3a: {  	_ = 	snop  }
0x3b: {  	_ = 	snop  }
0x3c: {  	p2 =	seq.s32 s10, $0x1;
	s10 =	sld [smem:$0x3FA9]  }
0x3d: {  	_ =	shalt  }
0x3e: {  	_ =	shalt  }
0x3f: {  	_ =	shalt  }
0x40: {  	_ =	shalt  }
0x41: {  	_ =	shalt  }
0x42: {  	_ =	shalt  }
0x43: {  	_ =	shalt  }
0x44: {  	_ =	shalt  }
0x45: {  	_ =	shalt  }
0x46: {  	_ =	shalt  }
0x47: {  	_ =	shalt  }
0x48: {  	_ =	shalt  }
0x49: {  	_ =	shalt  }
0x4a: {  	_ =	shalt  }
0x4b: {  	_ =	shalt  }
0x4c: {  	_ =	shalt  }
0x4d: {  	_ =	shalt  }
0x4e: {  	_ =	shalt  }
0x4f: {  	_ =	shalt  }
0x50: {  	_ =	shalt  }
0x51: {  	_ =	shalt  }
0x52: {  	_ =	shalt  }
0x53: {  	_ =	shalt  }
0x54: {  	_ =	shalt  }
0x55: {  	_ =	shalt  }
0x56: {  	_ =	shalt  }
0x57: {  	_ =	shalt  }
0x58: {  	_ =	shalt  }
0x59: {  	_ =	shalt  }
0x5a: {  	_ =	shalt  }
0x5b: {  	_ =	shalt  }
0x5c: {  	_ =	shalt  }
0x5d: {  	_ =	shalt  }
0x5e: {  	_ =	shalt  }
0x5f: {  	_ =	shalt  }
0x60: {  	_ =	shalt  }
0x61: {  	_ =	shalt  }
0x62: {  	_ =	shalt  }
0x63: {  	_ =	shalt  }
0x64: {  	_ =	shalt  }
0x65: {  	_ =	shalt  }
0x66: {  	_ =	shalt  }
0x67: {  	_ =	shalt  }
0x68: {  	_ =	shalt  }
0x69: {  	_ =	shalt  }
0x6a: {  	_ =	shalt  }
0x6b: {  	_ =	shalt  }
0x6c: {  	_ =	shalt  }
0x6d: {  	_ =	shalt  }
0x6e: {  	_ =	shalt  }
0x6f: {  	_ =	shalt  }
0x70: {  	_ =	shalt  }
0x71: {  	_ =	shalt  }
0x72: {  	_ =	shalt  }
0x73: {  	_ =	shalt  }
0x74: {  	_ =	shalt  }
0x75: {  	_ =	shalt  }
0x76: {  	_ =	shalt  }
0x77: {  	_ =	shalt  }
0x78: {  	_ =	shalt  }
0x79: {  	_ =	shalt  }
0x7a: {  	_ =	shalt  }
0x7b: {  	_ =	shalt  }
0x7c: {  	_ =	shalt  }
0x7d: {  	_ =	shalt  }
0x7e: {  	_ =	shalt  }
0x7f: {  	_ =	shalt  }
0x80: {  	_ =	shalt  }
0x81: {  	_ =	shalt  }
0x82: {  	_ =	shalt  }
0x83: {  	_ =	shalt  }
0x84: {  	_ =	shalt  }
0x85: {  	_ =	shalt  }
0x86: {  	_ =	shalt  }
0x87: {  	_ =	shalt  }
.Lfunc_end0:
.L_simem_size_0:
called_computation.3_lowered:
.L_overlay_start_0:
0x88: {  	s2 =	sld [smem:$0x3FD9]  }
0x89: {  	s3 =	sld [smem:$0x3FFE];
	_ =	sdelay $0x1  }
0x8a: {  	s1 =	srdreg.scid  }
0x8b: {  	s0 =	sand.u32 $0x1, s1  }
0x8c: {  	s16 =	sshll.u32 s0, $0xA;
	s2 =	sadd.s32 s3, s2  }
0x8d: {  	s2 =	sadd.s32 s2, s16  }
0x8e: {  	[smem:$0x3FB5] =	sst s2  }
0x8f: {  	_ = 	snop  }
0x90: {  	(tm) =	ssettm $0x1  }
0x91: {  	s17 =	sld [smem:$0x3FFB];
	_ =	sdelay $0x3  }
0x92: {  	_ =	strace s17  }
0x93: {  	s2 =	sld [smem:$0x3FFC];
	_ =	sdelay $0x3  }
0x94: {  	_ =	strace s2  }
0x95: {  	s2 =	sld [smem:$0x3FFD];
	_ =	sdelay $0x3  }
0x96: {  	_ =	strace s2  }
0x97: {  	_ =	strace $0x8FFFFFFF  }
0x98: {  	s18 =	sld [smem:$0x3FDB];
	_ =	sdelay $0x1  }
0x99: {  	s19 =	simm.s32 $_scs_section_size  }
0x9a: {  	s4 =	simm.s32 $_size__tile_overlayer_lowered;
	s5 =	simm.s32 $_tile_overlayer_lowered  }
0x9b: {  	s22 =	simm.s32 $0x1BFF;
	s21 =	sshll.u32 s5, $0x1;
	s2 =	sadd.s32 s19, s18  }
0x9c: {  	s6 =	simm.s32 $0x0;
	s20 =	sshll.u32 s4, $0x1;
	s4 =	sadd.s32 s21, s2  }
0x9d: {  	[timem:s6], [sflag:s22] =	dma.local [hbm:s4], s20  }
0x9e: {  	_ =	swait.ge [sflag:s22], s20  }
0x9f: {  	s3 =	ssub.s32 $0x0, s20;
	[sflag:s22] =	ssyncset.done $0x0  }
0xa0: {  	[sflag:s22] =	ssyncadd.s32 s3;
	_ =	sdelay $0x1  }
0xa1: {  	s23 =	simm.s32 $0x1B8B  }
0xa2: {  	_ =	swait.ge [sflag:s23], $0x1  }
0xa3: {  	[sflag:s23] =	ssyncset.done $0x0  }
0xa4: {  	s25 =	simm.s32 $0x1B8E;
	s24 =	sld [smem:$0x3FFE];
	[sflag:s23] =	ssyncadd.s32 $0xFFFFFFFF  }
0xa5: {  	s26 =	simm.s32 $execute0_lowered;
	[smem:$0x3FD2] =	sst s25  }
0xa6: {  	s4 =	sshll.u32 s26, $0x1;
	_ =	strace $0x8000004F;
	[dreg:$0x1] =	wrdreg $0xFFFFFFFF  }
0xa7: {  	s28 =	simm.s32 $_size_execute0_lowered;
	s2 =	sadd.s32 s2, s4;
	[dreg:$0x0] =	wrdreg $0x0  }
0xa8: {  	s4 =	sshll.u32 s28, $0x1;
	[dreg:$0x2] =	wrdreg s2  }
0xa9: {  	[dreg:$0x3] =	wrdreg s4  }
0xaa: {  	[dreg:$0x4] =	wrdreg $0xC0  }
0xab: {  	_ =	task [dreg:s6], $0x5FFFF  }
0xac: {  	[dreg:$0x1] =	wrdreg $0xFFFFFFFF  }
0xad: {  	[dreg:$0x0] =	wrdreg $0x60  }
0xae: {  	[dreg:$0x2] =	wrdreg s24  }
0xaf: {  	[dreg:$0x3] =	wrdreg $0xA8000  }
0xb0: {  	[dreg:$0x4] =	wrdreg $0x9  }
0xb1: {  	_ =	task.clear_ibuf [dreg:s6], $0x5FFFF;
	_ =	strace $0x9000004F  }
0xb2: {  	s29 =	simm.s32 $0x9;
	_ =	strace $0x80000051  }
0xb3: {  	_ =	swait.ge [sflag:s29], $0x1  }
0xb4: {  	[sflag:s29] =	ssyncadd.s32 $0xFFFFFFFF  }
0xb5: {  	_ =	strace $0x90000051  }
0xb6: {  	_ =	sfence  }
0xb7: {  	s30 =	sld [smem:$0x0];
	_ =	sdelay $0x2  }
0xb8: {  	s31 =	sshll.u32 s1, $0xD;
	s1 =	sshrl.u32 s1, $0x2  }
0xb9: {  	s3 =	sand.u32 $0x4000, s31;
	s1 =	sadd.s32 s1, s30  }
0xba: {  	s0 =	sor.u32 s3, s0;
	s1 =	sshll.u32 s1, $0x11  }
0xbb: {  	s0 =	sor.u32 s1, s0  }
0xbc: {  	s0 =	sadd.s32 $0x8F2B, s0  }
0xbd: {  	[sflag:s0] =	ssyncadd.remote.s32 $0x1  }
0xbe: {  	_ =	sfence.sel $0xFFFF  }
0xbf: {  	[dreg:$0x0] =	wrdreg $0xFFFFFFFF;
	(pc) =	sbr.abs _section_cstart, $3  }
0xc0: {  	[dreg:$0x1] =	wrdreg $0xFFFFFFFF  }
0xc1: {  	_ =	task.clear_ibuf [dreg:s6], $0x2FFFF;
	_ =	strace $0x9FFFFFFF  }
0xc2: {  	(tm) =	ssettm $0x7FFFFFFF  }
0xc3: {  	_ =	shalt  }
tec
execute0_lowered:
.L_overlay_start_1:
0x0: {  	(tag) =	ssettag $0x1  }
0x1: {  	s0 =	rddreg [dreg:$0x0]  }
0x2: {  	s1 =	rddreg [dreg:$0x1]  }
0x3: {  	s2 =	simm.s32 $0x0;
	s3 =	srdreg.scid;
	s5 =	stileid.u32  }
0x4: {  	s22 =	simm.s32 $0x3;
	s23 =	simm.s32 $0x1400;
	s24 =	simm.s32 $0x80  }
0x5: {  	s28 =	simm.s32 $0x2;
	s29 =	simm.s32 $0x2700;
	s30 =	simm.s32 $0x2780  }
0x6: {  	s31 =	simm.s32 $0x0;
	[smem:$0x7FF] =	sst s2;
	s4 =	sadd.s32 $0x17C00, s0  }
0x7: {  	s13 =	sadd.s32 $0xDC00, s0;
	s3 =	sand.u32 $0x1, s3;
	s14 =	sadd.s32 $0x3C00, s0  }
0x8: {  	s7 =	smul.u32 $0x50000, s5;
	s8 =	sadd.s32 $0x3EE00, s0;
	s0 =	sadd.s32 $0x3F600, s0  }
0x9: {  	s9 =	sshll.u32 s5, $0x1;
	s15 =	smul.u32 $0x14000, s5;
	_ =	strace $0x80000050  }
0xa: {  	s6 =	ssub.s32 $0x2, s3;
	[dreg:$0x3] =	wrdreg s8;
	s26 =	sor.u32 s3, s9  }
0xb: {  	s3 =	smul.u32 $0x140000, s3;
	s25 =	sshrl.u32 s6, $0x1;
	s7 =	sshrl.u32 s7, $0x2  }
0xc: {  	s16 =	sadd.s32 $0x4000, s15;
	s17 =	sadd.s32 $0x8000, s15;
	s9 =	smul.u32 $0x2800, s26  }
0xd: {  	s18 =	sadd.s32 $0xC000, s15;
	s19 =	sadd.s32 $0x10000, s15;
	s26 =	simm.s32 $0x1  }
0xe: {  	s20 =	ssub.s32 s6, s25;
	s6 =	sadd.s32 s7, s1;
	s7 =	sadd.s32 s16, s1  }
0xf: {  	s8 =	sadd.s32 s17, s1;
	s10 =	sadd.s32 s19, s1;
	s15 =	sadd.s32 s15, s3  }
0x10: {  	s16 =	sadd.s32 s3, s16;
	s17 =	sadd.s32 s3, s17;
	s25 =	simm.s32 $0x6800  }
0x11: {  	s21 =	sshrl.u32 s9, $0x3;
	s9 =	sadd.s32 s18, s1;
	s15 =	sshrl.u32 s15, $0x3  }
0x12: {  	s16 =	sshrl.u32 s16, $0x3;
	s18 =	sadd.s32 s3, s18;
	s17 =	sshrl.u32 s17, $0x3  }
0x13: {  	s3 =	sadd.s32 s3, s19;
	s20 =	smax.u32 s20, $0x1;
	s11 =	sadd.s32 s13, s21  }
0x14: {  	s12 =	sadd.s32 s14, s21;
	s21 =	sadd.s32 $0x280, s21;
	s15 =	sadd.s32 s0, s15  }
0x15: {  	s16 =	sadd.s32 s0, s16;
	s18 =	sshrl.u32 s18, $0x3;
	s17 =	sadd.s32 s0, s17  }
0x16: {  	s3 =	sshrl.u32 s3, $0x3;
	s13 =	sadd.s32 s13, s21;
	s14 =	sadd.s32 s14, s21  }
0x17: {  	s18 =	sadd.s32 s0, s18;
	s19 =	sadd.s32 s0, s3;
	s21 =	simm.s32 $0x2800  }
.LBB2_1:
0x18: {  	s0 =	rddreg [dreg:$0x3]  }
0x19: {  	[tilespmem:s21], [sflag:$0x3] =	stream.linear.gather [hbm4b:s0+s2], $0x4000, $0x38;
	[tilespmem:$0x1E800] =	vst v63  }
0x1a: {  	_ =	swait.ge [sflag:s22], $0x4000  }
0x1b: {  	[sflag:s22] =	ssyncset.done $0x0  }
0x1c: {  	[sflag:s22] =	ssyncadd.s32 $0xFFFFC000  }
0x1d: {  	[spmem:s6] =	stream.linear.scatter [tilespmem:s21], [sflag:$0x3], $0x4000, $0x38;
	[tilespmem:$0x1E800] =	vst v63  }
0x1e: {  	_ =	swait.ge [sflag:s22], $0x4000  }
0x1f: {  	[sflag:s22] =	ssyncset.done $0x0  }
0x20: {  	[sflag:s22] =	ssyncadd.s32 $0xFFFFC000  }
0x21: {  	[spmem:s7] =	stream.linear.scatter [tilespmem:s21], [sflag:$0x3], $0x4000, $0x38;
	[tilespmem:$0x1E800] =	vst v63  }
0x22: {  	_ =	swait.ge [sflag:s22], $0x4000  }
0x23: {  	[sflag:s22] =	ssyncset.done $0x0  }
0x24: {  	[sflag:s22] =	ssyncadd.s32 $0xFFFFC000  }
0x25: {  	[spmem:s8] =	stream.linear.scatter [tilespmem:s21], [sflag:$0x3], $0x4000, $0x38;
	[tilespmem:$0x1E800] =	vst v63  }
0x26: {  	_ =	swait.ge [sflag:s22], $0x4000  }
0x27: {  	[sflag:s22] =	ssyncset.done $0x0  }
0x28: {  	[sflag:s22] =	ssyncadd.s32 $0xFFFFC000  }
0x29: {  	[spmem:s9] =	stream.linear.scatter [tilespmem:s21], [sflag:$0x3], $0x4000, $0x38;
	[tilespmem:$0x1E800] =	vst v63  }
0x2a: {  	_ =	swait.ge [sflag:s22], $0x4000  }
0x2b: {  	[sflag:s22] =	ssyncset.done $0x0  }
0x2c: {  	[sflag:s22] =	ssyncadd.s32 $0xFFFFC000  }
0x2d: {  	[spmem:s10] =	stream.linear.scatter [tilespmem:s21], [sflag:$0x3], $0x4000, $0x38;
	[tilespmem:$0x1E800] =	vst v63  }
0x2e: {  	_ =	swait.ge [sflag:s22], $0x4000  }
0x2f: {  	[sflag:s22] =	ssyncset.done $0x0  }
0x30: {  	[sflag:s22] =	ssyncadd.s32 $0xFFFFC000  }
0x31: {  	[bflag:$0x0] =	sbarrier.arrive $0xFFFF  }
0x32: {  	[tilespmem:s2], [sflag:$0x3] =	stream.linear.gather [hbm4b:s11+s2], $0x1400, $0x38;
	[tilespmem:$0x1E800] =	vst v63  }
0x33: {  	_ =	swait.ge [sflag:s22], $0x1400  }
0x34: {  	[sflag:s22] =	ssyncset.done $0x0  }
0x35: {  	[sflag:s22] =	ssyncadd.s32 $0xFFFFEC00  }
0x36: {  	[tilespmem:s23], [sflag:$0x3] =	stream.linear.gather [hbm4b:s12+s2], $0x1400, $0x38;
	[tilespmem:$0x1E800] =	vst v63  }
0x37: {  	_ =	swait.ge [sflag:s22], $0x1400  }
0x38: {  	[sflag:s22] =	ssyncset.done $0x0  }
0x39: {  	[sflag:s22] =	ssyncadd.s32 $0xFFFFEC00  }
0x3a: {  	[tilespmem:s21], [sflag:$0x1] =	stream.indirect.gather [hbm4b:s4+s24], $0x80, s2, s24, $0xb8;
	[tilespmem:$0x1E800] =	vst v63  }
0x3b: {  	_ = 	snop  }
0x3c: {  	[tilespmem:s25], [sflag:$0x2] =	stream.indirect.gather [hbm4b:s4+s24], $0x80, s24, s24, $0xb8;
	[tilespmem:$0x1E800] =	vst v63  }
0x3d: {  	_ =	swait.ge [sflag:s26], $0x4000  }
0x3e: {  	[sflag:s26] =	ssyncset.done $0x0  }
0x3f: {  	s5 =	simm.s32 $0x1400;
	[sflag:s26] =	ssyncadd.s32 $0xFFFFC000  }
0x40: {  	[spmem:s1] =	stream.indirect.scatter.add.f32 [tilespmem:s21], [sflag:$0x3], $0x80, s5, s24, $0xb8;
	[tilespmem:$0x1E800] =	vst v63  }
0x41: {  	_ =	swait.ge [sflag:s22], $0x4000  }
0x42: {  	[sflag:s22] =	ssyncset.done $0x0  }
0x43: {  	s3 =	simm.s32 $0x100;
	[sflag:s22] =	ssyncadd.s32 $0xFFFFC000  }
0x44: {  	[tilespmem:s21], [sflag:$0x1] =	stream.indirect.gather [hbm4b:s4+s24], $0x80, s3, s24, $0xb8;
	[tilespmem:$0x1E800] =	vst v63  }
0x45: {  	_ =	swait.ge [sflag:s28], $0x4000  }
0x46: {  	[sflag:s28] =	ssyncset.done $0x0  }
0x47: {  	s5 =	simm.s32 $0x1480;
	[sflag:s28] =	ssyncadd.s32 $0xFFFFC000  }
0x48: {  	[spmem:s1] =	stream.indirect.scatter.add.f32 [tilespmem:s25], [sflag:$0x3], $0x80, s5, s24, $0xb8;
	[tilespmem:$0x1E800] =	vst v63  }
0x49: {  	_ =	swait.ge [sflag:s22], $0x4000  }
0x4a: {  	[sflag:s22] =	ssyncset.done $0x0  }
0x4b: {  	s0 =	simm.s32 $0x400;
	s3 =	simm.s32 $0x180;
	[sflag:s22] =	ssyncadd.s32 $0xFFFFC000  }
.LBB2_2:
0x4c: {  	[tilespmem:s25], [sflag:$0x2] =	stream.indirect.gather [hbm4b:s4+s24], $0x80, s3, s24, $0xb8;
	[tilespmem:$0x1E800] =	vst v63  }
0x4d: {  	s3 =	smov.u32 s0  }
0x4e: {  	p0 =	sne.s32 s0, $0x4800;
	s0 =	sadd.s32 $0x400, s0;
	_ =	swait.ge [sflag:s26], $0x4000  }
0x4f: {  	s3 =	sshra.s32 s3, $0x2;
	[sflag:s26] =	ssyncset.done $0x0  }
0x50: {  	s5 =	sadd.s32 $0x1400, s3;
	[sflag:s26] =	ssyncadd.s32 $0xFFFFC000  }
0x51: {  	[spmem:s1] =	stream.indirect.scatter.add.f32 [tilespmem:s21], [sflag:$0x3], $0x80, s5, s24, $0xb8;
	[tilespmem:$0x1E800] =	vst v63  }
0x52: {  	_ =	swait.ge [sflag:s22], $0x4000  }
0x53: {  	[sflag:s22] =	ssyncset.done $0x0  }
0x54: {  	s5 =	sadd.s32 $0x100, s3;
	[sflag:s22] =	ssyncadd.s32 $0xFFFFC000  }
0x55: {  	[tilespmem:s21], [sflag:$0x1] =	stream.indirect.gather [hbm4b:s4+s24], $0x80, s5, s24, $0xb8;
	[tilespmem:$0x1E800] =	vst v63  }
0x56: {  	_ =	swait.ge [sflag:s28], $0x4000  }
0x57: {  	[sflag:s28] =	ssyncset.done $0x0  }
.Ltmp0:
0x58: {  	s5 =	sadd.s32 $0x1480, s3;
	[sflag:s28] =	ssyncadd.s32 $0xFFFFC000;
	(pc) =	sbr.rel @p0 .LBB2_2-.Ltmp0, $4  }
0x59: {  	[spmem:s1] =	stream.indirect.scatter.add.f32 [tilespmem:s25], [sflag:$0x3], $0x80, s5, s24, $0xb8;
	[tilespmem:$0x1E800] =	vst v63  }
0x5a: {  	_ =	swait.ge [sflag:s22], $0x4000  }
0x5b: {  	[sflag:s22] =	ssyncset.done $0x0  }
0x5c: {  	s3 =	sadd.s32 $0x180, s3;
	[sflag:s22] =	ssyncadd.s32 $0xFFFFC000  }
0x5d: {  	[tilespmem:s25], [sflag:$0x2] =	stream.indirect.gather [hbm4b:s4+s24], $0x80, s3, s24, $0xb8;
	[tilespmem:$0x1E800] =	vst v63  }
0x5e: {  	_ =	swait.ge [sflag:s26], $0x4000  }
0x5f: {  	[sflag:s26] =	ssyncset.done $0x0  }
0x60: {  	[sflag:s26] =	ssyncadd.s32 $0xFFFFC000  }
0x61: {  	[spmem:s1] =	stream.indirect.scatter.add.f32 [tilespmem:s21], [sflag:$0x3], $0x80, s29, s24, $0xb8;
	[tilespmem:$0x1E800] =	vst v63  }
0x62: {  	_ =	swait.ge [sflag:s22], $0x4000  }
0x63: {  	[sflag:s22] =	ssyncset.done $0x0  }
0x64: {  	[sflag:s22] =	ssyncadd.s32 $0xFFFFC000  }
0x65: {  	_ =	swait.ge [sflag:s28], $0x4000  }
0x66: {  	[sflag:s28] =	ssyncset.done $0x0  }
0x67: {  	[sflag:s28] =	ssyncadd.s32 $0xFFFFC000  }
0x68: {  	[spmem:s1] =	stream.indirect.scatter.add.f32 [tilespmem:s25], [sflag:$0x3], $0x80, s30, s24, $0xb8;
	[tilespmem:$0x1E800] =	vst v63  }
0x69: {  	_ =	swait.ge [sflag:s22], $0x4000  }
0x6a: {  	[sflag:s22] =	ssyncset.done $0x0  }
0x6b: {  	s0 =	simm.s32 $0x0;
	[sflag:s22] =	ssyncadd.s32 $0xFFFFC000  }
0x6c: {  	[tilespmem:s0], [sflag:$0x3] =	stream.linear.gather [hbm4b:s13+s0], $0x1400, $0x38;
	[tilespmem:$0x1E800] =	vst v63  }
0x6d: {  	_ =	swait.ge [sflag:s22], $0x1400  }
0x6e: {  	[sflag:s22] =	ssyncset.done $0x0  }
0x6f: {  	[sflag:s22] =	ssyncadd.s32 $0xFFFFEC00  }
0x70: {  	[tilespmem:s23], [sflag:$0x3] =	stream.linear.gather [hbm4b:s14+s0], $0x1400, $0x38;
	[tilespmem:$0x1E800] =	vst v63  }
0x71: {  	_ =	swait.ge [sflag:s22], $0x1400  }
0x72: {  	[sflag:s22] =	ssyncset.done $0x0  }
0x73: {  	[sflag:s22] =	ssyncadd.s32 $0xFFFFEC00  }
0x74: {  	[tilespmem:s21], [sflag:$0x1] =	stream.indirect.gather [hbm4b:s4+s24], $0x80, s0, s24, $0xb8;
	[tilespmem:$0x1E800] =	vst v63  }
0x75: {  	_ = 	snop  }
0x76: {  	[tilespmem:s25], [sflag:$0x2] =	stream.indirect.gather [hbm4b:s4+s24], $0x80, s24, s24, $0xb8;
	[tilespmem:$0x1E800] =	vst v63  }
0x77: {  	_ =	swait.ge [sflag:s26], $0x4000  }
0x78: {  	[sflag:s26] =	ssyncset.done $0x0  }
0x79: {  	s5 =	simm.s32 $0x1400;
	[sflag:s26] =	ssyncadd.s32 $0xFFFFC000  }
0x7a: {  	[spmem:s1] =	stream.indirect.scatter.add.f32 [tilespmem:s21], [sflag:$0x3], $0x80, s5, s24, $0xb8;
	[tilespmem:$0x1E800] =	vst v63  }
0x7b: {  	_ =	swait.ge [sflag:s22], $0x4000  }
0x7c: {  	[sflag:s22] =	ssyncset.done $0x0  }
0x7d: {  	s3 =	simm.s32 $0x100;
	[sflag:s22] =	ssyncadd.s32 $0xFFFFC000  }
0x7e: {  	[tilespmem:s21], [sflag:$0x1] =	stream.indirect.gather [hbm4b:s4+s24], $0x80, s3, s24, $0xb8;
	[tilespmem:$0x1E800] =	vst v63  }
0x7f: {  	_ =	swait.ge [sflag:s28], $0x4000  }
0x80: {  	[sflag:s28] =	ssyncset.done $0x0  }
0x81: {  	s5 =	simm.s32 $0x1480;
	[sflag:s28] =	ssyncadd.s32 $0xFFFFC000  }
0x82: {  	[spmem:s1] =	stream.indirect.scatter.add.f32 [tilespmem:s25], [sflag:$0x3], $0x80, s5, s24, $0xb8;
	[tilespmem:$0x1E800] =	vst v63  }
0x83: {  	_ =	swait.ge [sflag:s22], $0x4000  }
0x84: {  	[sflag:s22] =	ssyncset.done $0x0  }
0x85: {  	s0 =	simm.s32 $0x400;
	s3 =	simm.s32 $0x180;
	[sflag:s22] =	ssyncadd.s32 $0xFFFFC000  }
.LBB2_4:
0x86: {  	[tilespmem:s25], [sflag:$0x2] =	stream.indirect.gather [hbm4b:s4+s24], $0x80, s3, s24, $0xb8;
	[tilespmem:$0x1E800] =	vst v63  }
0x87: {  	s3 =	smov.u32 s0  }
0x88: {  	p0 =	sne.s32 s0, $0x4800;
	s0 =	sadd.s32 $0x400, s0;
	_ =	swait.ge [sflag:s26], $0x4000  }
0x89: {  	s3 =	sshra.s32 s3, $0x2;
	[sflag:s26] =	ssyncset.done $0x0  }
0x8a: {  	s5 =	sadd.s32 $0x1400, s3;
	[sflag:s26] =	ssyncadd.s32 $0xFFFFC000  }
0x8b: {  	[spmem:s1] =	stream.indirect.scatter.add.f32 [tilespmem:s21], [sflag:$0x3], $0x80, s5, s24, $0xb8;
	[tilespmem:$0x1E800] =	vst v63  }
0x8c: {  	_ =	swait.ge [sflag:s22], $0x4000  }
0x8d: {  	[sflag:s22] =	ssyncset.done $0x0  }
0x8e: {  	s5 =	sadd.s32 $0x100, s3;
	[sflag:s22] =	ssyncadd.s32 $0xFFFFC000  }
0x8f: {  	[tilespmem:s21], [sflag:$0x1] =	stream.indirect.gather [hbm4b:s4+s24], $0x80, s5, s24, $0xb8;
	[tilespmem:$0x1E800] =	vst v63  }
0x90: {  	_ =	swait.ge [sflag:s28], $0x4000  }
0x91: {  	[sflag:s28] =	ssyncset.done $0x0  }
.Ltmp1:
0x92: {  	s5 =	sadd.s32 $0x1480, s3;
	[sflag:s28] =	ssyncadd.s32 $0xFFFFC000;
	(pc) =	sbr.rel @p0 .LBB2_4-.Ltmp1, $4  }
0x93: {  	[spmem:s1] =	stream.indirect.scatter.add.f32 [tilespmem:s25], [sflag:$0x3], $0x80, s5, s24, $0xb8;
	[tilespmem:$0x1E800] =	vst v63  }
0x94: {  	_ =	swait.ge [sflag:s22], $0x4000  }
0x95: {  	[sflag:s22] =	ssyncset.done $0x0  }
0x96: {  	s3 =	sadd.s32 $0x180, s3;
	[sflag:s22] =	ssyncadd.s32 $0xFFFFC000  }
0x97: {  	[tilespmem:s25], [sflag:$0x2] =	stream.indirect.gather [hbm4b:s4+s24], $0x80, s3, s24, $0xb8;
	[tilespmem:$0x1E800] =	vst v63  }
0x98: {  	_ =	swait.ge [sflag:s26], $0x4000  }
0x99: {  	[sflag:s26] =	ssyncset.done $0x0  }
0x9a: {  	[sflag:s26] =	ssyncadd.s32 $0xFFFFC000  }
0x9b: {  	[spmem:s1] =	stream.indirect.scatter.add.f32 [tilespmem:s21], [sflag:$0x3], $0x80, s29, s24, $0xb8;
	[tilespmem:$0x1E800] =	vst v63  }
0x9c: {  	_ =	swait.ge [sflag:s22], $0x4000  }
0x9d: {  	[sflag:s22] =	ssyncset.done $0x0  }
0x9e: {  	[sflag:s22] =	ssyncadd.s32 $0xFFFFC000  }
0x9f: {  	_ =	swait.ge [sflag:s28], $0x4000  }
0xa0: {  	[sflag:s28] =	ssyncset.done $0x0  }
0xa1: {  	[sflag:s28] =	ssyncadd.s32 $0xFFFFC000  }
0xa2: {  	[spmem:s1] =	stream.indirect.scatter.add.f32 [tilespmem:s25], [sflag:$0x3], $0x80, s30, s24, $0xb8;
	[tilespmem:$0x1E800] =	vst v63  }
0xa3: {  	_ =	swait.ge [sflag:s22], $0x4000  }
0xa4: {  	[sflag:s22] =	ssyncset.done $0x0  }
0xa5: {  	[sflag:s22] =	ssyncadd.s32 $0xFFFFC000  }
0xa6: {  	[bflag:$0x0] =	sbarrier.arrive $0xFFFF  }
0xa7: {  	[tilespmem:s21], [sflag:$0x3] =	stream.linear.gather [spmem:s6], $0x4000, $0x38;
	[tilespmem:$0x1E800] =	vst v63  }
0xa8: {  	_ =	swait.ge [sflag:s22], $0x4000  }
0xa9: {  	[sflag:s22] =	ssyncset.done $0x0  }
0xaa: {  	[sflag:s22] =	ssyncadd.s32 $0xFFFFC000  }
0xab: {  	[hbm4b:s15+s2] =	stream.linear.scatter [tilespmem:s21], [sflag:$0x3], $0x4000, $0x38;
	[tilespmem:$0x1E800] =	vst v63  }
0xac: {  	_ =	swait.ge [sflag:s22], $0x4000  }
0xad: {  	[sflag:s22] =	ssyncset.done $0x0  }
0xae: {  	[sflag:s22] =	ssyncadd.s32 $0xFFFFC000  }
0xaf: {  	[tilespmem:s21], [sflag:$0x3] =	stream.linear.gather [spmem:s7], $0x4000, $0x38;
	[tilespmem:$0x1E800] =	vst v63  }
0xb0: {  	_ =	swait.ge [sflag:s22], $0x4000  }
0xb1: {  	[sflag:s22] =	ssyncset.done $0x0  }
0xb2: {  	[sflag:s22] =	ssyncadd.s32 $0xFFFFC000  }
0xb3: {  	[hbm4b:s16+s2] =	stream.linear.scatter [tilespmem:s21], [sflag:$0x3], $0x4000, $0x38;
	[tilespmem:$0x1E800] =	vst v63  }
0xb4: {  	_ =	swait.ge [sflag:s22], $0x4000  }
0xb5: {  	[sflag:s22] =	ssyncset.done $0x0  }
0xb6: {  	[sflag:s22] =	ssyncadd.s32 $0xFFFFC000  }
0xb7: {  	[tilespmem:s21], [sflag:$0x3] =	stream.linear.gather [spmem:s8], $0x4000, $0x38;
	[tilespmem:$0x1E800] =	vst v63  }
0xb8: {  	_ =	swait.ge [sflag:s22], $0x4000  }
0xb9: {  	[sflag:s22] =	ssyncset.done $0x0  }
0xba: {  	[sflag:s22] =	ssyncadd.s32 $0xFFFFC000  }
0xbb: {  	[hbm4b:s17+s2] =	stream.linear.scatter [tilespmem:s21], [sflag:$0x3], $0x4000, $0x38;
	[tilespmem:$0x1E800] =	vst v63  }
0xbc: {  	_ =	swait.ge [sflag:s22], $0x4000  }
0xbd: {  	[sflag:s22] =	ssyncset.done $0x0  }
0xbe: {  	[sflag:s22] =	ssyncadd.s32 $0xFFFFC000  }
0xbf: {  	[tilespmem:s21], [sflag:$0x3] =	stream.linear.gather [spmem:s9], $0x4000, $0x38;
	[tilespmem:$0x1E800] =	vst v63  }
0xc0: {  	_ =	swait.ge [sflag:s22], $0x4000  }
0xc1: {  	[sflag:s22] =	ssyncset.done $0x0  }
0xc2: {  	[sflag:s22] =	ssyncadd.s32 $0xFFFFC000  }
0xc3: {  	[hbm4b:s18+s2] =	stream.linear.scatter [tilespmem:s21], [sflag:$0x3], $0x4000, $0x38;
	[tilespmem:$0x1E800] =	vst v63  }
0xc4: {  	_ =	swait.ge [sflag:s22], $0x4000  }
0xc5: {  	[sflag:s22] =	ssyncset.done $0x0  }
0xc6: {  	[sflag:s22] =	ssyncadd.s32 $0xFFFFC000  }
0xc7: {  	[tilespmem:s21], [sflag:$0x3] =	stream.linear.gather [spmem:s10], $0x4000, $0x38;
	[tilespmem:$0x1E800] =	vst v63  }
0xc8: {  	s31 =	sadd.s32 $0x1, s31;
	_ =	swait.ge [sflag:s22], $0x4000  }
0xc9: {  	p0 =	sne.s32 s31, s20;
	[sflag:s22] =	ssyncset.done $0x0  }
.Ltmp2:
0xca: {  	[sflag:s22] =	ssyncadd.s32 $0xFFFFC000;
	(pc) =	sbr.rel @p0 .LBB2_1-.Ltmp2, $4  }
0xcb: {  	[hbm4b:s19+s2] =	stream.linear.scatter [tilespmem:s21], [sflag:$0x3], $0x4000, $0x38;
	[tilespmem:$0x1E800] =	vst v63  }
0xcc: {  	_ =	swait.ge [sflag:s22], $0x4000  }
0xcd: {  	[sflag:s22] =	ssyncset.done $0x0  }
0xce: {  	[sflag:s22] =	ssyncadd.s32 $0xFFFFC000  }
0xcf: {  	_ =	sfence.sel $0x180000  }
0xd0: {  	[bflag:$0x0] =	sbarrier.arrive $0xFFFF  }
0xd1: {  	_ =	strace $0x90000050  }
0xd2: {  	s0 =	stileid.u32;
	[bflag:$0x2] =	sbarrier.arrive $0xFFFF  }
0xd3: {  	p0 =	sne.s32 s0, $0x0;
	s0 =	rddreg [dreg:$0x2]  }
0xd4: {  	s0 =	sadd.s32 @!p0 $0x100000, s0  }
0xd5: {  	[sflag:s0] =	ssyncadd.tile.s32 @!p0 $0x1;
	_ =	shalt  }
.Lfunc_end2:
_tile_overlayer_lowered:
.L_overlay_start_2:
0xd6: {  	(tag) =	ssettag $0x2  }
0xd7: {  	s0 =	rddreg [dreg:$0x0];
	s2 =	stileid.u32  }
0xd8: {  	s1 =	rddreg [dreg:$0x1];
	p0 =	sne.s32 s2, $0x0  }
0xd9: {  	s3 =	rddreg [dreg:$0x2];
	[bflag:$0x3] =	sbarrier.arrive $0xFFFF;
	s2 =	simm.s32 @!p0 $0x1C03  }
0xda: {  	[timem:s3], [sflag:s2] =	dma.local @!p0 [hbm:s0], s1  }
0xdb: {  	s0 =	simm.s32 @!p0 $0x3  }
0xdc: {  	_ =	swait.ge @!p0 [sflag:s0], s1  }
0xdd: {  	s1 =	ssub.s32 @!p0 $0x0, s1;
	[sflag:s0] =	ssyncset.done @!p0 $0x0  }
0xde: {  	[sflag:s0] =	ssyncadd.s32 @!p0 s1  }
0xdf: {  	[bflag:$0x3] =	sbarrier.arrive $0xFFFF  }
0xe0: {  	_ =	shalt  }

</sc_bundles>
